<compile_context>
chip_gen: v7x
topology: tpu7x:2x2x1
jax: 0.10.2.dev20260603
libtpu: 0.0.44.dev20260713+nightly
codegen_flags: <defaults>
</compile_context>

<pallas_src>
import functools

import jax
import jax.numpy as jnp
from jax import lax
from jax.experimental import pallas as pl
from jax.experimental.pallas import tpu as pltpu
from jax.experimental.pallas import tpu_sc as plsc

F32 = jnp.float32

T, N, F, H, L = 12, 10000, 128, 64, 128
NC, NS = 2, 16
K = 128
NPAD = N + 16
G = 1
STAGE_TILES = 10
STAGE_ROWS = N // STAGE_TILES
ZROWS = 200
DEG_NP = 10240
DEG_PER_TILE = DEG_NP // NS
T_PER_SC = T // NC

_mesh = lambda: plsc.VectorSubcoreMesh(
    core_axis_name="c", subcore_axis_name="s", num_cores=NC, num_subcores=NS)


def _zero_buf(buf, nrows, width):
    z = jnp.zeros((16,), F32)
    w16 = width // 16

    def body(i, _):
        r = i // w16
        c = (i % w16) * 16
        buf[r, pl.ds(c, 16)] = z
        return 0

    lax.fori_loop(0, nrows * w16, body, 0)


def _make_deg_kernel(ch):
    @functools.partial(
        pl.kernel,
        out_type=jax.ShapeDtypeStruct((NS, DEG_PER_TILE), F32),
        mesh=_mesh(),
        compiler_params=pltpu.CompilerParams(use_tc_tiling_on_sc=False),
        scratch_types=[
            pltpu.VMEM((ch // G, G * K), jnp.int32),
            pltpu.VMEM((G * K,), F32),
            pltpu.VMEM((DEG_PER_TILE,), F32),
            pltpu.VMEM_SHARED((DEG_NP,), F32),
        ],
    )
    def deg_kernel(dst_hbm, out_hbm, idx_v, ones_v, zb_v, shared_deg):
        sid = lax.axis_index("s")
        cid = lax.axis_index("c")

        def fill_ones(i, _):
            ones_v[pl.ds(i * 16, 16)] = jnp.ones((16,), F32)
            return 0

        def fill_zero(i, _):
            zb_v[pl.ds(i * 16, 16)] = jnp.zeros((16,), F32)
            return 0

        lax.fori_loop(0, (G * K) // 16, fill_ones, 0)
        lax.fori_loop(0, DEG_PER_TILE // 16, fill_zero, 0)
        pltpu.sync_copy(dst_hbm.at[sid], idx_v)
        pltpu.sync_copy(zb_v, shared_deg.at[pl.ds(sid * DEG_PER_TILE, DEG_PER_TILE)])
        plsc.subcore_barrier()

        def chunk(c, _):
            pltpu.sync_copy(ones_v, shared_deg.at[idx_v.at[c]], add=True)
            return 0

        lax.fori_loop(0, ch // G, chunk, 0)
        plsc.subcore_barrier()
        @pl.when(cid == 0)
        def _():
            pltpu.sync_copy(shared_deg.at[pl.ds(sid * DEG_PER_TILE, DEG_PER_TILE)], zb_v)
            pltpu.sync_copy(zb_v, out_hbm.at[sid])

    return deg_kernel


def _make_prop_kernel(ch, width, tsteps):
    t_per_sc = tsteps // NC

    @functools.partial(
        pl.kernel,
        out_type=jax.ShapeDtypeStruct((tsteps, N, width), F32),
        mesh=_mesh(),
        compiler_params=pltpu.CompilerParams(use_tc_tiling_on_sc=False),
        scratch_types=[
            pltpu.VMEM((ch // G, G * K), jnp.int32),
            pltpu.VMEM((ch // G, G * K), jnp.int32),
            pltpu.VMEM((G * K, width), F32),
            pltpu.VMEM((ZROWS, width), F32),
            pltpu.VMEM_SHARED((NPAD, width), F32),
        ],
    )
    def prop_kernel(m_hbm, src_hbm, dst_hbm, out_hbm,
                    src_v, dst_v, gbuf, zbuf, shared_acc):
        sid = lax.axis_index("s")
        cid = lax.axis_index("c")
        base = sid * STAGE_ROWS

        _zero_buf(zbuf, ZROWS, width)
        pltpu.sync_copy(src_hbm.at[sid], src_v)
        pltpu.sync_copy(dst_hbm.at[sid], dst_v)
        plsc.subcore_barrier()

        for t_local in range(t_per_sc):
            t_g = cid * t_per_sc + t_local
            @pl.when(sid < STAGE_TILES)
            def _():
                for z in range(STAGE_ROWS // ZROWS):
                    pltpu.sync_copy(
                        zbuf,
                        shared_acc.at[pl.ds(base + z * ZROWS, ZROWS)])

            plsc.subcore_barrier()

            def chunk(c, _):
                pltpu.sync_copy(m_hbm.at[t_g].at[src_v.at[c]], gbuf)
                pltpu.sync_copy(gbuf, shared_acc.at[dst_v.at[c]], add=True)
                return 0

            lax.fori_loop(0, ch // G, chunk, 0)
            plsc.subcore_barrier()

            @pl.when(sid < STAGE_TILES)
            def _():
                pltpu.sync_copy(
                    shared_acc.at[pl.ds(base, STAGE_ROWS)],
                    out_hbm.at[t_g, pl.ds(base, STAGE_ROWS)])

            plsc.subcore_barrier()

    return prop_kernel


def _prep_body(x_ref, deg_ref, w_ref, out_ref):
    dinv = lax.rsqrt(deg_ref[...] + 1.0)
    xw = jnp.dot(x_ref[0], w_ref[...], preferred_element_type=F32)
    out_ref[0] = xw * dinv


def _prep_tc(x_seq, deg, W_g1):
    blk = 2000
    return pl.pallas_call(
        _prep_body,
        grid=(T, N // blk),
        in_specs=[
            pl.BlockSpec((1, blk, F), lambda p, g: (p, g, 0)),
            pl.BlockSpec((blk, 1), lambda p, g: (g, 0)),
            pl.BlockSpec((F, H), lambda p, g: (0, 0)),
        ],
        out_specs=pl.BlockSpec((1, blk, H), lambda p, g: (p, g, 0)),
        out_shape=jax.ShapeDtypeStruct((T, N, H), F32),
    )(x_seq, deg, W_g1)


def _mid_body(acc_ref, m_ref, deg_ref, b_ref, w_ref, out_ref):
    dinv = lax.rsqrt(deg_ref[...] + 1.0)
    h = jnp.maximum(dinv * (acc_ref[0] + m_ref[0]) + b_ref[...], 0.0)
    out_ref[0] = jnp.dot(h, w_ref[...], preferred_element_type=F32) * dinv


def _mid_tc(acc1, m1, deg, b1r, W_g2):
    blk = 2000
    return pl.pallas_call(
        _mid_body,
        grid=(T, N // blk),
        in_specs=[
            pl.BlockSpec((1, blk, H), lambda p, g: (p, g, 0)),
            pl.BlockSpec((1, blk, H), lambda p, g: (p, g, 0)),
            pl.BlockSpec((blk, 1), lambda p, g: (g, 0)),
            pl.BlockSpec((1, H), lambda p, g: (0, 0)),
            pl.BlockSpec((H, H), lambda p, g: (0, 0)),
        ],
        out_specs=pl.BlockSpec((1, blk, H), lambda p, g: (p, g, 0)),
        out_shape=jax.ShapeDtypeStruct((T, N, H), F32),
    )(acc1, m1, deg, b1r, W_g2)


def _final_body(acc_ref, m_ref, deg_ref, b2_ref, wih_ref, whh_ref, bg_ref,
                wf1_ref, bf1_ref, wf2_ref, bf2_ref, out_ref):
    blk = acc_ref.shape[1]
    dinv = lax.rsqrt(deg_ref[...] + 1.0)
    hl = jnp.zeros((blk, L), F32)
    cl = jnp.zeros((blk, L), F32)
    for t in range(T):
        h2 = jnp.maximum(
            dinv * (acc_ref[t] + m_ref[t]) + b2_ref[...], 0.0)
        gates = (jnp.dot(h2, wih_ref[...], preferred_element_type=F32)
                 + jnp.dot(hl, whh_ref[...], preferred_element_type=F32)
                 + bg_ref[...])
        i = jax.nn.sigmoid(gates[:, 0 * L:1 * L])
        f = jax.nn.sigmoid(gates[:, 1 * L:2 * L])
        g = jnp.tanh(gates[:, 2 * L:3 * L])
        o = jax.nn.sigmoid(gates[:, 3 * L:4 * L])
        cl = f * cl + i * g
        hl = o * jnp.tanh(cl)
    p = jnp.maximum(jnp.dot(hl, wf1_ref[...], preferred_element_type=F32)
                    + bf1_ref[...], 0.0)
    p = jnp.dot(p, wf2_ref[...], preferred_element_type=F32) + bf2_ref[...]
    out_ref[...] = p


def _final_tc(acc2, m2, deg, b2r, Wih_t, Whh_t, bgr, W_fc1, bf1r, W_fc2, bf2r):
    blk = 1000
    grid = N // blk
    return pl.pallas_call(
        _final_body,
        grid=(grid,),
        in_specs=[
            pl.BlockSpec((T, blk, H), lambda g: (0, g, 0)),
            pl.BlockSpec((T, blk, H), lambda g: (0, g, 0)),
            pl.BlockSpec((blk, 1), lambda g: (g, 0)),
            pl.BlockSpec((1, H), lambda g: (0, 0)),
            pl.BlockSpec((H, 4 * L), lambda g: (0, 0)),
            pl.BlockSpec((L, 4 * L), lambda g: (0, 0)),
            pl.BlockSpec((1, 4 * L), lambda g: (0, 0)),
            pl.BlockSpec((L, 32), lambda g: (0, 0)),
            pl.BlockSpec((1, 32), lambda g: (0, 0)),
            pl.BlockSpec((32, 1), lambda g: (0, 0)),
            pl.BlockSpec((1, 1), lambda g: (0, 0)),
        ],
        out_specs=pl.BlockSpec((blk, 1), lambda g: (g, 0)),
        out_shape=jax.ShapeDtypeStruct((N, 1), F32),
    )(acc2, m2, deg, b2r, Wih_t, Whh_t, bgr, W_fc1, bf1r, W_fc2, bf2r)


def kernel(x_seq, edge_index, W_g1, b_g1, W_g2, b_g2, W_ih, W_hh, b_ih, b_hh,
           W_fc1, b_fc1, W_fc2, b_fc2):
    E = edge_index.shape[1]
    ept = -(-E // NS)
    ch = -(-ept // K)
    ch = -(-ch // G) * G
    ept_pad = ch * K
    total = NS * ept_pad

    flat_pad = lambda a, v: jnp.concatenate(
        [a, jnp.full((total - E,), v, jnp.int32)]).reshape(NS, ch // G, G * K)
    src3 = flat_pad(edge_index[0], 0)
    dst3 = flat_pad(edge_index[1], N)

    deg2 = _make_deg_kernel(ch)(dst3)
    deg = deg2.reshape(-1)[:N].reshape(N, 1)

    m1 = _prep_tc(x_seq, deg, W_g1)
    prop = _make_prop_kernel(ch, H, T)
    acc1 = prop(m1, src3, dst3)

    m2 = _mid_tc(acc1, m1, deg, b_g1.reshape(1, H), W_g2)
    acc2 = prop(m2, src3, dst3)

    pred = _final_tc(
        acc2, m2, deg, b_g2.reshape(1, H),
        W_ih.T, W_hh.T, (b_ih + b_hh).reshape(1, 4 * L),
        W_fc1, b_fc1.reshape(1, 32), W_fc2, b_fc2.reshape(1, 1))
    return pred.reshape(N)

# --- scband reference (transcript-rebuilt; emitter-appended) ---
"""Pipeline reference for scband-spatial-temporal-model-27307402068082 (READ-ONLY COPY).

The authoritative reference and input builder live on the scoring server;
editing this copy changes nothing except your own understanding.
"""

import jax, jax.numpy as jnp
import numpy as np

T, N, F, H, L, E = 12, 10000, 128, 64, 128, 320000


def setup_inputs(seed: int = 0) -> dict:
    key = jax.random.key(seed)
    ks = jax.random.split(key, 16)
    x_seq = jax.random.normal(ks[0], (T, N, F), dtype=jnp.float32)
    edge_index = jax.random.randint(ks[1], (2, E), 0, N, dtype=jnp.int32)
    W_g1 = jax.random.normal(ks[2], (F, H), dtype=jnp.float32) / np.sqrt(F)
    b_g1 = jnp.zeros((H,), dtype=jnp.float32)
    W_g2 = jax.random.normal(ks[3], (H, H), dtype=jnp.float32) / np.sqrt(H)
    b_g2 = jnp.zeros((H,), dtype=jnp.float32)
    W_ih = jax.random.normal(ks[4], (4 * L, H), dtype=jnp.float32) / np.sqrt(H)
    W_hh = jax.random.normal(ks[5], (4 * L, L), dtype=jnp.float32) / np.sqrt(L)
    b_ih = jnp.zeros((4 * L,), dtype=jnp.float32)
    b_hh = jnp.zeros((4 * L,), dtype=jnp.float32)
    W_fc1 = jax.random.normal(ks[6], (L, 32), dtype=jnp.float32) / np.sqrt(L)
    b_fc1 = jnp.zeros((32,), dtype=jnp.float32)
    W_fc2 = jax.random.normal(ks[7], (32, 1), dtype=jnp.float32) / np.sqrt(32)
    b_fc2 = jnp.zeros((1,), dtype=jnp.float32)
    return {"x_seq": x_seq, "edge_index": edge_index, "W_g1": W_g1, "b_g1": b_g1,
            "W_g2": W_g2, "b_g2": b_g2, "W_ih": W_ih, "W_hh": W_hh,
            "b_ih": b_ih, "b_hh": b_hh, "W_fc1": W_fc1, "b_fc1": b_fc1,
            "W_fc2": W_fc2, "b_fc2": b_fc2}


def _gcn_conv(x, src, dst, coef, W, b):
    # PyG GCNConv: linear transform, then D^-1/2 (A+I) D^-1/2 aggregation
    xw = x @ W
    msg = xw[src] * coef
    out = jnp.zeros((x.shape[0], W.shape[1]), dtype=x.dtype).at[dst].add(msg)
    return out + b


def reference(x_seq, edge_index, W_g1, b_g1, W_g2, b_g2, W_ih, W_hh, b_ih, b_hh,
              W_fc1, b_fc1, W_fc2, b_fc2):
    n = x_seq.shape[1]
    loop = jnp.arange(n, dtype=edge_index.dtype)
    src = jnp.concatenate([edge_index[0], loop])
    dst = jnp.concatenate([edge_index[1], loop])
    deg = jnp.zeros((n,), dtype=x_seq.dtype).at[dst].add(1.0)
    dinv = jnp.where(deg > 0, 1.0 / jnp.sqrt(deg), 0.0)
    coef = (dinv[src] * dinv[dst])[:, None]

    spatial = []
    for t in range(x_seq.shape[0]):
        h = jax.nn.relu(_gcn_conv(x_seq[t], src, dst, coef, W_g1, b_g1))
        h = jax.nn.relu(_gcn_conv(h, src, dst, coef, W_g2, b_g2))
        spatial.append(h)
    h_seq = jnp.stack(spatial, axis=1)  # (N, T, H)

    hl = jnp.zeros((n, W_hh.shape[1]), dtype=x_seq.dtype)
    cl = jnp.zeros((n, W_hh.shape[1]), dtype=x_seq.dtype)
    Lh = W_hh.shape[1]
    for t in range(h_seq.shape[1]):
        gates = h_seq[:, t, :] @ W_ih.T + b_ih + hl @ W_hh.T + b_hh
        i = jax.nn.sigmoid(gates[:, 0 * Lh:1 * Lh])
        f = jax.nn.sigmoid(gates[:, 1 * Lh:2 * Lh])
        g = jnp.tanh(gates[:, 2 * Lh:3 * Lh])
        o = jax.nn.sigmoid(gates[:, 3 * Lh:4 * Lh])
        cl = f * cl + i * g
        hl = o * jnp.tanh(cl)

    pred = jax.nn.relu(hl @ W_fc1 + b_fc1) @ W_fc2 + b_fc2
    return pred.squeeze(-1)

if __name__ == "__main__":
    import jax
    _d = setup_inputs()
    print(jax.jit(kernel)(*tuple(_d.values())))

</pallas_src>

<mosaic_0001>
#map = affine_map<(d0, d1) -> (0, 0, 0)>
#map1 = affine_map<(d0, d1) -> (0, 0)>
module attributes {stable_mosaic.version = 14 : i64} {
  func.func @deg_kernel(%arg0: i32, %arg1: i32, %arg2: memref<16x157x128xi32, #tpu.memory_space<hbm>>, %arg3: memref<16x640xf32, #tpu.memory_space<hbm>>, %arg4: memref<157x128xi32, #tpu.memory_space<vmem>>, %arg5: memref<128xf32, #tpu.memory_space<vmem>>, %arg6: memref<640xf32, #tpu.memory_space<vmem>>, %arg7: memref<10240xf32, #tpu.memory_space<vmem_shared>>) attributes {dimension_semantics = [#tpu.dimension_semantics<core_parallel>, #tpu.dimension_semantics<subcore_parallel>], iteration_bounds = array<i64: 2, 16>, scalar_prefetch = 0 : i64, scratch_operands = 4 : i64, tpu.core_type = #tpu.core_type<sc_vector_subcore>, window_params = [{transform_indices = #map}, {transform_indices = #map1}]} {
    %scan3A = arith.constant 0 : i32
    %scan3A_0 = arith.constant 0 : i32
    %scan3A_1 = arith.constant 8 : i32
    %scan3A_2 = arith.addi %scan3A_0, %scan3A_1 : i32
    %scan3A_3 = arith.constant 1 : i32
    %scan3A_4 = scf.for %scan3A_24 = %scan3A_0 to %scan3A_2 step %scan3A_3 iter_args(%scan3A_25 = %scan3A) -> (i32)  : i32 {
      %broadcast_in_dim3A = arith.constant 1.000000e+00 : f32
      %broadcast_in_dim3A_26 = vector.broadcast %broadcast_in_dim3A : f32 to vector<16xf32>
      %mul3A_27 = arith.constant 16 : i32
      %mul3A_28 = arith.muli %scan3A_24, %mul3A_27 : i32
      %swap3A = arith.index_cast %mul3A_28 : i32 to index
      %swap3A_29 = tpu.vector_load %arg5[%swap3A] {strides = array<i32>} : memref<128xf32, #tpu.memory_space<vmem>>, vector<16xf32>,
      %swap3A_30 = vector.shape_cast %swap3A_29 : vector<16xf32> to vector<16xf32>
      %swap3A_31 = vector.shape_cast %broadcast_in_dim3A_26 : vector<16xf32> to vector<16xf32>
      tpu.vector_store %arg5[%swap3A], %swap3A_31 {strides = array<i32>} : memref<128xf32, #tpu.memory_space<vmem>>, vector<16xf32>,
      %scan3A_32 = arith.constant 0 : i32
      scf.yield %scan3A_32 : i32
    }
    %scan3A_5 = arith.constant 8 : i32
    %scan3A_6 = arith.constant 0 : i32
    %scan3A_7 = arith.constant 0 : i32
    %scan3A_8 = arith.constant 40 : i32
    %scan3A_9 = arith.addi %scan3A_7, %scan3A_8 : i32
    %scan3A_10 = arith.constant 1 : i32
    %scan3A_11 = scf.for %scan3A_24 = %scan3A_7 to %scan3A_9 step %scan3A_10 iter_args(%scan3A_25 = %scan3A_6) -> (i32)  : i32 {
      %broadcast_in_dim3A = arith.constant 0.000000e+00 : f32
      %broadcast_in_dim3A_26 = vector.broadcast %broadcast_in_dim3A : f32 to vector<16xf32>
      %mul3A_27 = arith.constant 16 : i32
      %mul3A_28 = arith.muli %scan3A_24, %mul3A_27 : i32
      %swap3A = arith.index_cast %mul3A_28 : i32 to index
      %swap3A_29 = tpu.vector_load %arg6[%swap3A] {strides = array<i32>} : memref<640xf32, #tpu.memory_space<vmem>>, vector<16xf32>,
      %swap3A_30 = vector.shape_cast %swap3A_29 : vector<16xf32> to vector<16xf32>
      %swap3A_31 = vector.shape_cast %broadcast_in_dim3A_26 : vector<16xf32> to vector<16xf32>
      tpu.vector_store %arg6[%swap3A], %swap3A_31 {strides = array<i32>} : memref<640xf32, #tpu.memory_space<vmem>>, vector<16xf32>,
      %scan3A_32 = arith.constant 0 : i32
      scf.yield %scan3A_32 : i32
    }
    %scan3A_12 = arith.constant 40 : i32
    "tpu.region"() ({
      %run_scoped3A = tpu.sem_alloc : memref<!tpu.dma_semaphore, #tpu.memory_space<semaphore_mem>>
      %dma_start3A = arith.constant 0 : i32
      %dma_start3A_24 = arith.constant 0 : i32
      %dma_start3A_25 = tpu.memref_slice %arg2[%arg1, %dma_start3A, %dma_start3A_24] : memref<16x157x128xi32, #tpu.memory_space<hbm>> -> memref<1x157x128xi32, #tpu.memory_space<hbm>>
      %dma_start3A_26 = tpu.memref_squeeze %dma_start3A_25 : memref<1x157x128xi32, #tpu.memory_space<hbm>> -> memref<157x128xi32, #tpu.memory_space<hbm>>
      %dma_start3A_27 = arith.constant 0 : i32
      %dma_start3A_28 = arith.constant 0 : i32
      %dma_start3A_29 = tpu.memref_slice %arg2[%arg1, %dma_start3A_27, %dma_start3A_28] : memref<16x157x128xi32, #tpu.memory_space<hbm>> -> memref<1x157x128xi32, #tpu.memory_space<hbm>>
      %dma_start3A_30 = tpu.memref_squeeze %dma_start3A_29 : memref<1x157x128xi32, #tpu.memory_space<hbm>> -> memref<157x128xi32, #tpu.memory_space<hbm>>
      tpu.enqueue_dma source(%dma_start3A_30 : memref<157x128xi32, #tpu.memory_space<hbm>>) target(%arg4 : memref<157x128xi32, #tpu.memory_space<vmem>>) target_semaphore(%run_scoped3A : memref<!tpu.dma_semaphore, #tpu.memory_space<semaphore_mem>>)
      %dma_wait3A = arith.constant 0 : i32
      %dma_wait3A_31 = arith.constant 0 : i32
      %dma_wait3A_32 = tpu.memref_slice %arg2[%arg1, %dma_wait3A, %dma_wait3A_31] : memref<16x157x128xi32, #tpu.memory_space<hbm>> -> memref<1x157x128xi32, #tpu.memory_space<hbm>>
      %dma_wait3A_33 = tpu.memref_squeeze %dma_wait3A_32 : memref<1x157x128xi32, #tpu.memory_space<hbm>> -> memref<157x128xi32, #tpu.memory_space<hbm>>
      %dma_wait3A_34 = arith.constant 0 : i32
      %dma_wait3A_35 = arith.constant 0 : i32
      %dma_wait3A_36 = tpu.memref_slice %arg2[%arg1, %dma_wait3A_34, %dma_wait3A_35] : memref<16x157x128xi32, #tpu.memory_space<hbm>> -> memref<1x157x128xi32, #tpu.memory_space<hbm>>
      %dma_wait3A_37 = tpu.memref_squeeze %dma_wait3A_36 : memref<1x157x128xi32, #tpu.memory_space<hbm>> -> memref<157x128xi32, #tpu.memory_space<hbm>>
      tpu.wait_dma2 semaphore(%run_scoped3A : memref<!tpu.dma_semaphore, #tpu.memory_space<semaphore_mem>>) src(%dma_wait3A_37 : memref<157x128xi32, #tpu.memory_space<hbm>>) dst(%arg4 : memref<157x128xi32, #tpu.memory_space<vmem>>)
      tpu.yield
    }) : () -> ()
    %mul3A = arith.constant 640 : i32
    %mul3A_13 = arith.muli %arg1, %mul3A : i32
    "tpu.region"() ({
      %run_scoped3A = tpu.sem_alloc : memref<!tpu.dma_semaphore, #tpu.memory_space<semaphore_mem>>
      %dma_start3A = tpu.memref_slice %arg7[%mul3A_13] : memref<10240xf32, #tpu.memory_space<vmem_shared>> -> memref<640xf32, #tpu.memory_space<vmem_shared>>
      %dma_start3A_24 = tpu.memref_slice %arg7[%mul3A_13] : memref<10240xf32, #tpu.memory_space<vmem_shared>> -> memref<640xf32, #tpu.memory_space<vmem_shared>>
      tpu.enqueue_dma source(%arg6 : memref<640xf32, #tpu.memory_space<vmem>>) target(%dma_start3A_24 : memref<640xf32, #tpu.memory_space<vmem_shared>>) target_semaphore(%run_scoped3A : memref<!tpu.dma_semaphore, #tpu.memory_space<semaphore_mem>>)
      %dma_wait3A = tpu.memref_slice %arg7[%mul3A_13] : memref<10240xf32, #tpu.memory_space<vmem_shared>> -> memref<640xf32, #tpu.memory_space<vmem_shared>>
      %dma_wait3A_25 = tpu.memref_slice %arg7[%mul3A_13] : memref<10240xf32, #tpu.memory_space<vmem_shared>> -> memref<640xf32, #tpu.memory_space<vmem_shared>>
      tpu.wait_dma2 semaphore(%run_scoped3A : memref<!tpu.dma_semaphore, #tpu.memory_space<semaphore_mem>>) src(%arg6 : memref<640xf32, #tpu.memory_space<vmem>>) dst(%dma_wait3A_25 : memref<640xf32, #tpu.memory_space<vmem_shared>>)
      tpu.yield
    }) : () -> ()
    %barrier3A = arith.constant 0 : index
    tpu.barrier barrier_id(%barrier3A)
    %scan3A_14 = arith.constant 0 : i32
    %scan3A_15 = arith.constant 0 : i32
    %scan3A_16 = arith.constant 157 : i32
    %scan3A_17 = arith.addi %scan3A_15, %scan3A_16 : i32
    %scan3A_18 = arith.constant 1 : i32
    %scan3A_19 = scf.for %scan3A_24 = %scan3A_15 to %scan3A_17 step %scan3A_18 iter_args(%scan3A_25 = %scan3A_14) -> (i32)  : i32 {
      "tpu.region"() ({
        %run_scoped3A = tpu.sem_alloc : memref<!tpu.dma_semaphore, #tpu.memory_space<semaphore_mem>>
        %dma_start3A = arith.constant 0 : i32
        %dma_start3A_27 = tpu.memref_slice %arg4[%scan3A_24, %dma_start3A] : memref<157x128xi32, #tpu.memory_space<vmem>> -> memref<1x128xi32, #tpu.memory_space<vmem>>
        %dma_start3A_28 = tpu.memref_squeeze %dma_start3A_27 : memref<1x128xi32, #tpu.memory_space<vmem>> -> memref<128xi32, #tpu.memory_space<vmem>>
        %dma_start3A_29 = arith.constant 0 : i32
        %dma_start3A_30 = tpu.memref_slice %arg7[%dma_start3A_29] : memref<10240xf32, #tpu.memory_space<vmem_shared>> -> memref<10240xf32, #tpu.memory_space<vmem_shared>>
        tpu.enqueue_indirect_dma source(%arg5 : memref<128xf32, #tpu.memory_space<vmem>>) target(%dma_start3A_30 : memref<10240xf32, #tpu.memory_space<vmem_shared>>) offsets(%dma_start3A_28 : memref<128xi32, #tpu.memory_space<vmem>>) semaphore(%run_scoped3A : memref<!tpu.dma_semaphore, #tpu.memory_space<semaphore_mem>>) {add = true}
        %dma_wait3A = arith.constant 0 : i32
        %dma_wait3A_31 = tpu.memref_slice %arg4[%scan3A_24, %dma_wait3A] : memref<157x128xi32, #tpu.memory_space<vmem>> -> memref<1x128xi32, #tpu.memory_space<vmem>>
        %dma_wait3A_32 = tpu.memref_squeeze %dma_wait3A_31 : memref<1x128xi32, #tpu.memory_space<vmem>> -> memref<128xi32, #tpu.memory_space<vmem>>
        %dma_wait3A_33 = arith.constant 0 : i32
        %dma_wait3A_34 = tpu.memref_slice %arg7[%dma_wait3A_33] : memref<10240xf32, #tpu.memory_space<vmem_shared>> -> memref<10240xf32, #tpu.memory_space<vmem_shared>>
        tpu.wait_indirect_dma semaphore(%run_scoped3A : memref<!tpu.dma_semaphore, #tpu.memory_space<semaphore_mem>>) src(%arg5 : memref<128xf32, #tpu.memory_space<vmem>>) dst(%dma_wait3A_34 : memref<10240xf32, #tpu.memory_space<vmem_shared>>)
        tpu.yield
      }) : () -> ()
      %scan3A_26 = arith.constant 0 : i32
      scf.yield %scan3A_26 : i32
    }
    %scan3A_20 = arith.constant 157 : i32
    %barrier3A_21 = arith.constant 0 : index
    tpu.barrier barrier_id(%barrier3A_21)
    %eq3A = arith.constant 0 : i32
    %eq3A_22 = arith.cmpi eq, %arg0, %eq3A : i32
    %convert_element_type3A = arith.extui %eq3A_22 : i1 to i32
    %cond3A = arith.constant 0 : i32
    %cond3A_23 = arith.cmpi ne, %convert_element_type3A, %cond3A : i32
    scf.if %cond3A_23 {
      %mul3A_24 = arith.constant 640 : i32
      %mul3A_25 = arith.muli %arg1, %mul3A_24 : i32
      "tpu.region"() ({
        %run_scoped3A = tpu.sem_alloc : memref<!tpu.dma_semaphore, #tpu.memory_space<semaphore_mem>>
        %dma_start3A = tpu.memref_slice %arg7[%mul3A_25] : memref<10240xf32, #tpu.memory_space<vmem_shared>> -> memref<640xf32, #tpu.memory_space<vmem_shared>>
        %dma_start3A_26 = tpu.memref_slice %arg7[%mul3A_25] : memref<10240xf32, #tpu.memory_space<vmem_shared>> -> memref<640xf32, #tpu.memory_space<vmem_shared>>
        tpu.enqueue_dma source(%dma_start3A_26 : memref<640xf32, #tpu.memory_space<vmem_shared>>) target(%arg6 : memref<640xf32, #tpu.memory_space<vmem>>) target_semaphore(%run_scoped3A : memref<!tpu.dma_semaphore, #tpu.memory_space<semaphore_mem>>)
        %dma_wait3A = tpu.memref_slice %arg7[%mul3A_25] : memref<10240xf32, #tpu.memory_space<vmem_shared>> -> memref<640xf32, #tpu.memory_space<vmem_shared>>
        %dma_wait3A_27 = tpu.memref_slice %arg7[%mul3A_25] : memref<10240xf32, #tpu.memory_space<vmem_shared>> -> memref<640xf32, #tpu.memory_space<vmem_shared>>
        tpu.wait_dma2 semaphore(%run_scoped3A : memref<!tpu.dma_semaphore, #tpu.memory_space<semaphore_mem>>) src(%dma_wait3A_27 : memref<640xf32, #tpu.memory_space<vmem_shared>>) dst(%arg6 : memref<640xf32, #tpu.memory_space<vmem>>)
        tpu.yield
      }) : () -> ()
      "tpu.region"() ({
        %run_scoped3A = tpu.sem_alloc : memref<!tpu.dma_semaphore, #tpu.memory_space<semaphore_mem>>
        %dma_start3A = arith.constant 0 : i32
        %dma_start3A_26 = tpu.memref_slice %arg3[%arg1, %dma_start3A] : memref<16x640xf32, #tpu.memory_space<hbm>> -> memref<1x640xf32, #tpu.memory_space<hbm>>
        %dma_start3A_27 = tpu.memref_squeeze %dma_start3A_26 : memref<1x640xf32, #tpu.memory_space<hbm>> -> memref<640xf32, #tpu.memory_space<hbm>>
        %dma_start3A_28 = arith.constant 0 : i32
        %dma_start3A_29 = tpu.memref_slice %arg3[%arg1, %dma_start3A_28] : memref<16x640xf32, #tpu.memory_space<hbm>> -> memref<1x640xf32, #tpu.memory_space<hbm>>
        %dma_start3A_30 = tpu.memref_squeeze %dma_start3A_29 : memref<1x640xf32, #tpu.memory_space<hbm>> -> memref<640xf32, #tpu.memory_space<hbm>>
        tpu.enqueue_dma source(%arg6 : memref<640xf32, #tpu.memory_space<vmem>>) target(%dma_start3A_30 : memref<640xf32, #tpu.memory_space<hbm>>) target_semaphore(%run_scoped3A : memref<!tpu.dma_semaphore, #tpu.memory_space<semaphore_mem>>)
        %dma_wait3A = arith.constant 0 : i32
        %dma_wait3A_31 = tpu.memref_slice %arg3[%arg1, %dma_wait3A] : memref<16x640xf32, #tpu.memory_space<hbm>> -> memref<1x640xf32, #tpu.memory_space<hbm>>
        %dma_wait3A_32 = tpu.memref_squeeze %dma_wait3A_31 : memref<1x640xf32, #tpu.memory_space<hbm>> -> memref<640xf32, #tpu.memory_space<hbm>>
        %dma_wait3A_33 = arith.constant 0 : i32
        %dma_wait3A_34 = tpu.memref_slice %arg3[%arg1, %dma_wait3A_33] : memref<16x640xf32, #tpu.memory_space<hbm>> -> memref<1x640xf32, #tpu.memory_space<hbm>>
        %dma_wait3A_35 = tpu.memref_squeeze %dma_wait3A_34 : memref<1x640xf32, #tpu.memory_space<hbm>> -> memref<640xf32, #tpu.memory_space<hbm>>
        tpu.wait_dma2 semaphore(%run_scoped3A : memref<!tpu.dma_semaphore, #tpu.memory_space<semaphore_mem>>) src(%arg6 : memref<640xf32, #tpu.memory_space<vmem>>) dst(%dma_wait3A_35 : memref<640xf32, #tpu.memory_space<hbm>>)
        tpu.yield
      }) : () -> ()
    } else {
    }
    return
  }
}

#map = affine_map<(d0, d1) -> (0, 0, 0)>
module attributes {stable_mosaic.version = 14 : i64} {
  func.func @prop_kernel(%arg0: i32, %arg1: i32, %arg2: memref<12x10000x64xf32, #tpu.memory_space<hbm>>, %arg3: memref<16x157x128xi32, #tpu.memory_space<hbm>>, %arg4: memref<16x157x128xi32, #tpu.memory_space<hbm>>, %arg5: memref<12x10000x64xf32, #tpu.memory_space<hbm>>, %arg6: memref<157x128xi32, #tpu.memory_space<vmem>>, %arg7: memref<157x128xi32, #tpu.memory_space<vmem>>, %arg8: memref<128x64xf32, #tpu.memory_space<vmem>>, %arg9: memref<200x64xf32, #tpu.memory_space<vmem>>, %arg10: memref<10016x64xf32, #tpu.memory_space<vmem_shared>>) attributes {dimension_semantics = [#tpu.dimension_semantics<core_parallel>, #tpu.dimension_semantics<subcore_parallel>], iteration_bounds = array<i64: 2, 16>, scalar_prefetch = 0 : i64, scratch_operands = 5 : i64, tpu.core_type = #tpu.core_type<sc_vector_subcore>, window_params = [{transform_indices = #map}, {transform_indices = #map}, {transform_indices = #map}, {transform_indices = #map}]} {
    %mul3A = arith.constant 1000 : i32
    %mul3A_0 = arith.muli %arg1, %mul3A : i32
    %broadcast_in_dim3A = arith.constant 0.000000e+00 : f32
    %broadcast_in_dim3A_1 = vector.broadcast %broadcast_in_dim3A : f32 to vector<16xf32>
    %scan3A = arith.constant 0 : i32
    %scan3A_2 = arith.constant 0 : i32
    %scan3A_3 = arith.constant 800 : i32
    %scan3A_4 = arith.addi %scan3A_2, %scan3A_3 : i32
    %scan3A_5 = arith.constant 1 : i32
    %scan3A_6 = scf.for %scan3A_148 = %scan3A_2 to %scan3A_4 step %scan3A_5 iter_args(%scan3A_149 = %scan3A) -> (i32)  : i32 {
      %jit3A = arith.constant 4 : i32
      %div3A = arith.divsi %scan3A_148, %jit3A : i32
      %sign3A = arith.constant 0 : i32
      %sign3A_150 = arith.cmpi sgt, %scan3A_148, %sign3A : i32
      %sign3A_151 = arith.extui %sign3A_150 : i1 to i32
      %sign3A_152 = arith.constant 0 : i32
      %sign3A_153 = arith.cmpi slt, %scan3A_148, %sign3A_152 : i32
      %sign3A_154 = arith.extui %sign3A_153 : i1 to i32
      %sign3A_155 = arith.subi %sign3A_151, %sign3A_154 : i32
      %sign3A_156 = arith.constant 0 : i32
      %sign3A_157 = arith.cmpi sgt, %jit3A, %sign3A_156 : i32
      %sign3A_158 = arith.extui %sign3A_157 : i1 to i32
      %sign3A_159 = arith.constant 0 : i32
      %sign3A_160 = arith.cmpi slt, %jit3A, %sign3A_159 : i32
      %sign3A_161 = arith.extui %sign3A_160 : i1 to i32
      %sign3A_162 = arith.subi %sign3A_158, %sign3A_161 : i32
      %ne3A = arith.cmpi ne, %sign3A_155, %sign3A_162 : i32
      %rem3A = arith.remsi %scan3A_148, %jit3A : i32
      %ne3A_163 = arith.constant 0 : i32
      %ne3A_164 = arith.cmpi ne, %rem3A, %ne3A_163 : i32
      %and3A = arith.andi %ne3A, %ne3A_164 : i1
      %sub3A = arith.constant 1 : i32
      %sub3A_165 = arith.subi %div3A, %sub3A : i32
      %select_n3A = arith.select %and3A, %sub3A_165, %div3A : i32
      %jit3A_166 = arith.constant 4 : i32
      %eq3A = arith.constant 0 : i32
      %eq3A_167 = arith.cmpi eq, %jit3A_166, %eq3A : i32
      %jit3A_168 = arith.constant 1 : i32
      %select_n3A_169 = arith.select %eq3A_167, %jit3A_168, %jit3A_166 : i32
      %rem3A_170 = arith.remsi %scan3A_148, %select_n3A_169 : i32
      %ne3A_171 = arith.constant 0 : i32
      %ne3A_172 = arith.cmpi ne, %rem3A_170, %ne3A_171 : i32
      %lt3A_173 = arith.constant 0 : i32
      %lt3A_174 = arith.cmpi slt, %rem3A_170, %lt3A_173 : i32
      %lt3A_175 = arith.constant 0 : i32
      %lt3A_176 = arith.cmpi slt, %select_n3A_169, %lt3A_175 : i32
      %ne3A_177 = arith.xori %lt3A_174, %lt3A_176 : i1
      %and3A_178 = arith.andi %ne3A_177, %ne3A_172 : i1
      %add3A_179 = arith.addi %rem3A_170, %select_n3A_169 : i32
      %select_n3A_180 = arith.select %and3A_178, %add3A_179, %rem3A_170 : i32
      %mul3A_181 = arith.constant 16 : i32
      %mul3A_182 = arith.muli %select_n3A_180, %mul3A_181 : i32
      %swap3A = arith.index_cast %select_n3A : i32 to index
      %swap3A_183 = arith.index_cast %mul3A_182 : i32 to index
      %swap3A_184 = tpu.vector_load %arg9[%swap3A, %swap3A_183] {strides = array<i32>} : memref<200x64xf32, #tpu.memory_space<vmem>>, vector<1x16xf32>,
      %swap3A_185 = vector.shape_cast %swap3A_184 : vector<1x16xf32> to vector<16xf32>
      %swap3A_186 = vector.shape_cast %broadcast_in_dim3A_1 : vector<16xf32> to vector<1x16xf32>
      tpu.vector_store %arg9[%swap3A, %swap3A_183], %swap3A_186 {strides = array<i32>} : memref<200x64xf32, #tpu.memory_space<vmem>>, vector<1x16xf32>,
      %scan3A_187 = arith.constant 0 : i32
      scf.yield %scan3A_187 : i32
    }
    %scan3A_7 = arith.constant 800 : i32
    "tpu.region"() ({
      %run_scoped3A = tpu.sem_alloc : memref<!tpu.dma_semaphore, #tpu.memory_space<semaphore_mem>>
      %dma_start3A = arith.constant 0 : i32
      %dma_start3A_148 = arith.constant 0 : i32
      %dma_start3A_149 = tpu.memref_slice %arg3[%arg1, %dma_start3A, %dma_start3A_148] : memref<16x157x128xi32, #tpu.memory_space<hbm>> -> memref<1x157x128xi32, #tpu.memory_space<hbm>>
      %dma_start3A_150 = tpu.memref_squeeze %dma_start3A_149 : memref<1x157x128xi32, #tpu.memory_space<hbm>> -> memref<157x128xi32, #tpu.memory_space<hbm>>
      %dma_start3A_151 = arith.constant 0 : i32
      %dma_start3A_152 = arith.constant 0 : i32
      %dma_start3A_153 = tpu.memref_slice %arg3[%arg1, %dma_start3A_151, %dma_start3A_152] : memref<16x157x128xi32, #tpu.memory_space<hbm>> -> memref<1x157x128xi32, #tpu.memory_space<hbm>>
      %dma_start3A_154 = tpu.memref_squeeze %dma_start3A_153 : memref<1x157x128xi32, #tpu.memory_space<hbm>> -> memref<157x128xi32, #tpu.memory_space<hbm>>
      tpu.enqueue_dma source(%dma_start3A_154 : memref<157x128xi32, #tpu.memory_space<hbm>>) target(%arg6 : memref<157x128xi32, #tpu.memory_space<vmem>>) target_semaphore(%run_scoped3A : memref<!tpu.dma_semaphore, #tpu.memory_space<semaphore_mem>>)
      %dma_wait3A = arith.constant 0 : i32
      %dma_wait3A_155 = arith.constant 0 : i32
      %dma_wait3A_156 = tpu.memref_slice %arg3[%arg1, %dma_wait3A, %dma_wait3A_155] : memref<16x157x128xi32, #tpu.memory_space<hbm>> -> memref<1x157x128xi32, #tpu.memory_space<hbm>>
      %dma_wait3A_157 = tpu.memref_squeeze %dma_wait3A_156 : memref<1x157x128xi32, #tpu.memory_space<hbm>> -> memref<157x128xi32, #tpu.memory_space<hbm>>
      %dma_wait3A_158 = arith.constant 0 : i32
      %dma_wait3A_159 = arith.constant 0 : i32
      %dma_wait3A_160 = tpu.memref_slice %arg3[%arg1, %dma_wait3A_158, %dma_wait3A_159] : memref<16x157x128xi32, #tpu.memory_space<hbm>> -> memref<1x157x128xi32, #tpu.memory_space<hbm>>
      %dma_wait3A_161 = tpu.memref_squeeze %dma_wait3A_160 : memref<1x157x128xi32, #tpu.memory_space<hbm>> -> memref<157x128xi32, #tpu.memory_space<hbm>>
      tpu.wait_dma2 semaphore(%run_scoped3A : memref<!tpu.dma_semaphore, #tpu.memory_space<semaphore_mem>>) src(%dma_wait3A_161 : memref<157x128xi32, #tpu.memory_space<hbm>>) dst(%arg6 : memref<157x128xi32, #tpu.memory_space<vmem>>)
      tpu.yield
    }) : () -> ()
    "tpu.region"() ({
      %run_scoped3A = tpu.sem_alloc : memref<!tpu.dma_semaphore, #tpu.memory_space<semaphore_mem>>
      %dma_start3A = arith.constant 0 : i32
      %dma_start3A_148 = arith.constant 0 : i32
      %dma_start3A_149 = tpu.memref_slice %arg4[%arg1, %dma_start3A, %dma_start3A_148] : memref<16x157x128xi32, #tpu.memory_space<hbm>> -> memref<1x157x128xi32, #tpu.memory_space<hbm>>
      %dma_start3A_150 = tpu.memref_squeeze %dma_start3A_149 : memref<1x157x128xi32, #tpu.memory_space<hbm>> -> memref<157x128xi32, #tpu.memory_space<hbm>>
      %dma_start3A_151 = arith.constant 0 : i32
      %dma_start3A_152 = arith.constant 0 : i32
      %dma_start3A_153 = tpu.memref_slice %arg4[%arg1, %dma_start3A_151, %dma_start3A_152] : memref<16x157x128xi32, #tpu.memory_space<hbm>> -> memref<1x157x128xi32, #tpu.memory_space<hbm>>
      %dma_start3A_154 = tpu.memref_squeeze %dma_start3A_153 : memref<1x157x128xi32, #tpu.memory_space<hbm>> -> memref<157x128xi32, #tpu.memory_space<hbm>>
      tpu.enqueue_dma source(%dma_start3A_154 : memref<157x128xi32, #tpu.memory_space<hbm>>) target(%arg7 : memref<157x128xi32, #tpu.memory_space<vmem>>) target_semaphore(%run_scoped3A : memref<!tpu.dma_semaphore, #tpu.memory_space<semaphore_mem>>)
      %dma_wait3A = arith.constant 0 : i32
      %dma_wait3A_155 = arith.constant 0 : i32
      %dma_wait3A_156 = tpu.memref_slice %arg4[%arg1, %dma_wait3A, %dma_wait3A_155] : memref<16x157x128xi32, #tpu.memory_space<hbm>> -> memref<1x157x128xi32, #tpu.memory_space<hbm>>
      %dma_wait3A_157 = tpu.memref_squeeze %dma_wait3A_156 : memref<1x157x128xi32, #tpu.memory_space<hbm>> -> memref<157x128xi32, #tpu.memory_space<hbm>>
      %dma_wait3A_158 = arith.constant 0 : i32
      %dma_wait3A_159 = arith.constant 0 : i32
      %dma_wait3A_160 = tpu.memref_slice %arg4[%arg1, %dma_wait3A_158, %dma_wait3A_159] : memref<16x157x128xi32, #tpu.memory_space<hbm>> -> memref<1x157x128xi32, #tpu.memory_space<hbm>>
      %dma_wait3A_161 = tpu.memref_squeeze %dma_wait3A_160 : memref<1x157x128xi32, #tpu.memory_space<hbm>> -> memref<157x128xi32, #tpu.memory_space<hbm>>
      tpu.wait_dma2 semaphore(%run_scoped3A : memref<!tpu.dma_semaphore, #tpu.memory_space<semaphore_mem>>) src(%dma_wait3A_161 : memref<157x128xi32, #tpu.memory_space<hbm>>) dst(%arg7 : memref<157x128xi32, #tpu.memory_space<vmem>>)
      tpu.yield
    }) : () -> ()
    %barrier3A = arith.constant 0 : index
    tpu.barrier barrier_id(%barrier3A)
    %mul3A_8 = arith.constant 6 : i32
    %mul3A_9 = arith.muli %arg0, %mul3A_8 : i32
    %add3A = arith.constant 0 : i32
    %add3A_10 = arith.addi %mul3A_9, %add3A : i32
    %lt3A = arith.constant 10 : i32
    %lt3A_11 = arith.cmpi slt, %arg1, %lt3A : i32
    %convert_element_type3A = arith.extui %lt3A_11 : i1 to i32
    %cond3A = arith.constant 0 : i32
    %cond3A_12 = arith.cmpi ne, %convert_element_type3A, %cond3A : i32
    scf.if %cond3A_12 {
      %add3A_148 = arith.constant 0 : i32
      %add3A_149 = arith.addi %mul3A_0, %add3A_148 : i32
      "tpu.region"() ({
        %run_scoped3A = tpu.sem_alloc : memref<!tpu.dma_semaphore, #tpu.memory_space<semaphore_mem>>
        %dma_start3A = arith.constant 0 : i32
        %dma_start3A_158 = tpu.memref_slice %arg10[%add3A_149, %dma_start3A] : memref<10016x64xf32, #tpu.memory_space<vmem_shared>> -> memref<200x64xf32, #tpu.memory_space<vmem_shared>>
        %dma_start3A_159 = arith.constant 0 : i32
        %dma_start3A_160 = tpu.memref_slice %arg10[%add3A_149, %dma_start3A_159] : memref<10016x64xf32, #tpu.memory_space<vmem_shared>> -> memref<200x64xf32, #tpu.memory_space<vmem_shared>>
        tpu.enqueue_dma source(%arg9 : memref<200x64xf32, #tpu.memory_space<vmem>>) target(%dma_start3A_160 : memref<200x64xf32, #tpu.memory_space<vmem_shared>>) target_semaphore(%run_scoped3A : memref<!tpu.dma_semaphore, #tpu.memory_space<semaphore_mem>>)
        %dma_wait3A = arith.constant 0 : i32
        %dma_wait3A_161 = tpu.memref_slice %arg10[%add3A_149, %dma_wait3A] : memref<10016x64xf32, #tpu.memory_space<vmem_shared>> -> memref<200x64xf32, #tpu.memory_space<vmem_shared>>
        %dma_wait3A_162 = arith.constant 0 : i32
        %dma_wait3A_163 = tpu.memref_slice %arg10[%add3A_149, %dma_wait3A_162] : memref<10016x64xf32, #tpu.memory_space<vmem_shared>> -> memref<200x64xf32, #tpu.memory_space<vmem_shared>>
        tpu.wait_dma2 semaphore(%run_scoped3A : memref<!tpu.dma_semaphore, #tpu.memory_space<semaphore_mem>>) src(%arg9 : memref<200x64xf32, #tpu.memory_space<vmem>>) dst(%dma_wait3A_163 : memref<200x64xf32, #tpu.memory_space<vmem_shared>>)
        tpu.yield
      }) : () -> ()
      %add3A_150 = arith.constant 200 : i32
      %add3A_151 = arith.addi %mul3A_0, %add3A_150 : i32
      "tpu.region"() ({
        %run_scoped3A = tpu.sem_alloc : memref<!tpu.dma_semaphore, #tpu.memory_space<semaphore_mem>>
        %dma_start3A = arith.constant 0 : i32
        %dma_start3A_158 = tpu.memref_slice %arg10[%add3A_151, %dma_start3A] : memref<10016x64xf32, #tpu.memory_space<vmem_shared>> -> memref<200x64xf32, #tpu.memory_space<vmem_shared>>
        %dma_start3A_159 = arith.constant 0 : i32
        %dma_start3A_160 = tpu.memref_slice %arg10[%add3A_151, %dma_start3A_159] : memref<10016x64xf32, #tpu.memory_space<vmem_shared>> -> memref<200x64xf32, #tpu.memory_space<vmem_shared>>
        tpu.enqueue_dma source(%arg9 : memref<200x64xf32, #tpu.memory_space<vmem>>) target(%dma_start3A_160 : memref<200x64xf32, #tpu.memory_space<vmem_shared>>) target_semaphore(%run_scoped3A : memref<!tpu.dma_semaphore, #tpu.memory_space<semaphore_mem>>)
        %dma_wait3A = arith.constant 0 : i32
        %dma_wait3A_161 = tpu.memref_slice %arg10[%add3A_151, %dma_wait3A] : memref<10016x64xf32, #tpu.memory_space<vmem_shared>> -> memref<200x64xf32, #tpu.memory_space<vmem_shared>>
        %dma_wait3A_162 = arith.constant 0 : i32
        %dma_wait3A_163 = tpu.memref_slice %arg10[%add3A_151, %dma_wait3A_162] : memref<10016x64xf32, #tpu.memory_space<vmem_shared>> -> memref<200x64xf32, #tpu.memory_space<vmem_shared>>
        tpu.wait_dma2 semaphore(%run_scoped3A : memref<!tpu.dma_semaphore, #tpu.memory_space<semaphore_mem>>) src(%arg9 : memref<200x64xf32, #tpu.memory_space<vmem>>) dst(%dma_wait3A_163 : memref<200x64xf32, #tpu.memory_space<vmem_shared>>)
        tpu.yield
      }) : () -> ()
      %add3A_152 = arith.constant 400 : i32
      %add3A_153 = arith.addi %mul3A_0, %add3A_152 : i32
      "tpu.region"() ({
        %run_scoped3A = tpu.sem_alloc : memref<!tpu.dma_semaphore, #tpu.memory_space<semaphore_mem>>
        %dma_start3A = arith.constant 0 : i32
        %dma_start3A_158 = tpu.memref_slice %arg10[%add3A_153, %dma_start3A] : memref<10016x64xf32, #tpu.memory_space<vmem_shared>> -> memref<200x64xf32, #tpu.memory_space<vmem_shared>>
        %dma_start3A_159 = arith.constant 0 : i32
        %dma_start3A_160 = tpu.memref_slice %arg10[%add3A_153, %dma_start3A_159] : memref<10016x64xf32, #tpu.memory_space<vmem_shared>> -> memref<200x64xf32, #tpu.memory_space<vmem_shared>>
        tpu.enqueue_dma source(%arg9 : memref<200x64xf32, #tpu.memory_space<vmem>>) target(%dma_start3A_160 : memref<200x64xf32, #tpu.memory_space<vmem_shared>>) target_semaphore(%run_scoped3A : memref<!tpu.dma_semaphore, #tpu.memory_space<semaphore_mem>>)
        %dma_wait3A = arith.constant 0 : i32
        %dma_wait3A_161 = tpu.memref_slice %arg10[%add3A_153, %dma_wait3A] : memref<10016x64xf32, #tpu.memory_space<vmem_shared>> -> memref<200x64xf32, #tpu.memory_space<vmem_shared>>
        %dma_wait3A_162 = arith.constant 0 : i32
        %dma_wait3A_163 = tpu.memref_slice %arg10[%add3A_153, %dma_wait3A_162] : memref<10016x64xf32, #tpu.memory_space<vmem_shared>> -> memref<200x64xf32, #tpu.memory_space<vmem_shared>>
        tpu.wait_dma2 semaphore(%run_scoped3A : memref<!tpu.dma_semaphore, #tpu.memory_space<semaphore_mem>>) src(%arg9 : memref<200x64xf32, #tpu.memory_space<vmem>>) dst(%dma_wait3A_163 : memref<200x64xf32, #tpu.memory_space<vmem_shared>>)
        tpu.yield
      }) : () -> ()
      %add3A_154 = arith.constant 600 : i32
      %add3A_155 = arith.addi %mul3A_0, %add3A_154 : i32
      "tpu.region"() ({
        %run_scoped3A = tpu.sem_alloc : memref<!tpu.dma_semaphore, #tpu.memory_space<semaphore_mem>>
        %dma_start3A = arith.constant 0 : i32
        %dma_start3A_158 = tpu.memref_slice %arg10[%add3A_155, %dma_start3A] : memref<10016x64xf32, #tpu.memory_space<vmem_shared>> -> memref<200x64xf32, #tpu.memory_space<vmem_shared>>
        %dma_start3A_159 = arith.constant 0 : i32
        %dma_start3A_160 = tpu.memref_slice %arg10[%add3A_155, %dma_start3A_159] : memref<10016x64xf32, #tpu.memory_space<vmem_shared>> -> memref<200x64xf32, #tpu.memory_space<vmem_shared>>
        tpu.enqueue_dma source(%arg9 : memref<200x64xf32, #tpu.memory_space<vmem>>) target(%dma_start3A_160 : memref<200x64xf32, #tpu.memory_space<vmem_shared>>) target_semaphore(%run_scoped3A : memref<!tpu.dma_semaphore, #tpu.memory_space<semaphore_mem>>)
        %dma_wait3A = arith.constant 0 : i32
        %dma_wait3A_161 = tpu.memref_slice %arg10[%add3A_155, %dma_wait3A] : memref<10016x64xf32, #tpu.memory_space<vmem_shared>> -> memref<200x64xf32, #tpu.memory_space<vmem_shared>>
        %dma_wait3A_162 = arith.constant 0 : i32
        %dma_wait3A_163 = tpu.memref_slice %arg10[%add3A_155, %dma_wait3A_162] : memref<10016x64xf32, #tpu.memory_space<vmem_shared>> -> memref<200x64xf32, #tpu.memory_space<vmem_shared>>
        tpu.wait_dma2 semaphore(%run_scoped3A : memref<!tpu.dma_semaphore, #tpu.memory_space<semaphore_mem>>) src(%arg9 : memref<200x64xf32, #tpu.memory_space<vmem>>) dst(%dma_wait3A_163 : memref<200x64xf32, #tpu.memory_space<vmem_shared>>)
        tpu.yield
      }) : () -> ()
      %add3A_156 = arith.constant 800 : i32
      %add3A_157 = arith.addi %mul3A_0, %add3A_156 : i32
      "tpu.region"() ({
        %run_scoped3A = tpu.sem_alloc : memref<!tpu.dma_semaphore, #tpu.memory_space<semaphore_mem>>
        %dma_start3A = arith.constant 0 : i32
        %dma_start3A_158 = tpu.memref_slice %arg10[%add3A_157, %dma_start3A] : memref<10016x64xf32, #tpu.memory_space<vmem_shared>> -> memref<200x64xf32, #tpu.memory_space<vmem_shared>>
        %dma_start3A_159 = arith.constant 0 : i32
        %dma_start3A_160 = tpu.memref_slice %arg10[%add3A_157, %dma_start3A_159] : memref<10016x64xf32, #tpu.memory_space<vmem_shared>> -> memref<200x64xf32, #tpu.memory_space<vmem_shared>>
        tpu.enqueue_dma source(%arg9 : memref<200x64xf32, #tpu.memory_space<vmem>>) target(%dma_start3A_160 : memref<200x64xf32, #tpu.memory_space<vmem_shared>>) target_semaphore(%run_scoped3A : memref<!tpu.dma_semaphore, #tpu.memory_space<semaphore_mem>>)
        %dma_wait3A = arith.constant 0 : i32
        %dma_wait3A_161 = tpu.memref_slice %arg10[%add3A_157, %dma_wait3A] : memref<10016x64xf32, #tpu.memory_space<vmem_shared>> -> memref<200x64xf32, #tpu.memory_space<vmem_shared>>
        %dma_wait3A_162 = arith.constant 0 : i32
        %dma_wait3A_163 = tpu.memref_slice %arg10[%add3A_157, %dma_wait3A_162] : memref<10016x64xf32, #tpu.memory_space<vmem_shared>> -> memref<200x64xf32, #tpu.memory_space<vmem_shared>>
        tpu.wait_dma2 semaphore(%run_scoped3A : memref<!tpu.dma_semaphore, #tpu.memory_space<semaphore_mem>>) src(%arg9 : memref<200x64xf32, #tpu.memory_space<vmem>>) dst(%dma_wait3A_163 : memref<200x64xf32, #tpu.memory_space<vmem_shared>>)
        tpu.yield
      }) : () -> ()
    } else {
    }
    %barrier3A_13 = arith.constant 0 : index
    tpu.barrier barrier_id(%barrier3A_13)
    %scan3A_14 = arith.constant 0 : i32
    %scan3A_15 = arith.constant 0 : i32
    %scan3A_16 = arith.constant 157 : i32
    %scan3A_17 = arith.addi %scan3A_15, %scan3A_16 : i32
    %scan3A_18 = arith.constant 1 : i32
    %scan3A_19 = scf.for %scan3A_148 = %scan3A_15 to %scan3A_17 step %scan3A_18 iter_args(%scan3A_149 = %scan3A_14) -> (i32)  : i32 {
      "tpu.region"() ({
        %run_scoped3A = tpu.sem_alloc : memref<!tpu.dma_semaphore, #tpu.memory_space<semaphore_mem>>
        %dma_start3A = arith.constant 0 : i32
        %dma_start3A_151 = tpu.memref_slice %arg6[%scan3A_148, %dma_start3A] : memref<157x128xi32, #tpu.memory_space<vmem>> -> memref<1x128xi32, #tpu.memory_space<vmem>>
        %dma_start3A_152 = tpu.memref_squeeze %dma_start3A_151 : memref<1x128xi32, #tpu.memory_space<vmem>> -> memref<128xi32, #tpu.memory_space<vmem>>
        %dma_start3A_153 = arith.constant 0 : i32
        %dma_start3A_154 = arith.constant 0 : i32
        %dma_start3A_155 = tpu.memref_slice %arg2[%add3A_10, %dma_start3A_153, %dma_start3A_154] : memref<12x10000x64xf32, #tpu.memory_space<hbm>> -> memref<1x10000x64xf32, #tpu.memory_space<hbm>>
        %dma_start3A_156 = tpu.memref_squeeze %dma_start3A_155 : memref<1x10000x64xf32, #tpu.memory_space<hbm>> -> memref<10000x64xf32, #tpu.memory_space<hbm>>
        %dma_start3A_157 = arith.constant 0 : i32
        %dma_start3A_158 = arith.constant 0 : i32
        %dma_start3A_159 = tpu.memref_slice %dma_start3A_156[%dma_start3A_157, %dma_start3A_158] : memref<10000x64xf32, #tpu.memory_space<hbm>> -> memref<10000x64xf32, #tpu.memory_space<hbm>>
        tpu.enqueue_indirect_dma source(%dma_start3A_159 : memref<10000x64xf32, #tpu.memory_space<hbm>>) target(%arg8 : memref<128x64xf32, #tpu.memory_space<vmem>>) offsets(%dma_start3A_152 : memref<128xi32, #tpu.memory_space<vmem>>) semaphore(%run_scoped3A : memref<!tpu.dma_semaphore, #tpu.memory_space<semaphore_mem>>)
        %dma_wait3A = arith.constant 0 : i32
        %dma_wait3A_160 = tpu.memref_slice %arg6[%scan3A_148, %dma_wait3A] : memref<157x128xi32, #tpu.memory_space<vmem>> -> memref<1x128xi32, #tpu.memory_space<vmem>>
        %dma_wait3A_161 = tpu.memref_squeeze %dma_wait3A_160 : memref<1x128xi32, #tpu.memory_space<vmem>> -> memref<128xi32, #tpu.memory_space<vmem>>
        %dma_wait3A_162 = arith.constant 0 : i32
        %dma_wait3A_163 = arith.constant 0 : i32
        %dma_wait3A_164 = tpu.memref_slice %arg2[%add3A_10, %dma_wait3A_162, %dma_wait3A_163] : memref<12x10000x64xf32, #tpu.memory_space<hbm>> -> memref<1x10000x64xf32, #tpu.memory_space<hbm>>
        %dma_wait3A_165 = tpu.memref_squeeze %dma_wait3A_164 : memref<1x10000x64xf32, #tpu.memory_space<hbm>> -> memref<10000x64xf32, #tpu.memory_space<hbm>>
        %dma_wait3A_166 = arith.constant 0 : i32
        %dma_wait3A_167 = arith.constant 0 : i32
        %dma_wait3A_168 = tpu.memref_slice %dma_wait3A_165[%dma_wait3A_166, %dma_wait3A_167] : memref<10000x64xf32, #tpu.memory_space<hbm>> -> memref<10000x64xf32, #tpu.memory_space<hbm>>
        tpu.wait_indirect_dma semaphore(%run_scoped3A : memref<!tpu.dma_semaphore, #tpu.memory_space<semaphore_mem>>) src(%dma_wait3A_168 : memref<10000x64xf32, #tpu.memory_space<hbm>>) dst(%arg8 : memref<128x64xf32, #tpu.memory_space<vmem>>)
        tpu.yield
      }) : () -> ()
      "tpu.region"() ({
        %run_scoped3A = tpu.sem_alloc : memref<!tpu.dma_semaphore, #tpu.memory_space<semaphore_mem>>
        %dma_start3A = arith.constant 0 : i32
        %dma_start3A_151 = tpu.memref_slice %arg7[%scan3A_148, %dma_start3A] : memref<157x128xi32, #tpu.memory_space<vmem>> -> memref<1x128xi32, #tpu.memory_space<vmem>>
        %dma_start3A_152 = tpu.memref_squeeze %dma_start3A_151 : memref<1x128xi32, #tpu.memory_space<vmem>> -> memref<128xi32, #tpu.memory_space<vmem>>
        %dma_start3A_153 = arith.constant 0 : i32
        %dma_start3A_154 = arith.constant 0 : i32
        %dma_start3A_155 = tpu.memref_slice %arg10[%dma_start3A_153, %dma_start3A_154] : memref<10016x64xf32, #tpu.memory_space<vmem_shared>> -> memref<10016x64xf32, #tpu.memory_space<vmem_shared>>
        tpu.enqueue_indirect_dma source(%arg8 : memref<128x64xf32, #tpu.memory_space<vmem>>) target(%dma_start3A_155 : memref<10016x64xf32, #tpu.memory_space<vmem_shared>>) offsets(%dma_start3A_152 : memref<128xi32, #tpu.memory_space<vmem>>) semaphore(%run_scoped3A : memref<!tpu.dma_semaphore, #tpu.memory_space<semaphore_mem>>) {add = true}
        %dma_wait3A = arith.constant 0 : i32
        %dma_wait3A_156 = tpu.memref_slice %arg7[%scan3A_148, %dma_wait3A] : memref<157x128xi32, #tpu.memory_space<vmem>> -> memref<1x128xi32, #tpu.memory_space<vmem>>
        %dma_wait3A_157 = tpu.memref_squeeze %dma_wait3A_156 : memref<1x128xi32, #tpu.memory_space<vmem>> -> memref<128xi32, #tpu.memory_space<vmem>>
        %dma_wait3A_158 = arith.constant 0 : i32
        %dma_wait3A_159 = arith.constant 0 : i32
        %dma_wait3A_160 = tpu.memref_slice %arg10[%dma_wait3A_158, %dma_wait3A_159] : memref<10016x64xf32, #tpu.memory_space<vmem_shared>> -> memref<10016x64xf32, #tpu.memory_space<vmem_shared>>
        tpu.wait_indirect_dma semaphore(%run_scoped3A : memref<!tpu.dma_semaphore, #tpu.memory_space<semaphore_mem>>) src(%arg8 : memref<128x64xf32, #tpu.memory_space<vmem>>) dst(%dma_wait3A_160 : memref<10016x64xf32, #tpu.memory_space<vmem_shared>>)
        tpu.yield
      }) : () -> ()
      %scan3A_150 = arith.constant 0 : i32
      scf.yield %scan3A_150 : i32
    }
    %scan3A_20 = arith.constant 157 : i32
    %barrier3A_21 = arith.constant 0 : index
    tpu.barrier barrier_id(%barrier3A_21)
    %lt3A_22 = arith.constant 10 : i32
    %lt3A_23 = arith.cmpi slt, %arg1, %lt3A_22 : i32
    %convert_element_type3A_24 = arith.extui %lt3A_23 : i1 to i32
    %cond3A_25 = arith.constant 0 : i32
    %cond3A_26 = arith.cmpi ne, %convert_element_type3A_24, %cond3A_25 : i32
    scf.if %cond3A_26 {
      "tpu.region"() ({
        %run_scoped3A = tpu.sem_alloc : memref<!tpu.dma_semaphore, #tpu.memory_space<semaphore_mem>>
        %dma_start3A = arith.constant 0 : i32
        %dma_start3A_148 = tpu.memref_slice %arg5[%add3A_10, %mul3A_0, %dma_start3A] : memref<12x10000x64xf32, #tpu.memory_space<hbm>> -> memref<1x1000x64xf32, #tpu.memory_space<hbm>>
        %dma_start3A_149 = tpu.memref_squeeze %dma_start3A_148 : memref<1x1000x64xf32, #tpu.memory_space<hbm>> -> memref<1000x64xf32, #tpu.memory_space<hbm>>
        %dma_start3A_150 = arith.constant 0 : i32
        %dma_start3A_151 = tpu.memref_slice %arg10[%mul3A_0, %dma_start3A_150] : memref<10016x64xf32, #tpu.memory_space<vmem_shared>> -> memref<1000x64xf32, #tpu.memory_space<vmem_shared>>
        tpu.enqueue_dma source(%dma_start3A_151 : memref<1000x64xf32, #tpu.memory_space<vmem_shared>>) target(%dma_start3A_149 : memref<1000x64xf32, #tpu.memory_space<hbm>>) target_semaphore(%run_scoped3A : memref<!tpu.dma_semaphore, #tpu.memory_space<semaphore_mem>>)
        %dma_wait3A = arith.constant 0 : i32
        %dma_wait3A_152 = tpu.memref_slice %arg5[%add3A_10, %mul3A_0, %dma_wait3A] : memref<12x10000x64xf32, #tpu.memory_space<hbm>> -> memref<1x1000x64xf32, #tpu.memory_space<hbm>>
        %dma_wait3A_153 = tpu.memref_squeeze %dma_wait3A_152 : memref<1x1000x64xf32, #tpu.memory_space<hbm>> -> memref<1000x64xf32, #tpu.memory_space<hbm>>
        %dma_wait3A_154 = arith.constant 0 : i32
        %dma_wait3A_155 = tpu.memref_slice %arg10[%mul3A_0, %dma_wait3A_154] : memref<10016x64xf32, #tpu.memory_space<vmem_shared>> -> memref<1000x64xf32, #tpu.memory_space<vmem_shared>>
        tpu.wait_dma2 semaphore(%run_scoped3A : memref<!tpu.dma_semaphore, #tpu.memory_space<semaphore_mem>>) src(%dma_wait3A_155 : memref<1000x64xf32, #tpu.memory_space<vmem_shared>>) dst(%dma_wait3A_153 : memref<1000x64xf32, #tpu.memory_space<hbm>>)
        tpu.yield
      }) : () -> ()
    } else {
    }
    %barrier3A_27 = arith.constant 0 : index
    tpu.barrier barrier_id(%barrier3A_27)
    %mul3A_28 = arith.constant 6 : i32
    %mul3A_29 = arith.muli %arg0, %mul3A_28 : i32
    %add3A_30 = arith.constant 1 : i32
    %add3A_31 = arith.addi %mul3A_29, %add3A_30 : i32
    %lt3A_32 = arith.constant 10 : i32
    %lt3A_33 = arith.cmpi slt, %arg1, %lt3A_32 : i32
    %convert_element_type3A_34 = arith.extui %lt3A_33 : i1 to i32
    %cond3A_35 = arith.constant 0 : i32
    %cond3A_36 = arith.cmpi ne, %convert_element_type3A_34, %cond3A_35 : i32
    scf.if %cond3A_36 {
      %add3A_148 = arith.constant 0 : i32
      %add3A_149 = arith.addi %mul3A_0, %add3A_148 : i32
      "tpu.region"() ({
        %run_scoped3A = tpu.sem_alloc : memref<!tpu.dma_semaphore, #tpu.memory_space<semaphore_mem>>
        %dma_start3A = arith.constant 0 : i32
        %dma_start3A_158 = tpu.memref_slice %arg10[%add3A_149, %dma_start3A] : memref<10016x64xf32, #tpu.memory_space<vmem_shared>> -> memref<200x64xf32, #tpu.memory_space<vmem_shared>>
        %dma_start3A_159 = arith.constant 0 : i32
        %dma_start3A_160 = tpu.memref_slice %arg10[%add3A_149, %dma_start3A_159] : memref<10016x64xf32, #tpu.memory_space<vmem_shared>> -> memref<200x64xf32, #tpu.memory_space<vmem_shared>>
        tpu.enqueue_dma source(%arg9 : memref<200x64xf32, #tpu.memory_space<vmem>>) target(%dma_start3A_160 : memref<200x64xf32, #tpu.memory_space<vmem_shared>>) target_semaphore(%run_scoped3A : memref<!tpu.dma_semaphore, #tpu.memory_space<semaphore_mem>>)
        %dma_wait3A = arith.constant 0 : i32
        %dma_wait3A_161 = tpu.memref_slice %arg10[%add3A_149, %dma_wait3A] : memref<10016x64xf32, #tpu.memory_space<vmem_shared>> -> memref<200x64xf32, #tpu.memory_space<vmem_shared>>
        %dma_wait3A_162 = arith.constant 0 : i32
        %dma_wait3A_163 = tpu.memref_slice %arg10[%add3A_149, %dma_wait3A_162] : memref<10016x64xf32, #tpu.memory_space<vmem_shared>> -> memref<200x64xf32, #tpu.memory_space<vmem_shared>>
        tpu.wait_dma2 semaphore(%run_scoped3A : memref<!tpu.dma_semaphore, #tpu.memory_space<semaphore_mem>>) src(%arg9 : memref<200x64xf32, #tpu.memory_space<vmem>>) dst(%dma_wait3A_163 : memref<200x64xf32, #tpu.memory_space<vmem_shared>>)
        tpu.yield
      }) : () -> ()
      %add3A_150 = arith.constant 200 : i32
      %add3A_151 = arith.addi %mul3A_0, %add3A_150 : i32
      "tpu.region"() ({
        %run_scoped3A = tpu.sem_alloc : memref<!tpu.dma_semaphore, #tpu.memory_space<semaphore_mem>>
        %dma_start3A = arith.constant 0 : i32
        %dma_start3A_158 = tpu.memref_slice %arg10[%add3A_151, %dma_start3A] : memref<10016x64xf32, #tpu.memory_space<vmem_shared>> -> memref<200x64xf32, #tpu.memory_space<vmem_shared>>
        %dma_start3A_159 = arith.constant 0 : i32
        %dma_start3A_160 = tpu.memref_slice %arg10[%add3A_151, %dma_start3A_159] : memref<10016x64xf32, #tpu.memory_space<vmem_shared>> -> memref<200x64xf32, #tpu.memory_space<vmem_shared>>
        tpu.enqueue_dma source(%arg9 : memref<200x64xf32, #tpu.memory_space<vmem>>) target(%dma_start3A_160 : memref<200x64xf32, #tpu.memory_space<vmem_shared>>) target_semaphore(%run_scoped3A : memref<!tpu.dma_semaphore, #tpu.memory_space<semaphore_mem>>)
        %dma_wait3A = arith.constant 0 : i32
        %dma_wait3A_161 = tpu.memref_slice %arg10[%add3A_151, %dma_wait3A] : memref<10016x64xf32, #tpu.memory_space<vmem_shared>> -> memref<200x64xf32, #tpu.memory_space<vmem_shared>>
        %dma_wait3A_162 = arith.constant 0 : i32
        %dma_wait3A_163 = tpu.memref_slice %arg10[%add3A_151, %dma_wait3A_162] : memref<10016x64xf32, #tpu.memory_space<vmem_shared>> -> memref<200x64xf32, #tpu.memory_space<vmem_shared>>
        tpu.wait_dma2 semaphore(%run_scoped3A : memref<!tpu.dma_semaphore, #tpu.memory_space<semaphore_mem>>) src(%arg9 : memref<200x64xf32, #tpu.memory_space<vmem>>) dst(%dma_wait3A_163 : memref<200x64xf32, #tpu.memory_space<vmem_shared>>)
        tpu.yield
      }) : () -> ()
      %add3A_152 = arith.constant 400 : i32
      %add3A_153 = arith.addi %mul3A_0, %add3A_152 : i32
      "tpu.region"() ({
        %run_scoped3A = tpu.sem_alloc : memref<!tpu.dma_semaphore, #tpu.memory_space<semaphore_mem>>
        %dma_start3A = arith.constant 0 : i32
        %dma_start3A_158 = tpu.memref_slice %arg10[%add3A_153, %dma_start3A] : memref<10016x64xf32, #tpu.memory_space<vmem_shared>> -> memref<200x64xf32, #tpu.memory_space<vmem_shared>>
        %dma_start3A_159 = arith.constant 0 : i32
        %dma_start3A_160 = tpu.memref_slice %arg10[%add3A_153, %dma_start3A_159] : memref<10016x64xf32, #tpu.memory_space<vmem_shared>> -> memref<200x64xf32, #tpu.memory_space<vmem_shared>>
        tpu.enqueue_dma source(%arg9 : memref<200x64xf32, #tpu.memory_space<vmem>>) target(%dma_start3A_160 : memref<200x64xf32, #tpu.memory_space<vmem_shared>>) target_semaphore(%run_scoped3A : memref<!tpu.dma_semaphore, #tpu.memory_space<semaphore_mem>>)
        %dma_wait3A = arith.constant 0 : i32
        %dma_wait3A_161 = tpu.memref_slice %arg10[%add3A_153, %dma_wait3A] : memref<10016x64xf32, #tpu.memory_space<vmem_shared>> -> memref<200x64xf32, #tpu.memory_space<vmem_shared>>
        %dma_wait3A_162 = arith.constant 0 : i32
        %dma_wait3A_163 = tpu.memref_slice %arg10[%add3A_153, %dma_wait3A_162] : memref<10016x64xf32, #tpu.memory_space<vmem_shared>> -> memref<200x64xf32, #tpu.memory_space<vmem_shared>>
        tpu.wait_dma2 semaphore(%run_scoped3A : memref<!tpu.dma_semaphore, #tpu.memory_space<semaphore_mem>>) src(%arg9 : memref<200x64xf32, #tpu.memory_space<vmem>>) dst(%dma_wait3A_163 : memref<200x64xf32, #tpu.memory_space<vmem_shared>>)
        tpu.yield
      }) : () -> ()
      %add3A_154 = arith.constant 600 : i32
      %add3A_155 = arith.addi %mul3A_0, %add3A_154 : i32
      "tpu.region"() ({
        %run_scoped3A = tpu.sem_alloc : memref<!tpu.dma_semaphore, #tpu.memory_space<semaphore_mem>>
        %dma_start3A = arith.constant 0 : i32
        %dma_start3A_158 = tpu.memref_slice %arg10[%add3A_155, %dma_start3A] : memref<10016x64xf32, #tpu.memory_space<vmem_shared>> -> memref<200x64xf32, #tpu.memory_space<vmem_shared>>
        %dma_start3A_159 = arith.constant 0 : i32
        %dma_start3A_160 = tpu.memref_slice %arg10[%add3A_155, %dma_start3A_159] : memref<10016x64xf32, #tpu.memory_space<vmem_shared>> -> memref<200x64xf32, #tpu.memory_space<vmem_shared>>
        tpu.enqueue_dma source(%arg9 : memref<200x64xf32, #tpu.memory_space<vmem>>) target(%dma_start3A_160 : memref<200x64xf32, #tpu.memory_space<vmem_shared>>) target_semaphore(%run_scoped3A : memref<!tpu.dma_semaphore, #tpu.memory_space<semaphore_mem>>)
        %dma_wait3A = arith.constant 0 : i32
        %dma_wait3A_161 = tpu.memref_slice %arg10[%add3A_155, %dma_wait3A] : memref<10016x64xf32, #tpu.memory_space<vmem_shared>> -> memref<200x64xf32, #tpu.memory_space<vmem_shared>>
        %dma_wait3A_162 = arith.constant 0 : i32
        %dma_wait3A_163 = tpu.memref_slice %arg10[%add3A_155, %dma_wait3A_162] : memref<10016x64xf32, #tpu.memory_space<vmem_shared>> -> memref<200x64xf32, #tpu.memory_space<vmem_shared>>
        tpu.wait_dma2 semaphore(%run_scoped3A : memref<!tpu.dma_semaphore, #tpu.memory_space<semaphore_mem>>) src(%arg9 : memref<200x64xf32, #tpu.memory_space<vmem>>) dst(%dma_wait3A_163 : memref<200x64xf32, #tpu.memory_space<vmem_shared>>)
        tpu.yield
      }) : () -> ()
      %add3A_156 = arith.constant 800 : i32
      %add3A_157 = arith.addi %mul3A_0, %add3A_156 : i32
      "tpu.region"() ({
        %run_scoped3A = tpu.sem_alloc : memref<!tpu.dma_semaphore, #tpu.memory_space<semaphore_mem>>
        %dma_start3A = arith.constant 0 : i32
        %dma_start3A_158 = tpu.memref_slice %arg10[%add3A_157, %dma_start3A] : memref<10016x64xf32, #tpu.memory_space<vmem_shared>> -> memref<200x64xf32, #tpu.memory_space<vmem_shared>>
        %dma_start3A_159 = arith.constant 0 : i32
        %dma_start3A_160 = tpu.memref_slice %arg10[%add3A_157, %dma_start3A_159] : memref<10016x64xf32, #tpu.memory_space<vmem_shared>> -> memref<200x64xf32, #tpu.memory_space<vmem_shared>>
        tpu.enqueue_dma source(%arg9 : memref<200x64xf32, #tpu.memory_space<vmem>>) target(%dma_start3A_160 : memref<200x64xf32, #tpu.memory_space<vmem_shared>>) target_semaphore(%run_scoped3A : memref<!tpu.dma_semaphore, #tpu.memory_space<semaphore_mem>>)
        %dma_wait3A = arith.constant 0 : i32
        %dma_wait3A_161 = tpu.memref_slice %arg10[%add3A_157, %dma_wait3A] : memref<10016x64xf32, #tpu.memory_space<vmem_shared>> -> memref<200x64xf32, #tpu.memory_space<vmem_shared>>
        %dma_wait3A_162 = arith.constant 0 : i32
        %dma_wait3A_163 = tpu.memref_slice %arg10[%add3A_157, %dma_wait3A_162] : memref<10016x64xf32, #tpu.memory_space<vmem_shared>> -> memref<200x64xf32, #tpu.memory_space<vmem_shared>>
        tpu.wait_dma2 semaphore(%run_scoped3A : memref<!tpu.dma_semaphore, #tpu.memory_space<semaphore_mem>>) src(%arg9 : memref<200x64xf32, #tpu.memory_space<vmem>>) dst(%dma_wait3A_163 : memref<200x64xf32, #tpu.memory_space<vmem_shared>>)
        tpu.yield
      }) : () -> ()
    } else {
    }
    %barrier3A_37 = arith.constant 0 : index
    tpu.barrier barrier_id(%barrier3A_37)
    %scan3A_38 = arith.constant 0 : i32
    %scan3A_39 = arith.constant 0 : i32
    %scan3A_40 = arith.constant 157 : i32
    %scan3A_41 = arith.addi %scan3A_39, %scan3A_40 : i32
    %scan3A_42 = arith.constant 1 : i32
    %scan3A_43 = scf.for %scan3A_148 = %scan3A_39 to %scan3A_41 step %scan3A_42 iter_args(%scan3A_149 = %scan3A_38) -> (i32)  : i32 {
      "tpu.region"() ({
        %run_scoped3A = tpu.sem_alloc : memref<!tpu.dma_semaphore, #tpu.memory_space<semaphore_mem>>
        %dma_start3A = arith.constant 0 : i32
        %dma_start3A_151 = tpu.memref_slice %arg6[%scan3A_148, %dma_start3A] : memref<157x128xi32, #tpu.memory_space<vmem>> -> memref<1x128xi32, #tpu.memory_space<vmem>>
        %dma_start3A_152 = tpu.memref_squeeze %dma_start3A_151 : memref<1x128xi32, #tpu.memory_space<vmem>> -> memref<128xi32, #tpu.memory_space<vmem>>
        %dma_start3A_153 = arith.constant 0 : i32
        %dma_start3A_154 = arith.constant 0 : i32
        %dma_start3A_155 = tpu.memref_slice %arg2[%add3A_31, %dma_start3A_153, %dma_start3A_154] : memref<12x10000x64xf32, #tpu.memory_space<hbm>> -> memref<1x10000x64xf32, #tpu.memory_space<hbm>>
        %dma_start3A_156 = tpu.memref_squeeze %dma_start3A_155 : memref<1x10000x64xf32, #tpu.memory_space<hbm>> -> memref<10000x64xf32, #tpu.memory_space<hbm>>
        %dma_start3A_157 = arith.constant 0 : i32
        %dma_start3A_158 = arith.constant 0 : i32
        %dma_start3A_159 = tpu.memref_slice %dma_start3A_156[%dma_start3A_157, %dma_start3A_158] : memref<10000x64xf32, #tpu.memory_space<hbm>> -> memref<10000x64xf32, #tpu.memory_space<hbm>>
        tpu.enqueue_indirect_dma source(%dma_start3A_159 : memref<10000x64xf32, #tpu.memory_space<hbm>>) target(%arg8 : memref<128x64xf32, #tpu.memory_space<vmem>>) offsets(%dma_start3A_152 : memref<128xi32, #tpu.memory_space<vmem>>) semaphore(%run_scoped3A : memref<!tpu.dma_semaphore, #tpu.memory_space<semaphore_mem>>)
        %dma_wait3A = arith.constant 0 : i32
        %dma_wait3A_160 = tpu.memref_slice %arg6[%scan3A_148, %dma_wait3A] : memref<157x128xi32, #tpu.memory_space<vmem>> -> memref<1x128xi32, #tpu.memory_space<vmem>>
        %dma_wait3A_161 = tpu.memref_squeeze %dma_wait3A_160 : memref<1x128xi32, #tpu.memory_space<vmem>> -> memref<128xi32, #tpu.memory_space<vmem>>
        %dma_wait3A_162 = arith.constant 0 : i32
        %dma_wait3A_163 = arith.constant 0 : i32
        %dma_wait3A_164 = tpu.memref_slice %arg2[%add3A_31, %dma_wait3A_162, %dma_wait3A_163] : memref<12x10000x64xf32, #tpu.memory_space<hbm>> -> memref<1x10000x64xf32, #tpu.memory_space<hbm>>
        %dma_wait3A_165 = tpu.memref_squeeze %dma_wait3A_164 : memref<1x10000x64xf32, #tpu.memory_space<hbm>> -> memref<10000x64xf32, #tpu.memory_space<hbm>>
        %dma_wait3A_166 = arith.constant 0 : i32
        %dma_wait3A_167 = arith.constant 0 : i32
        %dma_wait3A_168 = tpu.memref_slice %dma_wait3A_165[%dma_wait3A_166, %dma_wait3A_167] : memref<10000x64xf32, #tpu.memory_space<hbm>> -> memref<10000x64xf32, #tpu.memory_space<hbm>>
        tpu.wait_indirect_dma semaphore(%run_scoped3A : memref<!tpu.dma_semaphore, #tpu.memory_space<semaphore_mem>>) src(%dma_wait3A_168 : memref<10000x64xf32, #tpu.memory_space<hbm>>) dst(%arg8 : memref<128x64xf32, #tpu.memory_space<vmem>>)
        tpu.yield
      }) : () -> ()
      "tpu.region"() ({
        %run_scoped3A = tpu.sem_alloc : memref<!tpu.dma_semaphore, #tpu.memory_space<semaphore_mem>>
        %dma_start3A = arith.constant 0 : i32
        %dma_start3A_151 = tpu.memref_slice %arg7[%scan3A_148, %dma_start3A] : memref<157x128xi32, #tpu.memory_space<vmem>> -> memref<1x128xi32, #tpu.memory_space<vmem>>
        %dma_start3A_152 = tpu.memref_squeeze %dma_start3A_151 : memref<1x128xi32, #tpu.memory_space<vmem>> -> memref<128xi32, #tpu.memory_space<vmem>>
        %dma_start3A_153 = arith.constant 0 : i32
        %dma_start3A_154 = arith.constant 0 : i32
        %dma_start3A_155 = tpu.memref_slice %arg10[%dma_start3A_153, %dma_start3A_154] : memref<10016x64xf32, #tpu.memory_space<vmem_shared>> -> memref<10016x64xf32, #tpu.memory_space<vmem_shared>>
        tpu.enqueue_indirect_dma source(%arg8 : memref<128x64xf32, #tpu.memory_space<vmem>>) target(%dma_start3A_155 : memref<10016x64xf32, #tpu.memory_space<vmem_shared>>) offsets(%dma_start3A_152 : memref<128xi32, #tpu.memory_space<vmem>>) semaphore(%run_scoped3A : memref<!tpu.dma_semaphore, #tpu.memory_space<semaphore_mem>>) {add = true}
        %dma_wait3A = arith.constant 0 : i32
        %dma_wait3A_156 = tpu.memref_slice %arg7[%scan3A_148, %dma_wait3A] : memref<157x128xi32, #tpu.memory_space<vmem>> -> memref<1x128xi32, #tpu.memory_space<vmem>>
        %dma_wait3A_157 = tpu.memref_squeeze %dma_wait3A_156 : memref<1x128xi32, #tpu.memory_space<vmem>> -> memref<128xi32, #tpu.memory_space<vmem>>
        %dma_wait3A_158 = arith.constant 0 : i32
        %dma_wait3A_159 = arith.constant 0 : i32
        %dma_wait3A_160 = tpu.memref_slice %arg10[%dma_wait3A_158, %dma_wait3A_159] : memref<10016x64xf32, #tpu.memory_space<vmem_shared>> -> memref<10016x64xf32, #tpu.memory_space<vmem_shared>>
        tpu.wait_indirect_dma semaphore(%run_scoped3A : memref<!tpu.dma_semaphore, #tpu.memory_space<semaphore_mem>>) src(%arg8 : memref<128x64xf32, #tpu.memory_space<vmem>>) dst(%dma_wait3A_160 : memref<10016x64xf32, #tpu.memory_space<vmem_shared>>)
        tpu.yield
      }) : () -> ()
      %scan3A_150 = arith.constant 0 : i32
      scf.yield %scan3A_150 : i32
    }
    %scan3A_44 = arith.constant 157 : i32
    %barrier3A_45 = arith.constant 0 : index
    tpu.barrier barrier_id(%barrier3A_45)
    %lt3A_46 = arith.constant 10 : i32
    %lt3A_47 = arith.cmpi slt, %arg1, %lt3A_46 : i32
    %convert_element_type3A_48 = arith.extui %lt3A_47 : i1 to i32
    %cond3A_49 = arith.constant 0 : i32
    %cond3A_50 = arith.cmpi ne, %convert_element_type3A_48, %cond3A_49 : i32
    scf.if %cond3A_50 {
      "tpu.region"() ({
        %run_scoped3A = tpu.sem_alloc : memref<!tpu.dma_semaphore, #tpu.memory_space<semaphore_mem>>
        %dma_start3A = arith.constant 0 : i32
        %dma_start3A_148 = tpu.memref_slice %arg5[%add3A_31, %mul3A_0, %dma_start3A] : memref<12x10000x64xf32, #tpu.memory_space<hbm>> -> memref<1x1000x64xf32, #tpu.memory_space<hbm>>
        %dma_start3A_149 = tpu.memref_squeeze %dma_start3A_148 : memref<1x1000x64xf32, #tpu.memory_space<hbm>> -> memref<1000x64xf32, #tpu.memory_space<hbm>>
        %dma_start3A_150 = arith.constant 0 : i32
        %dma_start3A_151 = tpu.memref_slice %arg10[%mul3A_0, %dma_start3A_150] : memref<10016x64xf32, #tpu.memory_space<vmem_shared>> -> memref<1000x64xf32, #tpu.memory_space<vmem_shared>>
        tpu.enqueue_dma source(%dma_start3A_151 : memref<1000x64xf32, #tpu.memory_space<vmem_shared>>) target(%dma_start3A_149 : memref<1000x64xf32, #tpu.memory_space<hbm>>) target_semaphore(%run_scoped3A : memref<!tpu.dma_semaphore, #tpu.memory_space<semaphore_mem>>)
        %dma_wait3A = arith.constant 0 : i32
        %dma_wait3A_152 = tpu.memref_slice %arg5[%add3A_31, %mul3A_0, %dma_wait3A] : memref<12x10000x64xf32, #tpu.memory_space<hbm>> -> memref<1x1000x64xf32, #tpu.memory_space<hbm>>
        %dma_wait3A_153 = tpu.memref_squeeze %dma_wait3A_152 : memref<1x1000x64xf32, #tpu.memory_space<hbm>> -> memref<1000x64xf32, #tpu.memory_space<hbm>>
        %dma_wait3A_154 = arith.constant 0 : i32
        %dma_wait3A_155 = tpu.memref_slice %arg10[%mul3A_0, %dma_wait3A_154] : memref<10016x64xf32, #tpu.memory_space<vmem_shared>> -> memref<1000x64xf32, #tpu.memory_space<vmem_shared>>
        tpu.wait_dma2 semaphore(%run_scoped3A : memref<!tpu.dma_semaphore, #tpu.memory_space<semaphore_mem>>) src(%dma_wait3A_155 : memref<1000x64xf32, #tpu.memory_space<vmem_shared>>) dst(%dma_wait3A_153 : memref<1000x64xf32, #tpu.memory_space<hbm>>)
        tpu.yield
      }) : () -> ()
    } else {
    }
    %barrier3A_51 = arith.constant 0 : index
    tpu.barrier barrier_id(%barrier3A_51)
    %mul3A_52 = arith.constant 6 : i32
    %mul3A_53 = arith.muli %arg0, %mul3A_52 : i32
    %add3A_54 = arith.constant 2 : i32
    %add3A_55 = arith.addi %mul3A_53, %add3A_54 : i32
    %lt3A_56 = arith.constant 10 : i32
    %lt3A_57 = arith.cmpi slt, %arg1, %lt3A_56 : i32
    %convert_element_type3A_58 = arith.extui %lt3A_57 : i1 to i32
    %cond3A_59 = arith.constant 0 : i32
    %cond3A_60 = arith.cmpi ne, %convert_element_type3A_58, %cond3A_59 : i32
    scf.if %cond3A_60 {
      %add3A_148 = arith.constant 0 : i32
      %add3A_149 = arith.addi %mul3A_0, %add3A_148 : i32
      "tpu.region"() ({
        %run_scoped3A = tpu.sem_alloc : memref<!tpu.dma_semaphore, #tpu.memory_space<semaphore_mem>>
        %dma_start3A = arith.constant 0 : i32
        %dma_start3A_158 = tpu.memref_slice %arg10[%add3A_149, %dma_start3A] : memref<10016x64xf32, #tpu.memory_space<vmem_shared>> -> memref<200x64xf32, #tpu.memory_space<vmem_shared>>
        %dma_start3A_159 = arith.constant 0 : i32
        %dma_start3A_160 = tpu.memref_slice %arg10[%add3A_149, %dma_start3A_159] : memref<10016x64xf32, #tpu.memory_space<vmem_shared>> -> memref<200x64xf32, #tpu.memory_space<vmem_shared>>
        tpu.enqueue_dma source(%arg9 : memref<200x64xf32, #tpu.memory_space<vmem>>) target(%dma_start3A_160 : memref<200x64xf32, #tpu.memory_space<vmem_shared>>) target_semaphore(%run_scoped3A : memref<!tpu.dma_semaphore, #tpu.memory_space<semaphore_mem>>)
        %dma_wait3A = arith.constant 0 : i32
        %dma_wait3A_161 = tpu.memref_slice %arg10[%add3A_149, %dma_wait3A] : memref<10016x64xf32, #tpu.memory_space<vmem_shared>> -> memref<200x64xf32, #tpu.memory_space<vmem_shared>>
        %dma_wait3A_162 = arith.constant 0 : i32
        %dma_wait3A_163 = tpu.memref_slice %arg10[%add3A_149, %dma_wait3A_162] : memref<10016x64xf32, #tpu.memory_space<vmem_shared>> -> memref<200x64xf32, #tpu.memory_space<vmem_shared>>
        tpu.wait_dma2 semaphore(%run_scoped3A : memref<!tpu.dma_semaphore, #tpu.memory_space<semaphore_mem>>) src(%arg9 : memref<200x64xf32, #tpu.memory_space<vmem>>) dst(%dma_wait3A_163 : memref<200x64xf32, #tpu.memory_space<vmem_shared>>)
        tpu.yield
      }) : () -> ()
      %add3A_150 = arith.constant 200 : i32
      %add3A_151 = arith.addi %mul3A_0, %add3A_150 : i32
      "tpu.region"() ({
        %run_scoped3A = tpu.sem_alloc : memref<!tpu.dma_semaphore, #tpu.memory_space<semaphore_mem>>
        %dma_start3A = arith.constant 0 : i32
        %dma_start3A_158 = tpu.memref_slice %arg10[%add3A_151, %dma_start3A] : memref<10016x64xf32, #tpu.memory_space<vmem_shared>> -> memref<200x64xf32, #tpu.memory_space<vmem_shared>>
        %dma_start3A_159 = arith.constant 0 : i32
        %dma_start3A_160 = tpu.memref_slice %arg10[%add3A_151, %dma_start3A_159] : memref<10016x64xf32, #tpu.memory_space<vmem_shared>> -> memref<200x64xf32, #tpu.memory_space<vmem_shared>>
        tpu.enqueue_dma source(%arg9 : memref<200x64xf32, #tpu.memory_space<vmem>>) target(%dma_start3A_160 : memref<200x64xf32, #tpu.memory_space<vmem_shared>>) target_semaphore(%run_scoped3A : memref<!tpu.dma_semaphore, #tpu.memory_space<semaphore_mem>>)
        %dma_wait3A = arith.constant 0 : i32
        %dma_wait3A_161 = tpu.memref_slice %arg10[%add3A_151, %dma_wait3A] : memref<10016x64xf32, #tpu.memory_space<vmem_shared>> -> memref<200x64xf32, #tpu.memory_space<vmem_shared>>
        %dma_wait3A_162 = arith.constant 0 : i32
        %dma_wait3A_163 = tpu.memref_slice %arg10[%add3A_151, %dma_wait3A_162] : memref<10016x64xf32, #tpu.memory_space<vmem_shared>> -> memref<200x64xf32, #tpu.memory_space<vmem_shared>>
        tpu.wait_dma2 semaphore(%run_scoped3A : memref<!tpu.dma_semaphore, #tpu.memory_space<semaphore_mem>>) src(%arg9 : memref<200x64xf32, #tpu.memory_space<vmem>>) dst(%dma_wait3A_163 : memref<200x64xf32, #tpu.memory_space<vmem_shared>>)
        tpu.yield
      }) : () -> ()
      %add3A_152 = arith.constant 400 : i32
      %add3A_153 = arith.addi %mul3A_0, %add3A_152 : i32
      "tpu.region"() ({
        %run_scoped3A = tpu.sem_alloc : memref<!tpu.dma_semaphore, #tpu.memory_space<semaphore_mem>>
        %dma_start3A = arith.constant 0 : i32
        %dma_start3A_158 = tpu.memref_slice %arg10[%add3A_153, %dma_start3A] : memref<10016x64xf32, #tpu.memory_space<vmem_shared>> -> memref<200x64xf32, #tpu.memory_space<vmem_shared>>
        %dma_start3A_159 = arith.constant 0 : i32
        %dma_start3A_160 = tpu.memref_slice %arg10[%add3A_153, %dma_start3A_159] : memref<10016x64xf32, #tpu.memory_space<vmem_shared>> -> memref<200x64xf32, #tpu.memory_space<vmem_shared>>
        tpu.enqueue_dma source(%arg9 : memref<200x64xf32, #tpu.memory_space<vmem>>) target(%dma_start3A_160 : memref<200x64xf32, #tpu.memory_space<vmem_shared>>) target_semaphore(%run_scoped3A : memref<!tpu.dma_semaphore, #tpu.memory_space<semaphore_mem>>)
        %dma_wait3A = arith.constant 0 : i32
        %dma_wait3A_161 = tpu.memref_slice %arg10[%add3A_153, %dma_wait3A] : memref<10016x64xf32, #tpu.memory_space<vmem_shared>> -> memref<200x64xf32, #tpu.memory_space<vmem_shared>>
        %dma_wait3A_162 = arith.constant 0 : i32
        %dma_wait3A_163 = tpu.memref_slice %arg10[%add3A_153, %dma_wait3A_162] : memref<10016x64xf32, #tpu.memory_space<vmem_shared>> -> memref<200x64xf32, #tpu.memory_space<vmem_shared>>
        tpu.wait_dma2 semaphore(%run_scoped3A : memref<!tpu.dma_semaphore, #tpu.memory_space<semaphore_mem>>) src(%arg9 : memref<200x64xf32, #tpu.memory_space<vmem>>) dst(%dma_wait3A_163 : memref<200x64xf32, #tpu.memory_space<vmem_shared>>)
        tpu.yield
      }) : () -> ()
      %add3A_154 = arith.constant 600 : i32
      %add3A_155 = arith.addi %mul3A_0, %add3A_154 : i32
      "tpu.region"() ({
        %run_scoped3A = tpu.sem_alloc : memref<!tpu.dma_semaphore, #tpu.memory_space<semaphore_mem>>
        %dma_start3A = arith.constant 0 : i32
        %dma_start3A_158 = tpu.memref_slice %arg10[%add3A_155, %dma_start3A] : memref<10016x64xf32, #tpu.memory_space<vmem_shared>> -> memref<200x64xf32, #tpu.memory_space<vmem_shared>>
        %dma_start3A_159 = arith.constant 0 : i32
        %dma_start3A_160 = tpu.memref_slice %arg10[%add3A_155, %dma_start3A_159] : memref<10016x64xf32, #tpu.memory_space<vmem_shared>> -> memref<200x64xf32, #tpu.memory_space<vmem_shared>>
        tpu.enqueue_dma source(%arg9 : memref<200x64xf32, #tpu.memory_space<vmem>>) target(%dma_start3A_160 : memref<200x64xf32, #tpu.memory_space<vmem_shared>>) target_semaphore(%run_scoped3A : memref<!tpu.dma_semaphore, #tpu.memory_space<semaphore_mem>>)
        %dma_wait3A = arith.constant 0 : i32
        %dma_wait3A_161 = tpu.memref_slice %arg10[%add3A_155, %dma_wait3A] : memref<10016x64xf32, #tpu.memory_space<vmem_shared>> -> memref<200x64xf32, #tpu.memory_space<vmem_shared>>
        %dma_wait3A_162 = arith.constant 0 : i32
        %dma_wait3A_163 = tpu.memref_slice %arg10[%add3A_155, %dma_wait3A_162] : memref<10016x64xf32, #tpu.memory_space<vmem_shared>> -> memref<200x64xf32, #tpu.memory_space<vmem_shared>>
        tpu.wait_dma2 semaphore(%run_scoped3A : memref<!tpu.dma_semaphore, #tpu.memory_space<semaphore_mem>>) src(%arg9 : memref<200x64xf32, #tpu.memory_space<vmem>>) dst(%dma_wait3A_163 : memref<200x64xf32, #tpu.memory_space<vmem_shared>>)
        tpu.yield
      }) : () -> ()
      %add3A_156 = arith.constant 800 : i32
      %add3A_157 = arith.addi %mul3A_0, %add3A_156 : i32
      "tpu.region"() ({
        %run_scoped3A = tpu.sem_alloc : memref<!tpu.dma_semaphore, #tpu.memory_space<semaphore_mem>>
        %dma_start3A = arith.constant 0 : i32
        %dma_start3A_158 = tpu.memref_slice %arg10[%add3A_157, %dma_start3A] : memref<10016x64xf32, #tpu.memory_space<vmem_shared>> -> memref<200x64xf32, #tpu.memory_space<vmem_shared>>
        %dma_start3A_159 = arith.constant 0 : i32
        %dma_start3A_160 = tpu.memref_slice %arg10[%add3A_157, %dma_start3A_159] : memref<10016x64xf32, #tpu.memory_space<vmem_shared>> -> memref<200x64xf32, #tpu.memory_space<vmem_shared>>
        tpu.enqueue_dma source(%arg9 : memref<200x64xf32, #tpu.memory_space<vmem>>) target(%dma_start3A_160 : memref<200x64xf32, #tpu.memory_space<vmem_shared>>) target_semaphore(%run_scoped3A : memref<!tpu.dma_semaphore, #tpu.memory_space<semaphore_mem>>)
        %dma_wait3A = arith.constant 0 : i32
        %dma_wait3A_161 = tpu.memref_slice %arg10[%add3A_157, %dma_wait3A] : memref<10016x64xf32, #tpu.memory_space<vmem_shared>> -> memref<200x64xf32, #tpu.memory_space<vmem_shared>>
        %dma_wait3A_162 = arith.constant 0 : i32
        %dma_wait3A_163 = tpu.memref_slice %arg10[%add3A_157, %dma_wait3A_162] : memref<10016x64xf32, #tpu.memory_space<vmem_shared>> -> memref<200x64xf32, #tpu.memory_space<vmem_shared>>
        tpu.wait_dma2 semaphore(%run_scoped3A : memref<!tpu.dma_semaphore, #tpu.memory_space<semaphore_mem>>) src(%arg9 : memref<200x64xf32, #tpu.memory_space<vmem>>) dst(%dma_wait3A_163 : memref<200x64xf32, #tpu.memory_space<vmem_shared>>)
        tpu.yield
      }) : () -> ()
    } else {
    }
    %barrier3A_61 = arith.constant 0 : index
    tpu.barrier barrier_id(%barrier3A_61)
    %scan3A_62 = arith.constant 0 : i32
    %scan3A_63 = arith.constant 0 : i32
    %scan3A_64 = arith.constant 157 : i32
    %scan3A_65 = arith.addi %scan3A_63, %scan3A_64 : i32
    %scan3A_66 = arith.constant 1 : i32
    %scan3A_67 = scf.for %scan3A_148 = %scan3A_63 to %scan3A_65 step %scan3A_66 iter_args(%scan3A_149 = %scan3A_62) -> (i32)  : i32 {
      "tpu.region"() ({
        %run_scoped3A = tpu.sem_alloc : memref<!tpu.dma_semaphore, #tpu.memory_space<semaphore_mem>>
        %dma_start3A = arith.constant 0 : i32
        %dma_start3A_151 = tpu.memref_slice %arg6[%scan3A_148, %dma_start3A] : memref<157x128xi32, #tpu.memory_space<vmem>> -> memref<1x128xi32, #tpu.memory_space<vmem>>
        %dma_start3A_152 = tpu.memref_squeeze %dma_start3A_151 : memref<1x128xi32, #tpu.memory_space<vmem>> -> memref<128xi32, #tpu.memory_space<vmem>>
        %dma_start3A_153 = arith.constant 0 : i32
        %dma_start3A_154 = arith.constant 0 : i32
        %dma_start3A_155 = tpu.memref_slice %arg2[%add3A_55, %dma_start3A_153, %dma_start3A_154] : memref<12x10000x64xf32, #tpu.memory_space<hbm>> -> memref<1x10000x64xf32, #tpu.memory_space<hbm>>
        %dma_start3A_156 = tpu.memref_squeeze %dma_start3A_155 : memref<1x10000x64xf32, #tpu.memory_space<hbm>> -> memref<10000x64xf32, #tpu.memory_space<hbm>>
        %dma_start3A_157 = arith.constant 0 : i32
        %dma_start3A_158 = arith.constant 0 : i32
        %dma_start3A_159 = tpu.memref_slice %dma_start3A_156[%dma_start3A_157, %dma_start3A_158] : memref<10000x64xf32, #tpu.memory_space<hbm>> -> memref<10000x64xf32, #tpu.memory_space<hbm>>
        tpu.enqueue_indirect_dma source(%dma_start3A_159 : memref<10000x64xf32, #tpu.memory_space<hbm>>) target(%arg8 : memref<128x64xf32, #tpu.memory_space<vmem>>) offsets(%dma_start3A_152 : memref<128xi32, #tpu.memory_space<vmem>>) semaphore(%run_scoped3A : memref<!tpu.dma_semaphore, #tpu.memory_space<semaphore_mem>>)
        %dma_wait3A = arith.constant 0 : i32
        %dma_wait3A_160 = tpu.memref_slice %arg6[%scan3A_148, %dma_wait3A] : memref<157x128xi32, #tpu.memory_space<vmem>> -> memref<1x128xi32, #tpu.memory_space<vmem>>
        %dma_wait3A_161 = tpu.memref_squeeze %dma_wait3A_160 : memref<1x128xi32, #tpu.memory_space<vmem>> -> memref<128xi32, #tpu.memory_space<vmem>>
        %dma_wait3A_162 = arith.constant 0 : i32
        %dma_wait3A_163 = arith.constant 0 : i32
        %dma_wait3A_164 = tpu.memref_slice %arg2[%add3A_55, %dma_wait3A_162, %dma_wait3A_163] : memref<12x10000x64xf32, #tpu.memory_space<hbm>> -> memref<1x10000x64xf32, #tpu.memory_space<hbm>>
        %dma_wait3A_165 = tpu.memref_squeeze %dma_wait3A_164 : memref<1x10000x64xf32, #tpu.memory_space<hbm>> -> memref<10000x64xf32, #tpu.memory_space<hbm>>
        %dma_wait3A_166 = arith.constant 0 : i32
        %dma_wait3A_167 = arith.constant 0 : i32
        %dma_wait3A_168 = tpu.memref_slice %dma_wait3A_165[%dma_wait3A_166, %dma_wait3A_167] : memref<10000x64xf32, #tpu.memory_space<hbm>> -> memref<10000x64xf32, #tpu.memory_space<hbm>>
        tpu.wait_indirect_dma semaphore(%run_scoped3A : memref<!tpu.dma_semaphore, #tpu.memory_space<semaphore_mem>>) src(%dma_wait3A_168 : memref<10000x64xf32, #tpu.memory_space<hbm>>) dst(%arg8 : memref<128x64xf32, #tpu.memory_space<vmem>>)
        tpu.yield
      }) : () -> ()
      "tpu.region"() ({
        %run_scoped3A = tpu.sem_alloc : memref<!tpu.dma_semaphore, #tpu.memory_space<semaphore_mem>>
        %dma_start3A = arith.constant 0 : i32
        %dma_start3A_151 = tpu.memref_slice %arg7[%scan3A_148, %dma_start3A] : memref<157x128xi32, #tpu.memory_space<vmem>> -> memref<1x128xi32, #tpu.memory_space<vmem>>
        %dma_start3A_152 = tpu.memref_squeeze %dma_start3A_151 : memref<1x128xi32, #tpu.memory_space<vmem>> -> memref<128xi32, #tpu.memory_space<vmem>>
        %dma_start3A_153 = arith.constant 0 : i32
        %dma_start3A_154 = arith.constant 0 : i32
        %dma_start3A_155 = tpu.memref_slice %arg10[%dma_start3A_153, %dma_start3A_154] : memref<10016x64xf32, #tpu.memory_space<vmem_shared>> -> memref<10016x64xf32, #tpu.memory_space<vmem_shared>>
        tpu.enqueue_indirect_dma source(%arg8 : memref<128x64xf32, #tpu.memory_space<vmem>>) target(%dma_start3A_155 : memref<10016x64xf32, #tpu.memory_space<vmem_shared>>) offsets(%dma_start3A_152 : memref<128xi32, #tpu.memory_space<vmem>>) semaphore(%run_scoped3A : memref<!tpu.dma_semaphore, #tpu.memory_space<semaphore_mem>>) {add = true}
        %dma_wait3A = arith.constant 0 : i32
        %dma_wait3A_156 = tpu.memref_slice %arg7[%scan3A_148, %dma_wait3A] : memref<157x128xi32, #tpu.memory_space<vmem>> -> memref<1x128xi32, #tpu.memory_space<vmem>>
        %dma_wait3A_157 = tpu.memref_squeeze %dma_wait3A_156 : memref<1x128xi32, #tpu.memory_space<vmem>> -> memref<128xi32, #tpu.memory_space<vmem>>
        %dma_wait3A_158 = arith.constant 0 : i32
        %dma_wait3A_159 = arith.constant 0 : i32
        %dma_wait3A_160 = tpu.memref_slice %arg10[%dma_wait3A_158, %dma_wait3A_159] : memref<10016x64xf32, #tpu.memory_space<vmem_shared>> -> memref<10016x64xf32, #tpu.memory_space<vmem_shared>>
        tpu.wait_indirect_dma semaphore(%run_scoped3A : memref<!tpu.dma_semaphore, #tpu.memory_space<semaphore_mem>>) src(%arg8 : memref<128x64xf32, #tpu.memory_space<vmem>>) dst(%dma_wait3A_160 : memref<10016x64xf32, #tpu.memory_space<vmem_shared>>)
        tpu.yield
      }) : () -> ()
      %scan3A_150 = arith.constant 0 : i32
      scf.yield %scan3A_150 : i32
    }
    %scan3A_68 = arith.constant 157 : i32
    %barrier3A_69 = arith.constant 0 : index
    tpu.barrier barrier_id(%barrier3A_69)
    %lt3A_70 = arith.constant 10 : i32
    %lt3A_71 = arith.cmpi slt, %arg1, %lt3A_70 : i32
    %convert_element_type3A_72 = arith.extui %lt3A_71 : i1 to i32
    %cond3A_73 = arith.constant 0 : i32
    %cond3A_74 = arith.cmpi ne, %convert_element_type3A_72, %cond3A_73 : i32
    scf.if %cond3A_74 {
      "tpu.region"() ({
        %run_scoped3A = tpu.sem_alloc : memref<!tpu.dma_semaphore, #tpu.memory_space<semaphore_mem>>
        %dma_start3A = arith.constant 0 : i32
        %dma_start3A_148 = tpu.memref_slice %arg5[%add3A_55, %mul3A_0, %dma_start3A] : memref<12x10000x64xf32, #tpu.memory_space<hbm>> -> memref<1x1000x64xf32, #tpu.memory_space<hbm>>
        %dma_start3A_149 = tpu.memref_squeeze %dma_start3A_148 : memref<1x1000x64xf32, #tpu.memory_space<hbm>> -> memref<1000x64xf32, #tpu.memory_space<hbm>>
        %dma_start3A_150 = arith.constant 0 : i32
        %dma_start3A_151 = tpu.memref_slice %arg10[%mul3A_0, %dma_start3A_150] : memref<10016x64xf32, #tpu.memory_space<vmem_shared>> -> memref<1000x64xf32, #tpu.memory_space<vmem_shared>>
        tpu.enqueue_dma source(%dma_start3A_151 : memref<1000x64xf32, #tpu.memory_space<vmem_shared>>) target(%dma_start3A_149 : memref<1000x64xf32, #tpu.memory_space<hbm>>) target_semaphore(%run_scoped3A : memref<!tpu.dma_semaphore, #tpu.memory_space<semaphore_mem>>)
        %dma_wait3A = arith.constant 0 : i32
        %dma_wait3A_152 = tpu.memref_slice %arg5[%add3A_55, %mul3A_0, %dma_wait3A] : memref<12x10000x64xf32, #tpu.memory_space<hbm>> -> memref<1x1000x64xf32, #tpu.memory_space<hbm>>
        %dma_wait3A_153 = tpu.memref_squeeze %dma_wait3A_152 : memref<1x1000x64xf32, #tpu.memory_space<hbm>> -> memref<1000x64xf32, #tpu.memory_space<hbm>>
        %dma_wait3A_154 = arith.constant 0 : i32
        %dma_wait3A_155 = tpu.memref_slice %arg10[%mul3A_0, %dma_wait3A_154] : memref<10016x64xf32, #tpu.memory_space<vmem_shared>> -> memref<1000x64xf32, #tpu.memory_space<vmem_shared>>
        tpu.wait_dma2 semaphore(%run_scoped3A : memref<!tpu.dma_semaphore, #tpu.memory_space<semaphore_mem>>) src(%dma_wait3A_155 : memref<1000x64xf32, #tpu.memory_space<vmem_shared>>) dst(%dma_wait3A_153 : memref<1000x64xf32, #tpu.memory_space<hbm>>)
        tpu.yield
      }) : () -> ()
    } else {
    }
    %barrier3A_75 = arith.constant 0 : index
    tpu.barrier barrier_id(%barrier3A_75)
    %mul3A_76 = arith.constant 6 : i32
    %mul3A_77 = arith.muli %arg0, %mul3A_76 : i32
    %add3A_78 = arith.constant 3 : i32
    %add3A_79 = arith.addi %mul3A_77, %add3A_78 : i32
    %lt3A_80 = arith.constant 10 : i32
    %lt3A_81 = arith.cmpi slt, %arg1, %lt3A_80 : i32
    %convert_element_type3A_82 = arith.extui %lt3A_81 : i1 to i32
    %cond3A_83 = arith.constant 0 : i32
    %cond3A_84 = arith.cmpi ne, %convert_element_type3A_82, %cond3A_83 : i32
    scf.if %cond3A_84 {
      %add3A_148 = arith.constant 0 : i32
      %add3A_149 = arith.addi %mul3A_0, %add3A_148 : i32
      "tpu.region"() ({
        %run_scoped3A = tpu.sem_alloc : memref<!tpu.dma_semaphore, #tpu.memory_space<semaphore_mem>>
        %dma_start3A = arith.constant 0 : i32
        %dma_start3A_158 = tpu.memref_slice %arg10[%add3A_149, %dma_start3A] : memref<10016x64xf32, #tpu.memory_space<vmem_shared>> -> memref<200x64xf32, #tpu.memory_space<vmem_shared>>
        %dma_start3A_159 = arith.constant 0 : i32
        %dma_start3A_160 = tpu.memref_slice %arg10[%add3A_149, %dma_start3A_159] : memref<10016x64xf32, #tpu.memory_space<vmem_shared>> -> memref<200x64xf32, #tpu.memory_space<vmem_shared>>
        tpu.enqueue_dma source(%arg9 : memref<200x64xf32, #tpu.memory_space<vmem>>) target(%dma_start3A_160 : memref<200x64xf32, #tpu.memory_space<vmem_shared>>) target_semaphore(%run_scoped3A : memref<!tpu.dma_semaphore, #tpu.memory_space<semaphore_mem>>)
        %dma_wait3A = arith.constant 0 : i32
        %dma_wait3A_161 = tpu.memref_slice %arg10[%add3A_149, %dma_wait3A] : memref<10016x64xf32, #tpu.memory_space<vmem_shared>> -> memref<200x64xf32, #tpu.memory_space<vmem_shared>>
        %dma_wait3A_162 = arith.constant 0 : i32
        %dma_wait3A_163 = tpu.memref_slice %arg10[%add3A_149, %dma_wait3A_162] : memref<10016x64xf32, #tpu.memory_space<vmem_shared>> -> memref<200x64xf32, #tpu.memory_space<vmem_shared>>
        tpu.wait_dma2 semaphore(%run_scoped3A : memref<!tpu.dma_semaphore, #tpu.memory_space<semaphore_mem>>) src(%arg9 : memref<200x64xf32, #tpu.memory_space<vmem>>) dst(%dma_wait3A_163 : memref<200x64xf32, #tpu.memory_space<vmem_shared>>)
        tpu.yield
      }) : () -> ()
      %add3A_150 = arith.constant 200 : i32
      %add3A_151 = arith.addi %mul3A_0, %add3A_150 : i32
      "tpu.region"() ({
        %run_scoped3A = tpu.sem_alloc : memref<!tpu.dma_semaphore, #tpu.memory_space<semaphore_mem>>
        %dma_start3A = arith.constant 0 : i32
        %dma_start3A_158 = tpu.memref_slice %arg10[%add3A_151, %dma_start3A] : memref<10016x64xf32, #tpu.memory_space<vmem_shared>> -> memref<200x64xf32, #tpu.memory_space<vmem_shared>>
        %dma_start3A_159 = arith.constant 0 : i32
        %dma_start3A_160 = tpu.memref_slice %arg10[%add3A_151, %dma_start3A_159] : memref<10016x64xf32, #tpu.memory_space<vmem_shared>> -> memref<200x64xf32, #tpu.memory_space<vmem_shared>>
        tpu.enqueue_dma source(%arg9 : memref<200x64xf32, #tpu.memory_space<vmem>>) target(%dma_start3A_160 : memref<200x64xf32, #tpu.memory_space<vmem_shared>>) target_semaphore(%run_scoped3A : memref<!tpu.dma_semaphore, #tpu.memory_space<semaphore_mem>>)
        %dma_wait3A = arith.constant 0 : i32
        %dma_wait3A_161 = tpu.memref_slice %arg10[%add3A_151, %dma_wait3A] : memref<10016x64xf32, #tpu.memory_space<vmem_shared>> -> memref<200x64xf32, #tpu.memory_space<vmem_shared>>
        %dma_wait3A_162 = arith.constant 0 : i32
        %dma_wait3A_163 = tpu.memref_slice %arg10[%add3A_151, %dma_wait3A_162] : memref<10016x64xf32, #tpu.memory_space<vmem_shared>> -> memref<200x64xf32, #tpu.memory_space<vmem_shared>>
        tpu.wait_dma2 semaphore(%run_scoped3A : memref<!tpu.dma_semaphore, #tpu.memory_space<semaphore_mem>>) src(%arg9 : memref<200x64xf32, #tpu.memory_space<vmem>>) dst(%dma_wait3A_163 : memref<200x64xf32, #tpu.memory_space<vmem_shared>>)
        tpu.yield
      }) : () -> ()
      %add3A_152 = arith.constant 400 : i32
      %add3A_153 = arith.addi %mul3A_0, %add3A_152 : i32
      "tpu.region"() ({
        %run_scoped3A = tpu.sem_alloc : memref<!tpu.dma_semaphore, #tpu.memory_space<semaphore_mem>>
        %dma_start3A = arith.constant 0 : i32
        %dma_start3A_158 = tpu.memref_slice %arg10[%add3A_153, %dma_start3A] : memref<10016x64xf32, #tpu.memory_space<vmem_shared>> -> memref<200x64xf32, #tpu.memory_space<vmem_shared>>
        %dma_start3A_159 = arith.constant 0 : i32
        %dma_start3A_160 = tpu.memref_slice %arg10[%add3A_153, %dma_start3A_159] : memref<10016x64xf32, #tpu.memory_space<vmem_shared>> -> memref<200x64xf32, #tpu.memory_space<vmem_shared>>
        tpu.enqueue_dma source(%arg9 : memref<200x64xf32, #tpu.memory_space<vmem>>) target(%dma_start3A_160 : memref<200x64xf32, #tpu.memory_space<vmem_shared>>) target_semaphore(%run_scoped3A : memref<!tpu.dma_semaphore, #tpu.memory_space<semaphore_mem>>)
        %dma_wait3A = arith.constant 0 : i32
        %dma_wait3A_161 = tpu.memref_slice %arg10[%add3A_153, %dma_wait3A] : memref<10016x64xf32, #tpu.memory_space<vmem_shared>> -> memref<200x64xf32, #tpu.memory_space<vmem_shared>>
        %dma_wait3A_162 = arith.constant 0 : i32
        %dma_wait3A_163 = tpu.memref_slice %arg10[%add3A_153, %dma_wait3A_162] : memref<10016x64xf32, #tpu.memory_space<vmem_shared>> -> memref<200x64xf32, #tpu.memory_space<vmem_shared>>
        tpu.wait_dma2 semaphore(%run_scoped3A : memref<!tpu.dma_semaphore, #tpu.memory_space<semaphore_mem>>) src(%arg9 : memref<200x64xf32, #tpu.memory_space<vmem>>) dst(%dma_wait3A_163 : memref<200x64xf32, #tpu.memory_space<vmem_shared>>)
        tpu.yield
      }) : () -> ()
      %add3A_154 = arith.constant 600 : i32
      %add3A_155 = arith.addi %mul3A_0, %add3A_154 : i32
      "tpu.region"() ({
        %run_scoped3A = tpu.sem_alloc : memref<!tpu.dma_semaphore, #tpu.memory_space<semaphore_mem>>
        %dma_start3A = arith.constant 0 : i32
        %dma_start3A_158 = tpu.memref_slice %arg10[%add3A_155, %dma_start3A] : memref<10016x64xf32, #tpu.memory_space<vmem_shared>> -> memref<200x64xf32, #tpu.memory_space<vmem_shared>>
        %dma_start3A_159 = arith.constant 0 : i32
        %dma_start3A_160 = tpu.memref_slice %arg10[%add3A_155, %dma_start3A_159] : memref<10016x64xf32, #tpu.memory_space<vmem_shared>> -> memref<200x64xf32, #tpu.memory_space<vmem_shared>>
        tpu.enqueue_dma source(%arg9 : memref<200x64xf32, #tpu.memory_space<vmem>>) target(%dma_start3A_160 : memref<200x64xf32, #tpu.memory_space<vmem_shared>>) target_semaphore(%run_scoped3A : memref<!tpu.dma_semaphore, #tpu.memory_space<semaphore_mem>>)
        %dma_wait3A = arith.constant 0 : i32
        %dma_wait3A_161 = tpu.memref_slice %arg10[%add3A_155, %dma_wait3A] : memref<10016x64xf32, #tpu.memory_space<vmem_shared>> -> memref<200x64xf32, #tpu.memory_space<vmem_shared>>
        %dma_wait3A_162 = arith.constant 0 : i32
        %dma_wait3A_163 = tpu.memref_slice %arg10[%add3A_155, %dma_wait3A_162] : memref<10016x64xf32, #tpu.memory_space<vmem_shared>> -> memref<200x64xf32, #tpu.memory_space<vmem_shared>>
        tpu.wait_dma2 semaphore(%run_scoped3A : memref<!tpu.dma_semaphore, #tpu.memory_space<semaphore_mem>>) src(%arg9 : memref<200x64xf32, #tpu.memory_space<vmem>>) dst(%dma_wait3A_163 : memref<200x64xf32, #tpu.memory_space<vmem_shared>>)
        tpu.yield
      }) : () -> ()
      %add3A_156 = arith.constant 800 : i32
      %add3A_157 = arith.addi %mul3A_0, %add3A_156 : i32
      "tpu.region"() ({
        %run_scoped3A = tpu.sem_alloc : memref<!tpu.dma_semaphore, #tpu.memory_space<semaphore_mem>>
        %dma_start3A = arith.constant 0 : i32
        %dma_start3A_158 = tpu.memref_slice %arg10[%add3A_157, %dma_start3A] : memref<10016x64xf32, #tpu.memory_space<vmem_shared>> -> memref<200x64xf32, #tpu.memory_space<vmem_shared>>
        %dma_start3A_159 = arith.constant 0 : i32
        %dma_start3A_160 = tpu.memref_slice %arg10[%add3A_157, %dma_start3A_159] : memref<10016x64xf32, #tpu.memory_space<vmem_shared>> -> memref<200x64xf32, #tpu.memory_space<vmem_shared>>
        tpu.enqueue_dma source(%arg9 : memref<200x64xf32, #tpu.memory_space<vmem>>) target(%dma_start3A_160 : memref<200x64xf32, #tpu.memory_space<vmem_shared>>) target_semaphore(%run_scoped3A : memref<!tpu.dma_semaphore, #tpu.memory_space<semaphore_mem>>)
        %dma_wait3A = arith.constant 0 : i32
        %dma_wait3A_161 = tpu.memref_slice %arg10[%add3A_157, %dma_wait3A] : memref<10016x64xf32, #tpu.memory_space<vmem_shared>> -> memref<200x64xf32, #tpu.memory_space<vmem_shared>>
        %dma_wait3A_162 = arith.constant 0 : i32
        %dma_wait3A_163 = tpu.memref_slice %arg10[%add3A_157, %dma_wait3A_162] : memref<10016x64xf32, #tpu.memory_space<vmem_shared>> -> memref<200x64xf32, #tpu.memory_space<vmem_shared>>
        tpu.wait_dma2 semaphore(%run_scoped3A : memref<!tpu.dma_semaphore, #tpu.memory_space<semaphore_mem>>) src(%arg9 : memref<200x64xf32, #tpu.memory_space<vmem>>) dst(%dma_wait3A_163 : memref<200x64xf32, #tpu.memory_space<vmem_shared>>)
        tpu.yield
      }) : () -> ()
    } else {
    }
    %barrier3A_85 = arith.constant 0 : index
    tpu.barrier barrier_id(%barrier3A_85)
    %scan3A_86 = arith.constant 0 : i32
    %scan3A_87 = arith.constant 0 : i32
    %scan3A_88 = arith.constant 157 : i32
    %scan3A_89 = arith.addi %scan3A_87, %scan3A_88 : i32
    %scan3A_90 = arith.constant 1 : i32
    %scan3A_91 = scf.for %scan3A_148 = %scan3A_87 to %scan3A_89 step %scan3A_90 iter_args(%scan3A_149 = %scan3A_86) -> (i32)  : i32 {
      "tpu.region"() ({
        %run_scoped3A = tpu.sem_alloc : memref<!tpu.dma_semaphore, #tpu.memory_space<semaphore_mem>>
        %dma_start3A = arith.constant 0 : i32
        %dma_start3A_151 = tpu.memref_slice %arg6[%scan3A_148, %dma_start3A] : memref<157x128xi32, #tpu.memory_space<vmem>> -> memref<1x128xi32, #tpu.memory_space<vmem>>
        %dma_start3A_152 = tpu.memref_squeeze %dma_start3A_151 : memref<1x128xi32, #tpu.memory_space<vmem>> -> memref<128xi32, #tpu.memory_space<vmem>>
        %dma_start3A_153 = arith.constant 0 : i32
        %dma_start3A_154 = arith.constant 0 : i32
        %dma_start3A_155 = tpu.memref_slice %arg2[%add3A_79, %dma_start3A_153, %dma_start3A_154] : memref<12x10000x64xf32, #tpu.memory_space<hbm>> -> memref<1x10000x64xf32, #tpu.memory_space<hbm>>
        %dma_start3A_156 = tpu.memref_squeeze %dma_start3A_155 : memref<1x10000x64xf32, #tpu.memory_space<hbm>> -> memref<10000x64xf32, #tpu.memory_space<hbm>>
        %dma_start3A_157 = arith.constant 0 : i32
        %dma_start3A_158 = arith.constant 0 : i32
        %dma_start3A_159 = tpu.memref_slice %dma_start3A_156[%dma_start3A_157, %dma_start3A_158] : memref<10000x64xf32, #tpu.memory_space<hbm>> -> memref<10000x64xf32, #tpu.memory_space<hbm>>
        tpu.enqueue_indirect_dma source(%dma_start3A_159 : memref<10000x64xf32, #tpu.memory_space<hbm>>) target(%arg8 : memref<128x64xf32, #tpu.memory_space<vmem>>) offsets(%dma_start3A_152 : memref<128xi32, #tpu.memory_space<vmem>>) semaphore(%run_scoped3A : memref<!tpu.dma_semaphore, #tpu.memory_space<semaphore_mem>>)
        %dma_wait3A = arith.constant 0 : i32
        %dma_wait3A_160 = tpu.memref_slice %arg6[%scan3A_148, %dma_wait3A] : memref<157x128xi32, #tpu.memory_space<vmem>> -> memref<1x128xi32, #tpu.memory_space<vmem>>
        %dma_wait3A_161 = tpu.memref_squeeze %dma_wait3A_160 : memref<1x128xi32, #tpu.memory_space<vmem>> -> memref<128xi32, #tpu.memory_space<vmem>>
        %dma_wait3A_162 = arith.constant 0 : i32
        %dma_wait3A_163 = arith.constant 0 : i32
        %dma_wait3A_164 = tpu.memref_slice %arg2[%add3A_79, %dma_wait3A_162, %dma_wait3A_163] : memref<12x10000x64xf32, #tpu.memory_space<hbm>> -> memref<1x10000x64xf32, #tpu.memory_space<hbm>>
        %dma_wait3A_165 = tpu.memref_squeeze %dma_wait3A_164 : memref<1x10000x64xf32, #tpu.memory_space<hbm>> -> memref<10000x64xf32, #tpu.memory_space<hbm>>
        %dma_wait3A_166 = arith.constant 0 : i32
        %dma_wait3A_167 = arith.constant 0 : i32
        %dma_wait3A_168 = tpu.memref_slice %dma_wait3A_165[%dma_wait3A_166, %dma_wait3A_167] : memref<10000x64xf32, #tpu.memory_space<hbm>> -> memref<10000x64xf32, #tpu.memory_space<hbm>>
        tpu.wait_indirect_dma semaphore(%run_scoped3A : memref<!tpu.dma_semaphore, #tpu.memory_space<semaphore_mem>>) src(%dma_wait3A_168 : memref<10000x64xf32, #tpu.memory_space<hbm>>) dst(%arg8 : memref<128x64xf32, #tpu.memory_space<vmem>>)
        tpu.yield
      }) : () -> ()
      "tpu.region"() ({
        %run_scoped3A = tpu.sem_alloc : memref<!tpu.dma_semaphore, #tpu.memory_space<semaphore_mem>>
        %dma_start3A = arith.constant 0 : i32
        %dma_start3A_151 = tpu.memref_slice %arg7[%scan3A_148, %dma_start3A] : memref<157x128xi32, #tpu.memory_space<vmem>> -> memref<1x128xi32, #tpu.memory_space<vmem>>
        %dma_start3A_152 = tpu.memref_squeeze %dma_start3A_151 : memref<1x128xi32, #tpu.memory_space<vmem>> -> memref<128xi32, #tpu.memory_space<vmem>>
        %dma_start3A_153 = arith.constant 0 : i32
        %dma_start3A_154 = arith.constant 0 : i32
        %dma_start3A_155 = tpu.memref_slice %arg10[%dma_start3A_153, %dma_start3A_154] : memref<10016x64xf32, #tpu.memory_space<vmem_shared>> -> memref<10016x64xf32, #tpu.memory_space<vmem_shared>>
        tpu.enqueue_indirect_dma source(%arg8 : memref<128x64xf32, #tpu.memory_space<vmem>>) target(%dma_start3A_155 : memref<10016x64xf32, #tpu.memory_space<vmem_shared>>) offsets(%dma_start3A_152 : memref<128xi32, #tpu.memory_space<vmem>>) semaphore(%run_scoped3A : memref<!tpu.dma_semaphore, #tpu.memory_space<semaphore_mem>>) {add = true}
        %dma_wait3A = arith.constant 0 : i32
        %dma_wait3A_156 = tpu.memref_slice %arg7[%scan3A_148, %dma_wait3A] : memref<157x128xi32, #tpu.memory_space<vmem>> -> memref<1x128xi32, #tpu.memory_space<vmem>>
        %dma_wait3A_157 = tpu.memref_squeeze %dma_wait3A_156 : memref<1x128xi32, #tpu.memory_space<vmem>> -> memref<128xi32, #tpu.memory_space<vmem>>
        %dma_wait3A_158 = arith.constant 0 : i32
        %dma_wait3A_159 = arith.constant 0 : i32
        %dma_wait3A_160 = tpu.memref_slice %arg10[%dma_wait3A_158, %dma_wait3A_159] : memref<10016x64xf32, #tpu.memory_space<vmem_shared>> -> memref<10016x64xf32, #tpu.memory_space<vmem_shared>>
        tpu.wait_indirect_dma semaphore(%run_scoped3A : memref<!tpu.dma_semaphore, #tpu.memory_space<semaphore_mem>>) src(%arg8 : memref<128x64xf32, #tpu.memory_space<vmem>>) dst(%dma_wait3A_160 : memref<10016x64xf32, #tpu.memory_space<vmem_shared>>)
        tpu.yield
      }) : () -> ()
      %scan3A_150 = arith.constant 0 : i32
      scf.yield %scan3A_150 : i32
    }
    %scan3A_92 = arith.constant 157 : i32
    %barrier3A_93 = arith.constant 0 : index
    tpu.barrier barrier_id(%barrier3A_93)
    %lt3A_94 = arith.constant 10 : i32
    %lt3A_95 = arith.cmpi slt, %arg1, %lt3A_94 : i32
    %convert_element_type3A_96 = arith.extui %lt3A_95 : i1 to i32
    %cond3A_97 = arith.constant 0 : i32
    %cond3A_98 = arith.cmpi ne, %convert_element_type3A_96, %cond3A_97 : i32
    scf.if %cond3A_98 {
      "tpu.region"() ({
        %run_scoped3A = tpu.sem_alloc : memref<!tpu.dma_semaphore, #tpu.memory_space<semaphore_mem>>
        %dma_start3A = arith.constant 0 : i32
        %dma_start3A_148 = tpu.memref_slice %arg5[%add3A_79, %mul3A_0, %dma_start3A] : memref<12x10000x64xf32, #tpu.memory_space<hbm>> -> memref<1x1000x64xf32, #tpu.memory_space<hbm>>
        %dma_start3A_149 = tpu.memref_squeeze %dma_start3A_148 : memref<1x1000x64xf32, #tpu.memory_space<hbm>> -> memref<1000x64xf32, #tpu.memory_space<hbm>>
        %dma_start3A_150 = arith.constant 0 : i32
        %dma_start3A_151 = tpu.memref_slice %arg10[%mul3A_0, %dma_start3A_150] : memref<10016x64xf32, #tpu.memory_space<vmem_shared>> -> memref<1000x64xf32, #tpu.memory_space<vmem_shared>>
        tpu.enqueue_dma source(%dma_start3A_151 : memref<1000x64xf32, #tpu.memory_space<vmem_shared>>) target(%dma_start3A_149 : memref<1000x64xf32, #tpu.memory_space<hbm>>) target_semaphore(%run_scoped3A : memref<!tpu.dma_semaphore, #tpu.memory_space<semaphore_mem>>)
        %dma_wait3A = arith.constant 0 : i32
        %dma_wait3A_152 = tpu.memref_slice %arg5[%add3A_79, %mul3A_0, %dma_wait3A] : memref<12x10000x64xf32, #tpu.memory_space<hbm>> -> memref<1x1000x64xf32, #tpu.memory_space<hbm>>
        %dma_wait3A_153 = tpu.memref_squeeze %dma_wait3A_152 : memref<1x1000x64xf32, #tpu.memory_space<hbm>> -> memref<1000x64xf32, #tpu.memory_space<hbm>>
        %dma_wait3A_154 = arith.constant 0 : i32
        %dma_wait3A_155 = tpu.memref_slice %arg10[%mul3A_0, %dma_wait3A_154] : memref<10016x64xf32, #tpu.memory_space<vmem_shared>> -> memref<1000x64xf32, #tpu.memory_space<vmem_shared>>
        tpu.wait_dma2 semaphore(%run_scoped3A : memref<!tpu.dma_semaphore, #tpu.memory_space<semaphore_mem>>) src(%dma_wait3A_155 : memref<1000x64xf32, #tpu.memory_space<vmem_shared>>) dst(%dma_wait3A_153 : memref<1000x64xf32, #tpu.memory_space<hbm>>)
        tpu.yield
      }) : () -> ()
    } else {
    }
    %barrier3A_99 = arith.constant 0 : index
    tpu.barrier barrier_id(%barrier3A_99)
    %mul3A_100 = arith.constant 6 : i32
    %mul3A_101 = arith.muli %arg0, %mul3A_100 : i32
    %add3A_102 = arith.constant 4 : i32
    %add3A_103 = arith.addi %mul3A_101, %add3A_102 : i32
    %lt3A_104 = arith.constant 10 : i32
    %lt3A_105 = arith.cmpi slt, %arg1, %lt3A_104 : i32
    %convert_element_type3A_106 = arith.extui %lt3A_105 : i1 to i32
    %cond3A_107 = arith.constant 0 : i32
    %cond3A_108 = arith.cmpi ne, %convert_element_type3A_106, %cond3A_107 : i32
    scf.if %cond3A_108 {
      %add3A_148 = arith.constant 0 : i32
      %add3A_149 = arith.addi %mul3A_0, %add3A_148 : i32
      "tpu.region"() ({
        %run_scoped3A = tpu.sem_alloc : memref<!tpu.dma_semaphore, #tpu.memory_space<semaphore_mem>>
        %dma_start3A = arith.constant 0 : i32
        %dma_start3A_158 = tpu.memref_slice %arg10[%add3A_149, %dma_start3A] : memref<10016x64xf32, #tpu.memory_space<vmem_shared>> -> memref<200x64xf32, #tpu.memory_space<vmem_shared>>
        %dma_start3A_159 = arith.constant 0 : i32
        %dma_start3A_160 = tpu.memref_slice %arg10[%add3A_149, %dma_start3A_159] : memref<10016x64xf32, #tpu.memory_space<vmem_shared>> -> memref<200x64xf32, #tpu.memory_space<vmem_shared>>
        tpu.enqueue_dma source(%arg9 : memref<200x64xf32, #tpu.memory_space<vmem>>) target(%dma_start3A_160 : memref<200x64xf32, #tpu.memory_space<vmem_shared>>) target_semaphore(%run_scoped3A : memref<!tpu.dma_semaphore, #tpu.memory_space<semaphore_mem>>)
        %dma_wait3A = arith.constant 0 : i32
        %dma_wait3A_161 = tpu.memref_slice %arg10[%add3A_149, %dma_wait3A] : memref<10016x64xf32, #tpu.memory_space<vmem_shared>> -> memref<200x64xf32, #tpu.memory_space<vmem_shared>>
        %dma_wait3A_162 = arith.constant 0 : i32
        %dma_wait3A_163 = tpu.memref_slice %arg10[%add3A_149, %dma_wait3A_162] : memref<10016x64xf32, #tpu.memory_space<vmem_shared>> -> memref<200x64xf32, #tpu.memory_space<vmem_shared>>
        tpu.wait_dma2 semaphore(%run_scoped3A : memref<!tpu.dma_semaphore, #tpu.memory_space<semaphore_mem>>) src(%arg9 : memref<200x64xf32, #tpu.memory_space<vmem>>) dst(%dma_wait3A_163 : memref<200x64xf32, #tpu.memory_space<vmem_shared>>)
        tpu.yield
      }) : () -> ()
      %add3A_150 = arith.constant 200 : i32
      %add3A_151 = arith.addi %mul3A_0, %add3A_150 : i32
      "tpu.region"() ({
        %run_scoped3A = tpu.sem_alloc : memref<!tpu.dma_semaphore, #tpu.memory_space<semaphore_mem>>
        %dma_start3A = arith.constant 0 : i32
        %dma_start3A_158 = tpu.memref_slice %arg10[%add3A_151, %dma_start3A] : memref<10016x64xf32, #tpu.memory_space<vmem_shared>> -> memref<200x64xf32, #tpu.memory_space<vmem_shared>>
        %dma_start3A_159 = arith.constant 0 : i32
        %dma_start3A_160 = tpu.memref_slice %arg10[%add3A_151, %dma_start3A_159] : memref<10016x64xf32, #tpu.memory_space<vmem_shared>> -> memref<200x64xf32, #tpu.memory_space<vmem_shared>>
        tpu.enqueue_dma source(%arg9 : memref<200x64xf32, #tpu.memory_space<vmem>>) target(%dma_start3A_160 : memref<200x64xf32, #tpu.memory_space<vmem_shared>>) target_semaphore(%run_scoped3A : memref<!tpu.dma_semaphore, #tpu.memory_space<semaphore_mem>>)
        %dma_wait3A = arith.constant 0 : i32
        %dma_wait3A_161 = tpu.memref_slice %arg10[%add3A_151, %dma_wait3A] : memref<10016x64xf32, #tpu.memory_space<vmem_shared>> -> memref<200x64xf32, #tpu.memory_space<vmem_shared>>
        %dma_wait3A_162 = arith.constant 0 : i32
        %dma_wait3A_163 = tpu.memref_slice %arg10[%add3A_151, %dma_wait3A_162] : memref<10016x64xf32, #tpu.memory_space<vmem_shared>> -> memref<200x64xf32, #tpu.memory_space<vmem_shared>>
        tpu.wait_dma2 semaphore(%run_scoped3A : memref<!tpu.dma_semaphore, #tpu.memory_space<semaphore_mem>>) src(%arg9 : memref<200x64xf32, #tpu.memory_space<vmem>>) dst(%dma_wait3A_163 : memref<200x64xf32, #tpu.memory_space<vmem_shared>>)
        tpu.yield
      }) : () -> ()
      %add3A_152 = arith.constant 400 : i32
      %add3A_153 = arith.addi %mul3A_0, %add3A_152 : i32
      "tpu.region"() ({
        %run_scoped3A = tpu.sem_alloc : memref<!tpu.dma_semaphore, #tpu.memory_space<semaphore_mem>>
        %dma_start3A = arith.constant 0 : i32
        %dma_start3A_158 = tpu.memref_slice %arg10[%add3A_153, %dma_start3A] : memref<10016x64xf32, #tpu.memory_space<vmem_shared>> -> memref<200x64xf32, #tpu.memory_space<vmem_shared>>
        %dma_start3A_159 = arith.constant 0 : i32
        %dma_start3A_160 = tpu.memref_slice %arg10[%add3A_153, %dma_start3A_159] : memref<10016x64xf32, #tpu.memory_space<vmem_shared>> -> memref<200x64xf32, #tpu.memory_space<vmem_shared>>
        tpu.enqueue_dma source(%arg9 : memref<200x64xf32, #tpu.memory_space<vmem>>) target(%dma_start3A_160 : memref<200x64xf32, #tpu.memory_space<vmem_shared>>) target_semaphore(%run_scoped3A : memref<!tpu.dma_semaphore, #tpu.memory_space<semaphore_mem>>)
        %dma_wait3A = arith.constant 0 : i32
        %dma_wait3A_161 = tpu.memref_slice %arg10[%add3A_153, %dma_wait3A] : memref<10016x64xf32, #tpu.memory_space<vmem_shared>> -> memref<200x64xf32, #tpu.memory_space<vmem_shared>>
        %dma_wait3A_162 = arith.constant 0 : i32
        %dma_wait3A_163 = tpu.memref_slice %arg10[%add3A_153, %dma_wait3A_162] : memref<10016x64xf32, #tpu.memory_space<vmem_shared>> -> memref<200x64xf32, #tpu.memory_space<vmem_shared>>
        tpu.wait_dma2 semaphore(%run_scoped3A : memref<!tpu.dma_semaphore, #tpu.memory_space<semaphore_mem>>) src(%arg9 : memref<200x64xf32, #tpu.memory_space<vmem>>) dst(%dma_wait3A_163 : memref<200x64xf32, #tpu.memory_space<vmem_shared>>)
        tpu.yield
      }) : () -> ()
      %add3A_154 = arith.constant 600 : i32
      %add3A_155 = arith.addi %mul3A_0, %add3A_154 : i32
      "tpu.region"() ({
        %run_scoped3A = tpu.sem_alloc : memref<!tpu.dma_semaphore, #tpu.memory_space<semaphore_mem>>
        %dma_start3A = arith.constant 0 : i32
        %dma_start3A_158 = tpu.memref_slice %arg10[%add3A_155, %dma_start3A] : memref<10016x64xf32, #tpu.memory_space<vmem_shared>> -> memref<200x64xf32, #tpu.memory_space<vmem_shared>>
        %dma_start3A_159 = arith.constant 0 : i32
        %dma_start3A_160 = tpu.memref_slice %arg10[%add3A_155, %dma_start3A_159] : memref<10016x64xf32, #tpu.memory_space<vmem_shared>> -> memref<200x64xf32, #tpu.memory_space<vmem_shared>>
        tpu.enqueue_dma source(%arg9 : memref<200x64xf32, #tpu.memory_space<vmem>>) target(%dma_start3A_160 : memref<200x64xf32, #tpu.memory_space<vmem_shared>>) target_semaphore(%run_scoped3A : memref<!tpu.dma_semaphore, #tpu.memory_space<semaphore_mem>>)
        %dma_wait3A = arith.constant 0 : i32
        %dma_wait3A_161 = tpu.memref_slice %arg10[%add3A_155, %dma_wait3A] : memref<10016x64xf32, #tpu.memory_space<vmem_shared>> -> memref<200x64xf32, #tpu.memory_space<vmem_shared>>
        %dma_wait3A_162 = arith.constant 0 : i32
        %dma_wait3A_163 = tpu.memref_slice %arg10[%add3A_155, %dma_wait3A_162] : memref<10016x64xf32, #tpu.memory_space<vmem_shared>> -> memref<200x64xf32, #tpu.memory_space<vmem_shared>>
        tpu.wait_dma2 semaphore(%run_scoped3A : memref<!tpu.dma_semaphore, #tpu.memory_space<semaphore_mem>>) src(%arg9 : memref<200x64xf32, #tpu.memory_space<vmem>>) dst(%dma_wait3A_163 : memref<200x64xf32, #tpu.memory_space<vmem_shared>>)
        tpu.yield
      }) : () -> ()
      %add3A_156 = arith.constant 800 : i32
      %add3A_157 = arith.addi %mul3A_0, %add3A_156 : i32
      "tpu.region"() ({
        %run_scoped3A = tpu.sem_alloc : memref<!tpu.dma_semaphore, #tpu.memory_space<semaphore_mem>>
        %dma_start3A = arith.constant 0 : i32
        %dma_start3A_158 = tpu.memref_slice %arg10[%add3A_157, %dma_start3A] : memref<10016x64xf32, #tpu.memory_space<vmem_shared>> -> memref<200x64xf32, #tpu.memory_space<vmem_shared>>
        %dma_start3A_159 = arith.constant 0 : i32
        %dma_start3A_160 = tpu.memref_slice %arg10[%add3A_157, %dma_start3A_159] : memref<10016x64xf32, #tpu.memory_space<vmem_shared>> -> memref<200x64xf32, #tpu.memory_space<vmem_shared>>
        tpu.enqueue_dma source(%arg9 : memref<200x64xf32, #tpu.memory_space<vmem>>) target(%dma_start3A_160 : memref<200x64xf32, #tpu.memory_space<vmem_shared>>) target_semaphore(%run_scoped3A : memref<!tpu.dma_semaphore, #tpu.memory_space<semaphore_mem>>)
        %dma_wait3A = arith.constant 0 : i32
        %dma_wait3A_161 = tpu.memref_slice %arg10[%add3A_157, %dma_wait3A] : memref<10016x64xf32, #tpu.memory_space<vmem_shared>> -> memref<200x64xf32, #tpu.memory_space<vmem_shared>>
        %dma_wait3A_162 = arith.constant 0 : i32
        %dma_wait3A_163 = tpu.memref_slice %arg10[%add3A_157, %dma_wait3A_162] : memref<10016x64xf32, #tpu.memory_space<vmem_shared>> -> memref<200x64xf32, #tpu.memory_space<vmem_shared>>
        tpu.wait_dma2 semaphore(%run_scoped3A : memref<!tpu.dma_semaphore, #tpu.memory_space<semaphore_mem>>) src(%arg9 : memref<200x64xf32, #tpu.memory_space<vmem>>) dst(%dma_wait3A_163 : memref<200x64xf32, #tpu.memory_space<vmem_shared>>)
        tpu.yield
      }) : () -> ()
    } else {
    }
    %barrier3A_109 = arith.constant 0 : index
    tpu.barrier barrier_id(%barrier3A_109)
    %scan3A_110 = arith.constant 0 : i32
    %scan3A_111 = arith.constant 0 : i32
    %scan3A_112 = arith.constant 157 : i32
    %scan3A_113 = arith.addi %scan3A_111, %scan3A_112 : i32
    %scan3A_114 = arith.constant 1 : i32
    %scan3A_115 = scf.for %scan3A_148 = %scan3A_111 to %scan3A_113 step %scan3A_114 iter_args(%scan3A_149 = %scan3A_110) -> (i32)  : i32 {
      "tpu.region"() ({
        %run_scoped3A = tpu.sem_alloc : memref<!tpu.dma_semaphore, #tpu.memory_space<semaphore_mem>>
        %dma_start3A = arith.constant 0 : i32
        %dma_start3A_151 = tpu.memref_slice %arg6[%scan3A_148, %dma_start3A] : memref<157x128xi32, #tpu.memory_space<vmem>> -> memref<1x128xi32, #tpu.memory_space<vmem>>
        %dma_start3A_152 = tpu.memref_squeeze %dma_start3A_151 : memref<1x128xi32, #tpu.memory_space<vmem>> -> memref<128xi32, #tpu.memory_space<vmem>>
        %dma_start3A_153 = arith.constant 0 : i32
        %dma_start3A_154 = arith.constant 0 : i32
        %dma_start3A_155 = tpu.memref_slice %arg2[%add3A_103, %dma_start3A_153, %dma_start3A_154] : memref<12x10000x64xf32, #tpu.memory_space<hbm>> -> memref<1x10000x64xf32, #tpu.memory_space<hbm>>
        %dma_start3A_156 = tpu.memref_squeeze %dma_start3A_155 : memref<1x10000x64xf32, #tpu.memory_space<hbm>> -> memref<10000x64xf32, #tpu.memory_space<hbm>>
        %dma_start3A_157 = arith.constant 0 : i32
        %dma_start3A_158 = arith.constant 0 : i32
        %dma_start3A_159 = tpu.memref_slice %dma_start3A_156[%dma_start3A_157, %dma_start3A_158] : memref<10000x64xf32, #tpu.memory_space<hbm>> -> memref<10000x64xf32, #tpu.memory_space<hbm>>
        tpu.enqueue_indirect_dma source(%dma_start3A_159 : memref<10000x64xf32, #tpu.memory_space<hbm>>) target(%arg8 : memref<128x64xf32, #tpu.memory_space<vmem>>) offsets(%dma_start3A_152 : memref<128xi32, #tpu.memory_space<vmem>>) semaphore(%run_scoped3A : memref<!tpu.dma_semaphore, #tpu.memory_space<semaphore_mem>>)
        %dma_wait3A = arith.constant 0 : i32
        %dma_wait3A_160 = tpu.memref_slice %arg6[%scan3A_148, %dma_wait3A] : memref<157x128xi32, #tpu.memory_space<vmem>> -> memref<1x128xi32, #tpu.memory_space<vmem>>
        %dma_wait3A_161 = tpu.memref_squeeze %dma_wait3A_160 : memref<1x128xi32, #tpu.memory_space<vmem>> -> memref<128xi32, #tpu.memory_space<vmem>>
        %dma_wait3A_162 = arith.constant 0 : i32
        %dma_wait3A_163 = arith.constant 0 : i32
        %dma_wait3A_164 = tpu.memref_slice %arg2[%add3A_103, %dma_wait3A_162, %dma_wait3A_163] : memref<12x10000x64xf32, #tpu.memory_space<hbm>> -> memref<1x10000x64xf32, #tpu.memory_space<hbm>>
        %dma_wait3A_165 = tpu.memref_squeeze %dma_wait3A_164 : memref<1x10000x64xf32, #tpu.memory_space<hbm>> -> memref<10000x64xf32, #tpu.memory_space<hbm>>
        %dma_wait3A_166 = arith.constant 0 : i32
        %dma_wait3A_167 = arith.constant 0 : i32
        %dma_wait3A_168 = tpu.memref_slice %dma_wait3A_165[%dma_wait3A_166, %dma_wait3A_167] : memref<10000x64xf32, #tpu.memory_space<hbm>> -> memref<10000x64xf32, #tpu.memory_space<hbm>>
        tpu.wait_indirect_dma semaphore(%run_scoped3A : memref<!tpu.dma_semaphore, #tpu.memory_space<semaphore_mem>>) src(%dma_wait3A_168 : memref<10000x64xf32, #tpu.memory_space<hbm>>) dst(%arg8 : memref<128x64xf32, #tpu.memory_space<vmem>>)
        tpu.yield
      }) : () -> ()
      "tpu.region"() ({
        %run_scoped3A = tpu.sem_alloc : memref<!tpu.dma_semaphore, #tpu.memory_space<semaphore_mem>>
        %dma_start3A = arith.constant 0 : i32
        %dma_start3A_151 = tpu.memref_slice %arg7[%scan3A_148, %dma_start3A] : memref<157x128xi32, #tpu.memory_space<vmem>> -> memref<1x128xi32, #tpu.memory_space<vmem>>
        %dma_start3A_152 = tpu.memref_squeeze %dma_start3A_151 : memref<1x128xi32, #tpu.memory_space<vmem>> -> memref<128xi32, #tpu.memory_space<vmem>>
        %dma_start3A_153 = arith.constant 0 : i32
        %dma_start3A_154 = arith.constant 0 : i32
        %dma_start3A_155 = tpu.memref_slice %arg10[%dma_start3A_153, %dma_start3A_154] : memref<10016x64xf32, #tpu.memory_space<vmem_shared>> -> memref<10016x64xf32, #tpu.memory_space<vmem_shared>>
        tpu.enqueue_indirect_dma source(%arg8 : memref<128x64xf32, #tpu.memory_space<vmem>>) target(%dma_start3A_155 : memref<10016x64xf32, #tpu.memory_space<vmem_shared>>) offsets(%dma_start3A_152 : memref<128xi32, #tpu.memory_space<vmem>>) semaphore(%run_scoped3A : memref<!tpu.dma_semaphore, #tpu.memory_space<semaphore_mem>>) {add = true}
        %dma_wait3A = arith.constant 0 : i32
        %dma_wait3A_156 = tpu.memref_slice %arg7[%scan3A_148, %dma_wait3A] : memref<157x128xi32, #tpu.memory_space<vmem>> -> memref<1x128xi32, #tpu.memory_space<vmem>>
        %dma_wait3A_157 = tpu.memref_squeeze %dma_wait3A_156 : memref<1x128xi32, #tpu.memory_space<vmem>> -> memref<128xi32, #tpu.memory_space<vmem>>
        %dma_wait3A_158 = arith.constant 0 : i32
        %dma_wait3A_159 = arith.constant 0 : i32
        %dma_wait3A_160 = tpu.memref_slice %arg10[%dma_wait3A_158, %dma_wait3A_159] : memref<10016x64xf32, #tpu.memory_space<vmem_shared>> -> memref<10016x64xf32, #tpu.memory_space<vmem_shared>>
        tpu.wait_indirect_dma semaphore(%run_scoped3A : memref<!tpu.dma_semaphore, #tpu.memory_space<semaphore_mem>>) src(%arg8 : memref<128x64xf32, #tpu.memory_space<vmem>>) dst(%dma_wait3A_160 : memref<10016x64xf32, #tpu.memory_space<vmem_shared>>)
        tpu.yield
      }) : () -> ()
      %scan3A_150 = arith.constant 0 : i32
      scf.yield %scan3A_150 : i32
    }
    %scan3A_116 = arith.constant 157 : i32
    %barrier3A_117 = arith.constant 0 : index
    tpu.barrier barrier_id(%barrier3A_117)
    %lt3A_118 = arith.constant 10 : i32
    %lt3A_119 = arith.cmpi slt, %arg1, %lt3A_118 : i32
    %convert_element_type3A_120 = arith.extui %lt3A_119 : i1 to i32
    %cond3A_121 = arith.constant 0 : i32
    %cond3A_122 = arith.cmpi ne, %convert_element_type3A_120, %cond3A_121 : i32
    scf.if %cond3A_122 {
      "tpu.region"() ({
        %run_scoped3A = tpu.sem_alloc : memref<!tpu.dma_semaphore, #tpu.memory_space<semaphore_mem>>
        %dma_start3A = arith.constant 0 : i32
        %dma_start3A_148 = tpu.memref_slice %arg5[%add3A_103, %mul3A_0, %dma_start3A] : memref<12x10000x64xf32, #tpu.memory_space<hbm>> -> memref<1x1000x64xf32, #tpu.memory_space<hbm>>
        %dma_start3A_149 = tpu.memref_squeeze %dma_start3A_148 : memref<1x1000x64xf32, #tpu.memory_space<hbm>> -> memref<1000x64xf32, #tpu.memory_space<hbm>>
        %dma_start3A_150 = arith.constant 0 : i32
        %dma_start3A_151 = tpu.memref_slice %arg10[%mul3A_0, %dma_start3A_150] : memref<10016x64xf32, #tpu.memory_space<vmem_shared>> -> memref<1000x64xf32, #tpu.memory_space<vmem_shared>>
        tpu.enqueue_dma source(%dma_start3A_151 : memref<1000x64xf32, #tpu.memory_space<vmem_shared>>) target(%dma_start3A_149 : memref<1000x64xf32, #tpu.memory_space<hbm>>) target_semaphore(%run_scoped3A : memref<!tpu.dma_semaphore, #tpu.memory_space<semaphore_mem>>)
        %dma_wait3A = arith.constant 0 : i32
        %dma_wait3A_152 = tpu.memref_slice %arg5[%add3A_103, %mul3A_0, %dma_wait3A] : memref<12x10000x64xf32, #tpu.memory_space<hbm>> -> memref<1x1000x64xf32, #tpu.memory_space<hbm>>
        %dma_wait3A_153 = tpu.memref_squeeze %dma_wait3A_152 : memref<1x1000x64xf32, #tpu.memory_space<hbm>> -> memref<1000x64xf32, #tpu.memory_space<hbm>>
        %dma_wait3A_154 = arith.constant 0 : i32
        %dma_wait3A_155 = tpu.memref_slice %arg10[%mul3A_0, %dma_wait3A_154] : memref<10016x64xf32, #tpu.memory_space<vmem_shared>> -> memref<1000x64xf32, #tpu.memory_space<vmem_shared>>
        tpu.wait_dma2 semaphore(%run_scoped3A : memref<!tpu.dma_semaphore, #tpu.memory_space<semaphore_mem>>) src(%dma_wait3A_155 : memref<1000x64xf32, #tpu.memory_space<vmem_shared>>) dst(%dma_wait3A_153 : memref<1000x64xf32, #tpu.memory_space<hbm>>)
        tpu.yield
      }) : () -> ()
    } else {
    }
    %barrier3A_123 = arith.constant 0 : index
    tpu.barrier barrier_id(%barrier3A_123)
    %mul3A_124 = arith.constant 6 : i32
    %mul3A_125 = arith.muli %arg0, %mul3A_124 : i32
    %add3A_126 = arith.constant 5 : i32
    %add3A_127 = arith.addi %mul3A_125, %add3A_126 : i32
    %lt3A_128 = arith.constant 10 : i32
    %lt3A_129 = arith.cmpi slt, %arg1, %lt3A_128 : i32
    %convert_element_type3A_130 = arith.extui %lt3A_129 : i1 to i32
    %cond3A_131 = arith.constant 0 : i32
    %cond3A_132 = arith.cmpi ne, %convert_element_type3A_130, %cond3A_131 : i32
    scf.if %cond3A_132 {
      %add3A_148 = arith.constant 0 : i32
      %add3A_149 = arith.addi %mul3A_0, %add3A_148 : i32
      "tpu.region"() ({
        %run_scoped3A = tpu.sem_alloc : memref<!tpu.dma_semaphore, #tpu.memory_space<semaphore_mem>>
        %dma_start3A = arith.constant 0 : i32
        %dma_start3A_158 = tpu.memref_slice %arg10[%add3A_149, %dma_start3A] : memref<10016x64xf32, #tpu.memory_space<vmem_shared>> -> memref<200x64xf32, #tpu.memory_space<vmem_shared>>
        %dma_start3A_159 = arith.constant 0 : i32
        %dma_start3A_160 = tpu.memref_slice %arg10[%add3A_149, %dma_start3A_159] : memref<10016x64xf32, #tpu.memory_space<vmem_shared>> -> memref<200x64xf32, #tpu.memory_space<vmem_shared>>
        tpu.enqueue_dma source(%arg9 : memref<200x64xf32, #tpu.memory_space<vmem>>) target(%dma_start3A_160 : memref<200x64xf32, #tpu.memory_space<vmem_shared>>) target_semaphore(%run_scoped3A : memref<!tpu.dma_semaphore, #tpu.memory_space<semaphore_mem>>)
        %dma_wait3A = arith.constant 0 : i32
        %dma_wait3A_161 = tpu.memref_slice %arg10[%add3A_149, %dma_wait3A] : memref<10016x64xf32, #tpu.memory_space<vmem_shared>> -> memref<200x64xf32, #tpu.memory_space<vmem_shared>>
        %dma_wait3A_162 = arith.constant 0 : i32
        %dma_wait3A_163 = tpu.memref_slice %arg10[%add3A_149, %dma_wait3A_162] : memref<10016x64xf32, #tpu.memory_space<vmem_shared>> -> memref<200x64xf32, #tpu.memory_space<vmem_shared>>
        tpu.wait_dma2 semaphore(%run_scoped3A : memref<!tpu.dma_semaphore, #tpu.memory_space<semaphore_mem>>) src(%arg9 : memref<200x64xf32, #tpu.memory_space<vmem>>) dst(%dma_wait3A_163 : memref<200x64xf32, #tpu.memory_space<vmem_shared>>)
        tpu.yield
      }) : () -> ()
      %add3A_150 = arith.constant 200 : i32
      %add3A_151 = arith.addi %mul3A_0, %add3A_150 : i32
      "tpu.region"() ({
        %run_scoped3A = tpu.sem_alloc : memref<!tpu.dma_semaphore, #tpu.memory_space<semaphore_mem>>
        %dma_start3A = arith.constant 0 : i32
        %dma_start3A_158 = tpu.memref_slice %arg10[%add3A_151, %dma_start3A] : memref<10016x64xf32, #tpu.memory_space<vmem_shared>> -> memref<200x64xf32, #tpu.memory_space<vmem_shared>>
        %dma_start3A_159 = arith.constant 0 : i32
        %dma_start3A_160 = tpu.memref_slice %arg10[%add3A_151, %dma_start3A_159] : memref<10016x64xf32, #tpu.memory_space<vmem_shared>> -> memref<200x64xf32, #tpu.memory_space<vmem_shared>>
        tpu.enqueue_dma source(%arg9 : memref<200x64xf32, #tpu.memory_space<vmem>>) target(%dma_start3A_160 : memref<200x64xf32, #tpu.memory_space<vmem_shared>>) target_semaphore(%run_scoped3A : memref<!tpu.dma_semaphore, #tpu.memory_space<semaphore_mem>>)
        %dma_wait3A = arith.constant 0 : i32
        %dma_wait3A_161 = tpu.memref_slice %arg10[%add3A_151, %dma_wait3A] : memref<10016x64xf32, #tpu.memory_space<vmem_shared>> -> memref<200x64xf32, #tpu.memory_space<vmem_shared>>
        %dma_wait3A_162 = arith.constant 0 : i32
        %dma_wait3A_163 = tpu.memref_slice %arg10[%add3A_151, %dma_wait3A_162] : memref<10016x64xf32, #tpu.memory_space<vmem_shared>> -> memref<200x64xf32, #tpu.memory_space<vmem_shared>>
        tpu.wait_dma2 semaphore(%run_scoped3A : memref<!tpu.dma_semaphore, #tpu.memory_space<semaphore_mem>>) src(%arg9 : memref<200x64xf32, #tpu.memory_space<vmem>>) dst(%dma_wait3A_163 : memref<200x64xf32, #tpu.memory_space<vmem_shared>>)
        tpu.yield
      }) : () -> ()
      %add3A_152 = arith.constant 400 : i32
      %add3A_153 = arith.addi %mul3A_0, %add3A_152 : i32
      "tpu.region"() ({
        %run_scoped3A = tpu.sem_alloc : memref<!tpu.dma_semaphore, #tpu.memory_space<semaphore_mem>>
        %dma_start3A = arith.constant 0 : i32
        %dma_start3A_158 = tpu.memref_slice %arg10[%add3A_153, %dma_start3A] : memref<10016x64xf32, #tpu.memory_space<vmem_shared>> -> memref<200x64xf32, #tpu.memory_space<vmem_shared>>
        %dma_start3A_159 = arith.constant 0 : i32
        %dma_start3A_160 = tpu.memref_slice %arg10[%add3A_153, %dma_start3A_159] : memref<10016x64xf32, #tpu.memory_space<vmem_shared>> -> memref<200x64xf32, #tpu.memory_space<vmem_shared>>
        tpu.enqueue_dma source(%arg9 : memref<200x64xf32, #tpu.memory_space<vmem>>) target(%dma_start3A_160 : memref<200x64xf32, #tpu.memory_space<vmem_shared>>) target_semaphore(%run_scoped3A : memref<!tpu.dma_semaphore, #tpu.memory_space<semaphore_mem>>)
        %dma_wait3A = arith.constant 0 : i32
        %dma_wait3A_161 = tpu.memref_slice %arg10[%add3A_153, %dma_wait3A] : memref<10016x64xf32, #tpu.memory_space<vmem_shared>> -> memref<200x64xf32, #tpu.memory_space<vmem_shared>>
        %dma_wait3A_162 = arith.constant 0 : i32
        %dma_wait3A_163 = tpu.memref_slice %arg10[%add3A_153, %dma_wait3A_162] : memref<10016x64xf32, #tpu.memory_space<vmem_shared>> -> memref<200x64xf32, #tpu.memory_space<vmem_shared>>
        tpu.wait_dma2 semaphore(%run_scoped3A : memref<!tpu.dma_semaphore, #tpu.memory_space<semaphore_mem>>) src(%arg9 : memref<200x64xf32, #tpu.memory_space<vmem>>) dst(%dma_wait3A_163 : memref<200x64xf32, #tpu.memory_space<vmem_shared>>)
        tpu.yield
      }) : () -> ()
      %add3A_154 = arith.constant 600 : i32
      %add3A_155 = arith.addi %mul3A_0, %add3A_154 : i32
      "tpu.region"() ({
        %run_scoped3A = tpu.sem_alloc : memref<!tpu.dma_semaphore, #tpu.memory_space<semaphore_mem>>
        %dma_start3A = arith.constant 0 : i32
        %dma_start3A_158 = tpu.memref_slice %arg10[%add3A_155, %dma_start3A] : memref<10016x64xf32, #tpu.memory_space<vmem_shared>> -> memref<200x64xf32, #tpu.memory_space<vmem_shared>>
        %dma_start3A_159 = arith.constant 0 : i32
        %dma_start3A_160 = tpu.memref_slice %arg10[%add3A_155, %dma_start3A_159] : memref<10016x64xf32, #tpu.memory_space<vmem_shared>> -> memref<200x64xf32, #tpu.memory_space<vmem_shared>>
        tpu.enqueue_dma source(%arg9 : memref<200x64xf32, #tpu.memory_space<vmem>>) target(%dma_start3A_160 : memref<200x64xf32, #tpu.memory_space<vmem_shared>>) target_semaphore(%run_scoped3A : memref<!tpu.dma_semaphore, #tpu.memory_space<semaphore_mem>>)
        %dma_wait3A = arith.constant 0 : i32
        %dma_wait3A_161 = tpu.memref_slice %arg10[%add3A_155, %dma_wait3A] : memref<10016x64xf32, #tpu.memory_space<vmem_shared>> -> memref<200x64xf32, #tpu.memory_space<vmem_shared>>
        %dma_wait3A_162 = arith.constant 0 : i32
        %dma_wait3A_163 = tpu.memref_slice %arg10[%add3A_155, %dma_wait3A_162] : memref<10016x64xf32, #tpu.memory_space<vmem_shared>> -> memref<200x64xf32, #tpu.memory_space<vmem_shared>>
        tpu.wait_dma2 semaphore(%run_scoped3A : memref<!tpu.dma_semaphore, #tpu.memory_space<semaphore_mem>>) src(%arg9 : memref<200x64xf32, #tpu.memory_space<vmem>>) dst(%dma_wait3A_163 : memref<200x64xf32, #tpu.memory_space<vmem_shared>>)
        tpu.yield
      }) : () -> ()
      %add3A_156 = arith.constant 800 : i32
      %add3A_157 = arith.addi %mul3A_0, %add3A_156 : i32
      "tpu.region"() ({
        %run_scoped3A = tpu.sem_alloc : memref<!tpu.dma_semaphore, #tpu.memory_space<semaphore_mem>>
        %dma_start3A = arith.constant 0 : i32
        %dma_start3A_158 = tpu.memref_slice %arg10[%add3A_157, %dma_start3A] : memref<10016x64xf32, #tpu.memory_space<vmem_shared>> -> memref<200x64xf32, #tpu.memory_space<vmem_shared>>
        %dma_start3A_159 = arith.constant 0 : i32
        %dma_start3A_160 = tpu.memref_slice %arg10[%add3A_157, %dma_start3A_159] : memref<10016x64xf32, #tpu.memory_space<vmem_shared>> -> memref<200x64xf32, #tpu.memory_space<vmem_shared>>
        tpu.enqueue_dma source(%arg9 : memref<200x64xf32, #tpu.memory_space<vmem>>) target(%dma_start3A_160 : memref<200x64xf32, #tpu.memory_space<vmem_shared>>) target_semaphore(%run_scoped3A : memref<!tpu.dma_semaphore, #tpu.memory_space<semaphore_mem>>)
        %dma_wait3A = arith.constant 0 : i32
        %dma_wait3A_161 = tpu.memref_slice %arg10[%add3A_157, %dma_wait3A] : memref<10016x64xf32, #tpu.memory_space<vmem_shared>> -> memref<200x64xf32, #tpu.memory_space<vmem_shared>>
        %dma_wait3A_162 = arith.constant 0 : i32
        %dma_wait3A_163 = tpu.memref_slice %arg10[%add3A_157, %dma_wait3A_162] : memref<10016x64xf32, #tpu.memory_space<vmem_shared>> -> memref<200x64xf32, #tpu.memory_space<vmem_shared>>
        tpu.wait_dma2 semaphore(%run_scoped3A : memref<!tpu.dma_semaphore, #tpu.memory_space<semaphore_mem>>) src(%arg9 : memref<200x64xf32, #tpu.memory_space<vmem>>) dst(%dma_wait3A_163 : memref<200x64xf32, #tpu.memory_space<vmem_shared>>)
        tpu.yield
      }) : () -> ()
    } else {
    }
    %barrier3A_133 = arith.constant 0 : index
    tpu.barrier barrier_id(%barrier3A_133)
    %scan3A_134 = arith.constant 0 : i32
    %scan3A_135 = arith.constant 0 : i32
    %scan3A_136 = arith.constant 157 : i32
    %scan3A_137 = arith.addi %scan3A_135, %scan3A_136 : i32
    %scan3A_138 = arith.constant 1 : i32
    %scan3A_139 = scf.for %scan3A_148 = %scan3A_135 to %scan3A_137 step %scan3A_138 iter_args(%scan3A_149 = %scan3A_134) -> (i32)  : i32 {
      "tpu.region"() ({
        %run_scoped3A = tpu.sem_alloc : memref<!tpu.dma_semaphore, #tpu.memory_space<semaphore_mem>>
        %dma_start3A = arith.constant 0 : i32
        %dma_start3A_151 = tpu.memref_slice %arg6[%scan3A_148, %dma_start3A] : memref<157x128xi32, #tpu.memory_space<vmem>> -> memref<1x128xi32, #tpu.memory_space<vmem>>
        %dma_start3A_152 = tpu.memref_squeeze %dma_start3A_151 : memref<1x128xi32, #tpu.memory_space<vmem>> -> memref<128xi32, #tpu.memory_space<vmem>>
        %dma_start3A_153 = arith.constant 0 : i32
        %dma_start3A_154 = arith.constant 0 : i32
        %dma_start3A_155 = tpu.memref_slice %arg2[%add3A_127, %dma_start3A_153, %dma_start3A_154] : memref<12x10000x64xf32, #tpu.memory_space<hbm>> -> memref<1x10000x64xf32, #tpu.memory_space<hbm>>
        %dma_start3A_156 = tpu.memref_squeeze %dma_start3A_155 : memref<1x10000x64xf32, #tpu.memory_space<hbm>> -> memref<10000x64xf32, #tpu.memory_space<hbm>>
        %dma_start3A_157 = arith.constant 0 : i32
        %dma_start3A_158 = arith.constant 0 : i32
        %dma_start3A_159 = tpu.memref_slice %dma_start3A_156[%dma_start3A_157, %dma_start3A_158] : memref<10000x64xf32, #tpu.memory_space<hbm>> -> memref<10000x64xf32, #tpu.memory_space<hbm>>
        tpu.enqueue_indirect_dma source(%dma_start3A_159 : memref<10000x64xf32, #tpu.memory_space<hbm>>) target(%arg8 : memref<128x64xf32, #tpu.memory_space<vmem>>) offsets(%dma_start3A_152 : memref<128xi32, #tpu.memory_space<vmem>>) semaphore(%run_scoped3A : memref<!tpu.dma_semaphore, #tpu.memory_space<semaphore_mem>>)
        %dma_wait3A = arith.constant 0 : i32
        %dma_wait3A_160 = tpu.memref_slice %arg6[%scan3A_148, %dma_wait3A] : memref<157x128xi32, #tpu.memory_space<vmem>> -> memref<1x128xi32, #tpu.memory_space<vmem>>
        %dma_wait3A_161 = tpu.memref_squeeze %dma_wait3A_160 : memref<1x128xi32, #tpu.memory_space<vmem>> -> memref<128xi32, #tpu.memory_space<vmem>>
        %dma_wait3A_162 = arith.constant 0 : i32
        %dma_wait3A_163 = arith.constant 0 : i32
        %dma_wait3A_164 = tpu.memref_slice %arg2[%add3A_127, %dma_wait3A_162, %dma_wait3A_163] : memref<12x10000x64xf32, #tpu.memory_space<hbm>> -> memref<1x10000x64xf32, #tpu.memory_space<hbm>>
        %dma_wait3A_165 = tpu.memref_squeeze %dma_wait3A_164 : memref<1x10000x64xf32, #tpu.memory_space<hbm>> -> memref<10000x64xf32, #tpu.memory_space<hbm>>
        %dma_wait3A_166 = arith.constant 0 : i32
        %dma_wait3A_167 = arith.constant 0 : i32
        %dma_wait3A_168 = tpu.memref_slice %dma_wait3A_165[%dma_wait3A_166, %dma_wait3A_167] : memref<10000x64xf32, #tpu.memory_space<hbm>> -> memref<10000x64xf32, #tpu.memory_space<hbm>>
        tpu.wait_indirect_dma semaphore(%run_scoped3A : memref<!tpu.dma_semaphore, #tpu.memory_space<semaphore_mem>>) src(%dma_wait3A_168 : memref<10000x64xf32, #tpu.memory_space<hbm>>) dst(%arg8 : memref<128x64xf32, #tpu.memory_space<vmem>>)
        tpu.yield
      }) : () -> ()
      "tpu.region"() ({
        %run_scoped3A = tpu.sem_alloc : memref<!tpu.dma_semaphore, #tpu.memory_space<semaphore_mem>>
        %dma_start3A = arith.constant 0 : i32
        %dma_start3A_151 = tpu.memref_slice %arg7[%scan3A_148, %dma_start3A] : memref<157x128xi32, #tpu.memory_space<vmem>> -> memref<1x128xi32, #tpu.memory_space<vmem>>
        %dma_start3A_152 = tpu.memref_squeeze %dma_start3A_151 : memref<1x128xi32, #tpu.memory_space<vmem>> -> memref<128xi32, #tpu.memory_space<vmem>>
        %dma_start3A_153 = arith.constant 0 : i32
        %dma_start3A_154 = arith.constant 0 : i32
        %dma_start3A_155 = tpu.memref_slice %arg10[%dma_start3A_153, %dma_start3A_154] : memref<10016x64xf32, #tpu.memory_space<vmem_shared>> -> memref<10016x64xf32, #tpu.memory_space<vmem_shared>>
        tpu.enqueue_indirect_dma source(%arg8 : memref<128x64xf32, #tpu.memory_space<vmem>>) target(%dma_start3A_155 : memref<10016x64xf32, #tpu.memory_space<vmem_shared>>) offsets(%dma_start3A_152 : memref<128xi32, #tpu.memory_space<vmem>>) semaphore(%run_scoped3A : memref<!tpu.dma_semaphore, #tpu.memory_space<semaphore_mem>>) {add = true}
        %dma_wait3A = arith.constant 0 : i32
        %dma_wait3A_156 = tpu.memref_slice %arg7[%scan3A_148, %dma_wait3A] : memref<157x128xi32, #tpu.memory_space<vmem>> -> memref<1x128xi32, #tpu.memory_space<vmem>>
        %dma_wait3A_157 = tpu.memref_squeeze %dma_wait3A_156 : memref<1x128xi32, #tpu.memory_space<vmem>> -> memref<128xi32, #tpu.memory_space<vmem>>
        %dma_wait3A_158 = arith.constant 0 : i32
        %dma_wait3A_159 = arith.constant 0 : i32
        %dma_wait3A_160 = tpu.memref_slice %arg10[%dma_wait3A_158, %dma_wait3A_159] : memref<10016x64xf32, #tpu.memory_space<vmem_shared>> -> memref<10016x64xf32, #tpu.memory_space<vmem_shared>>
        tpu.wait_indirect_dma semaphore(%run_scoped3A : memref<!tpu.dma_semaphore, #tpu.memory_space<semaphore_mem>>) src(%arg8 : memref<128x64xf32, #tpu.memory_space<vmem>>) dst(%dma_wait3A_160 : memref<10016x64xf32, #tpu.memory_space<vmem_shared>>)
        tpu.yield
      }) : () -> ()
      %scan3A_150 = arith.constant 0 : i32
      scf.yield %scan3A_150 : i32
    }
    %scan3A_140 = arith.constant 157 : i32
    %barrier3A_141 = arith.constant 0 : index
    tpu.barrier barrier_id(%barrier3A_141)
    %lt3A_142 = arith.constant 10 : i32
    %lt3A_143 = arith.cmpi slt, %arg1, %lt3A_142 : i32
    %convert_element_type3A_144 = arith.extui %lt3A_143 : i1 to i32
    %cond3A_145 = arith.constant 0 : i32
    %cond3A_146 = arith.cmpi ne, %convert_element_type3A_144, %cond3A_145 : i32
    scf.if %cond3A_146 {
      "tpu.region"() ({
        %run_scoped3A = tpu.sem_alloc : memref<!tpu.dma_semaphore, #tpu.memory_space<semaphore_mem>>
        %dma_start3A = arith.constant 0 : i32
        %dma_start3A_148 = tpu.memref_slice %arg5[%add3A_127, %mul3A_0, %dma_start3A] : memref<12x10000x64xf32, #tpu.memory_space<hbm>> -> memref<1x1000x64xf32, #tpu.memory_space<hbm>>
        %dma_start3A_149 = tpu.memref_squeeze %dma_start3A_148 : memref<1x1000x64xf32, #tpu.memory_space<hbm>> -> memref<1000x64xf32, #tpu.memory_space<hbm>>
        %dma_start3A_150 = arith.constant 0 : i32
        %dma_start3A_151 = tpu.memref_slice %arg10[%mul3A_0, %dma_start3A_150] : memref<10016x64xf32, #tpu.memory_space<vmem_shared>> -> memref<1000x64xf32, #tpu.memory_space<vmem_shared>>
        tpu.enqueue_dma source(%dma_start3A_151 : memref<1000x64xf32, #tpu.memory_space<vmem_shared>>) target(%dma_start3A_149 : memref<1000x64xf32, #tpu.memory_space<hbm>>) target_semaphore(%run_scoped3A : memref<!tpu.dma_semaphore, #tpu.memory_space<semaphore_mem>>)
        %dma_wait3A = arith.constant 0 : i32
        %dma_wait3A_152 = tpu.memref_slice %arg5[%add3A_127, %mul3A_0, %dma_wait3A] : memref<12x10000x64xf32, #tpu.memory_space<hbm>> -> memref<1x1000x64xf32, #tpu.memory_space<hbm>>
        %dma_wait3A_153 = tpu.memref_squeeze %dma_wait3A_152 : memref<1x1000x64xf32, #tpu.memory_space<hbm>> -> memref<1000x64xf32, #tpu.memory_space<hbm>>
        %dma_wait3A_154 = arith.constant 0 : i32
        %dma_wait3A_155 = tpu.memref_slice %arg10[%mul3A_0, %dma_wait3A_154] : memref<10016x64xf32, #tpu.memory_space<vmem_shared>> -> memref<1000x64xf32, #tpu.memory_space<vmem_shared>>
        tpu.wait_dma2 semaphore(%run_scoped3A : memref<!tpu.dma_semaphore, #tpu.memory_space<semaphore_mem>>) src(%dma_wait3A_155 : memref<1000x64xf32, #tpu.memory_space<vmem_shared>>) dst(%dma_wait3A_153 : memref<1000x64xf32, #tpu.memory_space<hbm>>)
        tpu.yield
      }) : () -> ()
    } else {
    }
    %barrier3A_147 = arith.constant 0 : index
    tpu.barrier barrier_id(%barrier3A_147)
    return
  }
}

#map = affine_map<(d0, d1) -> (0, 0, 0)>
module attributes {stable_mosaic.version = 14 : i64} {
  func.func @prop_kernel(%arg0: i32, %arg1: i32, %arg2: memref<12x10000x64xf32, #tpu.memory_space<hbm>>, %arg3: memref<16x157x128xi32, #tpu.memory_space<hbm>>, %arg4: memref<16x157x128xi32, #tpu.memory_space<hbm>>, %arg5: memref<12x10000x64xf32, #tpu.memory_space<hbm>>, %arg6: memref<157x128xi32, #tpu.memory_space<vmem>>, %arg7: memref<157x128xi32, #tpu.memory_space<vmem>>, %arg8: memref<128x64xf32, #tpu.memory_space<vmem>>, %arg9: memref<200x64xf32, #tpu.memory_space<vmem>>, %arg10: memref<10016x64xf32, #tpu.memory_space<vmem_shared>>) attributes {dimension_semantics = [#tpu.dimension_semantics<core_parallel>, #tpu.dimension_semantics<subcore_parallel>], iteration_bounds = array<i64: 2, 16>, scalar_prefetch = 0 : i64, scratch_operands = 5 : i64, tpu.core_type = #tpu.core_type<sc_vector_subcore>, window_params = [{transform_indices = #map}, {transform_indices = #map}, {transform_indices = #map}, {transform_indices = #map}]} {
    %mul3A = arith.constant 1000 : i32
    %mul3A_0 = arith.muli %arg1, %mul3A : i32
    %broadcast_in_dim3A = arith.constant 0.000000e+00 : f32
    %broadcast_in_dim3A_1 = vector.broadcast %broadcast_in_dim3A : f32 to vector<16xf32>
    %scan3A = arith.constant 0 : i32
    %scan3A_2 = arith.constant 0 : i32
    %scan3A_3 = arith.constant 800 : i32
    %scan3A_4 = arith.addi %scan3A_2, %scan3A_3 : i32
    %scan3A_5 = arith.constant 1 : i32
    %scan3A_6 = scf.for %scan3A_148 = %scan3A_2 to %scan3A_4 step %scan3A_5 iter_args(%scan3A_149 = %scan3A) -> (i32)  : i32 {
      %jit3A = arith.constant 4 : i32
      %div3A = arith.divsi %scan3A_148, %jit3A : i32
      %sign3A = arith.constant 0 : i32
      %sign3A_150 = arith.cmpi sgt, %scan3A_148, %sign3A : i32
      %sign3A_151 = arith.extui %sign3A_150 : i1 to i32
      %sign3A_152 = arith.constant 0 : i32
      %sign3A_153 = arith.cmpi slt, %scan3A_148, %sign3A_152 : i32
      %sign3A_154 = arith.extui %sign3A_153 : i1 to i32
      %sign3A_155 = arith.subi %sign3A_151, %sign3A_154 : i32
      %sign3A_156 = arith.constant 0 : i32
      %sign3A_157 = arith.cmpi sgt, %jit3A, %sign3A_156 : i32
      %sign3A_158 = arith.extui %sign3A_157 : i1 to i32
      %sign3A_159 = arith.constant 0 : i32
      %sign3A_160 = arith.cmpi slt, %jit3A, %sign3A_159 : i32
      %sign3A_161 = arith.extui %sign3A_160 : i1 to i32
      %sign3A_162 = arith.subi %sign3A_158, %sign3A_161 : i32
      %ne3A = arith.cmpi ne, %sign3A_155, %sign3A_162 : i32
      %rem3A = arith.remsi %scan3A_148, %jit3A : i32
      %ne3A_163 = arith.constant 0 : i32
      %ne3A_164 = arith.cmpi ne, %rem3A, %ne3A_163 : i32
      %and3A = arith.andi %ne3A, %ne3A_164 : i1
      %sub3A = arith.constant 1 : i32
      %sub3A_165 = arith.subi %div3A, %sub3A : i32
      %select_n3A = arith.select %and3A, %sub3A_165, %div3A : i32
      %jit3A_166 = arith.constant 4 : i32
      %eq3A = arith.constant 0 : i32
      %eq3A_167 = arith.cmpi eq, %jit3A_166, %eq3A : i32
      %jit3A_168 = arith.constant 1 : i32
      %select_n3A_169 = arith.select %eq3A_167, %jit3A_168, %jit3A_166 : i32
      %rem3A_170 = arith.remsi %scan3A_148, %select_n3A_169 : i32
      %ne3A_171 = arith.constant 0 : i32
      %ne3A_172 = arith.cmpi ne, %rem3A_170, %ne3A_171 : i32
      %lt3A_173 = arith.constant 0 : i32
      %lt3A_174 = arith.cmpi slt, %rem3A_170, %lt3A_173 : i32
      %lt3A_175 = arith.constant 0 : i32
      %lt3A_176 = arith.cmpi slt, %select_n3A_169, %lt3A_175 : i32
      %ne3A_177 = arith.xori %lt3A_174, %lt3A_176 : i1
      %and3A_178 = arith.andi %ne3A_177, %ne3A_172 : i1
      %add3A_179 = arith.addi %rem3A_170, %select_n3A_169 : i32
      %select_n3A_180 = arith.select %and3A_178, %add3A_179, %rem3A_170 : i32
      %mul3A_181 = arith.constant 16 : i32
      %mul3A_182 = arith.muli %select_n3A_180, %mul3A_181 : i32
      %swap3A = arith.index_cast %select_n3A : i32 to index
      %swap3A_183 = arith.index_cast %mul3A_182 : i32 to index
      %swap3A_184 = tpu.vector_load %arg9[%swap3A, %swap3A_183] {strides = array<i32>} : memref<200x64xf32, #tpu.memory_space<vmem>>, vector<1x16xf32>,
      %swap3A_185 = vector.shape_cast %swap3A_184 : vector<1x16xf32> to vector<16xf32>
      %swap3A_186 = vector.shape_cast %broadcast_in_dim3A_1 : vector<16xf32> to vector<1x16xf32>
      tpu.vector_store %arg9[%swap3A, %swap3A_183], %swap3A_186 {strides = array<i32>} : memref<200x64xf32, #tpu.memory_space<vmem>>, vector<1x16xf32>,
      %scan3A_187 = arith.constant 0 : i32
      scf.yield %scan3A_187 : i32
    }
    %scan3A_7 = arith.constant 800 : i32
    "tpu.region"() ({
      %run_scoped3A = tpu.sem_alloc : memref<!tpu.dma_semaphore, #tpu.memory_space<semaphore_mem>>
      %dma_start3A = arith.constant 0 : i32
      %dma_start3A_148 = arith.constant 0 : i32
      %dma_start3A_149 = tpu.memref_slice %arg3[%arg1, %dma_start3A, %dma_start3A_148] : memref<16x157x128xi32, #tpu.memory_space<hbm>> -> memref<1x157x128xi32, #tpu.memory_space<hbm>>
      %dma_start3A_150 = tpu.memref_squeeze %dma_start3A_149 : memref<1x157x128xi32, #tpu.memory_space<hbm>> -> memref<157x128xi32, #tpu.memory_space<hbm>>
      %dma_start3A_151 = arith.constant 0 : i32
      %dma_start3A_152 = arith.constant 0 : i32
      %dma_start3A_153 = tpu.memref_slice %arg3[%arg1, %dma_start3A_151, %dma_start3A_152] : memref<16x157x128xi32, #tpu.memory_space<hbm>> -> memref<1x157x128xi32, #tpu.memory_space<hbm>>
      %dma_start3A_154 = tpu.memref_squeeze %dma_start3A_153 : memref<1x157x128xi32, #tpu.memory_space<hbm>> -> memref<157x128xi32, #tpu.memory_space<hbm>>
      tpu.enqueue_dma source(%dma_start3A_154 : memref<157x128xi32, #tpu.memory_space<hbm>>) target(%arg6 : memref<157x128xi32, #tpu.memory_space<vmem>>) target_semaphore(%run_scoped3A : memref<!tpu.dma_semaphore, #tpu.memory_space<semaphore_mem>>)
      %dma_wait3A = arith.constant 0 : i32
      %dma_wait3A_155 = arith.constant 0 : i32
      %dma_wait3A_156 = tpu.memref_slice %arg3[%arg1, %dma_wait3A, %dma_wait3A_155] : memref<16x157x128xi32, #tpu.memory_space<hbm>> -> memref<1x157x128xi32, #tpu.memory_space<hbm>>
      %dma_wait3A_157 = tpu.memref_squeeze %dma_wait3A_156 : memref<1x157x128xi32, #tpu.memory_space<hbm>> -> memref<157x128xi32, #tpu.memory_space<hbm>>
      %dma_wait3A_158 = arith.constant 0 : i32
      %dma_wait3A_159 = arith.constant 0 : i32
      %dma_wait3A_160 = tpu.memref_slice %arg3[%arg1, %dma_wait3A_158, %dma_wait3A_159] : memref<16x157x128xi32, #tpu.memory_space<hbm>> -> memref<1x157x128xi32, #tpu.memory_space<hbm>>
      %dma_wait3A_161 = tpu.memref_squeeze %dma_wait3A_160 : memref<1x157x128xi32, #tpu.memory_space<hbm>> -> memref<157x128xi32, #tpu.memory_space<hbm>>
      tpu.wait_dma2 semaphore(%run_scoped3A : memref<!tpu.dma_semaphore, #tpu.memory_space<semaphore_mem>>) src(%dma_wait3A_161 : memref<157x128xi32, #tpu.memory_space<hbm>>) dst(%arg6 : memref<157x128xi32, #tpu.memory_space<vmem>>)
      tpu.yield
    }) : () -> ()
    "tpu.region"() ({
      %run_scoped3A = tpu.sem_alloc : memref<!tpu.dma_semaphore, #tpu.memory_space<semaphore_mem>>
      %dma_start3A = arith.constant 0 : i32
      %dma_start3A_148 = arith.constant 0 : i32
      %dma_start3A_149 = tpu.memref_slice %arg4[%arg1, %dma_start3A, %dma_start3A_148] : memref<16x157x128xi32, #tpu.memory_space<hbm>> -> memref<1x157x128xi32, #tpu.memory_space<hbm>>
      %dma_start3A_150 = tpu.memref_squeeze %dma_start3A_149 : memref<1x157x128xi32, #tpu.memory_space<hbm>> -> memref<157x128xi32, #tpu.memory_space<hbm>>
      %dma_start3A_151 = arith.constant 0 : i32
      %dma_start3A_152 = arith.constant 0 : i32
      %dma_start3A_153 = tpu.memref_slice %arg4[%arg1, %dma_start3A_151, %dma_start3A_152] : memref<16x157x128xi32, #tpu.memory_space<hbm>> -> memref<1x157x128xi32, #tpu.memory_space<hbm>>
      %dma_start3A_154 = tpu.memref_squeeze %dma_start3A_153 : memref<1x157x128xi32, #tpu.memory_space<hbm>> -> memref<157x128xi32, #tpu.memory_space<hbm>>
      tpu.enqueue_dma source(%dma_start3A_154 : memref<157x128xi32, #tpu.memory_space<hbm>>) target(%arg7 : memref<157x128xi32, #tpu.memory_space<vmem>>) target_semaphore(%run_scoped3A : memref<!tpu.dma_semaphore, #tpu.memory_space<semaphore_mem>>)
      %dma_wait3A = arith.constant 0 : i32
      %dma_wait3A_155 = arith.constant 0 : i32
      %dma_wait3A_156 = tpu.memref_slice %arg4[%arg1, %dma_wait3A, %dma_wait3A_155] : memref<16x157x128xi32, #tpu.memory_space<hbm>> -> memref<1x157x128xi32, #tpu.memory_space<hbm>>
      %dma_wait3A_157 = tpu.memref_squeeze %dma_wait3A_156 : memref<1x157x128xi32, #tpu.memory_space<hbm>> -> memref<157x128xi32, #tpu.memory_space<hbm>>
      %dma_wait3A_158 = arith.constant 0 : i32
      %dma_wait3A_159 = arith.constant 0 : i32
      %dma_wait3A_160 = tpu.memref_slice %arg4[%arg1, %dma_wait3A_158, %dma_wait3A_159] : memref<16x157x128xi32, #tpu.memory_space<hbm>> -> memref<1x157x128xi32, #tpu.memory_space<hbm>>
      %dma_wait3A_161 = tpu.memref_squeeze %dma_wait3A_160 : memref<1x157x128xi32, #tpu.memory_space<hbm>> -> memref<157x128xi32, #tpu.memory_space<hbm>>
      tpu.wait_dma2 semaphore(%run_scoped3A : memref<!tpu.dma_semaphore, #tpu.memory_space<semaphore_mem>>) src(%dma_wait3A_161 : memref<157x128xi32, #tpu.memory_space<hbm>>) dst(%arg7 : memref<157x128xi32, #tpu.memory_space<vmem>>)
      tpu.yield
    }) : () -> ()
    %barrier3A = arith.constant 0 : index
    tpu.barrier barrier_id(%barrier3A)
    %mul3A_8 = arith.constant 6 : i32
    %mul3A_9 = arith.muli %arg0, %mul3A_8 : i32
    %add3A = arith.constant 0 : i32
    %add3A_10 = arith.addi %mul3A_9, %add3A : i32
    %lt3A = arith.constant 10 : i32
    %lt3A_11 = arith.cmpi slt, %arg1, %lt3A : i32
    %convert_element_type3A = arith.extui %lt3A_11 : i1 to i32
    %cond3A = arith.constant 0 : i32
    %cond3A_12 = arith.cmpi ne, %convert_element_type3A, %cond3A : i32
    scf.if %cond3A_12 {
      %add3A_148 = arith.constant 0 : i32
      %add3A_149 = arith.addi %mul3A_0, %add3A_148 : i32
      "tpu.region"() ({
        %run_scoped3A = tpu.sem_alloc : memref<!tpu.dma_semaphore, #tpu.memory_space<semaphore_mem>>
        %dma_start3A = arith.constant 0 : i32
        %dma_start3A_158 = tpu.memref_slice %arg10[%add3A_149, %dma_start3A] : memref<10016x64xf32, #tpu.memory_space<vmem_shared>> -> memref<200x64xf32, #tpu.memory_space<vmem_shared>>
        %dma_start3A_159 = arith.constant 0 : i32
        %dma_start3A_160 = tpu.memref_slice %arg10[%add3A_149, %dma_start3A_159] : memref<10016x64xf32, #tpu.memory_space<vmem_shared>> -> memref<200x64xf32, #tpu.memory_space<vmem_shared>>
        tpu.enqueue_dma source(%arg9 : memref<200x64xf32, #tpu.memory_space<vmem>>) target(%dma_start3A_160 : memref<200x64xf32, #tpu.memory_space<vmem_shared>>) target_semaphore(%run_scoped3A : memref<!tpu.dma_semaphore, #tpu.memory_space<semaphore_mem>>)
        %dma_wait3A = arith.constant 0 : i32
        %dma_wait3A_161 = tpu.memref_slice %arg10[%add3A_149, %dma_wait3A] : memref<10016x64xf32, #tpu.memory_space<vmem_shared>> -> memref<200x64xf32, #tpu.memory_space<vmem_shared>>
        %dma_wait3A_162 = arith.constant 0 : i32
        %dma_wait3A_163 = tpu.memref_slice %arg10[%add3A_149, %dma_wait3A_162] : memref<10016x64xf32, #tpu.memory_space<vmem_shared>> -> memref<200x64xf32, #tpu.memory_space<vmem_shared>>
        tpu.wait_dma2 semaphore(%run_scoped3A : memref<!tpu.dma_semaphore, #tpu.memory_space<semaphore_mem>>) src(%arg9 : memref<200x64xf32, #tpu.memory_space<vmem>>) dst(%dma_wait3A_163 : memref<200x64xf32, #tpu.memory_space<vmem_shared>>)
        tpu.yield
      }) : () -> ()
      %add3A_150 = arith.constant 200 : i32
      %add3A_151 = arith.addi %mul3A_0, %add3A_150 : i32
      "tpu.region"() ({
        %run_scoped3A = tpu.sem_alloc : memref<!tpu.dma_semaphore, #tpu.memory_space<semaphore_mem>>
        %dma_start3A = arith.constant 0 : i32
        %dma_start3A_158 = tpu.memref_slice %arg10[%add3A_151, %dma_start3A] : memref<10016x64xf32, #tpu.memory_space<vmem_shared>> -> memref<200x64xf32, #tpu.memory_space<vmem_shared>>
        %dma_start3A_159 = arith.constant 0 : i32
        %dma_start3A_160 = tpu.memref_slice %arg10[%add3A_151, %dma_start3A_159] : memref<10016x64xf32, #tpu.memory_space<vmem_shared>> -> memref<200x64xf32, #tpu.memory_space<vmem_shared>>
        tpu.enqueue_dma source(%arg9 : memref<200x64xf32, #tpu.memory_space<vmem>>) target(%dma_start3A_160 : memref<200x64xf32, #tpu.memory_space<vmem_shared>>) target_semaphore(%run_scoped3A : memref<!tpu.dma_semaphore, #tpu.memory_space<semaphore_mem>>)
        %dma_wait3A = arith.constant 0 : i32
        %dma_wait3A_161 = tpu.memref_slice %arg10[%add3A_151, %dma_wait3A] : memref<10016x64xf32, #tpu.memory_space<vmem_shared>> -> memref<200x64xf32, #tpu.memory_space<vmem_shared>>
        %dma_wait3A_162 = arith.constant 0 : i32
        %dma_wait3A_163 = tpu.memref_slice %arg10[%add3A_151, %dma_wait3A_162] : memref<10016x64xf32, #tpu.memory_space<vmem_shared>> -> memref<200x64xf32, #tpu.memory_space<vmem_shared>>
        tpu.wait_dma2 semaphore(%run_scoped3A : memref<!tpu.dma_semaphore, #tpu.memory_space<semaphore_mem>>) src(%arg9 : memref<200x64xf32, #tpu.memory_space<vmem>>) dst(%dma_wait3A_163 : memref<200x64xf32, #tpu.memory_space<vmem_shared>>)
        tpu.yield
      }) : () -> ()
      %add3A_152 = arith.constant 400 : i32
      %add3A_153 = arith.addi %mul3A_0, %add3A_152 : i32
      "tpu.region"() ({
        %run_scoped3A = tpu.sem_alloc : memref<!tpu.dma_semaphore, #tpu.memory_space<semaphore_mem>>
        %dma_start3A = arith.constant 0 : i32
        %dma_start3A_158 = tpu.memref_slice %arg10[%add3A_153, %dma_start3A] : memref<10016x64xf32, #tpu.memory_space<vmem_shared>> -> memref<200x64xf32, #tpu.memory_space<vmem_shared>>
        %dma_start3A_159 = arith.constant 0 : i32
        %dma_start3A_160 = tpu.memref_slice %arg10[%add3A_153, %dma_start3A_159] : memref<10016x64xf32, #tpu.memory_space<vmem_shared>> -> memref<200x64xf32, #tpu.memory_space<vmem_shared>>
        tpu.enqueue_dma source(%arg9 : memref<200x64xf32, #tpu.memory_space<vmem>>) target(%dma_start3A_160 : memref<200x64xf32, #tpu.memory_space<vmem_shared>>) target_semaphore(%run_scoped3A : memref<!tpu.dma_semaphore, #tpu.memory_space<semaphore_mem>>)
        %dma_wait3A = arith.constant 0 : i32
        %dma_wait3A_161 = tpu.memref_slice %arg10[%add3A_153, %dma_wait3A] : memref<10016x64xf32, #tpu.memory_space<vmem_shared>> -> memref<200x64xf32, #tpu.memory_space<vmem_shared>>
        %dma_wait3A_162 = arith.constant 0 : i32
        %dma_wait3A_163 = tpu.memref_slice %arg10[%add3A_153, %dma_wait3A_162] : memref<10016x64xf32, #tpu.memory_space<vmem_shared>> -> memref<200x64xf32, #tpu.memory_space<vmem_shared>>
        tpu.wait_dma2 semaphore(%run_scoped3A : memref<!tpu.dma_semaphore, #tpu.memory_space<semaphore_mem>>) src(%arg9 : memref<200x64xf32, #tpu.memory_space<vmem>>) dst(%dma_wait3A_163 : memref<200x64xf32, #tpu.memory_space<vmem_shared>>)
        tpu.yield
      }) : () -> ()
      %add3A_154 = arith.constant 600 : i32
      %add3A_155 = arith.addi %mul3A_0, %add3A_154 : i32
      "tpu.region"() ({
        %run_scoped3A = tpu.sem_alloc : memref<!tpu.dma_semaphore, #tpu.memory_space<semaphore_mem>>
        %dma_start3A = arith.constant 0 : i32
        %dma_start3A_158 = tpu.memref_slice %arg10[%add3A_155, %dma_start3A] : memref<10016x64xf32, #tpu.memory_space<vmem_shared>> -> memref<200x64xf32, #tpu.memory_space<vmem_shared>>
        %dma_start3A_159 = arith.constant 0 : i32
        %dma_start3A_160 = tpu.memref_slice %arg10[%add3A_155, %dma_start3A_159] : memref<10016x64xf32, #tpu.memory_space<vmem_shared>> -> memref<200x64xf32, #tpu.memory_space<vmem_shared>>
        tpu.enqueue_dma source(%arg9 : memref<200x64xf32, #tpu.memory_space<vmem>>) target(%dma_start3A_160 : memref<200x64xf32, #tpu.memory_space<vmem_shared>>) target_semaphore(%run_scoped3A : memref<!tpu.dma_semaphore, #tpu.memory_space<semaphore_mem>>)
        %dma_wait3A = arith.constant 0 : i32
        %dma_wait3A_161 = tpu.memref_slice %arg10[%add3A_155, %dma_wait3A] : memref<10016x64xf32, #tpu.memory_space<vmem_shared>> -> memref<200x64xf32, #tpu.memory_space<vmem_shared>>
        %dma_wait3A_162 = arith.constant 0 : i32
        %dma_wait3A_163 = tpu.memref_slice %arg10[%add3A_155, %dma_wait3A_162] : memref<10016x64xf32, #tpu.memory_space<vmem_shared>> -> memref<200x64xf32, #tpu.memory_space<vmem_shared>>
        tpu.wait_dma2 semaphore(%run_scoped3A : memref<!tpu.dma_semaphore, #tpu.memory_space<semaphore_mem>>) src(%arg9 : memref<200x64xf32, #tpu.memory_space<vmem>>) dst(%dma_wait3A_163 : memref<200x64xf32, #tpu.memory_space<vmem_shared>>)
        tpu.yield
      }) : () -> ()
      %add3A_156 = arith.constant 800 : i32
      %add3A_157 = arith.addi %mul3A_0, %add3A_156 : i32
      "tpu.region"() ({
        %run_scoped3A = tpu.sem_alloc : memref<!tpu.dma_semaphore, #tpu.memory_space<semaphore_mem>>
        %dma_start3A = arith.constant 0 : i32
        %dma_start3A_158 = tpu.memref_slice %arg10[%add3A_157, %dma_start3A] : memref<10016x64xf32, #tpu.memory_space<vmem_shared>> -> memref<200x64xf32, #tpu.memory_space<vmem_shared>>
        %dma_start3A_159 = arith.constant 0 : i32
        %dma_start3A_160 = tpu.memref_slice %arg10[%add3A_157, %dma_start3A_159] : memref<10016x64xf32, #tpu.memory_space<vmem_shared>> -> memref<200x64xf32, #tpu.memory_space<vmem_shared>>
        tpu.enqueue_dma source(%arg9 : memref<200x64xf32, #tpu.memory_space<vmem>>) target(%dma_start3A_160 : memref<200x64xf32, #tpu.memory_space<vmem_shared>>) target_semaphore(%run_scoped3A : memref<!tpu.dma_semaphore, #tpu.memory_space<semaphore_mem>>)
        %dma_wait3A = arith.constant 0 : i32
        %dma_wait3A_161 = tpu.memref_slice %arg10[%add3A_157, %dma_wait3A] : memref<10016x64xf32, #tpu.memory_space<vmem_shared>> -> memref<200x64xf32, #tpu.memory_space<vmem_shared>>
        %dma_wait3A_162 = arith.constant 0 : i32
        %dma_wait3A_163 = tpu.memref_slice %arg10[%add3A_157, %dma_wait3A_162] : memref<10016x64xf32, #tpu.memory_space<vmem_shared>> -> memref<200x64xf32, #tpu.memory_space<vmem_shared>>
        tpu.wait_dma2 semaphore(%run_scoped3A : memref<!tpu.dma_semaphore, #tpu.memory_space<semaphore_mem>>) src(%arg9 : memref<200x64xf32, #tpu.memory_space<vmem>>) dst(%dma_wait3A_163 : memref<200x64xf32, #tpu.memory_space<vmem_shared>>)
        tpu.yield
      }) : () -> ()
    } else {
    }
    %barrier3A_13 = arith.constant 0 : index
    tpu.barrier barrier_id(%barrier3A_13)
    %scan3A_14 = arith.constant 0 : i32
    %scan3A_15 = arith.constant 0 : i32
    %scan3A_16 = arith.constant 157 : i32
    %scan3A_17 = arith.addi %scan3A_15, %scan3A_16 : i32
    %scan3A_18 = arith.constant 1 : i32
    %scan3A_19 = scf.for %scan3A_148 = %scan3A_15 to %scan3A_17 step %scan3A_18 iter_args(%scan3A_149 = %scan3A_14) -> (i32)  : i32 {
      "tpu.region"() ({
        %run_scoped3A = tpu.sem_alloc : memref<!tpu.dma_semaphore, #tpu.memory_space<semaphore_mem>>
        %dma_start3A = arith.constant 0 : i32
        %dma_start3A_151 = tpu.memref_slice %arg6[%scan3A_148, %dma_start3A] : memref<157x128xi32, #tpu.memory_space<vmem>> -> memref<1x128xi32, #tpu.memory_space<vmem>>
        %dma_start3A_152 = tpu.memref_squeeze %dma_start3A_151 : memref<1x128xi32, #tpu.memory_space<vmem>> -> memref<128xi32, #tpu.memory_space<vmem>>
        %dma_start3A_153 = arith.constant 0 : i32
        %dma_start3A_154 = arith.constant 0 : i32
        %dma_start3A_155 = tpu.memref_slice %arg2[%add3A_10, %dma_start3A_153, %dma_start3A_154] : memref<12x10000x64xf32, #tpu.memory_space<hbm>> -> memref<1x10000x64xf32, #tpu.memory_space<hbm>>
        %dma_start3A_156 = tpu.memref_squeeze %dma_start3A_155 : memref<1x10000x64xf32, #tpu.memory_space<hbm>> -> memref<10000x64xf32, #tpu.memory_space<hbm>>
        %dma_start3A_157 = arith.constant 0 : i32
        %dma_start3A_158 = arith.constant 0 : i32
        %dma_start3A_159 = tpu.memref_slice %dma_start3A_156[%dma_start3A_157, %dma_start3A_158] : memref<10000x64xf32, #tpu.memory_space<hbm>> -> memref<10000x64xf32, #tpu.memory_space<hbm>>
        tpu.enqueue_indirect_dma source(%dma_start3A_159 : memref<10000x64xf32, #tpu.memory_space<hbm>>) target(%arg8 : memref<128x64xf32, #tpu.memory_space<vmem>>) offsets(%dma_start3A_152 : memref<128xi32, #tpu.memory_space<vmem>>) semaphore(%run_scoped3A : memref<!tpu.dma_semaphore, #tpu.memory_space<semaphore_mem>>)
        %dma_wait3A = arith.constant 0 : i32
        %dma_wait3A_160 = tpu.memref_slice %arg6[%scan3A_148, %dma_wait3A] : memref<157x128xi32, #tpu.memory_space<vmem>> -> memref<1x128xi32, #tpu.memory_space<vmem>>
        %dma_wait3A_161 = tpu.memref_squeeze %dma_wait3A_160 : memref<1x128xi32, #tpu.memory_space<vmem>> -> memref<128xi32, #tpu.memory_space<vmem>>
        %dma_wait3A_162 = arith.constant 0 : i32
        %dma_wait3A_163 = arith.constant 0 : i32
        %dma_wait3A_164 = tpu.memref_slice %arg2[%add3A_10, %dma_wait3A_162, %dma_wait3A_163] : memref<12x10000x64xf32, #tpu.memory_space<hbm>> -> memref<1x10000x64xf32, #tpu.memory_space<hbm>>
        %dma_wait3A_165 = tpu.memref_squeeze %dma_wait3A_164 : memref<1x10000x64xf32, #tpu.memory_space<hbm>> -> memref<10000x64xf32, #tpu.memory_space<hbm>>
        %dma_wait3A_166 = arith.constant 0 : i32
        %dma_wait3A_167 = arith.constant 0 : i32
        %dma_wait3A_168 = tpu.memref_slice %dma_wait3A_165[%dma_wait3A_166, %dma_wait3A_167] : memref<10000x64xf32, #tpu.memory_space<hbm>> -> memref<10000x64xf32, #tpu.memory_space<hbm>>
        tpu.wait_indirect_dma semaphore(%run_scoped3A : memref<!tpu.dma_semaphore, #tpu.memory_space<semaphore_mem>>) src(%dma_wait3A_168 : memref<10000x64xf32, #tpu.memory_space<hbm>>) dst(%arg8 : memref<128x64xf32, #tpu.memory_space<vmem>>)
        tpu.yield
      }) : () -> ()
      "tpu.region"() ({
        %run_scoped3A = tpu.sem_alloc : memref<!tpu.dma_semaphore, #tpu.memory_space<semaphore_mem>>
        %dma_start3A = arith.constant 0 : i32
        %dma_start3A_151 = tpu.memref_slice %arg7[%scan3A_148, %dma_start3A] : memref<157x128xi32, #tpu.memory_space<vmem>> -> memref<1x128xi32, #tpu.memory_space<vmem>>
        %dma_start3A_152 = tpu.memref_squeeze %dma_start3A_151 : memref<1x128xi32, #tpu.memory_space<vmem>> -> memref<128xi32, #tpu.memory_space<vmem>>
        %dma_start3A_153 = arith.constant 0 : i32
        %dma_start3A_154 = arith.constant 0 : i32
        %dma_start3A_155 = tpu.memref_slice %arg10[%dma_start3A_153, %dma_start3A_154] : memref<10016x64xf32, #tpu.memory_space<vmem_shared>> -> memref<10016x64xf32, #tpu.memory_space<vmem_shared>>
        tpu.enqueue_indirect_dma source(%arg8 : memref<128x64xf32, #tpu.memory_space<vmem>>) target(%dma_start3A_155 : memref<10016x64xf32, #tpu.memory_space<vmem_shared>>) offsets(%dma_start3A_152 : memref<128xi32, #tpu.memory_space<vmem>>) semaphore(%run_scoped3A : memref<!tpu.dma_semaphore, #tpu.memory_space<semaphore_mem>>) {add = true}
        %dma_wait3A = arith.constant 0 : i32
        %dma_wait3A_156 = tpu.memref_slice %arg7[%scan3A_148, %dma_wait3A] : memref<157x128xi32, #tpu.memory_space<vmem>> -> memref<1x128xi32, #tpu.memory_space<vmem>>
        %dma_wait3A_157 = tpu.memref_squeeze %dma_wait3A_156 : memref<1x128xi32, #tpu.memory_space<vmem>> -> memref<128xi32, #tpu.memory_space<vmem>>
        %dma_wait3A_158 = arith.constant 0 : i32
        %dma_wait3A_159 = arith.constant 0 : i32
        %dma_wait3A_160 = tpu.memref_slice %arg10[%dma_wait3A_158, %dma_wait3A_159] : memref<10016x64xf32, #tpu.memory_space<vmem_shared>> -> memref<10016x64xf32, #tpu.memory_space<vmem_shared>>
        tpu.wait_indirect_dma semaphore(%run_scoped3A : memref<!tpu.dma_semaphore, #tpu.memory_space<semaphore_mem>>) src(%arg8 : memref<128x64xf32, #tpu.memory_space<vmem>>) dst(%dma_wait3A_160 : memref<10016x64xf32, #tpu.memory_space<vmem_shared>>)
        tpu.yield
      }) : () -> ()
      %scan3A_150 = arith.constant 0 : i32
      scf.yield %scan3A_150 : i32
    }
    %scan3A_20 = arith.constant 157 : i32
    %barrier3A_21 = arith.constant 0 : index
    tpu.barrier barrier_id(%barrier3A_21)
    %lt3A_22 = arith.constant 10 : i32
    %lt3A_23 = arith.cmpi slt, %arg1, %lt3A_22 : i32
    %convert_element_type3A_24 = arith.extui %lt3A_23 : i1 to i32
    %cond3A_25 = arith.constant 0 : i32
    %cond3A_26 = arith.cmpi ne, %convert_element_type3A_24, %cond3A_25 : i32
    scf.if %cond3A_26 {
      "tpu.region"() ({
        %run_scoped3A = tpu.sem_alloc : memref<!tpu.dma_semaphore, #tpu.memory_space<semaphore_mem>>
        %dma_start3A = arith.constant 0 : i32
        %dma_start3A_148 = tpu.memref_slice %arg5[%add3A_10, %mul3A_0, %dma_start3A] : memref<12x10000x64xf32, #tpu.memory_space<hbm>> -> memref<1x1000x64xf32, #tpu.memory_space<hbm>>
        %dma_start3A_149 = tpu.memref_squeeze %dma_start3A_148 : memref<1x1000x64xf32, #tpu.memory_space<hbm>> -> memref<1000x64xf32, #tpu.memory_space<hbm>>
        %dma_start3A_150 = arith.constant 0 : i32
        %dma_start3A_151 = tpu.memref_slice %arg10[%mul3A_0, %dma_start3A_150] : memref<10016x64xf32, #tpu.memory_space<vmem_shared>> -> memref<1000x64xf32, #tpu.memory_space<vmem_shared>>
        tpu.enqueue_dma source(%dma_start3A_151 : memref<1000x64xf32, #tpu.memory_space<vmem_shared>>) target(%dma_start3A_149 : memref<1000x64xf32, #tpu.memory_space<hbm>>) target_semaphore(%run_scoped3A : memref<!tpu.dma_semaphore, #tpu.memory_space<semaphore_mem>>)
        %dma_wait3A = arith.constant 0 : i32
        %dma_wait3A_152 = tpu.memref_slice %arg5[%add3A_10, %mul3A_0, %dma_wait3A] : memref<12x10000x64xf32, #tpu.memory_space<hbm>> -> memref<1x1000x64xf32, #tpu.memory_space<hbm>>
        %dma_wait3A_153 = tpu.memref_squeeze %dma_wait3A_152 : memref<1x1000x64xf32, #tpu.memory_space<hbm>> -> memref<1000x64xf32, #tpu.memory_space<hbm>>
        %dma_wait3A_154 = arith.constant 0 : i32
        %dma_wait3A_155 = tpu.memref_slice %arg10[%mul3A_0, %dma_wait3A_154] : memref<10016x64xf32, #tpu.memory_space<vmem_shared>> -> memref<1000x64xf32, #tpu.memory_space<vmem_shared>>
        tpu.wait_dma2 semaphore(%run_scoped3A : memref<!tpu.dma_semaphore, #tpu.memory_space<semaphore_mem>>) src(%dma_wait3A_155 : memref<1000x64xf32, #tpu.memory_space<vmem_shared>>) dst(%dma_wait3A_153 : memref<1000x64xf32, #tpu.memory_space<hbm>>)
        tpu.yield
      }) : () -> ()
    } else {
    }
    %barrier3A_27 = arith.constant 0 : index
    tpu.barrier barrier_id(%barrier3A_27)
    %mul3A_28 = arith.constant 6 : i32
    %mul3A_29 = arith.muli %arg0, %mul3A_28 : i32
    %add3A_30 = arith.constant 1 : i32
    %add3A_31 = arith.addi %mul3A_29, %add3A_30 : i32
    %lt3A_32 = arith.constant 10 : i32
    %lt3A_33 = arith.cmpi slt, %arg1, %lt3A_32 : i32
    %convert_element_type3A_34 = arith.extui %lt3A_33 : i1 to i32
    %cond3A_35 = arith.constant 0 : i32
    %cond3A_36 = arith.cmpi ne, %convert_element_type3A_34, %cond3A_35 : i32
    scf.if %cond3A_36 {
      %add3A_148 = arith.constant 0 : i32
      %add3A_149 = arith.addi %mul3A_0, %add3A_148 : i32
      "tpu.region"() ({
        %run_scoped3A = tpu.sem_alloc : memref<!tpu.dma_semaphore, #tpu.memory_space<semaphore_mem>>
        %dma_start3A = arith.constant 0 : i32
        %dma_start3A_158 = tpu.memref_slice %arg10[%add3A_149, %dma_start3A] : memref<10016x64xf32, #tpu.memory_space<vmem_shared>> -> memref<200x64xf32, #tpu.memory_space<vmem_shared>>
        %dma_start3A_159 = arith.constant 0 : i32
        %dma_start3A_160 = tpu.memref_slice %arg10[%add3A_149, %dma_start3A_159] : memref<10016x64xf32, #tpu.memory_space<vmem_shared>> -> memref<200x64xf32, #tpu.memory_space<vmem_shared>>
        tpu.enqueue_dma source(%arg9 : memref<200x64xf32, #tpu.memory_space<vmem>>) target(%dma_start3A_160 : memref<200x64xf32, #tpu.memory_space<vmem_shared>>) target_semaphore(%run_scoped3A : memref<!tpu.dma_semaphore, #tpu.memory_space<semaphore_mem>>)
        %dma_wait3A = arith.constant 0 : i32
        %dma_wait3A_161 = tpu.memref_slice %arg10[%add3A_149, %dma_wait3A] : memref<10016x64xf32, #tpu.memory_space<vmem_shared>> -> memref<200x64xf32, #tpu.memory_space<vmem_shared>>
        %dma_wait3A_162 = arith.constant 0 : i32
        %dma_wait3A_163 = tpu.memref_slice %arg10[%add3A_149, %dma_wait3A_162] : memref<10016x64xf32, #tpu.memory_space<vmem_shared>> -> memref<200x64xf32, #tpu.memory_space<vmem_shared>>
        tpu.wait_dma2 semaphore(%run_scoped3A : memref<!tpu.dma_semaphore, #tpu.memory_space<semaphore_mem>>) src(%arg9 : memref<200x64xf32, #tpu.memory_space<vmem>>) dst(%dma_wait3A_163 : memref<200x64xf32, #tpu.memory_space<vmem_shared>>)
        tpu.yield
      }) : () -> ()
      %add3A_150 = arith.constant 200 : i32
      %add3A_151 = arith.addi %mul3A_0, %add3A_150 : i32
      "tpu.region"() ({
        %run_scoped3A = tpu.sem_alloc : memref<!tpu.dma_semaphore, #tpu.memory_space<semaphore_mem>>
        %dma_start3A = arith.constant 0 : i32
        %dma_start3A_158 = tpu.memref_slice %arg10[%add3A_151, %dma_start3A] : memref<10016x64xf32, #tpu.memory_space<vmem_shared>> -> memref<200x64xf32, #tpu.memory_space<vmem_shared>>
        %dma_start3A_159 = arith.constant 0 : i32
        %dma_start3A_160 = tpu.memref_slice %arg10[%add3A_151, %dma_start3A_159] : memref<10016x64xf32, #tpu.memory_space<vmem_shared>> -> memref<200x64xf32, #tpu.memory_space<vmem_shared>>
        tpu.enqueue_dma source(%arg9 : memref<200x64xf32, #tpu.memory_space<vmem>>) target(%dma_start3A_160 : memref<200x64xf32, #tpu.memory_space<vmem_shared>>) target_semaphore(%run_scoped3A : memref<!tpu.dma_semaphore, #tpu.memory_space<semaphore_mem>>)
        %dma_wait3A = arith.constant 0 : i32
        %dma_wait3A_161 = tpu.memref_slice %arg10[%add3A_151, %dma_wait3A] : memref<10016x64xf32, #tpu.memory_space<vmem_shared>> -> memref<200x64xf32, #tpu.memory_space<vmem_shared>>
        %dma_wait3A_162 = arith.constant 0 : i32
        %dma_wait3A_163 = tpu.memref_slice %arg10[%add3A_151, %dma_wait3A_162] : memref<10016x64xf32, #tpu.memory_space<vmem_shared>> -> memref<200x64xf32, #tpu.memory_space<vmem_shared>>
        tpu.wait_dma2 semaphore(%run_scoped3A : memref<!tpu.dma_semaphore, #tpu.memory_space<semaphore_mem>>) src(%arg9 : memref<200x64xf32, #tpu.memory_space<vmem>>) dst(%dma_wait3A_163 : memref<200x64xf32, #tpu.memory_space<vmem_shared>>)
        tpu.yield
      }) : () -> ()
      %add3A_152 = arith.constant 400 : i32
      %add3A_153 = arith.addi %mul3A_0, %add3A_152 : i32
      "tpu.region"() ({
        %run_scoped3A = tpu.sem_alloc : memref<!tpu.dma_semaphore, #tpu.memory_space<semaphore_mem>>
        %dma_start3A = arith.constant 0 : i32
        %dma_start3A_158 = tpu.memref_slice %arg10[%add3A_153, %dma_start3A] : memref<10016x64xf32, #tpu.memory_space<vmem_shared>> -> memref<200x64xf32, #tpu.memory_space<vmem_shared>>
        %dma_start3A_159 = arith.constant 0 : i32
        %dma_start3A_160 = tpu.memref_slice %arg10[%add3A_153, %dma_start3A_159] : memref<10016x64xf32, #tpu.memory_space<vmem_shared>> -> memref<200x64xf32, #tpu.memory_space<vmem_shared>>
        tpu.enqueue_dma source(%arg9 : memref<200x64xf32, #tpu.memory_space<vmem>>) target(%dma_start3A_160 : memref<200x64xf32, #tpu.memory_space<vmem_shared>>) target_semaphore(%run_scoped3A : memref<!tpu.dma_semaphore, #tpu.memory_space<semaphore_mem>>)
        %dma_wait3A = arith.constant 0 : i32
        %dma_wait3A_161 = tpu.memref_slice %arg10[%add3A_153, %dma_wait3A] : memref<10016x64xf32, #tpu.memory_space<vmem_shared>> -> memref<200x64xf32, #tpu.memory_space<vmem_shared>>
        %dma_wait3A_162 = arith.constant 0 : i32
        %dma_wait3A_163 = tpu.memref_slice %arg10[%add3A_153, %dma_wait3A_162] : memref<10016x64xf32, #tpu.memory_space<vmem_shared>> -> memref<200x64xf32, #tpu.memory_space<vmem_shared>>
        tpu.wait_dma2 semaphore(%run_scoped3A : memref<!tpu.dma_semaphore, #tpu.memory_space<semaphore_mem>>) src(%arg9 : memref<200x64xf32, #tpu.memory_space<vmem>>) dst(%dma_wait3A_163 : memref<200x64xf32, #tpu.memory_space<vmem_shared>>)
        tpu.yield
      }) : () -> ()
      %add3A_154 = arith.constant 600 : i32
      %add3A_155 = arith.addi %mul3A_0, %add3A_154 : i32
      "tpu.region"() ({
        %run_scoped3A = tpu.sem_alloc : memref<!tpu.dma_semaphore, #tpu.memory_space<semaphore_mem>>
        %dma_start3A = arith.constant 0 : i32
        %dma_start3A_158 = tpu.memref_slice %arg10[%add3A_155, %dma_start3A] : memref<10016x64xf32, #tpu.memory_space<vmem_shared>> -> memref<200x64xf32, #tpu.memory_space<vmem_shared>>
        %dma_start3A_159 = arith.constant 0 : i32
        %dma_start3A_160 = tpu.memref_slice %arg10[%add3A_155, %dma_start3A_159] : memref<10016x64xf32, #tpu.memory_space<vmem_shared>> -> memref<200x64xf32, #tpu.memory_space<vmem_shared>>
        tpu.enqueue_dma source(%arg9 : memref<200x64xf32, #tpu.memory_space<vmem>>) target(%dma_start3A_160 : memref<200x64xf32, #tpu.memory_space<vmem_shared>>) target_semaphore(%run_scoped3A : memref<!tpu.dma_semaphore, #tpu.memory_space<semaphore_mem>>)
        %dma_wait3A = arith.constant 0 : i32
        %dma_wait3A_161 = tpu.memref_slice %arg10[%add3A_155, %dma_wait3A] : memref<10016x64xf32, #tpu.memory_space<vmem_shared>> -> memref<200x64xf32, #tpu.memory_space<vmem_shared>>
        %dma_wait3A_162 = arith.constant 0 : i32
        %dma_wait3A_163 = tpu.memref_slice %arg10[%add3A_155, %dma_wait3A_162] : memref<10016x64xf32, #tpu.memory_space<vmem_shared>> -> memref<200x64xf32, #tpu.memory_space<vmem_shared>>
        tpu.wait_dma2 semaphore(%run_scoped3A : memref<!tpu.dma_semaphore, #tpu.memory_space<semaphore_mem>>) src(%arg9 : memref<200x64xf32, #tpu.memory_space<vmem>>) dst(%dma_wait3A_163 : memref<200x64xf32, #tpu.memory_space<vmem_shared>>)
        tpu.yield
      }) : () -> ()
      %add3A_156 = arith.constant 800 : i32
      %add3A_157 = arith.addi %mul3A_0, %add3A_156 : i32
      "tpu.region"() ({
        %run_scoped3A = tpu.sem_alloc : memref<!tpu.dma_semaphore, #tpu.memory_space<semaphore_mem>>
        %dma_start3A = arith.constant 0 : i32
        %dma_start3A_158 = tpu.memref_slice %arg10[%add3A_157, %dma_start3A] : memref<10016x64xf32, #tpu.memory_space<vmem_shared>> -> memref<200x64xf32, #tpu.memory_space<vmem_shared>>
        %dma_start3A_159 = arith.constant 0 : i32
        %dma_start3A_160 = tpu.memref_slice %arg10[%add3A_157, %dma_start3A_159] : memref<10016x64xf32, #tpu.memory_space<vmem_shared>> -> memref<200x64xf32, #tpu.memory_space<vmem_shared>>
        tpu.enqueue_dma source(%arg9 : memref<200x64xf32, #tpu.memory_space<vmem>>) target(%dma_start3A_160 : memref<200x64xf32, #tpu.memory_space<vmem_shared>>) target_semaphore(%run_scoped3A : memref<!tpu.dma_semaphore, #tpu.memory_space<semaphore_mem>>)
        %dma_wait3A = arith.constant 0 : i32
        %dma_wait3A_161 = tpu.memref_slice %arg10[%add3A_157, %dma_wait3A] : memref<10016x64xf32, #tpu.memory_space<vmem_shared>> -> memref<200x64xf32, #tpu.memory_space<vmem_shared>>
        %dma_wait3A_162 = arith.constant 0 : i32
        %dma_wait3A_163 = tpu.memref_slice %arg10[%add3A_157, %dma_wait3A_162] : memref<10016x64xf32, #tpu.memory_space<vmem_shared>> -> memref<200x64xf32, #tpu.memory_space<vmem_shared>>
        tpu.wait_dma2 semaphore(%run_scoped3A : memref<!tpu.dma_semaphore, #tpu.memory_space<semaphore_mem>>) src(%arg9 : memref<200x64xf32, #tpu.memory_space<vmem>>) dst(%dma_wait3A_163 : memref<200x64xf32, #tpu.memory_space<vmem_shared>>)
        tpu.yield
      }) : () -> ()
    } else {
    }
    %barrier3A_37 = arith.constant 0 : index
    tpu.barrier barrier_id(%barrier3A_37)
    %scan3A_38 = arith.constant 0 : i32
    %scan3A_39 = arith.constant 0 : i32
    %scan3A_40 = arith.constant 157 : i32
    %scan3A_41 = arith.addi %scan3A_39, %scan3A_40 : i32
    %scan3A_42 = arith.constant 1 : i32
    %scan3A_43 = scf.for %scan3A_148 = %scan3A_39 to %scan3A_41 step %scan3A_42 iter_args(%scan3A_149 = %scan3A_38) -> (i32)  : i32 {
      "tpu.region"() ({
        %run_scoped3A = tpu.sem_alloc : memref<!tpu.dma_semaphore, #tpu.memory_space<semaphore_mem>>
        %dma_start3A = arith.constant 0 : i32
        %dma_start3A_151 = tpu.memref_slice %arg6[%scan3A_148, %dma_start3A] : memref<157x128xi32, #tpu.memory_space<vmem>> -> memref<1x128xi32, #tpu.memory_space<vmem>>
        %dma_start3A_152 = tpu.memref_squeeze %dma_start3A_151 : memref<1x128xi32, #tpu.memory_space<vmem>> -> memref<128xi32, #tpu.memory_space<vmem>>
        %dma_start3A_153 = arith.constant 0 : i32
        %dma_start3A_154 = arith.constant 0 : i32
        %dma_start3A_155 = tpu.memref_slice %arg2[%add3A_31, %dma_start3A_153, %dma_start3A_154] : memref<12x10000x64xf32, #tpu.memory_space<hbm>> -> memref<1x10000x64xf32, #tpu.memory_space<hbm>>
        %dma_start3A_156 = tpu.memref_squeeze %dma_start3A_155 : memref<1x10000x64xf32, #tpu.memory_space<hbm>> -> memref<10000x64xf32, #tpu.memory_space<hbm>>
        %dma_start3A_157 = arith.constant 0 : i32
        %dma_start3A_158 = arith.constant 0 : i32
        %dma_start3A_159 = tpu.memref_slice %dma_start3A_156[%dma_start3A_157, %dma_start3A_158] : memref<10000x64xf32, #tpu.memory_space<hbm>> -> memref<10000x64xf32, #tpu.memory_space<hbm>>
        tpu.enqueue_indirect_dma source(%dma_start3A_159 : memref<10000x64xf32, #tpu.memory_space<hbm>>) target(%arg8 : memref<128x64xf32, #tpu.memory_space<vmem>>) offsets(%dma_start3A_152 : memref<128xi32, #tpu.memory_space<vmem>>) semaphore(%run_scoped3A : memref<!tpu.dma_semaphore, #tpu.memory_space<semaphore_mem>>)
        %dma_wait3A = arith.constant 0 : i32
        %dma_wait3A_160 = tpu.memref_slice %arg6[%scan3A_148, %dma_wait3A] : memref<157x128xi32, #tpu.memory_space<vmem>> -> memref<1x128xi32, #tpu.memory_space<vmem>>
        %dma_wait3A_161 = tpu.memref_squeeze %dma_wait3A_160 : memref<1x128xi32, #tpu.memory_space<vmem>> -> memref<128xi32, #tpu.memory_space<vmem>>
        %dma_wait3A_162 = arith.constant 0 : i32
        %dma_wait3A_163 = arith.constant 0 : i32
        %dma_wait3A_164 = tpu.memref_slice %arg2[%add3A_31, %dma_wait3A_162, %dma_wait3A_163] : memref<12x10000x64xf32, #tpu.memory_space<hbm>> -> memref<1x10000x64xf32, #tpu.memory_space<hbm>>
        %dma_wait3A_165 = tpu.memref_squeeze %dma_wait3A_164 : memref<1x10000x64xf32, #tpu.memory_space<hbm>> -> memref<10000x64xf32, #tpu.memory_space<hbm>>
        %dma_wait3A_166 = arith.constant 0 : i32
        %dma_wait3A_167 = arith.constant 0 : i32
        %dma_wait3A_168 = tpu.memref_slice %dma_wait3A_165[%dma_wait3A_166, %dma_wait3A_167] : memref<10000x64xf32, #tpu.memory_space<hbm>> -> memref<10000x64xf32, #tpu.memory_space<hbm>>
        tpu.wait_indirect_dma semaphore(%run_scoped3A : memref<!tpu.dma_semaphore, #tpu.memory_space<semaphore_mem>>) src(%dma_wait3A_168 : memref<10000x64xf32, #tpu.memory_space<hbm>>) dst(%arg8 : memref<128x64xf32, #tpu.memory_space<vmem>>)
        tpu.yield
      }) : () -> ()
      "tpu.region"() ({
        %run_scoped3A = tpu.sem_alloc : memref<!tpu.dma_semaphore, #tpu.memory_space<semaphore_mem>>
        %dma_start3A = arith.constant 0 : i32
        %dma_start3A_151 = tpu.memref_slice %arg7[%scan3A_148, %dma_start3A] : memref<157x128xi32, #tpu.memory_space<vmem>> -> memref<1x128xi32, #tpu.memory_space<vmem>>
        %dma_start3A_152 = tpu.memref_squeeze %dma_start3A_151 : memref<1x128xi32, #tpu.memory_space<vmem>> -> memref<128xi32, #tpu.memory_space<vmem>>
        %dma_start3A_153 = arith.constant 0 : i32
        %dma_start3A_154 = arith.constant 0 : i32
        %dma_start3A_155 = tpu.memref_slice %arg10[%dma_start3A_153, %dma_start3A_154] : memref<10016x64xf32, #tpu.memory_space<vmem_shared>> -> memref<10016x64xf32, #tpu.memory_space<vmem_shared>>
        tpu.enqueue_indirect_dma source(%arg8 : memref<128x64xf32, #tpu.memory_space<vmem>>) target(%dma_start3A_155 : memref<10016x64xf32, #tpu.memory_space<vmem_shared>>) offsets(%dma_start3A_152 : memref<128xi32, #tpu.memory_space<vmem>>) semaphore(%run_scoped3A : memref<!tpu.dma_semaphore, #tpu.memory_space<semaphore_mem>>) {add = true}
        %dma_wait3A = arith.constant 0 : i32
        %dma_wait3A_156 = tpu.memref_slice %arg7[%scan3A_148, %dma_wait3A] : memref<157x128xi32, #tpu.memory_space<vmem>> -> memref<1x128xi32, #tpu.memory_space<vmem>>
        %dma_wait3A_157 = tpu.memref_squeeze %dma_wait3A_156 : memref<1x128xi32, #tpu.memory_space<vmem>> -> memref<128xi32, #tpu.memory_space<vmem>>
        %dma_wait3A_158 = arith.constant 0 : i32
        %dma_wait3A_159 = arith.constant 0 : i32
        %dma_wait3A_160 = tpu.memref_slice %arg10[%dma_wait3A_158, %dma_wait3A_159] : memref<10016x64xf32, #tpu.memory_space<vmem_shared>> -> memref<10016x64xf32, #tpu.memory_space<vmem_shared>>
        tpu.wait_indirect_dma semaphore(%run_scoped3A : memref<!tpu.dma_semaphore, #tpu.memory_space<semaphore_mem>>) src(%arg8 : memref<128x64xf32, #tpu.memory_space<vmem>>) dst(%dma_wait3A_160 : memref<10016x64xf32, #tpu.memory_space<vmem_shared>>)
        tpu.yield
      }) : () -> ()
      %scan3A_150 = arith.constant 0 : i32
      scf.yield %scan3A_150 : i32
    }
    %scan3A_44 = arith.constant 157 : i32
    %barrier3A_45 = arith.constant 0 : index
    tpu.barrier barrier_id(%barrier3A_45)
    %lt3A_46 = arith.constant 10 : i32
    %lt3A_47 = arith.cmpi slt, %arg1, %lt3A_46 : i32
    %convert_element_type3A_48 = arith.extui %lt3A_47 : i1 to i32
    %cond3A_49 = arith.constant 0 : i32
    %cond3A_50 = arith.cmpi ne, %convert_element_type3A_48, %cond3A_49 : i32
    scf.if %cond3A_50 {
      "tpu.region"() ({
        %run_scoped3A = tpu.sem_alloc : memref<!tpu.dma_semaphore, #tpu.memory_space<semaphore_mem>>
        %dma_start3A = arith.constant 0 : i32
        %dma_start3A_148 = tpu.memref_slice %arg5[%add3A_31, %mul3A_0, %dma_start3A] : memref<12x10000x64xf32, #tpu.memory_space<hbm>> -> memref<1x1000x64xf32, #tpu.memory_space<hbm>>
        %dma_start3A_149 = tpu.memref_squeeze %dma_start3A_148 : memref<1x1000x64xf32, #tpu.memory_space<hbm>> -> memref<1000x64xf32, #tpu.memory_space<hbm>>
        %dma_start3A_150 = arith.constant 0 : i32
        %dma_start3A_151 = tpu.memref_slice %arg10[%mul3A_0, %dma_start3A_150] : memref<10016x64xf32, #tpu.memory_space<vmem_shared>> -> memref<1000x64xf32, #tpu.memory_space<vmem_shared>>
        tpu.enqueue_dma source(%dma_start3A_151 : memref<1000x64xf32, #tpu.memory_space<vmem_shared>>) target(%dma_start3A_149 : memref<1000x64xf32, #tpu.memory_space<hbm>>) target_semaphore(%run_scoped3A : memref<!tpu.dma_semaphore, #tpu.memory_space<semaphore_mem>>)
        %dma_wait3A = arith.constant 0 : i32
        %dma_wait3A_152 = tpu.memref_slice %arg5[%add3A_31, %mul3A_0, %dma_wait3A] : memref<12x10000x64xf32, #tpu.memory_space<hbm>> -> memref<1x1000x64xf32, #tpu.memory_space<hbm>>
        %dma_wait3A_153 = tpu.memref_squeeze %dma_wait3A_152 : memref<1x1000x64xf32, #tpu.memory_space<hbm>> -> memref<1000x64xf32, #tpu.memory_space<hbm>>
        %dma_wait3A_154 = arith.constant 0 : i32
        %dma_wait3A_155 = tpu.memref_slice %arg10[%mul3A_0, %dma_wait3A_154] : memref<10016x64xf32, #tpu.memory_space<vmem_shared>> -> memref<1000x64xf32, #tpu.memory_space<vmem_shared>>
        tpu.wait_dma2 semaphore(%run_scoped3A : memref<!tpu.dma_semaphore, #tpu.memory_space<semaphore_mem>>) src(%dma_wait3A_155 : memref<1000x64xf32, #tpu.memory_space<vmem_shared>>) dst(%dma_wait3A_153 : memref<1000x64xf32, #tpu.memory_space<hbm>>)
        tpu.yield
      }) : () -> ()
    } else {
    }
    %barrier3A_51 = arith.constant 0 : index
    tpu.barrier barrier_id(%barrier3A_51)
    %mul3A_52 = arith.constant 6 : i32
    %mul3A_53 = arith.muli %arg0, %mul3A_52 : i32
    %add3A_54 = arith.constant 2 : i32
    %add3A_55 = arith.addi %mul3A_53, %add3A_54 : i32
    %lt3A_56 = arith.constant 10 : i32
    %lt3A_57 = arith.cmpi slt, %arg1, %lt3A_56 : i32
    %convert_element_type3A_58 = arith.extui %lt3A_57 : i1 to i32
    %cond3A_59 = arith.constant 0 : i32
    %cond3A_60 = arith.cmpi ne, %convert_element_type3A_58, %cond3A_59 : i32
    scf.if %cond3A_60 {
      %add3A_148 = arith.constant 0 : i32
      %add3A_149 = arith.addi %mul3A_0, %add3A_148 : i32
      "tpu.region"() ({
        %run_scoped3A = tpu.sem_alloc : memref<!tpu.dma_semaphore, #tpu.memory_space<semaphore_mem>>
        %dma_start3A = arith.constant 0 : i32
        %dma_start3A_158 = tpu.memref_slice %arg10[%add3A_149, %dma_start3A] : memref<10016x64xf32, #tpu.memory_space<vmem_shared>> -> memref<200x64xf32, #tpu.memory_space<vmem_shared>>
        %dma_start3A_159 = arith.constant 0 : i32
        %dma_start3A_160 = tpu.memref_slice %arg10[%add3A_149, %dma_start3A_159] : memref<10016x64xf32, #tpu.memory_space<vmem_shared>> -> memref<200x64xf32, #tpu.memory_space<vmem_shared>>
        tpu.enqueue_dma source(%arg9 : memref<200x64xf32, #tpu.memory_space<vmem>>) target(%dma_start3A_160 : memref<200x64xf32, #tpu.memory_space<vmem_shared>>) target_semaphore(%run_scoped3A : memref<!tpu.dma_semaphore, #tpu.memory_space<semaphore_mem>>)
        %dma_wait3A = arith.constant 0 : i32
        %dma_wait3A_161 = tpu.memref_slice %arg10[%add3A_149, %dma_wait3A] : memref<10016x64xf32, #tpu.memory_space<vmem_shared>> -> memref<200x64xf32, #tpu.memory_space<vmem_shared>>
        %dma_wait3A_162 = arith.constant 0 : i32
        %dma_wait3A_163 = tpu.memref_slice %arg10[%add3A_149, %dma_wait3A_162] : memref<10016x64xf32, #tpu.memory_space<vmem_shared>> -> memref<200x64xf32, #tpu.memory_space<vmem_shared>>
        tpu.wait_dma2 semaphore(%run_scoped3A : memref<!tpu.dma_semaphore, #tpu.memory_space<semaphore_mem>>) src(%arg9 : memref<200x64xf32, #tpu.memory_space<vmem>>) dst(%dma_wait3A_163 : memref<200x64xf32, #tpu.memory_space<vmem_shared>>)
        tpu.yield
      }) : () -> ()
      %add3A_150 = arith.constant 200 : i32
      %add3A_151 = arith.addi %mul3A_0, %add3A_150 : i32
      "tpu.region"() ({
        %run_scoped3A = tpu.sem_alloc : memref<!tpu.dma_semaphore, #tpu.memory_space<semaphore_mem>>
        %dma_start3A = arith.constant 0 : i32
        %dma_start3A_158 = tpu.memref_slice %arg10[%add3A_151, %dma_start3A] : memref<10016x64xf32, #tpu.memory_space<vmem_shared>> -> memref<200x64xf32, #tpu.memory_space<vmem_shared>>
        %dma_start3A_159 = arith.constant 0 : i32
        %dma_start3A_160 = tpu.memref_slice %arg10[%add3A_151, %dma_start3A_159] : memref<10016x64xf32, #tpu.memory_space<vmem_shared>> -> memref<200x64xf32, #tpu.memory_space<vmem_shared>>
        tpu.enqueue_dma source(%arg9 : memref<200x64xf32, #tpu.memory_space<vmem>>) target(%dma_start3A_160 : memref<200x64xf32, #tpu.memory_space<vmem_shared>>) target_semaphore(%run_scoped3A : memref<!tpu.dma_semaphore, #tpu.memory_space<semaphore_mem>>)
        %dma_wait3A = arith.constant 0 : i32
        %dma_wait3A_161 = tpu.memref_slice %arg10[%add3A_151, %dma_wait3A] : memref<10016x64xf32, #tpu.memory_space<vmem_shared>> -> memref<200x64xf32, #tpu.memory_space<vmem_shared>>
        %dma_wait3A_162 = arith.constant 0 : i32
        %dma_wait3A_163 = tpu.memref_slice %arg10[%add3A_151, %dma_wait3A_162] : memref<10016x64xf32, #tpu.memory_space<vmem_shared>> -> memref<200x64xf32, #tpu.memory_space<vmem_shared>>
        tpu.wait_dma2 semaphore(%run_scoped3A : memref<!tpu.dma_semaphore, #tpu.memory_space<semaphore_mem>>) src(%arg9 : memref<200x64xf32, #tpu.memory_space<vmem>>) dst(%dma_wait3A_163 : memref<200x64xf32, #tpu.memory_space<vmem_shared>>)
        tpu.yield
      }) : () -> ()
      %add3A_152 = arith.constant 400 : i32
      %add3A_153 = arith.addi %mul3A_0, %add3A_152 : i32
      "tpu.region"() ({
        %run_scoped3A = tpu.sem_alloc : memref<!tpu.dma_semaphore, #tpu.memory_space<semaphore_mem>>
        %dma_start3A = arith.constant 0 : i32
        %dma_start3A_158 = tpu.memref_slice %arg10[%add3A_153, %dma_start3A] : memref<10016x64xf32, #tpu.memory_space<vmem_shared>> -> memref<200x64xf32, #tpu.memory_space<vmem_shared>>
        %dma_start3A_159 = arith.constant 0 : i32
        %dma_start3A_160 = tpu.memref_slice %arg10[%add3A_153, %dma_start3A_159] : memref<10016x64xf32, #tpu.memory_space<vmem_shared>> -> memref<200x64xf32, #tpu.memory_space<vmem_shared>>
        tpu.enqueue_dma source(%arg9 : memref<200x64xf32, #tpu.memory_space<vmem>>) target(%dma_start3A_160 : memref<200x64xf32, #tpu.memory_space<vmem_shared>>) target_semaphore(%run_scoped3A : memref<!tpu.dma_semaphore, #tpu.memory_space<semaphore_mem>>)
        %dma_wait3A = arith.constant 0 : i32
        %dma_wait3A_161 = tpu.memref_slice %arg10[%add3A_153, %dma_wait3A] : memref<10016x64xf32, #tpu.memory_space<vmem_shared>> -> memref<200x64xf32, #tpu.memory_space<vmem_shared>>
        %dma_wait3A_162 = arith.constant 0 : i32
        %dma_wait3A_163 = tpu.memref_slice %arg10[%add3A_153, %dma_wait3A_162] : memref<10016x64xf32, #tpu.memory_space<vmem_shared>> -> memref<200x64xf32, #tpu.memory_space<vmem_shared>>
        tpu.wait_dma2 semaphore(%run_scoped3A : memref<!tpu.dma_semaphore, #tpu.memory_space<semaphore_mem>>) src(%arg9 : memref<200x64xf32, #tpu.memory_space<vmem>>) dst(%dma_wait3A_163 : memref<200x64xf32, #tpu.memory_space<vmem_shared>>)
        tpu.yield
      }) : () -> ()
      %add3A_154 = arith.constant 600 : i32
      %add3A_155 = arith.addi %mul3A_0, %add3A_154 : i32
      "tpu.region"() ({
        %run_scoped3A = tpu.sem_alloc : memref<!tpu.dma_semaphore, #tpu.memory_space<semaphore_mem>>
        %dma_start3A = arith.constant 0 : i32
        %dma_start3A_158 = tpu.memref_slice %arg10[%add3A_155, %dma_start3A] : memref<10016x64xf32, #tpu.memory_space<vmem_shared>> -> memref<200x64xf32, #tpu.memory_space<vmem_shared>>
        %dma_start3A_159 = arith.constant 0 : i32
        %dma_start3A_160 = tpu.memref_slice %arg10[%add3A_155, %dma_start3A_159] : memref<10016x64xf32, #tpu.memory_space<vmem_shared>> -> memref<200x64xf32, #tpu.memory_space<vmem_shared>>
        tpu.enqueue_dma source(%arg9 : memref<200x64xf32, #tpu.memory_space<vmem>>) target(%dma_start3A_160 : memref<200x64xf32, #tpu.memory_space<vmem_shared>>) target_semaphore(%run_scoped3A : memref<!tpu.dma_semaphore, #tpu.memory_space<semaphore_mem>>)
        %dma_wait3A = arith.constant 0 : i32
        %dma_wait3A_161 = tpu.memref_slice %arg10[%add3A_155, %dma_wait3A] : memref<10016x64xf32, #tpu.memory_space<vmem_shared>> -> memref<200x64xf32, #tpu.memory_space<vmem_shared>>
        %dma_wait3A_162 = arith.constant 0 : i32
        %dma_wait3A_163 = tpu.memref_slice %arg10[%add3A_155, %dma_wait3A_162] : memref<10016x64xf32, #tpu.memory_space<vmem_shared>> -> memref<200x64xf32, #tpu.memory_space<vmem_shared>>
        tpu.wait_dma2 semaphore(%run_scoped3A : memref<!tpu.dma_semaphore, #tpu.memory_space<semaphore_mem>>) src(%arg9 : memref<200x64xf32, #tpu.memory_space<vmem>>) dst(%dma_wait3A_163 : memref<200x64xf32, #tpu.memory_space<vmem_shared>>)
        tpu.yield
      }) : () -> ()
      %add3A_156 = arith.constant 800 : i32
      %add3A_157 = arith.addi %mul3A_0, %add3A_156 : i32
      "tpu.region"() ({
        %run_scoped3A = tpu.sem_alloc : memref<!tpu.dma_semaphore, #tpu.memory_space<semaphore_mem>>
        %dma_start3A = arith.constant 0 : i32
        %dma_start3A_158 = tpu.memref_slice %arg10[%add3A_157, %dma_start3A] : memref<10016x64xf32, #tpu.memory_space<vmem_shared>> -> memref<200x64xf32, #tpu.memory_space<vmem_shared>>
        %dma_start3A_159 = arith.constant 0 : i32
        %dma_start3A_160 = tpu.memref_slice %arg10[%add3A_157, %dma_start3A_159] : memref<10016x64xf32, #tpu.memory_space<vmem_shared>> -> memref<200x64xf32, #tpu.memory_space<vmem_shared>>
        tpu.enqueue_dma source(%arg9 : memref<200x64xf32, #tpu.memory_space<vmem>>) target(%dma_start3A_160 : memref<200x64xf32, #tpu.memory_space<vmem_shared>>) target_semaphore(%run_scoped3A : memref<!tpu.dma_semaphore, #tpu.memory_space<semaphore_mem>>)
        %dma_wait3A = arith.constant 0 : i32
        %dma_wait3A_161 = tpu.memref_slice %arg10[%add3A_157, %dma_wait3A] : memref<10016x64xf32, #tpu.memory_space<vmem_shared>> -> memref<200x64xf32, #tpu.memory_space<vmem_shared>>
        %dma_wait3A_162 = arith.constant 0 : i32
        %dma_wait3A_163 = tpu.memref_slice %arg10[%add3A_157, %dma_wait3A_162] : memref<10016x64xf32, #tpu.memory_space<vmem_shared>> -> memref<200x64xf32, #tpu.memory_space<vmem_shared>>
        tpu.wait_dma2 semaphore(%run_scoped3A : memref<!tpu.dma_semaphore, #tpu.memory_space<semaphore_mem>>) src(%arg9 : memref<200x64xf32, #tpu.memory_space<vmem>>) dst(%dma_wait3A_163 : memref<200x64xf32, #tpu.memory_space<vmem_shared>>)
        tpu.yield
      }) : () -> ()
    } else {
    }
    %barrier3A_61 = arith.constant 0 : index
    tpu.barrier barrier_id(%barrier3A_61)
    %scan3A_62 = arith.constant 0 : i32
    %scan3A_63 = arith.constant 0 : i32
    %scan3A_64 = arith.constant 157 : i32
    %scan3A_65 = arith.addi %scan3A_63, %scan3A_64 : i32
    %scan3A_66 = arith.constant 1 : i32
    %scan3A_67 = scf.for %scan3A_148 = %scan3A_63 to %scan3A_65 step %scan3A_66 iter_args(%scan3A_149 = %scan3A_62) -> (i32)  : i32 {
      "tpu.region"() ({
        %run_scoped3A = tpu.sem_alloc : memref<!tpu.dma_semaphore, #tpu.memory_space<semaphore_mem>>
        %dma_start3A = arith.constant 0 : i32
        %dma_start3A_151 = tpu.memref_slice %arg6[%scan3A_148, %dma_start3A] : memref<157x128xi32, #tpu.memory_space<vmem>> -> memref<1x128xi32, #tpu.memory_space<vmem>>
        %dma_start3A_152 = tpu.memref_squeeze %dma_start3A_151 : memref<1x128xi32, #tpu.memory_space<vmem>> -> memref<128xi32, #tpu.memory_space<vmem>>
        %dma_start3A_153 = arith.constant 0 : i32
        %dma_start3A_154 = arith.constant 0 : i32
        %dma_start3A_155 = tpu.memref_slice %arg2[%add3A_55, %dma_start3A_153, %dma_start3A_154] : memref<12x10000x64xf32, #tpu.memory_space<hbm>> -> memref<1x10000x64xf32, #tpu.memory_space<hbm>>
        %dma_start3A_156 = tpu.memref_squeeze %dma_start3A_155 : memref<1x10000x64xf32, #tpu.memory_space<hbm>> -> memref<10000x64xf32, #tpu.memory_space<hbm>>
        %dma_start3A_157 = arith.constant 0 : i32
        %dma_start3A_158 = arith.constant 0 : i32
        %dma_start3A_159 = tpu.memref_slice %dma_start3A_156[%dma_start3A_157, %dma_start3A_158] : memref<10000x64xf32, #tpu.memory_space<hbm>> -> memref<10000x64xf32, #tpu.memory_space<hbm>>
        tpu.enqueue_indirect_dma source(%dma_start3A_159 : memref<10000x64xf32, #tpu.memory_space<hbm>>) target(%arg8 : memref<128x64xf32, #tpu.memory_space<vmem>>) offsets(%dma_start3A_152 : memref<128xi32, #tpu.memory_space<vmem>>) semaphore(%run_scoped3A : memref<!tpu.dma_semaphore, #tpu.memory_space<semaphore_mem>>)
        %dma_wait3A = arith.constant 0 : i32
        %dma_wait3A_160 = tpu.memref_slice %arg6[%scan3A_148, %dma_wait3A] : memref<157x128xi32, #tpu.memory_space<vmem>> -> memref<1x128xi32, #tpu.memory_space<vmem>>
        %dma_wait3A_161 = tpu.memref_squeeze %dma_wait3A_160 : memref<1x128xi32, #tpu.memory_space<vmem>> -> memref<128xi32, #tpu.memory_space<vmem>>
        %dma_wait3A_162 = arith.constant 0 : i32
        %dma_wait3A_163 = arith.constant 0 : i32
        %dma_wait3A_164 = tpu.memref_slice %arg2[%add3A_55, %dma_wait3A_162, %dma_wait3A_163] : memref<12x10000x64xf32, #tpu.memory_space<hbm>> -> memref<1x10000x64xf32, #tpu.memory_space<hbm>>
        %dma_wait3A_165 = tpu.memref_squeeze %dma_wait3A_164 : memref<1x10000x64xf32, #tpu.memory_space<hbm>> -> memref<10000x64xf32, #tpu.memory_space<hbm>>
        %dma_wait3A_166 = arith.constant 0 : i32
        %dma_wait3A_167 = arith.constant 0 : i32
        %dma_wait3A_168 = tpu.memref_slice %dma_wait3A_165[%dma_wait3A_166, %dma_wait3A_167] : memref<10000x64xf32, #tpu.memory_space<hbm>> -> memref<10000x64xf32, #tpu.memory_space<hbm>>
        tpu.wait_indirect_dma semaphore(%run_scoped3A : memref<!tpu.dma_semaphore, #tpu.memory_space<semaphore_mem>>) src(%dma_wait3A_168 : memref<10000x64xf32, #tpu.memory_space<hbm>>) dst(%arg8 : memref<128x64xf32, #tpu.memory_space<vmem>>)
        tpu.yield
      }) : () -> ()
      "tpu.region"() ({
        %run_scoped3A = tpu.sem_alloc : memref<!tpu.dma_semaphore, #tpu.memory_space<semaphore_mem>>
        %dma_start3A = arith.constant 0 : i32
        %dma_start3A_151 = tpu.memref_slice %arg7[%scan3A_148, %dma_start3A] : memref<157x128xi32, #tpu.memory_space<vmem>> -> memref<1x128xi32, #tpu.memory_space<vmem>>
        %dma_start3A_152 = tpu.memref_squeeze %dma_start3A_151 : memref<1x128xi32, #tpu.memory_space<vmem>> -> memref<128xi32, #tpu.memory_space<vmem>>
        %dma_start3A_153 = arith.constant 0 : i32
        %dma_start3A_154 = arith.constant 0 : i32
        %dma_start3A_155 = tpu.memref_slice %arg10[%dma_start3A_153, %dma_start3A_154] : memref<10016x64xf32, #tpu.memory_space<vmem_shared>> -> memref<10016x64xf32, #tpu.memory_space<vmem_shared>>
        tpu.enqueue_indirect_dma source(%arg8 : memref<128x64xf32, #tpu.memory_space<vmem>>) target(%dma_start3A_155 : memref<10016x64xf32, #tpu.memory_space<vmem_shared>>) offsets(%dma_start3A_152 : memref<128xi32, #tpu.memory_space<vmem>>) semaphore(%run_scoped3A : memref<!tpu.dma_semaphore, #tpu.memory_space<semaphore_mem>>) {add = true}
        %dma_wait3A = arith.constant 0 : i32
        %dma_wait3A_156 = tpu.memref_slice %arg7[%scan3A_148, %dma_wait3A] : memref<157x128xi32, #tpu.memory_space<vmem>> -> memref<1x128xi32, #tpu.memory_space<vmem>>
        %dma_wait3A_157 = tpu.memref_squeeze %dma_wait3A_156 : memref<1x128xi32, #tpu.memory_space<vmem>> -> memref<128xi32, #tpu.memory_space<vmem>>
        %dma_wait3A_158 = arith.constant 0 : i32
        %dma_wait3A_159 = arith.constant 0 : i32
        %dma_wait3A_160 = tpu.memref_slice %arg10[%dma_wait3A_158, %dma_wait3A_159] : memref<10016x64xf32, #tpu.memory_space<vmem_shared>> -> memref<10016x64xf32, #tpu.memory_space<vmem_shared>>
        tpu.wait_indirect_dma semaphore(%run_scoped3A : memref<!tpu.dma_semaphore, #tpu.memory_space<semaphore_mem>>) src(%arg8 : memref<128x64xf32, #tpu.memory_space<vmem>>) dst(%dma_wait3A_160 : memref<10016x64xf32, #tpu.memory_space<vmem_shared>>)
        tpu.yield
      }) : () -> ()
      %scan3A_150 = arith.constant 0 : i32
      scf.yield %scan3A_150 : i32
    }
    %scan3A_68 = arith.constant 157 : i32
    %barrier3A_69 = arith.constant 0 : index
    tpu.barrier barrier_id(%barrier3A_69)
    %lt3A_70 = arith.constant 10 : i32
    %lt3A_71 = arith.cmpi slt, %arg1, %lt3A_70 : i32
    %convert_element_type3A_72 = arith.extui %lt3A_71 : i1 to i32
    %cond3A_73 = arith.constant 0 : i32
    %cond3A_74 = arith.cmpi ne, %convert_element_type3A_72, %cond3A_73 : i32
    scf.if %cond3A_74 {
      "tpu.region"() ({
        %run_scoped3A = tpu.sem_alloc : memref<!tpu.dma_semaphore, #tpu.memory_space<semaphore_mem>>
        %dma_start3A = arith.constant 0 : i32
        %dma_start3A_148 = tpu.memref_slice %arg5[%add3A_55, %mul3A_0, %dma_start3A] : memref<12x10000x64xf32, #tpu.memory_space<hbm>> -> memref<1x1000x64xf32, #tpu.memory_space<hbm>>
        %dma_start3A_149 = tpu.memref_squeeze %dma_start3A_148 : memref<1x1000x64xf32, #tpu.memory_space<hbm>> -> memref<1000x64xf32, #tpu.memory_space<hbm>>
        %dma_start3A_150 = arith.constant 0 : i32
        %dma_start3A_151 = tpu.memref_slice %arg10[%mul3A_0, %dma_start3A_150] : memref<10016x64xf32, #tpu.memory_space<vmem_shared>> -> memref<1000x64xf32, #tpu.memory_space<vmem_shared>>
        tpu.enqueue_dma source(%dma_start3A_151 : memref<1000x64xf32, #tpu.memory_space<vmem_shared>>) target(%dma_start3A_149 : memref<1000x64xf32, #tpu.memory_space<hbm>>) target_semaphore(%run_scoped3A : memref<!tpu.dma_semaphore, #tpu.memory_space<semaphore_mem>>)
        %dma_wait3A = arith.constant 0 : i32
        %dma_wait3A_152 = tpu.memref_slice %arg5[%add3A_55, %mul3A_0, %dma_wait3A] : memref<12x10000x64xf32, #tpu.memory_space<hbm>> -> memref<1x1000x64xf32, #tpu.memory_space<hbm>>
        %dma_wait3A_153 = tpu.memref_squeeze %dma_wait3A_152 : memref<1x1000x64xf32, #tpu.memory_space<hbm>> -> memref<1000x64xf32, #tpu.memory_space<hbm>>
        %dma_wait3A_154 = arith.constant 0 : i32
        %dma_wait3A_155 = tpu.memref_slice %arg10[%mul3A_0, %dma_wait3A_154] : memref<10016x64xf32, #tpu.memory_space<vmem_shared>> -> memref<1000x64xf32, #tpu.memory_space<vmem_shared>>
        tpu.wait_dma2 semaphore(%run_scoped3A : memref<!tpu.dma_semaphore, #tpu.memory_space<semaphore_mem>>) src(%dma_wait3A_155 : memref<1000x64xf32, #tpu.memory_space<vmem_shared>>) dst(%dma_wait3A_153 : memref<1000x64xf32, #tpu.memory_space<hbm>>)
        tpu.yield
      }) : () -> ()
    } else {
    }
    %barrier3A_75 = arith.constant 0 : index
    tpu.barrier barrier_id(%barrier3A_75)
    %mul3A_76 = arith.constant 6 : i32
    %mul3A_77 = arith.muli %arg0, %mul3A_76 : i32
    %add3A_78 = arith.constant 3 : i32
    %add3A_79 = arith.addi %mul3A_77, %add3A_78 : i32
    %lt3A_80 = arith.constant 10 : i32
    %lt3A_81 = arith.cmpi slt, %arg1, %lt3A_80 : i32
    %convert_element_type3A_82 = arith.extui %lt3A_81 : i1 to i32
    %cond3A_83 = arith.constant 0 : i32
    %cond3A_84 = arith.cmpi ne, %convert_element_type3A_82, %cond3A_83 : i32
    scf.if %cond3A_84 {
      %add3A_148 = arith.constant 0 : i32
      %add3A_149 = arith.addi %mul3A_0, %add3A_148 : i32
      "tpu.region"() ({
        %run_scoped3A = tpu.sem_alloc : memref<!tpu.dma_semaphore, #tpu.memory_space<semaphore_mem>>
        %dma_start3A = arith.constant 0 : i32
        %dma_start3A_158 = tpu.memref_slice %arg10[%add3A_149, %dma_start3A] : memref<10016x64xf32, #tpu.memory_space<vmem_shared>> -> memref<200x64xf32, #tpu.memory_space<vmem_shared>>
        %dma_start3A_159 = arith.constant 0 : i32
        %dma_start3A_160 = tpu.memref_slice %arg10[%add3A_149, %dma_start3A_159] : memref<10016x64xf32, #tpu.memory_space<vmem_shared>> -> memref<200x64xf32, #tpu.memory_space<vmem_shared>>
        tpu.enqueue_dma source(%arg9 : memref<200x64xf32, #tpu.memory_space<vmem>>) target(%dma_start3A_160 : memref<200x64xf32, #tpu.memory_space<vmem_shared>>) target_semaphore(%run_scoped3A : memref<!tpu.dma_semaphore, #tpu.memory_space<semaphore_mem>>)
        %dma_wait3A = arith.constant 0 : i32
        %dma_wait3A_161 = tpu.memref_slice %arg10[%add3A_149, %dma_wait3A] : memref<10016x64xf32, #tpu.memory_space<vmem_shared>> -> memref<200x64xf32, #tpu.memory_space<vmem_shared>>
        %dma_wait3A_162 = arith.constant 0 : i32
        %dma_wait3A_163 = tpu.memref_slice %arg10[%add3A_149, %dma_wait3A_162] : memref<10016x64xf32, #tpu.memory_space<vmem_shared>> -> memref<200x64xf32, #tpu.memory_space<vmem_shared>>
        tpu.wait_dma2 semaphore(%run_scoped3A : memref<!tpu.dma_semaphore, #tpu.memory_space<semaphore_mem>>) src(%arg9 : memref<200x64xf32, #tpu.memory_space<vmem>>) dst(%dma_wait3A_163 : memref<200x64xf32, #tpu.memory_space<vmem_shared>>)
        tpu.yield
      }) : () -> ()
      %add3A_150 = arith.constant 200 : i32
      %add3A_151 = arith.addi %mul3A_0, %add3A_150 : i32
      "tpu.region"() ({
        %run_scoped3A = tpu.sem_alloc : memref<!tpu.dma_semaphore, #tpu.memory_space<semaphore_mem>>
        %dma_start3A = arith.constant 0 : i32
        %dma_start3A_158 = tpu.memref_slice %arg10[%add3A_151, %dma_start3A] : memref<10016x64xf32, #tpu.memory_space<vmem_shared>> -> memref<200x64xf32, #tpu.memory_space<vmem_shared>>
        %dma_start3A_159 = arith.constant 0 : i32
        %dma_start3A_160 = tpu.memref_slice %arg10[%add3A_151, %dma_start3A_159] : memref<10016x64xf32, #tpu.memory_space<vmem_shared>> -> memref<200x64xf32, #tpu.memory_space<vmem_shared>>
        tpu.enqueue_dma source(%arg9 : memref<200x64xf32, #tpu.memory_space<vmem>>) target(%dma_start3A_160 : memref<200x64xf32, #tpu.memory_space<vmem_shared>>) target_semaphore(%run_scoped3A : memref<!tpu.dma_semaphore, #tpu.memory_space<semaphore_mem>>)
        %dma_wait3A = arith.constant 0 : i32
        %dma_wait3A_161 = tpu.memref_slice %arg10[%add3A_151, %dma_wait3A] : memref<10016x64xf32, #tpu.memory_space<vmem_shared>> -> memref<200x64xf32, #tpu.memory_space<vmem_shared>>
        %dma_wait3A_162 = arith.constant 0 : i32
        %dma_wait3A_163 = tpu.memref_slice %arg10[%add3A_151, %dma_wait3A_162] : memref<10016x64xf32, #tpu.memory_space<vmem_shared>> -> memref<200x64xf32, #tpu.memory_space<vmem_shared>>
        tpu.wait_dma2 semaphore(%run_scoped3A : memref<!tpu.dma_semaphore, #tpu.memory_space<semaphore_mem>>) src(%arg9 : memref<200x64xf32, #tpu.memory_space<vmem>>) dst(%dma_wait3A_163 : memref<200x64xf32, #tpu.memory_space<vmem_shared>>)
        tpu.yield
      }) : () -> ()
      %add3A_152 = arith.constant 400 : i32
      %add3A_153 = arith.addi %mul3A_0, %add3A_152 : i32
      "tpu.region"() ({
        %run_scoped3A = tpu.sem_alloc : memref<!tpu.dma_semaphore, #tpu.memory_space<semaphore_mem>>
        %dma_start3A = arith.constant 0 : i32
        %dma_start3A_158 = tpu.memref_slice %arg10[%add3A_153, %dma_start3A] : memref<10016x64xf32, #tpu.memory_space<vmem_shared>> -> memref<200x64xf32, #tpu.memory_space<vmem_shared>>
        %dma_start3A_159 = arith.constant 0 : i32
        %dma_start3A_160 = tpu.memref_slice %arg10[%add3A_153, %dma_start3A_159] : memref<10016x64xf32, #tpu.memory_space<vmem_shared>> -> memref<200x64xf32, #tpu.memory_space<vmem_shared>>
        tpu.enqueue_dma source(%arg9 : memref<200x64xf32, #tpu.memory_space<vmem>>) target(%dma_start3A_160 : memref<200x64xf32, #tpu.memory_space<vmem_shared>>) target_semaphore(%run_scoped3A : memref<!tpu.dma_semaphore, #tpu.memory_space<semaphore_mem>>)
        %dma_wait3A = arith.constant 0 : i32
        %dma_wait3A_161 = tpu.memref_slice %arg10[%add3A_153, %dma_wait3A] : memref<10016x64xf32, #tpu.memory_space<vmem_shared>> -> memref<200x64xf32, #tpu.memory_space<vmem_shared>>
        %dma_wait3A_162 = arith.constant 0 : i32
        %dma_wait3A_163 = tpu.memref_slice %arg10[%add3A_153, %dma_wait3A_162] : memref<10016x64xf32, #tpu.memory_space<vmem_shared>> -> memref<200x64xf32, #tpu.memory_space<vmem_shared>>
        tpu.wait_dma2 semaphore(%run_scoped3A : memref<!tpu.dma_semaphore, #tpu.memory_space<semaphore_mem>>) src(%arg9 : memref<200x64xf32, #tpu.memory_space<vmem>>) dst(%dma_wait3A_163 : memref<200x64xf32, #tpu.memory_space<vmem_shared>>)
        tpu.yield
      }) : () -> ()
      %add3A_154 = arith.constant 600 : i32
      %add3A_155 = arith.addi %mul3A_0, %add3A_154 : i32
      "tpu.region"() ({
        %run_scoped3A = tpu.sem_alloc : memref<!tpu.dma_semaphore, #tpu.memory_space<semaphore_mem>>
        %dma_start3A = arith.constant 0 : i32
        %dma_start3A_158 = tpu.memref_slice %arg10[%add3A_155, %dma_start3A] : memref<10016x64xf32, #tpu.memory_space<vmem_shared>> -> memref<200x64xf32, #tpu.memory_space<vmem_shared>>
        %dma_start3A_159 = arith.constant 0 : i32
        %dma_start3A_160 = tpu.memref_slice %arg10[%add3A_155, %dma_start3A_159] : memref<10016x64xf32, #tpu.memory_space<vmem_shared>> -> memref<200x64xf32, #tpu.memory_space<vmem_shared>>
        tpu.enqueue_dma source(%arg9 : memref<200x64xf32, #tpu.memory_space<vmem>>) target(%dma_start3A_160 : memref<200x64xf32, #tpu.memory_space<vmem_shared>>) target_semaphore(%run_scoped3A : memref<!tpu.dma_semaphore, #tpu.memory_space<semaphore_mem>>)
        %dma_wait3A = arith.constant 0 : i32
        %dma_wait3A_161 = tpu.memref_slice %arg10[%add3A_155, %dma_wait3A] : memref<10016x64xf32, #tpu.memory_space<vmem_shared>> -> memref<200x64xf32, #tpu.memory_space<vmem_shared>>
        %dma_wait3A_162 = arith.constant 0 : i32
        %dma_wait3A_163 = tpu.memref_slice %arg10[%add3A_155, %dma_wait3A_162] : memref<10016x64xf32, #tpu.memory_space<vmem_shared>> -> memref<200x64xf32, #tpu.memory_space<vmem_shared>>
        tpu.wait_dma2 semaphore(%run_scoped3A : memref<!tpu.dma_semaphore, #tpu.memory_space<semaphore_mem>>) src(%arg9 : memref<200x64xf32, #tpu.memory_space<vmem>>) dst(%dma_wait3A_163 : memref<200x64xf32, #tpu.memory_space<vmem_shared>>)
        tpu.yield
      }) : () -> ()
      %add3A_156 = arith.constant 800 : i32
      %add3A_157 = arith.addi %mul3A_0, %add3A_156 : i32
      "tpu.region"() ({
        %run_scoped3A = tpu.sem_alloc : memref<!tpu.dma_semaphore, #tpu.memory_space<semaphore_mem>>
        %dma_start3A = arith.constant 0 : i32
        %dma_start3A_158 = tpu.memref_slice %arg10[%add3A_157, %dma_start3A] : memref<10016x64xf32, #tpu.memory_space<vmem_shared>> -> memref<200x64xf32, #tpu.memory_space<vmem_shared>>
        %dma_start3A_159 = arith.constant 0 : i32
        %dma_start3A_160 = tpu.memref_slice %arg10[%add3A_157, %dma_start3A_159] : memref<10016x64xf32, #tpu.memory_space<vmem_shared>> -> memref<200x64xf32, #tpu.memory_space<vmem_shared>>
        tpu.enqueue_dma source(%arg9 : memref<200x64xf32, #tpu.memory_space<vmem>>) target(%dma_start3A_160 : memref<200x64xf32, #tpu.memory_space<vmem_shared>>) target_semaphore(%run_scoped3A : memref<!tpu.dma_semaphore, #tpu.memory_space<semaphore_mem>>)
        %dma_wait3A = arith.constant 0 : i32
        %dma_wait3A_161 = tpu.memref_slice %arg10[%add3A_157, %dma_wait3A] : memref<10016x64xf32, #tpu.memory_space<vmem_shared>> -> memref<200x64xf32, #tpu.memory_space<vmem_shared>>
        %dma_wait3A_162 = arith.constant 0 : i32
        %dma_wait3A_163 = tpu.memref_slice %arg10[%add3A_157, %dma_wait3A_162] : memref<10016x64xf32, #tpu.memory_space<vmem_shared>> -> memref<200x64xf32, #tpu.memory_space<vmem_shared>>
        tpu.wait_dma2 semaphore(%run_scoped3A : memref<!tpu.dma_semaphore, #tpu.memory_space<semaphore_mem>>) src(%arg9 : memref<200x64xf32, #tpu.memory_space<vmem>>) dst(%dma_wait3A_163 : memref<200x64xf32, #tpu.memory_space<vmem_shared>>)
        tpu.yield
      }) : () -> ()
    } else {
    }
    %barrier3A_85 = arith.constant 0 : index
    tpu.barrier barrier_id(%barrier3A_85)
    %scan3A_86 = arith.constant 0 : i32
    %scan3A_87 = arith.constant 0 : i32
    %scan3A_88 = arith.constant 157 : i32
    %scan3A_89 = arith.addi %scan3A_87, %scan3A_88 : i32
    %scan3A_90 = arith.constant 1 : i32
    %scan3A_91 = scf.for %scan3A_148 = %scan3A_87 to %scan3A_89 step %scan3A_90 iter_args(%scan3A_149 = %scan3A_86) -> (i32)  : i32 {
      "tpu.region"() ({
        %run_scoped3A = tpu.sem_alloc : memref<!tpu.dma_semaphore, #tpu.memory_space<semaphore_mem>>
        %dma_start3A = arith.constant 0 : i32
        %dma_start3A_151 = tpu.memref_slice %arg6[%scan3A_148, %dma_start3A] : memref<157x128xi32, #tpu.memory_space<vmem>> -> memref<1x128xi32, #tpu.memory_space<vmem>>
        %dma_start3A_152 = tpu.memref_squeeze %dma_start3A_151 : memref<1x128xi32, #tpu.memory_space<vmem>> -> memref<128xi32, #tpu.memory_space<vmem>>
        %dma_start3A_153 = arith.constant 0 : i32
        %dma_start3A_154 = arith.constant 0 : i32
        %dma_start3A_155 = tpu.memref_slice %arg2[%add3A_79, %dma_start3A_153, %dma_start3A_154] : memref<12x10000x64xf32, #tpu.memory_space<hbm>> -> memref<1x10000x64xf32, #tpu.memory_space<hbm>>
        %dma_start3A_156 = tpu.memref_squeeze %dma_start3A_155 : memref<1x10000x64xf32, #tpu.memory_space<hbm>> -> memref<10000x64xf32, #tpu.memory_space<hbm>>
        %dma_start3A_157 = arith.constant 0 : i32
        %dma_start3A_158 = arith.constant 0 : i32
        %dma_start3A_159 = tpu.memref_slice %dma_start3A_156[%dma_start3A_157, %dma_start3A_158] : memref<10000x64xf32, #tpu.memory_space<hbm>> -> memref<10000x64xf32, #tpu.memory_space<hbm>>
        tpu.enqueue_indirect_dma source(%dma_start3A_159 : memref<10000x64xf32, #tpu.memory_space<hbm>>) target(%arg8 : memref<128x64xf32, #tpu.memory_space<vmem>>) offsets(%dma_start3A_152 : memref<128xi32, #tpu.memory_space<vmem>>) semaphore(%run_scoped3A : memref<!tpu.dma_semaphore, #tpu.memory_space<semaphore_mem>>)
        %dma_wait3A = arith.constant 0 : i32
        %dma_wait3A_160 = tpu.memref_slice %arg6[%scan3A_148, %dma_wait3A] : memref<157x128xi32, #tpu.memory_space<vmem>> -> memref<1x128xi32, #tpu.memory_space<vmem>>
        %dma_wait3A_161 = tpu.memref_squeeze %dma_wait3A_160 : memref<1x128xi32, #tpu.memory_space<vmem>> -> memref<128xi32, #tpu.memory_space<vmem>>
        %dma_wait3A_162 = arith.constant 0 : i32
        %dma_wait3A_163 = arith.constant 0 : i32
        %dma_wait3A_164 = tpu.memref_slice %arg2[%add3A_79, %dma_wait3A_162, %dma_wait3A_163] : memref<12x10000x64xf32, #tpu.memory_space<hbm>> -> memref<1x10000x64xf32, #tpu.memory_space<hbm>>
        %dma_wait3A_165 = tpu.memref_squeeze %dma_wait3A_164 : memref<1x10000x64xf32, #tpu.memory_space<hbm>> -> memref<10000x64xf32, #tpu.memory_space<hbm>>
        %dma_wait3A_166 = arith.constant 0 : i32
        %dma_wait3A_167 = arith.constant 0 : i32
        %dma_wait3A_168 = tpu.memref_slice %dma_wait3A_165[%dma_wait3A_166, %dma_wait3A_167] : memref<10000x64xf32, #tpu.memory_space<hbm>> -> memref<10000x64xf32, #tpu.memory_space<hbm>>
        tpu.wait_indirect_dma semaphore(%run_scoped3A : memref<!tpu.dma_semaphore, #tpu.memory_space<semaphore_mem>>) src(%dma_wait3A_168 : memref<10000x64xf32, #tpu.memory_space<hbm>>) dst(%arg8 : memref<128x64xf32, #tpu.memory_space<vmem>>)
        tpu.yield
      }) : () -> ()
      "tpu.region"() ({
        %run_scoped3A = tpu.sem_alloc : memref<!tpu.dma_semaphore, #tpu.memory_space<semaphore_mem>>
        %dma_start3A = arith.constant 0 : i32
        %dma_start3A_151 = tpu.memref_slice %arg7[%scan3A_148, %dma_start3A] : memref<157x128xi32, #tpu.memory_space<vmem>> -> memref<1x128xi32, #tpu.memory_space<vmem>>
        %dma_start3A_152 = tpu.memref_squeeze %dma_start3A_151 : memref<1x128xi32, #tpu.memory_space<vmem>> -> memref<128xi32, #tpu.memory_space<vmem>>
        %dma_start3A_153 = arith.constant 0 : i32
        %dma_start3A_154 = arith.constant 0 : i32
        %dma_start3A_155 = tpu.memref_slice %arg10[%dma_start3A_153, %dma_start3A_154] : memref<10016x64xf32, #tpu.memory_space<vmem_shared>> -> memref<10016x64xf32, #tpu.memory_space<vmem_shared>>
        tpu.enqueue_indirect_dma source(%arg8 : memref<128x64xf32, #tpu.memory_space<vmem>>) target(%dma_start3A_155 : memref<10016x64xf32, #tpu.memory_space<vmem_shared>>) offsets(%dma_start3A_152 : memref<128xi32, #tpu.memory_space<vmem>>) semaphore(%run_scoped3A : memref<!tpu.dma_semaphore, #tpu.memory_space<semaphore_mem>>) {add = true}
        %dma_wait3A = arith.constant 0 : i32
        %dma_wait3A_156 = tpu.memref_slice %arg7[%scan3A_148, %dma_wait3A] : memref<157x128xi32, #tpu.memory_space<vmem>> -> memref<1x128xi32, #tpu.memory_space<vmem>>
        %dma_wait3A_157 = tpu.memref_squeeze %dma_wait3A_156 : memref<1x128xi32, #tpu.memory_space<vmem>> -> memref<128xi32, #tpu.memory_space<vmem>>
        %dma_wait3A_158 = arith.constant 0 : i32
        %dma_wait3A_159 = arith.constant 0 : i32
        %dma_wait3A_160 = tpu.memref_slice %arg10[%dma_wait3A_158, %dma_wait3A_159] : memref<10016x64xf32, #tpu.memory_space<vmem_shared>> -> memref<10016x64xf32, #tpu.memory_space<vmem_shared>>
        tpu.wait_indirect_dma semaphore(%run_scoped3A : memref<!tpu.dma_semaphore, #tpu.memory_space<semaphore_mem>>) src(%arg8 : memref<128x64xf32, #tpu.memory_space<vmem>>) dst(%dma_wait3A_160 : memref<10016x64xf32, #tpu.memory_space<vmem_shared>>)
        tpu.yield
      }) : () -> ()
      %scan3A_150 = arith.constant 0 : i32
      scf.yield %scan3A_150 : i32
    }
    %scan3A_92 = arith.constant 157 : i32
    %barrier3A_93 = arith.constant 0 : index
    tpu.barrier barrier_id(%barrier3A_93)
    %lt3A_94 = arith.constant 10 : i32
    %lt3A_95 = arith.cmpi slt, %arg1, %lt3A_94 : i32
    %convert_element_type3A_96 = arith.extui %lt3A_95 : i1 to i32
    %cond3A_97 = arith.constant 0 : i32
    %cond3A_98 = arith.cmpi ne, %convert_element_type3A_96, %cond3A_97 : i32
    scf.if %cond3A_98 {
      "tpu.region"() ({
        %run_scoped3A = tpu.sem_alloc : memref<!tpu.dma_semaphore, #tpu.memory_space<semaphore_mem>>
        %dma_start3A = arith.constant 0 : i32
        %dma_start3A_148 = tpu.memref_slice %arg5[%add3A_79, %mul3A_0, %dma_start3A] : memref<12x10000x64xf32, #tpu.memory_space<hbm>> -> memref<1x1000x64xf32, #tpu.memory_space<hbm>>
        %dma_start3A_149 = tpu.memref_squeeze %dma_start3A_148 : memref<1x1000x64xf32, #tpu.memory_space<hbm>> -> memref<1000x64xf32, #tpu.memory_space<hbm>>
        %dma_start3A_150 = arith.constant 0 : i32
        %dma_start3A_151 = tpu.memref_slice %arg10[%mul3A_0, %dma_start3A_150] : memref<10016x64xf32, #tpu.memory_space<vmem_shared>> -> memref<1000x64xf32, #tpu.memory_space<vmem_shared>>
        tpu.enqueue_dma source(%dma_start3A_151 : memref<1000x64xf32, #tpu.memory_space<vmem_shared>>) target(%dma_start3A_149 : memref<1000x64xf32, #tpu.memory_space<hbm>>) target_semaphore(%run_scoped3A : memref<!tpu.dma_semaphore, #tpu.memory_space<semaphore_mem>>)
        %dma_wait3A = arith.constant 0 : i32
        %dma_wait3A_152 = tpu.memref_slice %arg5[%add3A_79, %mul3A_0, %dma_wait3A] : memref<12x10000x64xf32, #tpu.memory_space<hbm>> -> memref<1x1000x64xf32, #tpu.memory_space<hbm>>
        %dma_wait3A_153 = tpu.memref_squeeze %dma_wait3A_152 : memref<1x1000x64xf32, #tpu.memory_space<hbm>> -> memref<1000x64xf32, #tpu.memory_space<hbm>>
        %dma_wait3A_154 = arith.constant 0 : i32
        %dma_wait3A_155 = tpu.memref_slice %arg10[%mul3A_0, %dma_wait3A_154] : memref<10016x64xf32, #tpu.memory_space<vmem_shared>> -> memref<1000x64xf32, #tpu.memory_space<vmem_shared>>
        tpu.wait_dma2 semaphore(%run_scoped3A : memref<!tpu.dma_semaphore, #tpu.memory_space<semaphore_mem>>) src(%dma_wait3A_155 : memref<1000x64xf32, #tpu.memory_space<vmem_shared>>) dst(%dma_wait3A_153 : memref<1000x64xf32, #tpu.memory_space<hbm>>)
        tpu.yield
      }) : () -> ()
    } else {
    }
    %barrier3A_99 = arith.constant 0 : index
    tpu.barrier barrier_id(%barrier3A_99)
    %mul3A_100 = arith.constant 6 : i32
    %mul3A_101 = arith.muli %arg0, %mul3A_100 : i32
    %add3A_102 = arith.constant 4 : i32
    %add3A_103 = arith.addi %mul3A_101, %add3A_102 : i32
    %lt3A_104 = arith.constant 10 : i32
    %lt3A_105 = arith.cmpi slt, %arg1, %lt3A_104 : i32
    %convert_element_type3A_106 = arith.extui %lt3A_105 : i1 to i32
    %cond3A_107 = arith.constant 0 : i32
    %cond3A_108 = arith.cmpi ne, %convert_element_type3A_106, %cond3A_107 : i32
    scf.if %cond3A_108 {
      %add3A_148 = arith.constant 0 : i32
      %add3A_149 = arith.addi %mul3A_0, %add3A_148 : i32
      "tpu.region"() ({
        %run_scoped3A = tpu.sem_alloc : memref<!tpu.dma_semaphore, #tpu.memory_space<semaphore_mem>>
        %dma_start3A = arith.constant 0 : i32
        %dma_start3A_158 = tpu.memref_slice %arg10[%add3A_149, %dma_start3A] : memref<10016x64xf32, #tpu.memory_space<vmem_shared>> -> memref<200x64xf32, #tpu.memory_space<vmem_shared>>
        %dma_start3A_159 = arith.constant 0 : i32
        %dma_start3A_160 = tpu.memref_slice %arg10[%add3A_149, %dma_start3A_159] : memref<10016x64xf32, #tpu.memory_space<vmem_shared>> -> memref<200x64xf32, #tpu.memory_space<vmem_shared>>
        tpu.enqueue_dma source(%arg9 : memref<200x64xf32, #tpu.memory_space<vmem>>) target(%dma_start3A_160 : memref<200x64xf32, #tpu.memory_space<vmem_shared>>) target_semaphore(%run_scoped3A : memref<!tpu.dma_semaphore, #tpu.memory_space<semaphore_mem>>)
        %dma_wait3A = arith.constant 0 : i32
        %dma_wait3A_161 = tpu.memref_slice %arg10[%add3A_149, %dma_wait3A] : memref<10016x64xf32, #tpu.memory_space<vmem_shared>> -> memref<200x64xf32, #tpu.memory_space<vmem_shared>>
        %dma_wait3A_162 = arith.constant 0 : i32
        %dma_wait3A_163 = tpu.memref_slice %arg10[%add3A_149, %dma_wait3A_162] : memref<10016x64xf32, #tpu.memory_space<vmem_shared>> -> memref<200x64xf32, #tpu.memory_space<vmem_shared>>
        tpu.wait_dma2 semaphore(%run_scoped3A : memref<!tpu.dma_semaphore, #tpu.memory_space<semaphore_mem>>) src(%arg9 : memref<200x64xf32, #tpu.memory_space<vmem>>) dst(%dma_wait3A_163 : memref<200x64xf32, #tpu.memory_space<vmem_shared>>)
        tpu.yield
      }) : () -> ()
      %add3A_150 = arith.constant 200 : i32
      %add3A_151 = arith.addi %mul3A_0, %add3A_150 : i32
      "tpu.region"() ({
        %run_scoped3A = tpu.sem_alloc : memref<!tpu.dma_semaphore, #tpu.memory_space<semaphore_mem>>
        %dma_start3A = arith.constant 0 : i32
        %dma_start3A_158 = tpu.memref_slice %arg10[%add3A_151, %dma_start3A] : memref<10016x64xf32, #tpu.memory_space<vmem_shared>> -> memref<200x64xf32, #tpu.memory_space<vmem_shared>>
        %dma_start3A_159 = arith.constant 0 : i32
        %dma_start3A_160 = tpu.memref_slice %arg10[%add3A_151, %dma_start3A_159] : memref<10016x64xf32, #tpu.memory_space<vmem_shared>> -> memref<200x64xf32, #tpu.memory_space<vmem_shared>>
        tpu.enqueue_dma source(%arg9 : memref<200x64xf32, #tpu.memory_space<vmem>>) target(%dma_start3A_160 : memref<200x64xf32, #tpu.memory_space<vmem_shared>>) target_semaphore(%run_scoped3A : memref<!tpu.dma_semaphore, #tpu.memory_space<semaphore_mem>>)
        %dma_wait3A = arith.constant 0 : i32
        %dma_wait3A_161 = tpu.memref_slice %arg10[%add3A_151, %dma_wait3A] : memref<10016x64xf32, #tpu.memory_space<vmem_shared>> -> memref<200x64xf32, #tpu.memory_space<vmem_shared>>
        %dma_wait3A_162 = arith.constant 0 : i32
        %dma_wait3A_163 = tpu.memref_slice %arg10[%add3A_151, %dma_wait3A_162] : memref<10016x64xf32, #tpu.memory_space<vmem_shared>> -> memref<200x64xf32, #tpu.memory_space<vmem_shared>>
        tpu.wait_dma2 semaphore(%run_scoped3A : memref<!tpu.dma_semaphore, #tpu.memory_space<semaphore_mem>>) src(%arg9 : memref<200x64xf32, #tpu.memory_space<vmem>>) dst(%dma_wait3A_163 : memref<200x64xf32, #tpu.memory_space<vmem_shared>>)
        tpu.yield
      }) : () -> ()
      %add3A_152 = arith.constant 400 : i32
      %add3A_153 = arith.addi %mul3A_0, %add3A_152 : i32
      "tpu.region"() ({
        %run_scoped3A = tpu.sem_alloc : memref<!tpu.dma_semaphore, #tpu.memory_space<semaphore_mem>>
        %dma_start3A = arith.constant 0 : i32
        %dma_start3A_158 = tpu.memref_slice %arg10[%add3A_153, %dma_start3A] : memref<10016x64xf32, #tpu.memory_space<vmem_shared>> -> memref<200x64xf32, #tpu.memory_space<vmem_shared>>
        %dma_start3A_159 = arith.constant 0 : i32
        %dma_start3A_160 = tpu.memref_slice %arg10[%add3A_153, %dma_start3A_159] : memref<10016x64xf32, #tpu.memory_space<vmem_shared>> -> memref<200x64xf32, #tpu.memory_space<vmem_shared>>
        tpu.enqueue_dma source(%arg9 : memref<200x64xf32, #tpu.memory_space<vmem>>) target(%dma_start3A_160 : memref<200x64xf32, #tpu.memory_space<vmem_shared>>) target_semaphore(%run_scoped3A : memref<!tpu.dma_semaphore, #tpu.memory_space<semaphore_mem>>)
        %dma_wait3A = arith.constant 0 : i32
        %dma_wait3A_161 = tpu.memref_slice %arg10[%add3A_153, %dma_wait3A] : memref<10016x64xf32, #tpu.memory_space<vmem_shared>> -> memref<200x64xf32, #tpu.memory_space<vmem_shared>>
        %dma_wait3A_162 = arith.constant 0 : i32
        %dma_wait3A_163 = tpu.memref_slice %arg10[%add3A_153, %dma_wait3A_162] : memref<10016x64xf32, #tpu.memory_space<vmem_shared>> -> memref<200x64xf32, #tpu.memory_space<vmem_shared>>
        tpu.wait_dma2 semaphore(%run_scoped3A : memref<!tpu.dma_semaphore, #tpu.memory_space<semaphore_mem>>) src(%arg9 : memref<200x64xf32, #tpu.memory_space<vmem>>) dst(%dma_wait3A_163 : memref<200x64xf32, #tpu.memory_space<vmem_shared>>)
        tpu.yield
      }) : () -> ()
      %add3A_154 = arith.constant 600 : i32
      %add3A_155 = arith.addi %mul3A_0, %add3A_154 : i32
      "tpu.region"() ({
        %run_scoped3A = tpu.sem_alloc : memref<!tpu.dma_semaphore, #tpu.memory_space<semaphore_mem>>
        %dma_start3A = arith.constant 0 : i32
        %dma_start3A_158 = tpu.memref_slice %arg10[%add3A_155, %dma_start3A] : memref<10016x64xf32, #tpu.memory_space<vmem_shared>> -> memref<200x64xf32, #tpu.memory_space<vmem_shared>>
        %dma_start3A_159 = arith.constant 0 : i32
        %dma_start3A_160 = tpu.memref_slice %arg10[%add3A_155, %dma_start3A_159] : memref<10016x64xf32, #tpu.memory_space<vmem_shared>> -> memref<200x64xf32, #tpu.memory_space<vmem_shared>>
        tpu.enqueue_dma source(%arg9 : memref<200x64xf32, #tpu.memory_space<vmem>>) target(%dma_start3A_160 : memref<200x64xf32, #tpu.memory_space<vmem_shared>>) target_semaphore(%run_scoped3A : memref<!tpu.dma_semaphore, #tpu.memory_space<semaphore_mem>>)
        %dma_wait3A = arith.constant 0 : i32
        %dma_wait3A_161 = tpu.memref_slice %arg10[%add3A_155, %dma_wait3A] : memref<10016x64xf32, #tpu.memory_space<vmem_shared>> -> memref<200x64xf32, #tpu.memory_space<vmem_shared>>
        %dma_wait3A_162 = arith.constant 0 : i32
        %dma_wait3A_163 = tpu.memref_slice %arg10[%add3A_155, %dma_wait3A_162] : memref<10016x64xf32, #tpu.memory_space<vmem_shared>> -> memref<200x64xf32, #tpu.memory_space<vmem_shared>>
        tpu.wait_dma2 semaphore(%run_scoped3A : memref<!tpu.dma_semaphore, #tpu.memory_space<semaphore_mem>>) src(%arg9 : memref<200x64xf32, #tpu.memory_space<vmem>>) dst(%dma_wait3A_163 : memref<200x64xf32, #tpu.memory_space<vmem_shared>>)
        tpu.yield
      }) : () -> ()
      %add3A_156 = arith.constant 800 : i32
      %add3A_157 = arith.addi %mul3A_0, %add3A_156 : i32
      "tpu.region"() ({
        %run_scoped3A = tpu.sem_alloc : memref<!tpu.dma_semaphore, #tpu.memory_space<semaphore_mem>>
        %dma_start3A = arith.constant 0 : i32
        %dma_start3A_158 = tpu.memref_slice %arg10[%add3A_157, %dma_start3A] : memref<10016x64xf32, #tpu.memory_space<vmem_shared>> -> memref<200x64xf32, #tpu.memory_space<vmem_shared>>
        %dma_start3A_159 = arith.constant 0 : i32
        %dma_start3A_160 = tpu.memref_slice %arg10[%add3A_157, %dma_start3A_159] : memref<10016x64xf32, #tpu.memory_space<vmem_shared>> -> memref<200x64xf32, #tpu.memory_space<vmem_shared>>
        tpu.enqueue_dma source(%arg9 : memref<200x64xf32, #tpu.memory_space<vmem>>) target(%dma_start3A_160 : memref<200x64xf32, #tpu.memory_space<vmem_shared>>) target_semaphore(%run_scoped3A : memref<!tpu.dma_semaphore, #tpu.memory_space<semaphore_mem>>)
        %dma_wait3A = arith.constant 0 : i32
        %dma_wait3A_161 = tpu.memref_slice %arg10[%add3A_157, %dma_wait3A] : memref<10016x64xf32, #tpu.memory_space<vmem_shared>> -> memref<200x64xf32, #tpu.memory_space<vmem_shared>>
        %dma_wait3A_162 = arith.constant 0 : i32
        %dma_wait3A_163 = tpu.memref_slice %arg10[%add3A_157, %dma_wait3A_162] : memref<10016x64xf32, #tpu.memory_space<vmem_shared>> -> memref<200x64xf32, #tpu.memory_space<vmem_shared>>
        tpu.wait_dma2 semaphore(%run_scoped3A : memref<!tpu.dma_semaphore, #tpu.memory_space<semaphore_mem>>) src(%arg9 : memref<200x64xf32, #tpu.memory_space<vmem>>) dst(%dma_wait3A_163 : memref<200x64xf32, #tpu.memory_space<vmem_shared>>)
        tpu.yield
      }) : () -> ()
    } else {
    }
    %barrier3A_109 = arith.constant 0 : index
    tpu.barrier barrier_id(%barrier3A_109)
    %scan3A_110 = arith.constant 0 : i32
    %scan3A_111 = arith.constant 0 : i32
    %scan3A_112 = arith.constant 157 : i32
    %scan3A_113 = arith.addi %scan3A_111, %scan3A_112 : i32
    %scan3A_114 = arith.constant 1 : i32
    %scan3A_115 = scf.for %scan3A_148 = %scan3A_111 to %scan3A_113 step %scan3A_114 iter_args(%scan3A_149 = %scan3A_110) -> (i32)  : i32 {
      "tpu.region"() ({
        %run_scoped3A = tpu.sem_alloc : memref<!tpu.dma_semaphore, #tpu.memory_space<semaphore_mem>>
        %dma_start3A = arith.constant 0 : i32
        %dma_start3A_151 = tpu.memref_slice %arg6[%scan3A_148, %dma_start3A] : memref<157x128xi32, #tpu.memory_space<vmem>> -> memref<1x128xi32, #tpu.memory_space<vmem>>
        %dma_start3A_152 = tpu.memref_squeeze %dma_start3A_151 : memref<1x128xi32, #tpu.memory_space<vmem>> -> memref<128xi32, #tpu.memory_space<vmem>>
        %dma_start3A_153 = arith.constant 0 : i32
        %dma_start3A_154 = arith.constant 0 : i32
        %dma_start3A_155 = tpu.memref_slice %arg2[%add3A_103, %dma_start3A_153, %dma_start3A_154] : memref<12x10000x64xf32, #tpu.memory_space<hbm>> -> memref<1x10000x64xf32, #tpu.memory_space<hbm>>
        %dma_start3A_156 = tpu.memref_squeeze %dma_start3A_155 : memref<1x10000x64xf32, #tpu.memory_space<hbm>> -> memref<10000x64xf32, #tpu.memory_space<hbm>>
        %dma_start3A_157 = arith.constant 0 : i32
        %dma_start3A_158 = arith.constant 0 : i32
        %dma_start3A_159 = tpu.memref_slice %dma_start3A_156[%dma_start3A_157, %dma_start3A_158] : memref<10000x64xf32, #tpu.memory_space<hbm>> -> memref<10000x64xf32, #tpu.memory_space<hbm>>
        tpu.enqueue_indirect_dma source(%dma_start3A_159 : memref<10000x64xf32, #tpu.memory_space<hbm>>) target(%arg8 : memref<128x64xf32, #tpu.memory_space<vmem>>) offsets(%dma_start3A_152 : memref<128xi32, #tpu.memory_space<vmem>>) semaphore(%run_scoped3A : memref<!tpu.dma_semaphore, #tpu.memory_space<semaphore_mem>>)
        %dma_wait3A = arith.constant 0 : i32
        %dma_wait3A_160 = tpu.memref_slice %arg6[%scan3A_148, %dma_wait3A] : memref<157x128xi32, #tpu.memory_space<vmem>> -> memref<1x128xi32, #tpu.memory_space<vmem>>
        %dma_wait3A_161 = tpu.memref_squeeze %dma_wait3A_160 : memref<1x128xi32, #tpu.memory_space<vmem>> -> memref<128xi32, #tpu.memory_space<vmem>>
        %dma_wait3A_162 = arith.constant 0 : i32
        %dma_wait3A_163 = arith.constant 0 : i32
        %dma_wait3A_164 = tpu.memref_slice %arg2[%add3A_103, %dma_wait3A_162, %dma_wait3A_163] : memref<12x10000x64xf32, #tpu.memory_space<hbm>> -> memref<1x10000x64xf32, #tpu.memory_space<hbm>>
        %dma_wait3A_165 = tpu.memref_squeeze %dma_wait3A_164 : memref<1x10000x64xf32, #tpu.memory_space<hbm>> -> memref<10000x64xf32, #tpu.memory_space<hbm>>
        %dma_wait3A_166 = arith.constant 0 : i32
        %dma_wait3A_167 = arith.constant 0 : i32
        %dma_wait3A_168 = tpu.memref_slice %dma_wait3A_165[%dma_wait3A_166, %dma_wait3A_167] : memref<10000x64xf32, #tpu.memory_space<hbm>> -> memref<10000x64xf32, #tpu.memory_space<hbm>>
        tpu.wait_indirect_dma semaphore(%run_scoped3A : memref<!tpu.dma_semaphore, #tpu.memory_space<semaphore_mem>>) src(%dma_wait3A_168 : memref<10000x64xf32, #tpu.memory_space<hbm>>) dst(%arg8 : memref<128x64xf32, #tpu.memory_space<vmem>>)
        tpu.yield
      }) : () -> ()
      "tpu.region"() ({
        %run_scoped3A = tpu.sem_alloc : memref<!tpu.dma_semaphore, #tpu.memory_space<semaphore_mem>>
        %dma_start3A = arith.constant 0 : i32
        %dma_start3A_151 = tpu.memref_slice %arg7[%scan3A_148, %dma_start3A] : memref<157x128xi32, #tpu.memory_space<vmem>> -> memref<1x128xi32, #tpu.memory_space<vmem>>
        %dma_start3A_152 = tpu.memref_squeeze %dma_start3A_151 : memref<1x128xi32, #tpu.memory_space<vmem>> -> memref<128xi32, #tpu.memory_space<vmem>>
        %dma_start3A_153 = arith.constant 0 : i32
        %dma_start3A_154 = arith.constant 0 : i32
        %dma_start3A_155 = tpu.memref_slice %arg10[%dma_start3A_153, %dma_start3A_154] : memref<10016x64xf32, #tpu.memory_space<vmem_shared>> -> memref<10016x64xf32, #tpu.memory_space<vmem_shared>>
        tpu.enqueue_indirect_dma source(%arg8 : memref<128x64xf32, #tpu.memory_space<vmem>>) target(%dma_start3A_155 : memref<10016x64xf32, #tpu.memory_space<vmem_shared>>) offsets(%dma_start3A_152 : memref<128xi32, #tpu.memory_space<vmem>>) semaphore(%run_scoped3A : memref<!tpu.dma_semaphore, #tpu.memory_space<semaphore_mem>>) {add = true}
        %dma_wait3A = arith.constant 0 : i32
        %dma_wait3A_156 = tpu.memref_slice %arg7[%scan3A_148, %dma_wait3A] : memref<157x128xi32, #tpu.memory_space<vmem>> -> memref<1x128xi32, #tpu.memory_space<vmem>>
        %dma_wait3A_157 = tpu.memref_squeeze %dma_wait3A_156 : memref<1x128xi32, #tpu.memory_space<vmem>> -> memref<128xi32, #tpu.memory_space<vmem>>
        %dma_wait3A_158 = arith.constant 0 : i32
        %dma_wait3A_159 = arith.constant 0 : i32
        %dma_wait3A_160 = tpu.memref_slice %arg10[%dma_wait3A_158, %dma_wait3A_159] : memref<10016x64xf32, #tpu.memory_space<vmem_shared>> -> memref<10016x64xf32, #tpu.memory_space<vmem_shared>>
        tpu.wait_indirect_dma semaphore(%run_scoped3A : memref<!tpu.dma_semaphore, #tpu.memory_space<semaphore_mem>>) src(%arg8 : memref<128x64xf32, #tpu.memory_space<vmem>>) dst(%dma_wait3A_160 : memref<10016x64xf32, #tpu.memory_space<vmem_shared>>)
        tpu.yield
      }) : () -> ()
      %scan3A_150 = arith.constant 0 : i32
      scf.yield %scan3A_150 : i32
    }
    %scan3A_116 = arith.constant 157 : i32
    %barrier3A_117 = arith.constant 0 : index
    tpu.barrier barrier_id(%barrier3A_117)
    %lt3A_118 = arith.constant 10 : i32
    %lt3A_119 = arith.cmpi slt, %arg1, %lt3A_118 : i32
    %convert_element_type3A_120 = arith.extui %lt3A_119 : i1 to i32
    %cond3A_121 = arith.constant 0 : i32
    %cond3A_122 = arith.cmpi ne, %convert_element_type3A_120, %cond3A_121 : i32
    scf.if %cond3A_122 {
      "tpu.region"() ({
        %run_scoped3A = tpu.sem_alloc : memref<!tpu.dma_semaphore, #tpu.memory_space<semaphore_mem>>
        %dma_start3A = arith.constant 0 : i32
        %dma_start3A_148 = tpu.memref_slice %arg5[%add3A_103, %mul3A_0, %dma_start3A] : memref<12x10000x64xf32, #tpu.memory_space<hbm>> -> memref<1x1000x64xf32, #tpu.memory_space<hbm>>
        %dma_start3A_149 = tpu.memref_squeeze %dma_start3A_148 : memref<1x1000x64xf32, #tpu.memory_space<hbm>> -> memref<1000x64xf32, #tpu.memory_space<hbm>>
        %dma_start3A_150 = arith.constant 0 : i32
        %dma_start3A_151 = tpu.memref_slice %arg10[%mul3A_0, %dma_start3A_150] : memref<10016x64xf32, #tpu.memory_space<vmem_shared>> -> memref<1000x64xf32, #tpu.memory_space<vmem_shared>>
        tpu.enqueue_dma source(%dma_start3A_151 : memref<1000x64xf32, #tpu.memory_space<vmem_shared>>) target(%dma_start3A_149 : memref<1000x64xf32, #tpu.memory_space<hbm>>) target_semaphore(%run_scoped3A : memref<!tpu.dma_semaphore, #tpu.memory_space<semaphore_mem>>)
        %dma_wait3A = arith.constant 0 : i32
        %dma_wait3A_152 = tpu.memref_slice %arg5[%add3A_103, %mul3A_0, %dma_wait3A] : memref<12x10000x64xf32, #tpu.memory_space<hbm>> -> memref<1x1000x64xf32, #tpu.memory_space<hbm>>
        %dma_wait3A_153 = tpu.memref_squeeze %dma_wait3A_152 : memref<1x1000x64xf32, #tpu.memory_space<hbm>> -> memref<1000x64xf32, #tpu.memory_space<hbm>>
        %dma_wait3A_154 = arith.constant 0 : i32
        %dma_wait3A_155 = tpu.memref_slice %arg10[%mul3A_0, %dma_wait3A_154] : memref<10016x64xf32, #tpu.memory_space<vmem_shared>> -> memref<1000x64xf32, #tpu.memory_space<vmem_shared>>
        tpu.wait_dma2 semaphore(%run_scoped3A : memref<!tpu.dma_semaphore, #tpu.memory_space<semaphore_mem>>) src(%dma_wait3A_155 : memref<1000x64xf32, #tpu.memory_space<vmem_shared>>) dst(%dma_wait3A_153 : memref<1000x64xf32, #tpu.memory_space<hbm>>)
        tpu.yield
      }) : () -> ()
    } else {
    }
    %barrier3A_123 = arith.constant 0 : index
    tpu.barrier barrier_id(%barrier3A_123)
    %mul3A_124 = arith.constant 6 : i32
    %mul3A_125 = arith.muli %arg0, %mul3A_124 : i32
    %add3A_126 = arith.constant 5 : i32
    %add3A_127 = arith.addi %mul3A_125, %add3A_126 : i32
    %lt3A_128 = arith.constant 10 : i32
    %lt3A_129 = arith.cmpi slt, %arg1, %lt3A_128 : i32
    %convert_element_type3A_130 = arith.extui %lt3A_129 : i1 to i32
    %cond3A_131 = arith.constant 0 : i32
    %cond3A_132 = arith.cmpi ne, %convert_element_type3A_130, %cond3A_131 : i32
    scf.if %cond3A_132 {
      %add3A_148 = arith.constant 0 : i32
      %add3A_149 = arith.addi %mul3A_0, %add3A_148 : i32
      "tpu.region"() ({
        %run_scoped3A = tpu.sem_alloc : memref<!tpu.dma_semaphore, #tpu.memory_space<semaphore_mem>>
        %dma_start3A = arith.constant 0 : i32
        %dma_start3A_158 = tpu.memref_slice %arg10[%add3A_149, %dma_start3A] : memref<10016x64xf32, #tpu.memory_space<vmem_shared>> -> memref<200x64xf32, #tpu.memory_space<vmem_shared>>
        %dma_start3A_159 = arith.constant 0 : i32
        %dma_start3A_160 = tpu.memref_slice %arg10[%add3A_149, %dma_start3A_159] : memref<10016x64xf32, #tpu.memory_space<vmem_shared>> -> memref<200x64xf32, #tpu.memory_space<vmem_shared>>
        tpu.enqueue_dma source(%arg9 : memref<200x64xf32, #tpu.memory_space<vmem>>) target(%dma_start3A_160 : memref<200x64xf32, #tpu.memory_space<vmem_shared>>) target_semaphore(%run_scoped3A : memref<!tpu.dma_semaphore, #tpu.memory_space<semaphore_mem>>)
        %dma_wait3A = arith.constant 0 : i32
        %dma_wait3A_161 = tpu.memref_slice %arg10[%add3A_149, %dma_wait3A] : memref<10016x64xf32, #tpu.memory_space<vmem_shared>> -> memref<200x64xf32, #tpu.memory_space<vmem_shared>>
        %dma_wait3A_162 = arith.constant 0 : i32
        %dma_wait3A_163 = tpu.memref_slice %arg10[%add3A_149, %dma_wait3A_162] : memref<10016x64xf32, #tpu.memory_space<vmem_shared>> -> memref<200x64xf32, #tpu.memory_space<vmem_shared>>
        tpu.wait_dma2 semaphore(%run_scoped3A : memref<!tpu.dma_semaphore, #tpu.memory_space<semaphore_mem>>) src(%arg9 : memref<200x64xf32, #tpu.memory_space<vmem>>) dst(%dma_wait3A_163 : memref<200x64xf32, #tpu.memory_space<vmem_shared>>)
        tpu.yield
      }) : () -> ()
      %add3A_150 = arith.constant 200 : i32
      %add3A_151 = arith.addi %mul3A_0, %add3A_150 : i32
      "tpu.region"() ({
        %run_scoped3A = tpu.sem_alloc : memref<!tpu.dma_semaphore, #tpu.memory_space<semaphore_mem>>
        %dma_start3A = arith.constant 0 : i32
        %dma_start3A_158 = tpu.memref_slice %arg10[%add3A_151, %dma_start3A] : memref<10016x64xf32, #tpu.memory_space<vmem_shared>> -> memref<200x64xf32, #tpu.memory_space<vmem_shared>>
        %dma_start3A_159 = arith.constant 0 : i32
        %dma_start3A_160 = tpu.memref_slice %arg10[%add3A_151, %dma_start3A_159] : memref<10016x64xf32, #tpu.memory_space<vmem_shared>> -> memref<200x64xf32, #tpu.memory_space<vmem_shared>>
        tpu.enqueue_dma source(%arg9 : memref<200x64xf32, #tpu.memory_space<vmem>>) target(%dma_start3A_160 : memref<200x64xf32, #tpu.memory_space<vmem_shared>>) target_semaphore(%run_scoped3A : memref<!tpu.dma_semaphore, #tpu.memory_space<semaphore_mem>>)
        %dma_wait3A = arith.constant 0 : i32
        %dma_wait3A_161 = tpu.memref_slice %arg10[%add3A_151, %dma_wait3A] : memref<10016x64xf32, #tpu.memory_space<vmem_shared>> -> memref<200x64xf32, #tpu.memory_space<vmem_shared>>
        %dma_wait3A_162 = arith.constant 0 : i32
        %dma_wait3A_163 = tpu.memref_slice %arg10[%add3A_151, %dma_wait3A_162] : memref<10016x64xf32, #tpu.memory_space<vmem_shared>> -> memref<200x64xf32, #tpu.memory_space<vmem_shared>>
        tpu.wait_dma2 semaphore(%run_scoped3A : memref<!tpu.dma_semaphore, #tpu.memory_space<semaphore_mem>>) src(%arg9 : memref<200x64xf32, #tpu.memory_space<vmem>>) dst(%dma_wait3A_163 : memref<200x64xf32, #tpu.memory_space<vmem_shared>>)
        tpu.yield
      }) : () -> ()
      %add3A_152 = arith.constant 400 : i32
      %add3A_153 = arith.addi %mul3A_0, %add3A_152 : i32
      "tpu.region"() ({
        %run_scoped3A = tpu.sem_alloc : memref<!tpu.dma_semaphore, #tpu.memory_space<semaphore_mem>>
        %dma_start3A = arith.constant 0 : i32
        %dma_start3A_158 = tpu.memref_slice %arg10[%add3A_153, %dma_start3A] : memref<10016x64xf32, #tpu.memory_space<vmem_shared>> -> memref<200x64xf32, #tpu.memory_space<vmem_shared>>
        %dma_start3A_159 = arith.constant 0 : i32
        %dma_start3A_160 = tpu.memref_slice %arg10[%add3A_153, %dma_start3A_159] : memref<10016x64xf32, #tpu.memory_space<vmem_shared>> -> memref<200x64xf32, #tpu.memory_space<vmem_shared>>
        tpu.enqueue_dma source(%arg9 : memref<200x64xf32, #tpu.memory_space<vmem>>) target(%dma_start3A_160 : memref<200x64xf32, #tpu.memory_space<vmem_shared>>) target_semaphore(%run_scoped3A : memref<!tpu.dma_semaphore, #tpu.memory_space<semaphore_mem>>)
        %dma_wait3A = arith.constant 0 : i32
        %dma_wait3A_161 = tpu.memref_slice %arg10[%add3A_153, %dma_wait3A] : memref<10016x64xf32, #tpu.memory_space<vmem_shared>> -> memref<200x64xf32, #tpu.memory_space<vmem_shared>>
        %dma_wait3A_162 = arith.constant 0 : i32
        %dma_wait3A_163 = tpu.memref_slice %arg10[%add3A_153, %dma_wait3A_162] : memref<10016x64xf32, #tpu.memory_space<vmem_shared>> -> memref<200x64xf32, #tpu.memory_space<vmem_shared>>
        tpu.wait_dma2 semaphore(%run_scoped3A : memref<!tpu.dma_semaphore, #tpu.memory_space<semaphore_mem>>) src(%arg9 : memref<200x64xf32, #tpu.memory_space<vmem>>) dst(%dma_wait3A_163 : memref<200x64xf32, #tpu.memory_space<vmem_shared>>)
        tpu.yield
      }) : () -> ()
      %add3A_154 = arith.constant 600 : i32
      %add3A_155 = arith.addi %mul3A_0, %add3A_154 : i32
      "tpu.region"() ({
        %run_scoped3A = tpu.sem_alloc : memref<!tpu.dma_semaphore, #tpu.memory_space<semaphore_mem>>
        %dma_start3A = arith.constant 0 : i32
        %dma_start3A_158 = tpu.memref_slice %arg10[%add3A_155, %dma_start3A] : memref<10016x64xf32, #tpu.memory_space<vmem_shared>> -> memref<200x64xf32, #tpu.memory_space<vmem_shared>>
        %dma_start3A_159 = arith.constant 0 : i32
        %dma_start3A_160 = tpu.memref_slice %arg10[%add3A_155, %dma_start3A_159] : memref<10016x64xf32, #tpu.memory_space<vmem_shared>> -> memref<200x64xf32, #tpu.memory_space<vmem_shared>>
        tpu.enqueue_dma source(%arg9 : memref<200x64xf32, #tpu.memory_space<vmem>>) target(%dma_start3A_160 : memref<200x64xf32, #tpu.memory_space<vmem_shared>>) target_semaphore(%run_scoped3A : memref<!tpu.dma_semaphore, #tpu.memory_space<semaphore_mem>>)
        %dma_wait3A = arith.constant 0 : i32
        %dma_wait3A_161 = tpu.memref_slice %arg10[%add3A_155, %dma_wait3A] : memref<10016x64xf32, #tpu.memory_space<vmem_shared>> -> memref<200x64xf32, #tpu.memory_space<vmem_shared>>
        %dma_wait3A_162 = arith.constant 0 : i32
        %dma_wait3A_163 = tpu.memref_slice %arg10[%add3A_155, %dma_wait3A_162] : memref<10016x64xf32, #tpu.memory_space<vmem_shared>> -> memref<200x64xf32, #tpu.memory_space<vmem_shared>>
        tpu.wait_dma2 semaphore(%run_scoped3A : memref<!tpu.dma_semaphore, #tpu.memory_space<semaphore_mem>>) src(%arg9 : memref<200x64xf32, #tpu.memory_space<vmem>>) dst(%dma_wait3A_163 : memref<200x64xf32, #tpu.memory_space<vmem_shared>>)
        tpu.yield
      }) : () -> ()
      %add3A_156 = arith.constant 800 : i32
      %add3A_157 = arith.addi %mul3A_0, %add3A_156 : i32
      "tpu.region"() ({
        %run_scoped3A = tpu.sem_alloc : memref<!tpu.dma_semaphore, #tpu.memory_space<semaphore_mem>>
        %dma_start3A = arith.constant 0 : i32
        %dma_start3A_158 = tpu.memref_slice %arg10[%add3A_157, %dma_start3A] : memref<10016x64xf32, #tpu.memory_space<vmem_shared>> -> memref<200x64xf32, #tpu.memory_space<vmem_shared>>
        %dma_start3A_159 = arith.constant 0 : i32
        %dma_start3A_160 = tpu.memref_slice %arg10[%add3A_157, %dma_start3A_159] : memref<10016x64xf32, #tpu.memory_space<vmem_shared>> -> memref<200x64xf32, #tpu.memory_space<vmem_shared>>
        tpu.enqueue_dma source(%arg9 : memref<200x64xf32, #tpu.memory_space<vmem>>) target(%dma_start3A_160 : memref<200x64xf32, #tpu.memory_space<vmem_shared>>) target_semaphore(%run_scoped3A : memref<!tpu.dma_semaphore, #tpu.memory_space<semaphore_mem>>)
        %dma_wait3A = arith.constant 0 : i32
        %dma_wait3A_161 = tpu.memref_slice %arg10[%add3A_157, %dma_wait3A] : memref<10016x64xf32, #tpu.memory_space<vmem_shared>> -> memref<200x64xf32, #tpu.memory_space<vmem_shared>>
        %dma_wait3A_162 = arith.constant 0 : i32
        %dma_wait3A_163 = tpu.memref_slice %arg10[%add3A_157, %dma_wait3A_162] : memref<10016x64xf32, #tpu.memory_space<vmem_shared>> -> memref<200x64xf32, #tpu.memory_space<vmem_shared>>
        tpu.wait_dma2 semaphore(%run_scoped3A : memref<!tpu.dma_semaphore, #tpu.memory_space<semaphore_mem>>) src(%arg9 : memref<200x64xf32, #tpu.memory_space<vmem>>) dst(%dma_wait3A_163 : memref<200x64xf32, #tpu.memory_space<vmem_shared>>)
        tpu.yield
      }) : () -> ()
    } else {
    }
    %barrier3A_133 = arith.constant 0 : index
    tpu.barrier barrier_id(%barrier3A_133)
    %scan3A_134 = arith.constant 0 : i32
    %scan3A_135 = arith.constant 0 : i32
    %scan3A_136 = arith.constant 157 : i32
    %scan3A_137 = arith.addi %scan3A_135, %scan3A_136 : i32
    %scan3A_138 = arith.constant 1 : i32
    %scan3A_139 = scf.for %scan3A_148 = %scan3A_135 to %scan3A_137 step %scan3A_138 iter_args(%scan3A_149 = %scan3A_134) -> (i32)  : i32 {
      "tpu.region"() ({
        %run_scoped3A = tpu.sem_alloc : memref<!tpu.dma_semaphore, #tpu.memory_space<semaphore_mem>>
        %dma_start3A = arith.constant 0 : i32
        %dma_start3A_151 = tpu.memref_slice %arg6[%scan3A_148, %dma_start3A] : memref<157x128xi32, #tpu.memory_space<vmem>> -> memref<1x128xi32, #tpu.memory_space<vmem>>
        %dma_start3A_152 = tpu.memref_squeeze %dma_start3A_151 : memref<1x128xi32, #tpu.memory_space<vmem>> -> memref<128xi32, #tpu.memory_space<vmem>>
        %dma_start3A_153 = arith.constant 0 : i32
        %dma_start3A_154 = arith.constant 0 : i32
        %dma_start3A_155 = tpu.memref_slice %arg2[%add3A_127, %dma_start3A_153, %dma_start3A_154] : memref<12x10000x64xf32, #tpu.memory_space<hbm>> -> memref<1x10000x64xf32, #tpu.memory_space<hbm>>
        %dma_start3A_156 = tpu.memref_squeeze %dma_start3A_155 : memref<1x10000x64xf32, #tpu.memory_space<hbm>> -> memref<10000x64xf32, #tpu.memory_space<hbm>>
        %dma_start3A_157 = arith.constant 0 : i32
        %dma_start3A_158 = arith.constant 0 : i32
        %dma_start3A_159 = tpu.memref_slice %dma_start3A_156[%dma_start3A_157, %dma_start3A_158] : memref<10000x64xf32, #tpu.memory_space<hbm>> -> memref<10000x64xf32, #tpu.memory_space<hbm>>
        tpu.enqueue_indirect_dma source(%dma_start3A_159 : memref<10000x64xf32, #tpu.memory_space<hbm>>) target(%arg8 : memref<128x64xf32, #tpu.memory_space<vmem>>) offsets(%dma_start3A_152 : memref<128xi32, #tpu.memory_space<vmem>>) semaphore(%run_scoped3A : memref<!tpu.dma_semaphore, #tpu.memory_space<semaphore_mem>>)
        %dma_wait3A = arith.constant 0 : i32
        %dma_wait3A_160 = tpu.memref_slice %arg6[%scan3A_148, %dma_wait3A] : memref<157x128xi32, #tpu.memory_space<vmem>> -> memref<1x128xi32, #tpu.memory_space<vmem>>
        %dma_wait3A_161 = tpu.memref_squeeze %dma_wait3A_160 : memref<1x128xi32, #tpu.memory_space<vmem>> -> memref<128xi32, #tpu.memory_space<vmem>>
        %dma_wait3A_162 = arith.constant 0 : i32
        %dma_wait3A_163 = arith.constant 0 : i32
        %dma_wait3A_164 = tpu.memref_slice %arg2[%add3A_127, %dma_wait3A_162, %dma_wait3A_163] : memref<12x10000x64xf32, #tpu.memory_space<hbm>> -> memref<1x10000x64xf32, #tpu.memory_space<hbm>>
        %dma_wait3A_165 = tpu.memref_squeeze %dma_wait3A_164 : memref<1x10000x64xf32, #tpu.memory_space<hbm>> -> memref<10000x64xf32, #tpu.memory_space<hbm>>
        %dma_wait3A_166 = arith.constant 0 : i32
        %dma_wait3A_167 = arith.constant 0 : i32
        %dma_wait3A_168 = tpu.memref_slice %dma_wait3A_165[%dma_wait3A_166, %dma_wait3A_167] : memref<10000x64xf32, #tpu.memory_space<hbm>> -> memref<10000x64xf32, #tpu.memory_space<hbm>>
        tpu.wait_indirect_dma semaphore(%run_scoped3A : memref<!tpu.dma_semaphore, #tpu.memory_space<semaphore_mem>>) src(%dma_wait3A_168 : memref<10000x64xf32, #tpu.memory_space<hbm>>) dst(%arg8 : memref<128x64xf32, #tpu.memory_space<vmem>>)
        tpu.yield
      }) : () -> ()
      "tpu.region"() ({
        %run_scoped3A = tpu.sem_alloc : memref<!tpu.dma_semaphore, #tpu.memory_space<semaphore_mem>>
        %dma_start3A = arith.constant 0 : i32
        %dma_start3A_151 = tpu.memref_slice %arg7[%scan3A_148, %dma_start3A] : memref<157x128xi32, #tpu.memory_space<vmem>> -> memref<1x128xi32, #tpu.memory_space<vmem>>
        %dma_start3A_152 = tpu.memref_squeeze %dma_start3A_151 : memref<1x128xi32, #tpu.memory_space<vmem>> -> memref<128xi32, #tpu.memory_space<vmem>>
        %dma_start3A_153 = arith.constant 0 : i32
        %dma_start3A_154 = arith.constant 0 : i32
        %dma_start3A_155 = tpu.memref_slice %arg10[%dma_start3A_153, %dma_start3A_154] : memref<10016x64xf32, #tpu.memory_space<vmem_shared>> -> memref<10016x64xf32, #tpu.memory_space<vmem_shared>>
        tpu.enqueue_indirect_dma source(%arg8 : memref<128x64xf32, #tpu.memory_space<vmem>>) target(%dma_start3A_155 : memref<10016x64xf32, #tpu.memory_space<vmem_shared>>) offsets(%dma_start3A_152 : memref<128xi32, #tpu.memory_space<vmem>>) semaphore(%run_scoped3A : memref<!tpu.dma_semaphore, #tpu.memory_space<semaphore_mem>>) {add = true}
        %dma_wait3A = arith.constant 0 : i32
        %dma_wait3A_156 = tpu.memref_slice %arg7[%scan3A_148, %dma_wait3A] : memref<157x128xi32, #tpu.memory_space<vmem>> -> memref<1x128xi32, #tpu.memory_space<vmem>>
        %dma_wait3A_157 = tpu.memref_squeeze %dma_wait3A_156 : memref<1x128xi32, #tpu.memory_space<vmem>> -> memref<128xi32, #tpu.memory_space<vmem>>
        %dma_wait3A_158 = arith.constant 0 : i32
        %dma_wait3A_159 = arith.constant 0 : i32
        %dma_wait3A_160 = tpu.memref_slice %arg10[%dma_wait3A_158, %dma_wait3A_159] : memref<10016x64xf32, #tpu.memory_space<vmem_shared>> -> memref<10016x64xf32, #tpu.memory_space<vmem_shared>>
        tpu.wait_indirect_dma semaphore(%run_scoped3A : memref<!tpu.dma_semaphore, #tpu.memory_space<semaphore_mem>>) src(%arg8 : memref<128x64xf32, #tpu.memory_space<vmem>>) dst(%dma_wait3A_160 : memref<10016x64xf32, #tpu.memory_space<vmem_shared>>)
        tpu.yield
      }) : () -> ()
      %scan3A_150 = arith.constant 0 : i32
      scf.yield %scan3A_150 : i32
    }
    %scan3A_140 = arith.constant 157 : i32
    %barrier3A_141 = arith.constant 0 : index
    tpu.barrier barrier_id(%barrier3A_141)
    %lt3A_142 = arith.constant 10 : i32
    %lt3A_143 = arith.cmpi slt, %arg1, %lt3A_142 : i32
    %convert_element_type3A_144 = arith.extui %lt3A_143 : i1 to i32
    %cond3A_145 = arith.constant 0 : i32
    %cond3A_146 = arith.cmpi ne, %convert_element_type3A_144, %cond3A_145 : i32
    scf.if %cond3A_146 {
      "tpu.region"() ({
        %run_scoped3A = tpu.sem_alloc : memref<!tpu.dma_semaphore, #tpu.memory_space<semaphore_mem>>
        %dma_start3A = arith.constant 0 : i32
        %dma_start3A_148 = tpu.memref_slice %arg5[%add3A_127, %mul3A_0, %dma_start3A] : memref<12x10000x64xf32, #tpu.memory_space<hbm>> -> memref<1x1000x64xf32, #tpu.memory_space<hbm>>
        %dma_start3A_149 = tpu.memref_squeeze %dma_start3A_148 : memref<1x1000x64xf32, #tpu.memory_space<hbm>> -> memref<1000x64xf32, #tpu.memory_space<hbm>>
        %dma_start3A_150 = arith.constant 0 : i32
        %dma_start3A_151 = tpu.memref_slice %arg10[%mul3A_0, %dma_start3A_150] : memref<10016x64xf32, #tpu.memory_space<vmem_shared>> -> memref<1000x64xf32, #tpu.memory_space<vmem_shared>>
        tpu.enqueue_dma source(%dma_start3A_151 : memref<1000x64xf32, #tpu.memory_space<vmem_shared>>) target(%dma_start3A_149 : memref<1000x64xf32, #tpu.memory_space<hbm>>) target_semaphore(%run_scoped3A : memref<!tpu.dma_semaphore, #tpu.memory_space<semaphore_mem>>)
        %dma_wait3A = arith.constant 0 : i32
        %dma_wait3A_152 = tpu.memref_slice %arg5[%add3A_127, %mul3A_0, %dma_wait3A] : memref<12x10000x64xf32, #tpu.memory_space<hbm>> -> memref<1x1000x64xf32, #tpu.memory_space<hbm>>
        %dma_wait3A_153 = tpu.memref_squeeze %dma_wait3A_152 : memref<1x1000x64xf32, #tpu.memory_space<hbm>> -> memref<1000x64xf32, #tpu.memory_space<hbm>>
        %dma_wait3A_154 = arith.constant 0 : i32
        %dma_wait3A_155 = tpu.memref_slice %arg10[%mul3A_0, %dma_wait3A_154] : memref<10016x64xf32, #tpu.memory_space<vmem_shared>> -> memref<1000x64xf32, #tpu.memory_space<vmem_shared>>
        tpu.wait_dma2 semaphore(%run_scoped3A : memref<!tpu.dma_semaphore, #tpu.memory_space<semaphore_mem>>) src(%dma_wait3A_155 : memref<1000x64xf32, #tpu.memory_space<vmem_shared>>) dst(%dma_wait3A_153 : memref<1000x64xf32, #tpu.memory_space<hbm>>)
        tpu.yield
      }) : () -> ()
    } else {
    }
    %barrier3A_147 = arith.constant 0 : index
    tpu.barrier barrier_id(%barrier3A_147)
    return
  }
}

module attributes {stable_mosaic.version = 14 : i64} {
  func.func @_prep_body(%arg0: i32, %arg1: i32, %arg2: memref<1x2000x128xf32, #tpu.memory_space<vmem>>, %arg3: memref<2000x1xf32, #tpu.memory_space<vmem>>, %arg4: memref<128x64xf32, #tpu.memory_space<vmem>>, %arg5: memref<1x2000x64xf32, #tpu.memory_space<vmem>>) attributes {dimension_semantics = [#tpu.dimension_semantics<arbitrary>, #tpu.dimension_semantics<arbitrary>], iteration_bounds = array<i64: 12, 5>, scalar_prefetch = 0 : i64, scratch_operands = 0 : i64, tpu.core_type = #tpu.core_type<tc>, window_params = [{transform_indices = @transform_0, window_bounds = array<i64: 1, 2000, 128>}, {transform_indices = @transform_1, window_bounds = array<i64: 2000, 1>}, {pipeline_mode = #tpu.pipeline_mode<synchronous>, transform_indices = @transform_2, window_bounds = array<i64: 128, 64>}, {transform_indices = @transform_3, window_bounds = array<i64: 1, 2000, 64>}]} {
    %get3A = arith.constant 0 : index
    %get3A_0 = arith.constant 0 : index
    %get3A_1 = vector.load %arg3[%get3A, %get3A_0] : memref<2000x1xf32, #tpu.memory_space<vmem>>, vector<2000x1xf32>
    %add3A = arith.constant 1.000000e+00 : f32
    %add3A_2 = vector.broadcast %add3A : f32 to vector<2000x1xf32>
    %add3A_3 = arith.addf %get3A_1, %add3A_2 : vector<2000x1xf32>
    %rsqrt3A = math.rsqrt %add3A_3 : vector<2000x1xf32>
    %get3A_4 = arith.constant 0 : index
    %get3A_5 = arith.constant 0 : index
    %get3A_6 = arith.constant 0 : index
    %get3A_7 = vector.load %arg2[%get3A_4, %get3A_5, %get3A_6] : memref<1x2000x128xf32, #tpu.memory_space<vmem>>, vector<1x2000x128xf32>
    %get3A_8 = vector.shape_cast %get3A_7 : vector<1x2000x128xf32> to vector<2000x128xf32>
    %get3A_9 = arith.constant 0 : index
    %get3A_10 = arith.constant 0 : index
    %get3A_11 = vector.load %arg4[%get3A_9, %get3A_10] : memref<128x64xf32, #tpu.memory_space<vmem>>, vector<128x64xf32>
    %dot_general3A = arith.constant dense<0.000000e+00> : vector<2000x64xf32>
    %dot_general3A_12 = tpu.matmul %get3A_8, %get3A_11, %dot_general3A {dimension_numbers = #tpu.dot_dimension_numbers<[1], [0], [0], [1], [0, 0, 1, 1], [], []>, transpose_lhs_hint = false} : vector<2000x128xf32>, vector<128x64xf32>, vector<2000x64xf32> -> vector<2000x64xf32>
    %mul3A = vector.broadcast %rsqrt3A : vector<2000x1xf32> to vector<2000x64xf32>
    %mul3A_13 = arith.mulf %dot_general3A_12, %mul3A : vector<2000x64xf32>
    %swap3A = arith.constant 0 : index
    %swap3A_14 = arith.constant 0 : index
    %swap3A_15 = arith.constant 0 : index
    %swap3A_16 = vector.load %arg5[%swap3A, %swap3A_14, %swap3A_15] : memref<1x2000x64xf32, #tpu.memory_space<vmem>>, vector<1x2000x64xf32>
    %swap3A_17 = vector.shape_cast %swap3A_16 : vector<1x2000x64xf32> to vector<2000x64xf32>
    %swap3A_18 = vector.shape_cast %mul3A_13 : vector<2000x64xf32> to vector<1x2000x64xf32>
    tpu.vector_store %arg5[%swap3A, %swap3A_14, %swap3A_15], %swap3A_18 {strides = array<i32>} : memref<1x2000x64xf32, #tpu.memory_space<vmem>>, vector<1x2000x64xf32>,
    return
  }
  func.func @transform_0(%arg0: i32, %arg1: i32) -> (i32, i32, i32) {
    %c0_i32 = arith.constant 0 : i32
    %c0_i32_0 = arith.constant 0 : i32
    return %arg0, %arg1, %c0_i32 : i32, i32, i32
  }
  func.func @transform_1(%arg0: i32, %arg1: i32) -> (i32, i32) {
    %c0_i32 = arith.constant 0 : i32
    %c0_i32_0 = arith.constant 0 : i32
    return %arg1, %c0_i32 : i32, i32
  }
  func.func @transform_2(%arg0: i32, %arg1: i32) -> (i32, i32) {
    %c0_i32 = arith.constant 0 : i32
    %c0_i32_0 = arith.constant 0 : i32
    %c0_i32_1 = arith.constant 0 : i32
    return %c0_i32, %c0_i32_0 : i32, i32
  }
  func.func @transform_3(%arg0: i32, %arg1: i32) -> (i32, i32, i32) {
    %c0_i32 = arith.constant 0 : i32
    %c0_i32_0 = arith.constant 0 : i32
    return %arg0, %arg1, %c0_i32 : i32, i32, i32
  }
}

module attributes {stable_mosaic.version = 14 : i64} {
  func.func @_mid_body(%arg0: i32, %arg1: i32, %arg2: memref<1x2000x64xf32, #tpu.memory_space<vmem>>, %arg3: memref<1x2000x64xf32, #tpu.memory_space<vmem>>, %arg4: memref<2000x1xf32, #tpu.memory_space<vmem>>, %arg5: memref<1x64xf32, #tpu.memory_space<vmem>>, %arg6: memref<64x64xf32, #tpu.memory_space<vmem>>, %arg7: memref<1x2000x64xf32, #tpu.memory_space<vmem>>) attributes {dimension_semantics = [#tpu.dimension_semantics<arbitrary>, #tpu.dimension_semantics<arbitrary>], iteration_bounds = array<i64: 12, 5>, scalar_prefetch = 0 : i64, scratch_operands = 0 : i64, tpu.core_type = #tpu.core_type<tc>, window_params = [{transform_indices = @transform_0, window_bounds = array<i64: 1, 2000, 64>}, {transform_indices = @transform_1, window_bounds = array<i64: 1, 2000, 64>}, {transform_indices = @transform_2, window_bounds = array<i64: 2000, 1>}, {pipeline_mode = #tpu.pipeline_mode<synchronous>, transform_indices = @transform_3, window_bounds = array<i64: 1, 64>}, {pipeline_mode = #tpu.pipeline_mode<synchronous>, transform_indices = @transform_4, window_bounds = array<i64: 64, 64>}, {transform_indices = @transform_5, window_bounds = array<i64: 1, 2000, 64>}]} {
    %get3A = arith.constant 0 : index
    %get3A_0 = arith.constant 0 : index
    %get3A_1 = vector.load %arg4[%get3A, %get3A_0] : memref<2000x1xf32, #tpu.memory_space<vmem>>, vector<2000x1xf32>
    %add3A = arith.constant 1.000000e+00 : f32
    %add3A_2 = vector.broadcast %add3A : f32 to vector<2000x1xf32>
    %add3A_3 = arith.addf %get3A_1, %add3A_2 : vector<2000x1xf32>
    %rsqrt3A = math.rsqrt %add3A_3 : vector<2000x1xf32>
    %get3A_4 = arith.constant 0 : index
    %get3A_5 = arith.constant 0 : index
    %get3A_6 = arith.constant 0 : index
    %get3A_7 = vector.load %arg2[%get3A_4, %get3A_5, %get3A_6] : memref<1x2000x64xf32, #tpu.memory_space<vmem>>, vector<1x2000x64xf32>
    %get3A_8 = vector.shape_cast %get3A_7 : vector<1x2000x64xf32> to vector<2000x64xf32>
    %get3A_9 = arith.constant 0 : index
    %get3A_10 = arith.constant 0 : index
    %get3A_11 = arith.constant 0 : index
    %get3A_12 = vector.load %arg3[%get3A_9, %get3A_10, %get3A_11] : memref<1x2000x64xf32, #tpu.memory_space<vmem>>, vector<1x2000x64xf32>
    %get3A_13 = vector.shape_cast %get3A_12 : vector<1x2000x64xf32> to vector<2000x64xf32>
    %add3A_14 = arith.addf %get3A_8, %get3A_13 : vector<2000x64xf32>
    %mul3A = vector.broadcast %rsqrt3A : vector<2000x1xf32> to vector<2000x64xf32>
    %mul3A_15 = arith.mulf %mul3A, %add3A_14 : vector<2000x64xf32>
    %get3A_16 = arith.constant 0 : index
    %get3A_17 = arith.constant 0 : index
    %get3A_18 = vector.load %arg5[%get3A_16, %get3A_17] : memref<1x64xf32, #tpu.memory_space<vmem>>, vector<1x64xf32>
    %add3A_19 = vector.broadcast %get3A_18 : vector<1x64xf32> to vector<2000x64xf32>
    %add3A_20 = arith.addf %mul3A_15, %add3A_19 : vector<2000x64xf32>
    %max3A = arith.constant 0.000000e+00 : f32
    %max3A_21 = vector.broadcast %max3A : f32 to vector<2000x64xf32>
    %max3A_22 = arith.maximumf %add3A_20, %max3A_21 : vector<2000x64xf32>
    %get3A_23 = arith.constant 0 : index
    %get3A_24 = arith.constant 0 : index
    %get3A_25 = vector.load %arg6[%get3A_23, %get3A_24] : memref<64x64xf32, #tpu.memory_space<vmem>>, vector<64x64xf32>
    %dot_general3A = arith.constant dense<0.000000e+00> : vector<2000x64xf32>
    %dot_general3A_26 = tpu.matmul %max3A_22, %get3A_25, %dot_general3A {dimension_numbers = #tpu.dot_dimension_numbers<[1], [0], [0], [1], [0, 0, 1, 1], [], []>, transpose_lhs_hint = false} : vector<2000x64xf32>, vector<64x64xf32>, vector<2000x64xf32> -> vector<2000x64xf32>
    %mul3A_27 = vector.broadcast %rsqrt3A : vector<2000x1xf32> to vector<2000x64xf32>
    %mul3A_28 = arith.mulf %dot_general3A_26, %mul3A_27 : vector<2000x64xf32>
    %swap3A = arith.constant 0 : index
    %swap3A_29 = arith.constant 0 : index
    %swap3A_30 = arith.constant 0 : index
    %swap3A_31 = vector.load %arg7[%swap3A, %swap3A_29, %swap3A_30] : memref<1x2000x64xf32, #tpu.memory_space<vmem>>, vector<1x2000x64xf32>
    %swap3A_32 = vector.shape_cast %swap3A_31 : vector<1x2000x64xf32> to vector<2000x64xf32>
    %swap3A_33 = vector.shape_cast %mul3A_28 : vector<2000x64xf32> to vector<1x2000x64xf32>
    tpu.vector_store %arg7[%swap3A, %swap3A_29, %swap3A_30], %swap3A_33 {strides = array<i32>} : memref<1x2000x64xf32, #tpu.memory_space<vmem>>, vector<1x2000x64xf32>,
    return
  }
  func.func @transform_0(%arg0: i32, %arg1: i32) -> (i32, i32, i32) {
    %c0_i32 = arith.constant 0 : i32
    %c0_i32_0 = arith.constant 0 : i32
    return %arg0, %arg1, %c0_i32 : i32, i32, i32
  }
  func.func @transform_1(%arg0: i32, %arg1: i32) -> (i32, i32, i32) {
    %c0_i32 = arith.constant 0 : i32
    %c0_i32_0 = arith.constant 0 : i32
    return %arg0, %arg1, %c0_i32 : i32, i32, i32
  }
  func.func @transform_2(%arg0: i32, %arg1: i32) -> (i32, i32) {
    %c0_i32 = arith.constant 0 : i32
    %c0_i32_0 = arith.constant 0 : i32
    return %arg1, %c0_i32 : i32, i32
  }
  func.func @transform_3(%arg0: i32, %arg1: i32) -> (i32, i32) {
    %c0_i32 = arith.constant 0 : i32
    %c0_i32_0 = arith.constant 0 : i32
    %c0_i32_1 = arith.constant 0 : i32
    return %c0_i32, %c0_i32_0 : i32, i32
  }
  func.func @transform_4(%arg0: i32, %arg1: i32) -> (i32, i32) {
    %c0_i32 = arith.constant 0 : i32
    %c0_i32_0 = arith.constant 0 : i32
    %c0_i32_1 = arith.constant 0 : i32
    return %c0_i32, %c0_i32_0 : i32, i32
  }
  func.func @transform_5(%arg0: i32, %arg1: i32) -> (i32, i32, i32) {
    %c0_i32 = arith.constant 0 : i32
    %c0_i32_0 = arith.constant 0 : i32
    return %arg0, %arg1, %c0_i32 : i32, i32, i32
  }
}

module attributes {stable_mosaic.version = 14 : i64} {
  func.func @_final_body(%arg0: i32, %arg1: memref<12x1000x64xf32, #tpu.memory_space<vmem>>, %arg2: memref<12x1000x64xf32, #tpu.memory_space<vmem>>, %arg3: memref<1000x1xf32, #tpu.memory_space<vmem>>, %arg4: memref<1x64xf32, #tpu.memory_space<vmem>>, %arg5: memref<64x512xf32, #tpu.memory_space<vmem>>, %arg6: memref<128x512xf32, #tpu.memory_space<vmem>>, %arg7: memref<1x512xf32, #tpu.memory_space<vmem>>, %arg8: memref<128x32xf32, #tpu.memory_space<vmem>>, %arg9: memref<1x32xf32, #tpu.memory_space<vmem>>, %arg10: memref<32x1xf32, #tpu.memory_space<vmem>>, %arg11: memref<1x1xf32, #tpu.memory_space<vmem>>, %arg12: memref<1000x1xf32, #tpu.memory_space<vmem>>) attributes {dimension_semantics = [#tpu.dimension_semantics<arbitrary>], iteration_bounds = array<i64: 10>, scalar_prefetch = 0 : i64, scratch_operands = 0 : i64, tpu.core_type = #tpu.core_type<tc>, window_params = [{transform_indices = @transform_0, window_bounds = array<i64: 12, 1000, 64>}, {transform_indices = @transform_1, window_bounds = array<i64: 12, 1000, 64>}, {transform_indices = @transform_2, window_bounds = array<i64: 1000, 1>}, {pipeline_mode = #tpu.pipeline_mode<synchronous>, transform_indices = @transform_3, window_bounds = array<i64: 1, 64>}, {pipeline_mode = #tpu.pipeline_mode<synchronous>, transform_indices = @transform_4, window_bounds = array<i64: 64, 512>}, {pipeline_mode = #tpu.pipeline_mode<synchronous>, transform_indices = @transform_5, window_bounds = array<i64: 128, 512>}, {pipeline_mode = #tpu.pipeline_mode<synchronous>, transform_indices = @transform_6, window_bounds = array<i64: 1, 512>}, {pipeline_mode = #tpu.pipeline_mode<synchronous>, transform_indices = @transform_7, window_bounds = array<i64: 128, 32>}, {pipeline_mode = #tpu.pipeline_mode<synchronous>, transform_indices = @transform_8, window_bounds = array<i64: 1, 32>}, {pipeline_mode = #tpu.pipeline_mode<synchronous>, transform_indices = @transform_9, window_bounds = array<i64: 32, 1>}, {pipeline_mode = #tpu.pipeline_mode<synchronous>, transform_indices = @transform_10, window_bounds = array<i64: 1, 1>}, {transform_indices = @transform_11, window_bounds = array<i64: 1000, 1>}]} {
    %get3A = arith.constant 0 : index
    %get3A_0 = arith.constant 0 : index
    %get3A_1 = vector.load %arg3[%get3A, %get3A_0] : memref<1000x1xf32, #tpu.memory_space<vmem>>, vector<1000x1xf32>
    %add3A = arith.constant 1.000000e+00 : f32
    %add3A_2 = vector.broadcast %add3A : f32 to vector<1000x1xf32>
    %add3A_3 = arith.addf %get3A_1, %add3A_2 : vector<1000x1xf32>
    %rsqrt3A = math.rsqrt %add3A_3 : vector<1000x1xf32>
    %broadcast_in_dim3A = arith.constant 0.000000e+00 : f32
    %broadcast_in_dim3A_4 = vector.broadcast %broadcast_in_dim3A : f32 to vector<1000x128xf32>
    %broadcast_in_dim3A_5 = arith.constant 0.000000e+00 : f32
    %broadcast_in_dim3A_6 = vector.broadcast %broadcast_in_dim3A_5 : f32 to vector<1000x128xf32>
    %get3A_7 = arith.constant 0 : index
    %get3A_8 = arith.constant 0 : index
    %get3A_9 = arith.constant 0 : index
    %get3A_10 = vector.load %arg1[%get3A_7, %get3A_8, %get3A_9] : memref<12x1000x64xf32, #tpu.memory_space<vmem>>, vector<1x1000x64xf32>
    %get3A_11 = vector.shape_cast %get3A_10 : vector<1x1000x64xf32> to vector<1000x64xf32>
    %get3A_12 = arith.constant 0 : index
    %get3A_13 = arith.constant 0 : index
    %get3A_14 = arith.constant 0 : index
    %get3A_15 = vector.load %arg2[%get3A_12, %get3A_13, %get3A_14] : memref<12x1000x64xf32, #tpu.memory_space<vmem>>, vector<1x1000x64xf32>
    %get3A_16 = vector.shape_cast %get3A_15 : vector<1x1000x64xf32> to vector<1000x64xf32>
    %add3A_17 = arith.addf %get3A_11, %get3A_16 : vector<1000x64xf32>
    %mul3A = vector.broadcast %rsqrt3A : vector<1000x1xf32> to vector<1000x64xf32>
    %mul3A_18 = arith.mulf %mul3A, %add3A_17 : vector<1000x64xf32>
    %get3A_19 = arith.constant 0 : index
    %get3A_20 = arith.constant 0 : index
    %get3A_21 = vector.load %arg4[%get3A_19, %get3A_20] : memref<1x64xf32, #tpu.memory_space<vmem>>, vector<1x64xf32>
    %add3A_22 = vector.broadcast %get3A_21 : vector<1x64xf32> to vector<1000x64xf32>
    %add3A_23 = arith.addf %mul3A_18, %add3A_22 : vector<1000x64xf32>
    %max3A = arith.constant 0.000000e+00 : f32
    %max3A_24 = vector.broadcast %max3A : f32 to vector<1000x64xf32>
    %max3A_25 = arith.maximumf %add3A_23, %max3A_24 : vector<1000x64xf32>
    %get3A_26 = arith.constant 0 : index
    %get3A_27 = arith.constant 0 : index
    %get3A_28 = vector.load %arg5[%get3A_26, %get3A_27] : memref<64x512xf32, #tpu.memory_space<vmem>>, vector<64x512xf32>
    %dot_general3A = arith.constant dense<0.000000e+00> : vector<1000x512xf32>
    %dot_general3A_29 = tpu.matmul %max3A_25, %get3A_28, %dot_general3A {dimension_numbers = #tpu.dot_dimension_numbers<[1], [0], [0], [1], [0, 0, 1, 1], [], []>, transpose_lhs_hint = false} : vector<1000x64xf32>, vector<64x512xf32>, vector<1000x512xf32> -> vector<1000x512xf32>
    %get3A_30 = arith.constant 0 : index
    %get3A_31 = arith.constant 0 : index
    %get3A_32 = vector.load %arg6[%get3A_30, %get3A_31] : memref<128x512xf32, #tpu.memory_space<vmem>>, vector<128x512xf32>
    %dot_general3A_33 = arith.constant dense<0.000000e+00> : vector<1000x512xf32>
    %dot_general3A_34 = tpu.matmul %broadcast_in_dim3A_4, %get3A_32, %dot_general3A_33 {dimension_numbers = #tpu.dot_dimension_numbers<[1], [0], [0], [1], [0, 0, 1, 1], [], []>, transpose_lhs_hint = false} : vector<1000x128xf32>, vector<128x512xf32>, vector<1000x512xf32> -> vector<1000x512xf32>
    %add3A_35 = arith.addf %dot_general3A_29, %dot_general3A_34 : vector<1000x512xf32>
    %get3A_36 = arith.constant 0 : index
    %get3A_37 = arith.constant 0 : index
    %get3A_38 = vector.load %arg7[%get3A_36, %get3A_37] : memref<1x512xf32, #tpu.memory_space<vmem>>, vector<1x512xf32>
    %add3A_39 = vector.broadcast %get3A_38 : vector<1x512xf32> to vector<1000x512xf32>
    %add3A_40 = arith.addf %add3A_35, %add3A_39 : vector<1000x512xf32>
    %slice3A = vector.extract_strided_slice %add3A_40 {offsets = [0, 0], sizes = [1000, 128], strides = [1, 1]} : vector<1000x512xf32> to vector<1000x128xf32>
    %logistic3A = arith.negf %slice3A : vector<1000x128xf32>
    %logistic3A_41 = math.exp %logistic3A : vector<1000x128xf32>
    %logistic3A_42 = arith.constant 1.000000e+00 : f32
    %logistic3A_43 = vector.broadcast %logistic3A_42 : f32 to vector<1000x128xf32>
    %logistic3A_44 = arith.addf %logistic3A_43, %logistic3A_41 : vector<1000x128xf32>
    %logistic3A_45 = arith.divf %logistic3A_43, %logistic3A_44 : vector<1000x128xf32>
    %slice3A_46 = vector.extract_strided_slice %add3A_40 {offsets = [0, 128], sizes = [1000, 128], strides = [1, 1]} : vector<1000x512xf32> to vector<1000x128xf32>
    %logistic3A_47 = arith.negf %slice3A_46 : vector<1000x128xf32>
    %logistic3A_48 = math.exp %logistic3A_47 : vector<1000x128xf32>
    %logistic3A_49 = arith.constant 1.000000e+00 : f32
    %logistic3A_50 = vector.broadcast %logistic3A_49 : f32 to vector<1000x128xf32>
    %logistic3A_51 = arith.addf %logistic3A_50, %logistic3A_48 : vector<1000x128xf32>
    %logistic3A_52 = arith.divf %logistic3A_50, %logistic3A_51 : vector<1000x128xf32>
    %slice3A_53 = vector.extract_strided_slice %add3A_40 {offsets = [0, 256], sizes = [1000, 128], strides = [1, 1]} : vector<1000x512xf32> to vector<1000x128xf32>
    %tanh3A = math.tanh %slice3A_53 : vector<1000x128xf32>
    %slice3A_54 = vector.extract_strided_slice %add3A_40 {offsets = [0, 384], sizes = [1000, 128], strides = [1, 1]} : vector<1000x512xf32> to vector<1000x128xf32>
    %logistic3A_55 = arith.negf %slice3A_54 : vector<1000x128xf32>
    %logistic3A_56 = math.exp %logistic3A_55 : vector<1000x128xf32>
    %logistic3A_57 = arith.constant 1.000000e+00 : f32
    %logistic3A_58 = vector.broadcast %logistic3A_57 : f32 to vector<1000x128xf32>
    %logistic3A_59 = arith.addf %logistic3A_58, %logistic3A_56 : vector<1000x128xf32>
    %logistic3A_60 = arith.divf %logistic3A_58, %logistic3A_59 : vector<1000x128xf32>
    %mul3A_61 = arith.mulf %logistic3A_52, %broadcast_in_dim3A_6 : vector<1000x128xf32>
    %mul3A_62 = arith.mulf %logistic3A_45, %tanh3A : vector<1000x128xf32>
    %add3A_63 = arith.addf %mul3A_61, %mul3A_62 : vector<1000x128xf32>
    %tanh3A_64 = math.tanh %add3A_63 : vector<1000x128xf32>
    %mul3A_65 = arith.mulf %logistic3A_60, %tanh3A_64 : vector<1000x128xf32>
    %get3A_66 = arith.constant 1 : index
    %get3A_67 = arith.constant 0 : index
    %get3A_68 = arith.constant 0 : index
    %get3A_69 = vector.load %arg1[%get3A_66, %get3A_67, %get3A_68] : memref<12x1000x64xf32, #tpu.memory_space<vmem>>, vector<1x1000x64xf32>
    %get3A_70 = vector.shape_cast %get3A_69 : vector<1x1000x64xf32> to vector<1000x64xf32>
    %get3A_71 = arith.constant 1 : index
    %get3A_72 = arith.constant 0 : index
    %get3A_73 = arith.constant 0 : index
    %get3A_74 = vector.load %arg2[%get3A_71, %get3A_72, %get3A_73] : memref<12x1000x64xf32, #tpu.memory_space<vmem>>, vector<1x1000x64xf32>
    %get3A_75 = vector.shape_cast %get3A_74 : vector<1x1000x64xf32> to vector<1000x64xf32>
    %add3A_76 = arith.addf %get3A_70, %get3A_75 : vector<1000x64xf32>
    %mul3A_77 = vector.broadcast %rsqrt3A : vector<1000x1xf32> to vector<1000x64xf32>
    %mul3A_78 = arith.mulf %mul3A_77, %add3A_76 : vector<1000x64xf32>
    %get3A_79 = arith.constant 0 : index
    %get3A_80 = arith.constant 0 : index
    %get3A_81 = vector.load %arg4[%get3A_79, %get3A_80] : memref<1x64xf32, #tpu.memory_space<vmem>>, vector<1x64xf32>
    %add3A_82 = vector.broadcast %get3A_81 : vector<1x64xf32> to vector<1000x64xf32>
    %add3A_83 = arith.addf %mul3A_78, %add3A_82 : vector<1000x64xf32>
    %max3A_84 = arith.constant 0.000000e+00 : f32
    %max3A_85 = vector.broadcast %max3A_84 : f32 to vector<1000x64xf32>
    %max3A_86 = arith.maximumf %add3A_83, %max3A_85 : vector<1000x64xf32>
    %get3A_87 = arith.constant 0 : index
    %get3A_88 = arith.constant 0 : index
    %get3A_89 = vector.load %arg5[%get3A_87, %get3A_88] : memref<64x512xf32, #tpu.memory_space<vmem>>, vector<64x512xf32>
    %dot_general3A_90 = arith.constant dense<0.000000e+00> : vector<1000x512xf32>
    %dot_general3A_91 = tpu.matmul %max3A_86, %get3A_89, %dot_general3A_90 {dimension_numbers = #tpu.dot_dimension_numbers<[1], [0], [0], [1], [0, 0, 1, 1], [], []>, transpose_lhs_hint = false} : vector<1000x64xf32>, vector<64x512xf32>, vector<1000x512xf32> -> vector<1000x512xf32>
    %get3A_92 = arith.constant 0 : index
    %get3A_93 = arith.constant 0 : index
    %get3A_94 = vector.load %arg6[%get3A_92, %get3A_93] : memref<128x512xf32, #tpu.memory_space<vmem>>, vector<128x512xf32>
    %dot_general3A_95 = arith.constant dense<0.000000e+00> : vector<1000x512xf32>
    %dot_general3A_96 = tpu.matmul %mul3A_65, %get3A_94, %dot_general3A_95 {dimension_numbers = #tpu.dot_dimension_numbers<[1], [0], [0], [1], [0, 0, 1, 1], [], []>, transpose_lhs_hint = false} : vector<1000x128xf32>, vector<128x512xf32>, vector<1000x512xf32> -> vector<1000x512xf32>
    %add3A_97 = arith.addf %dot_general3A_91, %dot_general3A_96 : vector<1000x512xf32>
    %get3A_98 = arith.constant 0 : index
    %get3A_99 = arith.constant 0 : index
    %get3A_100 = vector.load %arg7[%get3A_98, %get3A_99] : memref<1x512xf32, #tpu.memory_space<vmem>>, vector<1x512xf32>
    %add3A_101 = vector.broadcast %get3A_100 : vector<1x512xf32> to vector<1000x512xf32>
    %add3A_102 = arith.addf %add3A_97, %add3A_101 : vector<1000x512xf32>
    %slice3A_103 = vector.extract_strided_slice %add3A_102 {offsets = [0, 0], sizes = [1000, 128], strides = [1, 1]} : vector<1000x512xf32> to vector<1000x128xf32>
    %logistic3A_104 = arith.negf %slice3A_103 : vector<1000x128xf32>
    %logistic3A_105 = math.exp %logistic3A_104 : vector<1000x128xf32>
    %logistic3A_106 = arith.constant 1.000000e+00 : f32
    %logistic3A_107 = vector.broadcast %logistic3A_106 : f32 to vector<1000x128xf32>
    %logistic3A_108 = arith.addf %logistic3A_107, %logistic3A_105 : vector<1000x128xf32>
    %logistic3A_109 = arith.divf %logistic3A_107, %logistic3A_108 : vector<1000x128xf32>
    %slice3A_110 = vector.extract_strided_slice %add3A_102 {offsets = [0, 128], sizes = [1000, 128], strides = [1, 1]} : vector<1000x512xf32> to vector<1000x128xf32>
    %logistic3A_111 = arith.negf %slice3A_110 : vector<1000x128xf32>
    %logistic3A_112 = math.exp %logistic3A_111 : vector<1000x128xf32>
    %logistic3A_113 = arith.constant 1.000000e+00 : f32
    %logistic3A_114 = vector.broadcast %logistic3A_113 : f32 to vector<1000x128xf32>
    %logistic3A_115 = arith.addf %logistic3A_114, %logistic3A_112 : vector<1000x128xf32>
    %logistic3A_116 = arith.divf %logistic3A_114, %logistic3A_115 : vector<1000x128xf32>
    %slice3A_117 = vector.extract_strided_slice %add3A_102 {offsets = [0, 256], sizes = [1000, 128], strides = [1, 1]} : vector<1000x512xf32> to vector<1000x128xf32>
    %tanh3A_118 = math.tanh %slice3A_117 : vector<1000x128xf32>
    %slice3A_119 = vector.extract_strided_slice %add3A_102 {offsets = [0, 384], sizes = [1000, 128], strides = [1, 1]} : vector<1000x512xf32> to vector<1000x128xf32>
    %logistic3A_120 = arith.negf %slice3A_119 : vector<1000x128xf32>
    %logistic3A_121 = math.exp %logistic3A_120 : vector<1000x128xf32>
    %logistic3A_122 = arith.constant 1.000000e+00 : f32
    %logistic3A_123 = vector.broadcast %logistic3A_122 : f32 to vector<1000x128xf32>
    %logistic3A_124 = arith.addf %logistic3A_123, %logistic3A_121 : vector<1000x128xf32>
    %logistic3A_125 = arith.divf %logistic3A_123, %logistic3A_124 : vector<1000x128xf32>
    %mul3A_126 = arith.mulf %logistic3A_116, %add3A_63 : vector<1000x128xf32>
    %mul3A_127 = arith.mulf %logistic3A_109, %tanh3A_118 : vector<1000x128xf32>
    %add3A_128 = arith.addf %mul3A_126, %mul3A_127 : vector<1000x128xf32>
    %tanh3A_129 = math.tanh %add3A_128 : vector<1000x128xf32>
    %mul3A_130 = arith.mulf %logistic3A_125, %tanh3A_129 : vector<1000x128xf32>
    %get3A_131 = arith.constant 2 : index
    %get3A_132 = arith.constant 0 : index
    %get3A_133 = arith.constant 0 : index
    %get3A_134 = vector.load %arg1[%get3A_131, %get3A_132, %get3A_133] : memref<12x1000x64xf32, #tpu.memory_space<vmem>>, vector<1x1000x64xf32>
    %get3A_135 = vector.shape_cast %get3A_134 : vector<1x1000x64xf32> to vector<1000x64xf32>
    %get3A_136 = arith.constant 2 : index
    %get3A_137 = arith.constant 0 : index
    %get3A_138 = arith.constant 0 : index
    %get3A_139 = vector.load %arg2[%get3A_136, %get3A_137, %get3A_138] : memref<12x1000x64xf32, #tpu.memory_space<vmem>>, vector<1x1000x64xf32>
    %get3A_140 = vector.shape_cast %get3A_139 : vector<1x1000x64xf32> to vector<1000x64xf32>
    %add3A_141 = arith.addf %get3A_135, %get3A_140 : vector<1000x64xf32>
    %mul3A_142 = vector.broadcast %rsqrt3A : vector<1000x1xf32> to vector<1000x64xf32>
    %mul3A_143 = arith.mulf %mul3A_142, %add3A_141 : vector<1000x64xf32>
    %get3A_144 = arith.constant 0 : index
    %get3A_145 = arith.constant 0 : index
    %get3A_146 = vector.load %arg4[%get3A_144, %get3A_145] : memref<1x64xf32, #tpu.memory_space<vmem>>, vector<1x64xf32>
    %add3A_147 = vector.broadcast %get3A_146 : vector<1x64xf32> to vector<1000x64xf32>
    %add3A_148 = arith.addf %mul3A_143, %add3A_147 : vector<1000x64xf32>
    %max3A_149 = arith.constant 0.000000e+00 : f32
    %max3A_150 = vector.broadcast %max3A_149 : f32 to vector<1000x64xf32>
    %max3A_151 = arith.maximumf %add3A_148, %max3A_150 : vector<1000x64xf32>
    %get3A_152 = arith.constant 0 : index
    %get3A_153 = arith.constant 0 : index
    %get3A_154 = vector.load %arg5[%get3A_152, %get3A_153] : memref<64x512xf32, #tpu.memory_space<vmem>>, vector<64x512xf32>
    %dot_general3A_155 = arith.constant dense<0.000000e+00> : vector<1000x512xf32>
    %dot_general3A_156 = tpu.matmul %max3A_151, %get3A_154, %dot_general3A_155 {dimension_numbers = #tpu.dot_dimension_numbers<[1], [0], [0], [1], [0, 0, 1, 1], [], []>, transpose_lhs_hint = false} : vector<1000x64xf32>, vector<64x512xf32>, vector<1000x512xf32> -> vector<1000x512xf32>
    %get3A_157 = arith.constant 0 : index
    %get3A_158 = arith.constant 0 : index
    %get3A_159 = vector.load %arg6[%get3A_157, %get3A_158] : memref<128x512xf32, #tpu.memory_space<vmem>>, vector<128x512xf32>
    %dot_general3A_160 = arith.constant dense<0.000000e+00> : vector<1000x512xf32>
    %dot_general3A_161 = tpu.matmul %mul3A_130, %get3A_159, %dot_general3A_160 {dimension_numbers = #tpu.dot_dimension_numbers<[1], [0], [0], [1], [0, 0, 1, 1], [], []>, transpose_lhs_hint = false} : vector<1000x128xf32>, vector<128x512xf32>, vector<1000x512xf32> -> vector<1000x512xf32>
    %add3A_162 = arith.addf %dot_general3A_156, %dot_general3A_161 : vector<1000x512xf32>
    %get3A_163 = arith.constant 0 : index
    %get3A_164 = arith.constant 0 : index
    %get3A_165 = vector.load %arg7[%get3A_163, %get3A_164] : memref<1x512xf32, #tpu.memory_space<vmem>>, vector<1x512xf32>
    %add3A_166 = vector.broadcast %get3A_165 : vector<1x512xf32> to vector<1000x512xf32>
    %add3A_167 = arith.addf %add3A_162, %add3A_166 : vector<1000x512xf32>
    %slice3A_168 = vector.extract_strided_slice %add3A_167 {offsets = [0, 0], sizes = [1000, 128], strides = [1, 1]} : vector<1000x512xf32> to vector<1000x128xf32>
    %logistic3A_169 = arith.negf %slice3A_168 : vector<1000x128xf32>
    %logistic3A_170 = math.exp %logistic3A_169 : vector<1000x128xf32>
    %logistic3A_171 = arith.constant 1.000000e+00 : f32
    %logistic3A_172 = vector.broadcast %logistic3A_171 : f32 to vector<1000x128xf32>
    %logistic3A_173 = arith.addf %logistic3A_172, %logistic3A_170 : vector<1000x128xf32>
    %logistic3A_174 = arith.divf %logistic3A_172, %logistic3A_173 : vector<1000x128xf32>
    %slice3A_175 = vector.extract_strided_slice %add3A_167 {offsets = [0, 128], sizes = [1000, 128], strides = [1, 1]} : vector<1000x512xf32> to vector<1000x128xf32>
    %logistic3A_176 = arith.negf %slice3A_175 : vector<1000x128xf32>
    %logistic3A_177 = math.exp %logistic3A_176 : vector<1000x128xf32>
    %logistic3A_178 = arith.constant 1.000000e+00 : f32
    %logistic3A_179 = vector.broadcast %logistic3A_178 : f32 to vector<1000x128xf32>
    %logistic3A_180 = arith.addf %logistic3A_179, %logistic3A_177 : vector<1000x128xf32>
    %logistic3A_181 = arith.divf %logistic3A_179, %logistic3A_180 : vector<1000x128xf32>
    %slice3A_182 = vector.extract_strided_slice %add3A_167 {offsets = [0, 256], sizes = [1000, 128], strides = [1, 1]} : vector<1000x512xf32> to vector<1000x128xf32>
    %tanh3A_183 = math.tanh %slice3A_182 : vector<1000x128xf32>
    %slice3A_184 = vector.extract_strided_slice %add3A_167 {offsets = [0, 384], sizes = [1000, 128], strides = [1, 1]} : vector<1000x512xf32> to vector<1000x128xf32>
    %logistic3A_185 = arith.negf %slice3A_184 : vector<1000x128xf32>
    %logistic3A_186 = math.exp %logistic3A_185 : vector<1000x128xf32>
    %logistic3A_187 = arith.constant 1.000000e+00 : f32
    %logistic3A_188 = vector.broadcast %logistic3A_187 : f32 to vector<1000x128xf32>
    %logistic3A_189 = arith.addf %logistic3A_188, %logistic3A_186 : vector<1000x128xf32>
    %logistic3A_190 = arith.divf %logistic3A_188, %logistic3A_189 : vector<1000x128xf32>
    %mul3A_191 = arith.mulf %logistic3A_181, %add3A_128 : vector<1000x128xf32>
    %mul3A_192 = arith.mulf %logistic3A_174, %tanh3A_183 : vector<1000x128xf32>
    %add3A_193 = arith.addf %mul3A_191, %mul3A_192 : vector<1000x128xf32>
    %tanh3A_194 = math.tanh %add3A_193 : vector<1000x128xf32>
    %mul3A_195 = arith.mulf %logistic3A_190, %tanh3A_194 : vector<1000x128xf32>
    %get3A_196 = arith.constant 3 : index
    %get3A_197 = arith.constant 0 : index
    %get3A_198 = arith.constant 0 : index
    %get3A_199 = vector.load %arg1[%get3A_196, %get3A_197, %get3A_198] : memref<12x1000x64xf32, #tpu.memory_space<vmem>>, vector<1x1000x64xf32>
    %get3A_200 = vector.shape_cast %get3A_199 : vector<1x1000x64xf32> to vector<1000x64xf32>
    %get3A_201 = arith.constant 3 : index
    %get3A_202 = arith.constant 0 : index
    %get3A_203 = arith.constant 0 : index
    %get3A_204 = vector.load %arg2[%get3A_201, %get3A_202, %get3A_203] : memref<12x1000x64xf32, #tpu.memory_space<vmem>>, vector<1x1000x64xf32>
    %get3A_205 = vector.shape_cast %get3A_204 : vector<1x1000x64xf32> to vector<1000x64xf32>
    %add3A_206 = arith.addf %get3A_200, %get3A_205 : vector<1000x64xf32>
    %mul3A_207 = vector.broadcast %rsqrt3A : vector<1000x1xf32> to vector<1000x64xf32>
    %mul3A_208 = arith.mulf %mul3A_207, %add3A_206 : vector<1000x64xf32>
    %get3A_209 = arith.constant 0 : index
    %get3A_210 = arith.constant 0 : index
    %get3A_211 = vector.load %arg4[%get3A_209, %get3A_210] : memref<1x64xf32, #tpu.memory_space<vmem>>, vector<1x64xf32>
    %add3A_212 = vector.broadcast %get3A_211 : vector<1x64xf32> to vector<1000x64xf32>
    %add3A_213 = arith.addf %mul3A_208, %add3A_212 : vector<1000x64xf32>
    %max3A_214 = arith.constant 0.000000e+00 : f32
    %max3A_215 = vector.broadcast %max3A_214 : f32 to vector<1000x64xf32>
    %max3A_216 = arith.maximumf %add3A_213, %max3A_215 : vector<1000x64xf32>
    %get3A_217 = arith.constant 0 : index
    %get3A_218 = arith.constant 0 : index
    %get3A_219 = vector.load %arg5[%get3A_217, %get3A_218] : memref<64x512xf32, #tpu.memory_space<vmem>>, vector<64x512xf32>
    %dot_general3A_220 = arith.constant dense<0.000000e+00> : vector<1000x512xf32>
    %dot_general3A_221 = tpu.matmul %max3A_216, %get3A_219, %dot_general3A_220 {dimension_numbers = #tpu.dot_dimension_numbers<[1], [0], [0], [1], [0, 0, 1, 1], [], []>, transpose_lhs_hint = false} : vector<1000x64xf32>, vector<64x512xf32>, vector<1000x512xf32> -> vector<1000x512xf32>
    %get3A_222 = arith.constant 0 : index
    %get3A_223 = arith.constant 0 : index
    %get3A_224 = vector.load %arg6[%get3A_222, %get3A_223] : memref<128x512xf32, #tpu.memory_space<vmem>>, vector<128x512xf32>
    %dot_general3A_225 = arith.constant dense<0.000000e+00> : vector<1000x512xf32>
    %dot_general3A_226 = tpu.matmul %mul3A_195, %get3A_224, %dot_general3A_225 {dimension_numbers = #tpu.dot_dimension_numbers<[1], [0], [0], [1], [0, 0, 1, 1], [], []>, transpose_lhs_hint = false} : vector<1000x128xf32>, vector<128x512xf32>, vector<1000x512xf32> -> vector<1000x512xf32>
    %add3A_227 = arith.addf %dot_general3A_221, %dot_general3A_226 : vector<1000x512xf32>
    %get3A_228 = arith.constant 0 : index
    %get3A_229 = arith.constant 0 : index
    %get3A_230 = vector.load %arg7[%get3A_228, %get3A_229] : memref<1x512xf32, #tpu.memory_space<vmem>>, vector<1x512xf32>
    %add3A_231 = vector.broadcast %get3A_230 : vector<1x512xf32> to vector<1000x512xf32>
    %add3A_232 = arith.addf %add3A_227, %add3A_231 : vector<1000x512xf32>
    %slice3A_233 = vector.extract_strided_slice %add3A_232 {offsets = [0, 0], sizes = [1000, 128], strides = [1, 1]} : vector<1000x512xf32> to vector<1000x128xf32>
    %logistic3A_234 = arith.negf %slice3A_233 : vector<1000x128xf32>
    %logistic3A_235 = math.exp %logistic3A_234 : vector<1000x128xf32>
    %logistic3A_236 = arith.constant 1.000000e+00 : f32
    %logistic3A_237 = vector.broadcast %logistic3A_236 : f32 to vector<1000x128xf32>
    %logistic3A_238 = arith.addf %logistic3A_237, %logistic3A_235 : vector<1000x128xf32>
    %logistic3A_239 = arith.divf %logistic3A_237, %logistic3A_238 : vector<1000x128xf32>
    %slice3A_240 = vector.extract_strided_slice %add3A_232 {offsets = [0, 128], sizes = [1000, 128], strides = [1, 1]} : vector<1000x512xf32> to vector<1000x128xf32>
    %logistic3A_241 = arith.negf %slice3A_240 : vector<1000x128xf32>
    %logistic3A_242 = math.exp %logistic3A_241 : vector<1000x128xf32>
    %logistic3A_243 = arith.constant 1.000000e+00 : f32
    %logistic3A_244 = vector.broadcast %logistic3A_243 : f32 to vector<1000x128xf32>
    %logistic3A_245 = arith.addf %logistic3A_244, %logistic3A_242 : vector<1000x128xf32>
    %logistic3A_246 = arith.divf %logistic3A_244, %logistic3A_245 : vector<1000x128xf32>
    %slice3A_247 = vector.extract_strided_slice %add3A_232 {offsets = [0, 256], sizes = [1000, 128], strides = [1, 1]} : vector<1000x512xf32> to vector<1000x128xf32>
    %tanh3A_248 = math.tanh %slice3A_247 : vector<1000x128xf32>
    %slice3A_249 = vector.extract_strided_slice %add3A_232 {offsets = [0, 384], sizes = [1000, 128], strides = [1, 1]} : vector<1000x512xf32> to vector<1000x128xf32>
    %logistic3A_250 = arith.negf %slice3A_249 : vector<1000x128xf32>
    %logistic3A_251 = math.exp %logistic3A_250 : vector<1000x128xf32>
    %logistic3A_252 = arith.constant 1.000000e+00 : f32
    %logistic3A_253 = vector.broadcast %logistic3A_252 : f32 to vector<1000x128xf32>
    %logistic3A_254 = arith.addf %logistic3A_253, %logistic3A_251 : vector<1000x128xf32>
    %logistic3A_255 = arith.divf %logistic3A_253, %logistic3A_254 : vector<1000x128xf32>
    %mul3A_256 = arith.mulf %logistic3A_246, %add3A_193 : vector<1000x128xf32>
    %mul3A_257 = arith.mulf %logistic3A_239, %tanh3A_248 : vector<1000x128xf32>
    %add3A_258 = arith.addf %mul3A_256, %mul3A_257 : vector<1000x128xf32>
    %tanh3A_259 = math.tanh %add3A_258 : vector<1000x128xf32>
    %mul3A_260 = arith.mulf %logistic3A_255, %tanh3A_259 : vector<1000x128xf32>
    %get3A_261 = arith.constant 4 : index
    %get3A_262 = arith.constant 0 : index
    %get3A_263 = arith.constant 0 : index
    %get3A_264 = vector.load %arg1[%get3A_261, %get3A_262, %get3A_263] : memref<12x1000x64xf32, #tpu.memory_space<vmem>>, vector<1x1000x64xf32>
    %get3A_265 = vector.shape_cast %get3A_264 : vector<1x1000x64xf32> to vector<1000x64xf32>
    %get3A_266 = arith.constant 4 : index
    %get3A_267 = arith.constant 0 : index
    %get3A_268 = arith.constant 0 : index
    %get3A_269 = vector.load %arg2[%get3A_266, %get3A_267, %get3A_268] : memref<12x1000x64xf32, #tpu.memory_space<vmem>>, vector<1x1000x64xf32>
    %get3A_270 = vector.shape_cast %get3A_269 : vector<1x1000x64xf32> to vector<1000x64xf32>
    %add3A_271 = arith.addf %get3A_265, %get3A_270 : vector<1000x64xf32>
    %mul3A_272 = vector.broadcast %rsqrt3A : vector<1000x1xf32> to vector<1000x64xf32>
    %mul3A_273 = arith.mulf %mul3A_272, %add3A_271 : vector<1000x64xf32>
    %get3A_274 = arith.constant 0 : index
    %get3A_275 = arith.constant 0 : index
    %get3A_276 = vector.load %arg4[%get3A_274, %get3A_275] : memref<1x64xf32, #tpu.memory_space<vmem>>, vector<1x64xf32>
    %add3A_277 = vector.broadcast %get3A_276 : vector<1x64xf32> to vector<1000x64xf32>
    %add3A_278 = arith.addf %mul3A_273, %add3A_277 : vector<1000x64xf32>
    %max3A_279 = arith.constant 0.000000e+00 : f32
    %max3A_280 = vector.broadcast %max3A_279 : f32 to vector<1000x64xf32>
    %max3A_281 = arith.maximumf %add3A_278, %max3A_280 : vector<1000x64xf32>
    %get3A_282 = arith.constant 0 : index
    %get3A_283 = arith.constant 0 : index
    %get3A_284 = vector.load %arg5[%get3A_282, %get3A_283] : memref<64x512xf32, #tpu.memory_space<vmem>>, vector<64x512xf32>
    %dot_general3A_285 = arith.constant dense<0.000000e+00> : vector<1000x512xf32>
    %dot_general3A_286 = tpu.matmul %max3A_281, %get3A_284, %dot_general3A_285 {dimension_numbers = #tpu.dot_dimension_numbers<[1], [0], [0], [1], [0, 0, 1, 1], [], []>, transpose_lhs_hint = false} : vector<1000x64xf32>, vector<64x512xf32>, vector<1000x512xf32> -> vector<1000x512xf32>
    %get3A_287 = arith.constant 0 : index
    %get3A_288 = arith.constant 0 : index
    %get3A_289 = vector.load %arg6[%get3A_287, %get3A_288] : memref<128x512xf32, #tpu.memory_space<vmem>>, vector<128x512xf32>
    %dot_general3A_290 = arith.constant dense<0.000000e+00> : vector<1000x512xf32>
    %dot_general3A_291 = tpu.matmul %mul3A_260, %get3A_289, %dot_general3A_290 {dimension_numbers = #tpu.dot_dimension_numbers<[1], [0], [0], [1], [0, 0, 1, 1], [], []>, transpose_lhs_hint = false} : vector<1000x128xf32>, vector<128x512xf32>, vector<1000x512xf32> -> vector<1000x512xf32>
    %add3A_292 = arith.addf %dot_general3A_286, %dot_general3A_291 : vector<1000x512xf32>
    %get3A_293 = arith.constant 0 : index
    %get3A_294 = arith.constant 0 : index
    %get3A_295 = vector.load %arg7[%get3A_293, %get3A_294] : memref<1x512xf32, #tpu.memory_space<vmem>>, vector<1x512xf32>
    %add3A_296 = vector.broadcast %get3A_295 : vector<1x512xf32> to vector<1000x512xf32>
    %add3A_297 = arith.addf %add3A_292, %add3A_296 : vector<1000x512xf32>
    %slice3A_298 = vector.extract_strided_slice %add3A_297 {offsets = [0, 0], sizes = [1000, 128], strides = [1, 1]} : vector<1000x512xf32> to vector<1000x128xf32>
    %logistic3A_299 = arith.negf %slice3A_298 : vector<1000x128xf32>
    %logistic3A_300 = math.exp %logistic3A_299 : vector<1000x128xf32>
    %logistic3A_301 = arith.constant 1.000000e+00 : f32
    %logistic3A_302 = vector.broadcast %logistic3A_301 : f32 to vector<1000x128xf32>
    %logistic3A_303 = arith.addf %logistic3A_302, %logistic3A_300 : vector<1000x128xf32>
    %logistic3A_304 = arith.divf %logistic3A_302, %logistic3A_303 : vector<1000x128xf32>
    %slice3A_305 = vector.extract_strided_slice %add3A_297 {offsets = [0, 128], sizes = [1000, 128], strides = [1, 1]} : vector<1000x512xf32> to vector<1000x128xf32>
    %logistic3A_306 = arith.negf %slice3A_305 : vector<1000x128xf32>
    %logistic3A_307 = math.exp %logistic3A_306 : vector<1000x128xf32>
    %logistic3A_308 = arith.constant 1.000000e+00 : f32
    %logistic3A_309 = vector.broadcast %logistic3A_308 : f32 to vector<1000x128xf32>
    %logistic3A_310 = arith.addf %logistic3A_309, %logistic3A_307 : vector<1000x128xf32>
    %logistic3A_311 = arith.divf %logistic3A_309, %logistic3A_310 : vector<1000x128xf32>
    %slice3A_312 = vector.extract_strided_slice %add3A_297 {offsets = [0, 256], sizes = [1000, 128], strides = [1, 1]} : vector<1000x512xf32> to vector<1000x128xf32>
    %tanh3A_313 = math.tanh %slice3A_312 : vector<1000x128xf32>
    %slice3A_314 = vector.extract_strided_slice %add3A_297 {offsets = [0, 384], sizes = [1000, 128], strides = [1, 1]} : vector<1000x512xf32> to vector<1000x128xf32>
    %logistic3A_315 = arith.negf %slice3A_314 : vector<1000x128xf32>
    %logistic3A_316 = math.exp %logistic3A_315 : vector<1000x128xf32>
    %logistic3A_317 = arith.constant 1.000000e+00 : f32
    %logistic3A_318 = vector.broadcast %logistic3A_317 : f32 to vector<1000x128xf32>
    %logistic3A_319 = arith.addf %logistic3A_318, %logistic3A_316 : vector<1000x128xf32>
    %logistic3A_320 = arith.divf %logistic3A_318, %logistic3A_319 : vector<1000x128xf32>
    %mul3A_321 = arith.mulf %logistic3A_311, %add3A_258 : vector<1000x128xf32>
    %mul3A_322 = arith.mulf %logistic3A_304, %tanh3A_313 : vector<1000x128xf32>
    %add3A_323 = arith.addf %mul3A_321, %mul3A_322 : vector<1000x128xf32>
    %tanh3A_324 = math.tanh %add3A_323 : vector<1000x128xf32>
    %mul3A_325 = arith.mulf %logistic3A_320, %tanh3A_324 : vector<1000x128xf32>
    %get3A_326 = arith.constant 5 : index
    %get3A_327 = arith.constant 0 : index
    %get3A_328 = arith.constant 0 : index
    %get3A_329 = vector.load %arg1[%get3A_326, %get3A_327, %get3A_328] : memref<12x1000x64xf32, #tpu.memory_space<vmem>>, vector<1x1000x64xf32>
    %get3A_330 = vector.shape_cast %get3A_329 : vector<1x1000x64xf32> to vector<1000x64xf32>
    %get3A_331 = arith.constant 5 : index
    %get3A_332 = arith.constant 0 : index
    %get3A_333 = arith.constant 0 : index
    %get3A_334 = vector.load %arg2[%get3A_331, %get3A_332, %get3A_333] : memref<12x1000x64xf32, #tpu.memory_space<vmem>>, vector<1x1000x64xf32>
    %get3A_335 = vector.shape_cast %get3A_334 : vector<1x1000x64xf32> to vector<1000x64xf32>
    %add3A_336 = arith.addf %get3A_330, %get3A_335 : vector<1000x64xf32>
    %mul3A_337 = vector.broadcast %rsqrt3A : vector<1000x1xf32> to vector<1000x64xf32>
    %mul3A_338 = arith.mulf %mul3A_337, %add3A_336 : vector<1000x64xf32>
    %get3A_339 = arith.constant 0 : index
    %get3A_340 = arith.constant 0 : index
    %get3A_341 = vector.load %arg4[%get3A_339, %get3A_340] : memref<1x64xf32, #tpu.memory_space<vmem>>, vector<1x64xf32>
    %add3A_342 = vector.broadcast %get3A_341 : vector<1x64xf32> to vector<1000x64xf32>
    %add3A_343 = arith.addf %mul3A_338, %add3A_342 : vector<1000x64xf32>
    %max3A_344 = arith.constant 0.000000e+00 : f32
    %max3A_345 = vector.broadcast %max3A_344 : f32 to vector<1000x64xf32>
    %max3A_346 = arith.maximumf %add3A_343, %max3A_345 : vector<1000x64xf32>
    %get3A_347 = arith.constant 0 : index
    %get3A_348 = arith.constant 0 : index
    %get3A_349 = vector.load %arg5[%get3A_347, %get3A_348] : memref<64x512xf32, #tpu.memory_space<vmem>>, vector<64x512xf32>
    %dot_general3A_350 = arith.constant dense<0.000000e+00> : vector<1000x512xf32>
    %dot_general3A_351 = tpu.matmul %max3A_346, %get3A_349, %dot_general3A_350 {dimension_numbers = #tpu.dot_dimension_numbers<[1], [0], [0], [1], [0, 0, 1, 1], [], []>, transpose_lhs_hint = false} : vector<1000x64xf32>, vector<64x512xf32>, vector<1000x512xf32> -> vector<1000x512xf32>
    %get3A_352 = arith.constant 0 : index
    %get3A_353 = arith.constant 0 : index
    %get3A_354 = vector.load %arg6[%get3A_352, %get3A_353] : memref<128x512xf32, #tpu.memory_space<vmem>>, vector<128x512xf32>
    %dot_general3A_355 = arith.constant dense<0.000000e+00> : vector<1000x512xf32>
    %dot_general3A_356 = tpu.matmul %mul3A_325, %get3A_354, %dot_general3A_355 {dimension_numbers = #tpu.dot_dimension_numbers<[1], [0], [0], [1], [0, 0, 1, 1], [], []>, transpose_lhs_hint = false} : vector<1000x128xf32>, vector<128x512xf32>, vector<1000x512xf32> -> vector<1000x512xf32>
    %add3A_357 = arith.addf %dot_general3A_351, %dot_general3A_356 : vector<1000x512xf32>
    %get3A_358 = arith.constant 0 : index
    %get3A_359 = arith.constant 0 : index
    %get3A_360 = vector.load %arg7[%get3A_358, %get3A_359] : memref<1x512xf32, #tpu.memory_space<vmem>>, vector<1x512xf32>
    %add3A_361 = vector.broadcast %get3A_360 : vector<1x512xf32> to vector<1000x512xf32>
    %add3A_362 = arith.addf %add3A_357, %add3A_361 : vector<1000x512xf32>
    %slice3A_363 = vector.extract_strided_slice %add3A_362 {offsets = [0, 0], sizes = [1000, 128], strides = [1, 1]} : vector<1000x512xf32> to vector<1000x128xf32>
    %logistic3A_364 = arith.negf %slice3A_363 : vector<1000x128xf32>
    %logistic3A_365 = math.exp %logistic3A_364 : vector<1000x128xf32>
    %logistic3A_366 = arith.constant 1.000000e+00 : f32
    %logistic3A_367 = vector.broadcast %logistic3A_366 : f32 to vector<1000x128xf32>
    %logistic3A_368 = arith.addf %logistic3A_367, %logistic3A_365 : vector<1000x128xf32>
    %logistic3A_369 = arith.divf %logistic3A_367, %logistic3A_368 : vector<1000x128xf32>
    %slice3A_370 = vector.extract_strided_slice %add3A_362 {offsets = [0, 128], sizes = [1000, 128], strides = [1, 1]} : vector<1000x512xf32> to vector<1000x128xf32>
    %logistic3A_371 = arith.negf %slice3A_370 : vector<1000x128xf32>
    %logistic3A_372 = math.exp %logistic3A_371 : vector<1000x128xf32>
    %logistic3A_373 = arith.constant 1.000000e+00 : f32
    %logistic3A_374 = vector.broadcast %logistic3A_373 : f32 to vector<1000x128xf32>
    %logistic3A_375 = arith.addf %logistic3A_374, %logistic3A_372 : vector<1000x128xf32>
    %logistic3A_376 = arith.divf %logistic3A_374, %logistic3A_375 : vector<1000x128xf32>
    %slice3A_377 = vector.extract_strided_slice %add3A_362 {offsets = [0, 256], sizes = [1000, 128], strides = [1, 1]} : vector<1000x512xf32> to vector<1000x128xf32>
    %tanh3A_378 = math.tanh %slice3A_377 : vector<1000x128xf32>
    %slice3A_379 = vector.extract_strided_slice %add3A_362 {offsets = [0, 384], sizes = [1000, 128], strides = [1, 1]} : vector<1000x512xf32> to vector<1000x128xf32>
    %logistic3A_380 = arith.negf %slice3A_379 : vector<1000x128xf32>
    %logistic3A_381 = math.exp %logistic3A_380 : vector<1000x128xf32>
    %logistic3A_382 = arith.constant 1.000000e+00 : f32
    %logistic3A_383 = vector.broadcast %logistic3A_382 : f32 to vector<1000x128xf32>
    %logistic3A_384 = arith.addf %logistic3A_383, %logistic3A_381 : vector<1000x128xf32>
    %logistic3A_385 = arith.divf %logistic3A_383, %logistic3A_384 : vector<1000x128xf32>
    %mul3A_386 = arith.mulf %logistic3A_376, %add3A_323 : vector<1000x128xf32>
    %mul3A_387 = arith.mulf %logistic3A_369, %tanh3A_378 : vector<1000x128xf32>
    %add3A_388 = arith.addf %mul3A_386, %mul3A_387 : vector<1000x128xf32>
    %tanh3A_389 = math.tanh %add3A_388 : vector<1000x128xf32>
    %mul3A_390 = arith.mulf %logistic3A_385, %tanh3A_389 : vector<1000x128xf32>
    %get3A_391 = arith.constant 6 : index
    %get3A_392 = arith.constant 0 : index
    %get3A_393 = arith.constant 0 : index
    %get3A_394 = vector.load %arg1[%get3A_391, %get3A_392, %get3A_393] : memref<12x1000x64xf32, #tpu.memory_space<vmem>>, vector<1x1000x64xf32>
    %get3A_395 = vector.shape_cast %get3A_394 : vector<1x1000x64xf32> to vector<1000x64xf32>
    %get3A_396 = arith.constant 6 : index
    %get3A_397 = arith.constant 0 : index
    %get3A_398 = arith.constant 0 : index
    %get3A_399 = vector.load %arg2[%get3A_396, %get3A_397, %get3A_398] : memref<12x1000x64xf32, #tpu.memory_space<vmem>>, vector<1x1000x64xf32>
    %get3A_400 = vector.shape_cast %get3A_399 : vector<1x1000x64xf32> to vector<1000x64xf32>
    %add3A_401 = arith.addf %get3A_395, %get3A_400 : vector<1000x64xf32>
    %mul3A_402 = vector.broadcast %rsqrt3A : vector<1000x1xf32> to vector<1000x64xf32>
    %mul3A_403 = arith.mulf %mul3A_402, %add3A_401 : vector<1000x64xf32>
    %get3A_404 = arith.constant 0 : index
    %get3A_405 = arith.constant 0 : index
    %get3A_406 = vector.load %arg4[%get3A_404, %get3A_405] : memref<1x64xf32, #tpu.memory_space<vmem>>, vector<1x64xf32>
    %add3A_407 = vector.broadcast %get3A_406 : vector<1x64xf32> to vector<1000x64xf32>
    %add3A_408 = arith.addf %mul3A_403, %add3A_407 : vector<1000x64xf32>
    %max3A_409 = arith.constant 0.000000e+00 : f32
    %max3A_410 = vector.broadcast %max3A_409 : f32 to vector<1000x64xf32>
    %max3A_411 = arith.maximumf %add3A_408, %max3A_410 : vector<1000x64xf32>
    %get3A_412 = arith.constant 0 : index
    %get3A_413 = arith.constant 0 : index
    %get3A_414 = vector.load %arg5[%get3A_412, %get3A_413] : memref<64x512xf32, #tpu.memory_space<vmem>>, vector<64x512xf32>
    %dot_general3A_415 = arith.constant dense<0.000000e+00> : vector<1000x512xf32>
    %dot_general3A_416 = tpu.matmul %max3A_411, %get3A_414, %dot_general3A_415 {dimension_numbers = #tpu.dot_dimension_numbers<[1], [0], [0], [1], [0, 0, 1, 1], [], []>, transpose_lhs_hint = false} : vector<1000x64xf32>, vector<64x512xf32>, vector<1000x512xf32> -> vector<1000x512xf32>
    %get3A_417 = arith.constant 0 : index
    %get3A_418 = arith.constant 0 : index
    %get3A_419 = vector.load %arg6[%get3A_417, %get3A_418] : memref<128x512xf32, #tpu.memory_space<vmem>>, vector<128x512xf32>
    %dot_general3A_420 = arith.constant dense<0.000000e+00> : vector<1000x512xf32>
    %dot_general3A_421 = tpu.matmul %mul3A_390, %get3A_419, %dot_general3A_420 {dimension_numbers = #tpu.dot_dimension_numbers<[1], [0], [0], [1], [0, 0, 1, 1], [], []>, transpose_lhs_hint = false} : vector<1000x128xf32>, vector<128x512xf32>, vector<1000x512xf32> -> vector<1000x512xf32>
    %add3A_422 = arith.addf %dot_general3A_416, %dot_general3A_421 : vector<1000x512xf32>
    %get3A_423 = arith.constant 0 : index
    %get3A_424 = arith.constant 0 : index
    %get3A_425 = vector.load %arg7[%get3A_423, %get3A_424] : memref<1x512xf32, #tpu.memory_space<vmem>>, vector<1x512xf32>
    %add3A_426 = vector.broadcast %get3A_425 : vector<1x512xf32> to vector<1000x512xf32>
    %add3A_427 = arith.addf %add3A_422, %add3A_426 : vector<1000x512xf32>
    %slice3A_428 = vector.extract_strided_slice %add3A_427 {offsets = [0, 0], sizes = [1000, 128], strides = [1, 1]} : vector<1000x512xf32> to vector<1000x128xf32>
    %logistic3A_429 = arith.negf %slice3A_428 : vector<1000x128xf32>
    %logistic3A_430 = math.exp %logistic3A_429 : vector<1000x128xf32>
    %logistic3A_431 = arith.constant 1.000000e+00 : f32
    %logistic3A_432 = vector.broadcast %logistic3A_431 : f32 to vector<1000x128xf32>
    %logistic3A_433 = arith.addf %logistic3A_432, %logistic3A_430 : vector<1000x128xf32>
    %logistic3A_434 = arith.divf %logistic3A_432, %logistic3A_433 : vector<1000x128xf32>
    %slice3A_435 = vector.extract_strided_slice %add3A_427 {offsets = [0, 128], sizes = [1000, 128], strides = [1, 1]} : vector<1000x512xf32> to vector<1000x128xf32>
    %logistic3A_436 = arith.negf %slice3A_435 : vector<1000x128xf32>
    %logistic3A_437 = math.exp %logistic3A_436 : vector<1000x128xf32>
    %logistic3A_438 = arith.constant 1.000000e+00 : f32
    %logistic3A_439 = vector.broadcast %logistic3A_438 : f32 to vector<1000x128xf32>
    %logistic3A_440 = arith.addf %logistic3A_439, %logistic3A_437 : vector<1000x128xf32>
    %logistic3A_441 = arith.divf %logistic3A_439, %logistic3A_440 : vector<1000x128xf32>
    %slice3A_442 = vector.extract_strided_slice %add3A_427 {offsets = [0, 256], sizes = [1000, 128], strides = [1, 1]} : vector<1000x512xf32> to vector<1000x128xf32>
    %tanh3A_443 = math.tanh %slice3A_442 : vector<1000x128xf32>
    %slice3A_444 = vector.extract_strided_slice %add3A_427 {offsets = [0, 384], sizes = [1000, 128], strides = [1, 1]} : vector<1000x512xf32> to vector<1000x128xf32>
    %logistic3A_445 = arith.negf %slice3A_444 : vector<1000x128xf32>
    %logistic3A_446 = math.exp %logistic3A_445 : vector<1000x128xf32>
    %logistic3A_447 = arith.constant 1.000000e+00 : f32
    %logistic3A_448 = vector.broadcast %logistic3A_447 : f32 to vector<1000x128xf32>
    %logistic3A_449 = arith.addf %logistic3A_448, %logistic3A_446 : vector<1000x128xf32>
    %logistic3A_450 = arith.divf %logistic3A_448, %logistic3A_449 : vector<1000x128xf32>
    %mul3A_451 = arith.mulf %logistic3A_441, %add3A_388 : vector<1000x128xf32>
    %mul3A_452 = arith.mulf %logistic3A_434, %tanh3A_443 : vector<1000x128xf32>
    %add3A_453 = arith.addf %mul3A_451, %mul3A_452 : vector<1000x128xf32>
    %tanh3A_454 = math.tanh %add3A_453 : vector<1000x128xf32>
    %mul3A_455 = arith.mulf %logistic3A_450, %tanh3A_454 : vector<1000x128xf32>
    %get3A_456 = arith.constant 7 : index
    %get3A_457 = arith.constant 0 : index
    %get3A_458 = arith.constant 0 : index
    %get3A_459 = vector.load %arg1[%get3A_456, %get3A_457, %get3A_458] : memref<12x1000x64xf32, #tpu.memory_space<vmem>>, vector<1x1000x64xf32>
    %get3A_460 = vector.shape_cast %get3A_459 : vector<1x1000x64xf32> to vector<1000x64xf32>
    %get3A_461 = arith.constant 7 : index
    %get3A_462 = arith.constant 0 : index
    %get3A_463 = arith.constant 0 : index
    %get3A_464 = vector.load %arg2[%get3A_461, %get3A_462, %get3A_463] : memref<12x1000x64xf32, #tpu.memory_space<vmem>>, vector<1x1000x64xf32>
    %get3A_465 = vector.shape_cast %get3A_464 : vector<1x1000x64xf32> to vector<1000x64xf32>
    %add3A_466 = arith.addf %get3A_460, %get3A_465 : vector<1000x64xf32>
    %mul3A_467 = vector.broadcast %rsqrt3A : vector<1000x1xf32> to vector<1000x64xf32>
    %mul3A_468 = arith.mulf %mul3A_467, %add3A_466 : vector<1000x64xf32>
    %get3A_469 = arith.constant 0 : index
    %get3A_470 = arith.constant 0 : index
    %get3A_471 = vector.load %arg4[%get3A_469, %get3A_470] : memref<1x64xf32, #tpu.memory_space<vmem>>, vector<1x64xf32>
    %add3A_472 = vector.broadcast %get3A_471 : vector<1x64xf32> to vector<1000x64xf32>
    %add3A_473 = arith.addf %mul3A_468, %add3A_472 : vector<1000x64xf32>
    %max3A_474 = arith.constant 0.000000e+00 : f32
    %max3A_475 = vector.broadcast %max3A_474 : f32 to vector<1000x64xf32>
    %max3A_476 = arith.maximumf %add3A_473, %max3A_475 : vector<1000x64xf32>
    %get3A_477 = arith.constant 0 : index
    %get3A_478 = arith.constant 0 : index
    %get3A_479 = vector.load %arg5[%get3A_477, %get3A_478] : memref<64x512xf32, #tpu.memory_space<vmem>>, vector<64x512xf32>
    %dot_general3A_480 = arith.constant dense<0.000000e+00> : vector<1000x512xf32>
    %dot_general3A_481 = tpu.matmul %max3A_476, %get3A_479, %dot_general3A_480 {dimension_numbers = #tpu.dot_dimension_numbers<[1], [0], [0], [1], [0, 0, 1, 1], [], []>, transpose_lhs_hint = false} : vector<1000x64xf32>, vector<64x512xf32>, vector<1000x512xf32> -> vector<1000x512xf32>
    %get3A_482 = arith.constant 0 : index
    %get3A_483 = arith.constant 0 : index
    %get3A_484 = vector.load %arg6[%get3A_482, %get3A_483] : memref<128x512xf32, #tpu.memory_space<vmem>>, vector<128x512xf32>
    %dot_general3A_485 = arith.constant dense<0.000000e+00> : vector<1000x512xf32>
    %dot_general3A_486 = tpu.matmul %mul3A_455, %get3A_484, %dot_general3A_485 {dimension_numbers = #tpu.dot_dimension_numbers<[1], [0], [0], [1], [0, 0, 1, 1], [], []>, transpose_lhs_hint = false} : vector<1000x128xf32>, vector<128x512xf32>, vector<1000x512xf32> -> vector<1000x512xf32>
    %add3A_487 = arith.addf %dot_general3A_481, %dot_general3A_486 : vector<1000x512xf32>
    %get3A_488 = arith.constant 0 : index
    %get3A_489 = arith.constant 0 : index
    %get3A_490 = vector.load %arg7[%get3A_488, %get3A_489] : memref<1x512xf32, #tpu.memory_space<vmem>>, vector<1x512xf32>
    %add3A_491 = vector.broadcast %get3A_490 : vector<1x512xf32> to vector<1000x512xf32>
    %add3A_492 = arith.addf %add3A_487, %add3A_491 : vector<1000x512xf32>
    %slice3A_493 = vector.extract_strided_slice %add3A_492 {offsets = [0, 0], sizes = [1000, 128], strides = [1, 1]} : vector<1000x512xf32> to vector<1000x128xf32>
    %logistic3A_494 = arith.negf %slice3A_493 : vector<1000x128xf32>
    %logistic3A_495 = math.exp %logistic3A_494 : vector<1000x128xf32>
    %logistic3A_496 = arith.constant 1.000000e+00 : f32
    %logistic3A_497 = vector.broadcast %logistic3A_496 : f32 to vector<1000x128xf32>
    %logistic3A_498 = arith.addf %logistic3A_497, %logistic3A_495 : vector<1000x128xf32>
    %logistic3A_499 = arith.divf %logistic3A_497, %logistic3A_498 : vector<1000x128xf32>
    %slice3A_500 = vector.extract_strided_slice %add3A_492 {offsets = [0, 128], sizes = [1000, 128], strides = [1, 1]} : vector<1000x512xf32> to vector<1000x128xf32>
    %logistic3A_501 = arith.negf %slice3A_500 : vector<1000x128xf32>
    %logistic3A_502 = math.exp %logistic3A_501 : vector<1000x128xf32>
    %logistic3A_503 = arith.constant 1.000000e+00 : f32
    %logistic3A_504 = vector.broadcast %logistic3A_503 : f32 to vector<1000x128xf32>
    %logistic3A_505 = arith.addf %logistic3A_504, %logistic3A_502 : vector<1000x128xf32>
    %logistic3A_506 = arith.divf %logistic3A_504, %logistic3A_505 : vector<1000x128xf32>
    %slice3A_507 = vector.extract_strided_slice %add3A_492 {offsets = [0, 256], sizes = [1000, 128], strides = [1, 1]} : vector<1000x512xf32> to vector<1000x128xf32>
    %tanh3A_508 = math.tanh %slice3A_507 : vector<1000x128xf32>
    %slice3A_509 = vector.extract_strided_slice %add3A_492 {offsets = [0, 384], sizes = [1000, 128], strides = [1, 1]} : vector<1000x512xf32> to vector<1000x128xf32>
    %logistic3A_510 = arith.negf %slice3A_509 : vector<1000x128xf32>
    %logistic3A_511 = math.exp %logistic3A_510 : vector<1000x128xf32>
    %logistic3A_512 = arith.constant 1.000000e+00 : f32
    %logistic3A_513 = vector.broadcast %logistic3A_512 : f32 to vector<1000x128xf32>
    %logistic3A_514 = arith.addf %logistic3A_513, %logistic3A_511 : vector<1000x128xf32>
    %logistic3A_515 = arith.divf %logistic3A_513, %logistic3A_514 : vector<1000x128xf32>
    %mul3A_516 = arith.mulf %logistic3A_506, %add3A_453 : vector<1000x128xf32>
    %mul3A_517 = arith.mulf %logistic3A_499, %tanh3A_508 : vector<1000x128xf32>
    %add3A_518 = arith.addf %mul3A_516, %mul3A_517 : vector<1000x128xf32>
    %tanh3A_519 = math.tanh %add3A_518 : vector<1000x128xf32>
    %mul3A_520 = arith.mulf %logistic3A_515, %tanh3A_519 : vector<1000x128xf32>
    %get3A_521 = arith.constant 8 : index
    %get3A_522 = arith.constant 0 : index
    %get3A_523 = arith.constant 0 : index
    %get3A_524 = vector.load %arg1[%get3A_521, %get3A_522, %get3A_523] : memref<12x1000x64xf32, #tpu.memory_space<vmem>>, vector<1x1000x64xf32>
    %get3A_525 = vector.shape_cast %get3A_524 : vector<1x1000x64xf32> to vector<1000x64xf32>
    %get3A_526 = arith.constant 8 : index
    %get3A_527 = arith.constant 0 : index
    %get3A_528 = arith.constant 0 : index
    %get3A_529 = vector.load %arg2[%get3A_526, %get3A_527, %get3A_528] : memref<12x1000x64xf32, #tpu.memory_space<vmem>>, vector<1x1000x64xf32>
    %get3A_530 = vector.shape_cast %get3A_529 : vector<1x1000x64xf32> to vector<1000x64xf32>
    %add3A_531 = arith.addf %get3A_525, %get3A_530 : vector<1000x64xf32>
    %mul3A_532 = vector.broadcast %rsqrt3A : vector<1000x1xf32> to vector<1000x64xf32>
    %mul3A_533 = arith.mulf %mul3A_532, %add3A_531 : vector<1000x64xf32>
    %get3A_534 = arith.constant 0 : index
    %get3A_535 = arith.constant 0 : index
    %get3A_536 = vector.load %arg4[%get3A_534, %get3A_535] : memref<1x64xf32, #tpu.memory_space<vmem>>, vector<1x64xf32>
    %add3A_537 = vector.broadcast %get3A_536 : vector<1x64xf32> to vector<1000x64xf32>
    %add3A_538 = arith.addf %mul3A_533, %add3A_537 : vector<1000x64xf32>
    %max3A_539 = arith.constant 0.000000e+00 : f32
    %max3A_540 = vector.broadcast %max3A_539 : f32 to vector<1000x64xf32>
    %max3A_541 = arith.maximumf %add3A_538, %max3A_540 : vector<1000x64xf32>
    %get3A_542 = arith.constant 0 : index
    %get3A_543 = arith.constant 0 : index
    %get3A_544 = vector.load %arg5[%get3A_542, %get3A_543] : memref<64x512xf32, #tpu.memory_space<vmem>>, vector<64x512xf32>
    %dot_general3A_545 = arith.constant dense<0.000000e+00> : vector<1000x512xf32>
    %dot_general3A_546 = tpu.matmul %max3A_541, %get3A_544, %dot_general3A_545 {dimension_numbers = #tpu.dot_dimension_numbers<[1], [0], [0], [1], [0, 0, 1, 1], [], []>, transpose_lhs_hint = false} : vector<1000x64xf32>, vector<64x512xf32>, vector<1000x512xf32> -> vector<1000x512xf32>
    %get3A_547 = arith.constant 0 : index
    %get3A_548 = arith.constant 0 : index
    %get3A_549 = vector.load %arg6[%get3A_547, %get3A_548] : memref<128x512xf32, #tpu.memory_space<vmem>>, vector<128x512xf32>
    %dot_general3A_550 = arith.constant dense<0.000000e+00> : vector<1000x512xf32>
    %dot_general3A_551 = tpu.matmul %mul3A_520, %get3A_549, %dot_general3A_550 {dimension_numbers = #tpu.dot_dimension_numbers<[1], [0], [0], [1], [0, 0, 1, 1], [], []>, transpose_lhs_hint = false} : vector<1000x128xf32>, vector<128x512xf32>, vector<1000x512xf32> -> vector<1000x512xf32>
    %add3A_552 = arith.addf %dot_general3A_546, %dot_general3A_551 : vector<1000x512xf32>
    %get3A_553 = arith.constant 0 : index
    %get3A_554 = arith.constant 0 : index
    %get3A_555 = vector.load %arg7[%get3A_553, %get3A_554] : memref<1x512xf32, #tpu.memory_space<vmem>>, vector<1x512xf32>
    %add3A_556 = vector.broadcast %get3A_555 : vector<1x512xf32> to vector<1000x512xf32>
    %add3A_557 = arith.addf %add3A_552, %add3A_556 : vector<1000x512xf32>
    %slice3A_558 = vector.extract_strided_slice %add3A_557 {offsets = [0, 0], sizes = [1000, 128], strides = [1, 1]} : vector<1000x512xf32> to vector<1000x128xf32>
    %logistic3A_559 = arith.negf %slice3A_558 : vector<1000x128xf32>
    %logistic3A_560 = math.exp %logistic3A_559 : vector<1000x128xf32>
    %logistic3A_561 = arith.constant 1.000000e+00 : f32
    %logistic3A_562 = vector.broadcast %logistic3A_561 : f32 to vector<1000x128xf32>
    %logistic3A_563 = arith.addf %logistic3A_562, %logistic3A_560 : vector<1000x128xf32>
    %logistic3A_564 = arith.divf %logistic3A_562, %logistic3A_563 : vector<1000x128xf32>
    %slice3A_565 = vector.extract_strided_slice %add3A_557 {offsets = [0, 128], sizes = [1000, 128], strides = [1, 1]} : vector<1000x512xf32> to vector<1000x128xf32>
    %logistic3A_566 = arith.negf %slice3A_565 : vector<1000x128xf32>
    %logistic3A_567 = math.exp %logistic3A_566 : vector<1000x128xf32>
    %logistic3A_568 = arith.constant 1.000000e+00 : f32
    %logistic3A_569 = vector.broadcast %logistic3A_568 : f32 to vector<1000x128xf32>
    %logistic3A_570 = arith.addf %logistic3A_569, %logistic3A_567 : vector<1000x128xf32>
    %logistic3A_571 = arith.divf %logistic3A_569, %logistic3A_570 : vector<1000x128xf32>
    %slice3A_572 = vector.extract_strided_slice %add3A_557 {offsets = [0, 256], sizes = [1000, 128], strides = [1, 1]} : vector<1000x512xf32> to vector<1000x128xf32>
    %tanh3A_573 = math.tanh %slice3A_572 : vector<1000x128xf32>
    %slice3A_574 = vector.extract_strided_slice %add3A_557 {offsets = [0, 384], sizes = [1000, 128], strides = [1, 1]} : vector<1000x512xf32> to vector<1000x128xf32>
    %logistic3A_575 = arith.negf %slice3A_574 : vector<1000x128xf32>
    %logistic3A_576 = math.exp %logistic3A_575 : vector<1000x128xf32>
    %logistic3A_577 = arith.constant 1.000000e+00 : f32
    %logistic3A_578 = vector.broadcast %logistic3A_577 : f32 to vector<1000x128xf32>
    %logistic3A_579 = arith.addf %logistic3A_578, %logistic3A_576 : vector<1000x128xf32>
    %logistic3A_580 = arith.divf %logistic3A_578, %logistic3A_579 : vector<1000x128xf32>
    %mul3A_581 = arith.mulf %logistic3A_571, %add3A_518 : vector<1000x128xf32>
    %mul3A_582 = arith.mulf %logistic3A_564, %tanh3A_573 : vector<1000x128xf32>
    %add3A_583 = arith.addf %mul3A_581, %mul3A_582 : vector<1000x128xf32>
    %tanh3A_584 = math.tanh %add3A_583 : vector<1000x128xf32>
    %mul3A_585 = arith.mulf %logistic3A_580, %tanh3A_584 : vector<1000x128xf32>
    %get3A_586 = arith.constant 9 : index
    %get3A_587 = arith.constant 0 : index
    %get3A_588 = arith.constant 0 : index
    %get3A_589 = vector.load %arg1[%get3A_586, %get3A_587, %get3A_588] : memref<12x1000x64xf32, #tpu.memory_space<vmem>>, vector<1x1000x64xf32>
    %get3A_590 = vector.shape_cast %get3A_589 : vector<1x1000x64xf32> to vector<1000x64xf32>
    %get3A_591 = arith.constant 9 : index
    %get3A_592 = arith.constant 0 : index
    %get3A_593 = arith.constant 0 : index
    %get3A_594 = vector.load %arg2[%get3A_591, %get3A_592, %get3A_593] : memref<12x1000x64xf32, #tpu.memory_space<vmem>>, vector<1x1000x64xf32>
    %get3A_595 = vector.shape_cast %get3A_594 : vector<1x1000x64xf32> to vector<1000x64xf32>
    %add3A_596 = arith.addf %get3A_590, %get3A_595 : vector<1000x64xf32>
    %mul3A_597 = vector.broadcast %rsqrt3A : vector<1000x1xf32> to vector<1000x64xf32>
    %mul3A_598 = arith.mulf %mul3A_597, %add3A_596 : vector<1000x64xf32>
    %get3A_599 = arith.constant 0 : index
    %get3A_600 = arith.constant 0 : index
    %get3A_601 = vector.load %arg4[%get3A_599, %get3A_600] : memref<1x64xf32, #tpu.memory_space<vmem>>, vector<1x64xf32>
    %add3A_602 = vector.broadcast %get3A_601 : vector<1x64xf32> to vector<1000x64xf32>
    %add3A_603 = arith.addf %mul3A_598, %add3A_602 : vector<1000x64xf32>
    %max3A_604 = arith.constant 0.000000e+00 : f32
    %max3A_605 = vector.broadcast %max3A_604 : f32 to vector<1000x64xf32>
    %max3A_606 = arith.maximumf %add3A_603, %max3A_605 : vector<1000x64xf32>
    %get3A_607 = arith.constant 0 : index
    %get3A_608 = arith.constant 0 : index
    %get3A_609 = vector.load %arg5[%get3A_607, %get3A_608] : memref<64x512xf32, #tpu.memory_space<vmem>>, vector<64x512xf32>
    %dot_general3A_610 = arith.constant dense<0.000000e+00> : vector<1000x512xf32>
    %dot_general3A_611 = tpu.matmul %max3A_606, %get3A_609, %dot_general3A_610 {dimension_numbers = #tpu.dot_dimension_numbers<[1], [0], [0], [1], [0, 0, 1, 1], [], []>, transpose_lhs_hint = false} : vector<1000x64xf32>, vector<64x512xf32>, vector<1000x512xf32> -> vector<1000x512xf32>
    %get3A_612 = arith.constant 0 : index
    %get3A_613 = arith.constant 0 : index
    %get3A_614 = vector.load %arg6[%get3A_612, %get3A_613] : memref<128x512xf32, #tpu.memory_space<vmem>>, vector<128x512xf32>
    %dot_general3A_615 = arith.constant dense<0.000000e+00> : vector<1000x512xf32>
    %dot_general3A_616 = tpu.matmul %mul3A_585, %get3A_614, %dot_general3A_615 {dimension_numbers = #tpu.dot_dimension_numbers<[1], [0], [0], [1], [0, 0, 1, 1], [], []>, transpose_lhs_hint = false} : vector<1000x128xf32>, vector<128x512xf32>, vector<1000x512xf32> -> vector<1000x512xf32>
    %add3A_617 = arith.addf %dot_general3A_611, %dot_general3A_616 : vector<1000x512xf32>
    %get3A_618 = arith.constant 0 : index
    %get3A_619 = arith.constant 0 : index
    %get3A_620 = vector.load %arg7[%get3A_618, %get3A_619] : memref<1x512xf32, #tpu.memory_space<vmem>>, vector<1x512xf32>
    %add3A_621 = vector.broadcast %get3A_620 : vector<1x512xf32> to vector<1000x512xf32>
    %add3A_622 = arith.addf %add3A_617, %add3A_621 : vector<1000x512xf32>
    %slice3A_623 = vector.extract_strided_slice %add3A_622 {offsets = [0, 0], sizes = [1000, 128], strides = [1, 1]} : vector<1000x512xf32> to vector<1000x128xf32>
    %logistic3A_624 = arith.negf %slice3A_623 : vector<1000x128xf32>
    %logistic3A_625 = math.exp %logistic3A_624 : vector<1000x128xf32>
    %logistic3A_626 = arith.constant 1.000000e+00 : f32
    %logistic3A_627 = vector.broadcast %logistic3A_626 : f32 to vector<1000x128xf32>
    %logistic3A_628 = arith.addf %logistic3A_627, %logistic3A_625 : vector<1000x128xf32>
    %logistic3A_629 = arith.divf %logistic3A_627, %logistic3A_628 : vector<1000x128xf32>
    %slice3A_630 = vector.extract_strided_slice %add3A_622 {offsets = [0, 128], sizes = [1000, 128], strides = [1, 1]} : vector<1000x512xf32> to vector<1000x128xf32>
    %logistic3A_631 = arith.negf %slice3A_630 : vector<1000x128xf32>
    %logistic3A_632 = math.exp %logistic3A_631 : vector<1000x128xf32>
    %logistic3A_633 = arith.constant 1.000000e+00 : f32
    %logistic3A_634 = vector.broadcast %logistic3A_633 : f32 to vector<1000x128xf32>
    %logistic3A_635 = arith.addf %logistic3A_634, %logistic3A_632 : vector<1000x128xf32>
    %logistic3A_636 = arith.divf %logistic3A_634, %logistic3A_635 : vector<1000x128xf32>
    %slice3A_637 = vector.extract_strided_slice %add3A_622 {offsets = [0, 256], sizes = [1000, 128], strides = [1, 1]} : vector<1000x512xf32> to vector<1000x128xf32>
    %tanh3A_638 = math.tanh %slice3A_637 : vector<1000x128xf32>
    %slice3A_639 = vector.extract_strided_slice %add3A_622 {offsets = [0, 384], sizes = [1000, 128], strides = [1, 1]} : vector<1000x512xf32> to vector<1000x128xf32>
    %logistic3A_640 = arith.negf %slice3A_639 : vector<1000x128xf32>
    %logistic3A_641 = math.exp %logistic3A_640 : vector<1000x128xf32>
    %logistic3A_642 = arith.constant 1.000000e+00 : f32
    %logistic3A_643 = vector.broadcast %logistic3A_642 : f32 to vector<1000x128xf32>
    %logistic3A_644 = arith.addf %logistic3A_643, %logistic3A_641 : vector<1000x128xf32>
    %logistic3A_645 = arith.divf %logistic3A_643, %logistic3A_644 : vector<1000x128xf32>
    %mul3A_646 = arith.mulf %logistic3A_636, %add3A_583 : vector<1000x128xf32>
    %mul3A_647 = arith.mulf %logistic3A_629, %tanh3A_638 : vector<1000x128xf32>
    %add3A_648 = arith.addf %mul3A_646, %mul3A_647 : vector<1000x128xf32>
    %tanh3A_649 = math.tanh %add3A_648 : vector<1000x128xf32>
    %mul3A_650 = arith.mulf %logistic3A_645, %tanh3A_649 : vector<1000x128xf32>
    %get3A_651 = arith.constant 10 : index
    %get3A_652 = arith.constant 0 : index
    %get3A_653 = arith.constant 0 : index
    %get3A_654 = vector.load %arg1[%get3A_651, %get3A_652, %get3A_653] : memref<12x1000x64xf32, #tpu.memory_space<vmem>>, vector<1x1000x64xf32>
    %get3A_655 = vector.shape_cast %get3A_654 : vector<1x1000x64xf32> to vector<1000x64xf32>
    %get3A_656 = arith.constant 10 : index
    %get3A_657 = arith.constant 0 : index
    %get3A_658 = arith.constant 0 : index
    %get3A_659 = vector.load %arg2[%get3A_656, %get3A_657, %get3A_658] : memref<12x1000x64xf32, #tpu.memory_space<vmem>>, vector<1x1000x64xf32>
    %get3A_660 = vector.shape_cast %get3A_659 : vector<1x1000x64xf32> to vector<1000x64xf32>
    %add3A_661 = arith.addf %get3A_655, %get3A_660 : vector<1000x64xf32>
    %mul3A_662 = vector.broadcast %rsqrt3A : vector<1000x1xf32> to vector<1000x64xf32>
    %mul3A_663 = arith.mulf %mul3A_662, %add3A_661 : vector<1000x64xf32>
    %get3A_664 = arith.constant 0 : index
    %get3A_665 = arith.constant 0 : index
    %get3A_666 = vector.load %arg4[%get3A_664, %get3A_665] : memref<1x64xf32, #tpu.memory_space<vmem>>, vector<1x64xf32>
    %add3A_667 = vector.broadcast %get3A_666 : vector<1x64xf32> to vector<1000x64xf32>
    %add3A_668 = arith.addf %mul3A_663, %add3A_667 : vector<1000x64xf32>
    %max3A_669 = arith.constant 0.000000e+00 : f32
    %max3A_670 = vector.broadcast %max3A_669 : f32 to vector<1000x64xf32>
    %max3A_671 = arith.maximumf %add3A_668, %max3A_670 : vector<1000x64xf32>
    %get3A_672 = arith.constant 0 : index
    %get3A_673 = arith.constant 0 : index
    %get3A_674 = vector.load %arg5[%get3A_672, %get3A_673] : memref<64x512xf32, #tpu.memory_space<vmem>>, vector<64x512xf32>
    %dot_general3A_675 = arith.constant dense<0.000000e+00> : vector<1000x512xf32>
    %dot_general3A_676 = tpu.matmul %max3A_671, %get3A_674, %dot_general3A_675 {dimension_numbers = #tpu.dot_dimension_numbers<[1], [0], [0], [1], [0, 0, 1, 1], [], []>, transpose_lhs_hint = false} : vector<1000x64xf32>, vector<64x512xf32>, vector<1000x512xf32> -> vector<1000x512xf32>
    %get3A_677 = arith.constant 0 : index
    %get3A_678 = arith.constant 0 : index
    %get3A_679 = vector.load %arg6[%get3A_677, %get3A_678] : memref<128x512xf32, #tpu.memory_space<vmem>>, vector<128x512xf32>
    %dot_general3A_680 = arith.constant dense<0.000000e+00> : vector<1000x512xf32>
    %dot_general3A_681 = tpu.matmul %mul3A_650, %get3A_679, %dot_general3A_680 {dimension_numbers = #tpu.dot_dimension_numbers<[1], [0], [0], [1], [0, 0, 1, 1], [], []>, transpose_lhs_hint = false} : vector<1000x128xf32>, vector<128x512xf32>, vector<1000x512xf32> -> vector<1000x512xf32>
    %add3A_682 = arith.addf %dot_general3A_676, %dot_general3A_681 : vector<1000x512xf32>
    %get3A_683 = arith.constant 0 : index
    %get3A_684 = arith.constant 0 : index
    %get3A_685 = vector.load %arg7[%get3A_683, %get3A_684] : memref<1x512xf32, #tpu.memory_space<vmem>>, vector<1x512xf32>
    %add3A_686 = vector.broadcast %get3A_685 : vector<1x512xf32> to vector<1000x512xf32>
    %add3A_687 = arith.addf %add3A_682, %add3A_686 : vector<1000x512xf32>
    %slice3A_688 = vector.extract_strided_slice %add3A_687 {offsets = [0, 0], sizes = [1000, 128], strides = [1, 1]} : vector<1000x512xf32> to vector<1000x128xf32>
    %logistic3A_689 = arith.negf %slice3A_688 : vector<1000x128xf32>
    %logistic3A_690 = math.exp %logistic3A_689 : vector<1000x128xf32>
    %logistic3A_691 = arith.constant 1.000000e+00 : f32
    %logistic3A_692 = vector.broadcast %logistic3A_691 : f32 to vector<1000x128xf32>
    %logistic3A_693 = arith.addf %logistic3A_692, %logistic3A_690 : vector<1000x128xf32>
    %logistic3A_694 = arith.divf %logistic3A_692, %logistic3A_693 : vector<1000x128xf32>
    %slice3A_695 = vector.extract_strided_slice %add3A_687 {offsets = [0, 128], sizes = [1000, 128], strides = [1, 1]} : vector<1000x512xf32> to vector<1000x128xf32>
    %logistic3A_696 = arith.negf %slice3A_695 : vector<1000x128xf32>
    %logistic3A_697 = math.exp %logistic3A_696 : vector<1000x128xf32>
    %logistic3A_698 = arith.constant 1.000000e+00 : f32
    %logistic3A_699 = vector.broadcast %logistic3A_698 : f32 to vector<1000x128xf32>
    %logistic3A_700 = arith.addf %logistic3A_699, %logistic3A_697 : vector<1000x128xf32>
    %logistic3A_701 = arith.divf %logistic3A_699, %logistic3A_700 : vector<1000x128xf32>
    %slice3A_702 = vector.extract_strided_slice %add3A_687 {offsets = [0, 256], sizes = [1000, 128], strides = [1, 1]} : vector<1000x512xf32> to vector<1000x128xf32>
    %tanh3A_703 = math.tanh %slice3A_702 : vector<1000x128xf32>
    %slice3A_704 = vector.extract_strided_slice %add3A_687 {offsets = [0, 384], sizes = [1000, 128], strides = [1, 1]} : vector<1000x512xf32> to vector<1000x128xf32>
    %logistic3A_705 = arith.negf %slice3A_704 : vector<1000x128xf32>
    %logistic3A_706 = math.exp %logistic3A_705 : vector<1000x128xf32>
    %logistic3A_707 = arith.constant 1.000000e+00 : f32
    %logistic3A_708 = vector.broadcast %logistic3A_707 : f32 to vector<1000x128xf32>
    %logistic3A_709 = arith.addf %logistic3A_708, %logistic3A_706 : vector<1000x128xf32>
    %logistic3A_710 = arith.divf %logistic3A_708, %logistic3A_709 : vector<1000x128xf32>
    %mul3A_711 = arith.mulf %logistic3A_701, %add3A_648 : vector<1000x128xf32>
    %mul3A_712 = arith.mulf %logistic3A_694, %tanh3A_703 : vector<1000x128xf32>
    %add3A_713 = arith.addf %mul3A_711, %mul3A_712 : vector<1000x128xf32>
    %tanh3A_714 = math.tanh %add3A_713 : vector<1000x128xf32>
    %mul3A_715 = arith.mulf %logistic3A_710, %tanh3A_714 : vector<1000x128xf32>
    %get3A_716 = arith.constant 11 : index
    %get3A_717 = arith.constant 0 : index
    %get3A_718 = arith.constant 0 : index
    %get3A_719 = vector.load %arg1[%get3A_716, %get3A_717, %get3A_718] : memref<12x1000x64xf32, #tpu.memory_space<vmem>>, vector<1x1000x64xf32>
    %get3A_720 = vector.shape_cast %get3A_719 : vector<1x1000x64xf32> to vector<1000x64xf32>
    %get3A_721 = arith.constant 11 : index
    %get3A_722 = arith.constant 0 : index
    %get3A_723 = arith.constant 0 : index
    %get3A_724 = vector.load %arg2[%get3A_721, %get3A_722, %get3A_723] : memref<12x1000x64xf32, #tpu.memory_space<vmem>>, vector<1x1000x64xf32>
    %get3A_725 = vector.shape_cast %get3A_724 : vector<1x1000x64xf32> to vector<1000x64xf32>
    %add3A_726 = arith.addf %get3A_720, %get3A_725 : vector<1000x64xf32>
    %mul3A_727 = vector.broadcast %rsqrt3A : vector<1000x1xf32> to vector<1000x64xf32>
    %mul3A_728 = arith.mulf %mul3A_727, %add3A_726 : vector<1000x64xf32>
    %get3A_729 = arith.constant 0 : index
    %get3A_730 = arith.constant 0 : index
    %get3A_731 = vector.load %arg4[%get3A_729, %get3A_730] : memref<1x64xf32, #tpu.memory_space<vmem>>, vector<1x64xf32>
    %add3A_732 = vector.broadcast %get3A_731 : vector<1x64xf32> to vector<1000x64xf32>
    %add3A_733 = arith.addf %mul3A_728, %add3A_732 : vector<1000x64xf32>
    %max3A_734 = arith.constant 0.000000e+00 : f32
    %max3A_735 = vector.broadcast %max3A_734 : f32 to vector<1000x64xf32>
    %max3A_736 = arith.maximumf %add3A_733, %max3A_735 : vector<1000x64xf32>
    %get3A_737 = arith.constant 0 : index
    %get3A_738 = arith.constant 0 : index
    %get3A_739 = vector.load %arg5[%get3A_737, %get3A_738] : memref<64x512xf32, #tpu.memory_space<vmem>>, vector<64x512xf32>
    %dot_general3A_740 = arith.constant dense<0.000000e+00> : vector<1000x512xf32>
    %dot_general3A_741 = tpu.matmul %max3A_736, %get3A_739, %dot_general3A_740 {dimension_numbers = #tpu.dot_dimension_numbers<[1], [0], [0], [1], [0, 0, 1, 1], [], []>, transpose_lhs_hint = false} : vector<1000x64xf32>, vector<64x512xf32>, vector<1000x512xf32> -> vector<1000x512xf32>
    %get3A_742 = arith.constant 0 : index
    %get3A_743 = arith.constant 0 : index
    %get3A_744 = vector.load %arg6[%get3A_742, %get3A_743] : memref<128x512xf32, #tpu.memory_space<vmem>>, vector<128x512xf32>
    %dot_general3A_745 = arith.constant dense<0.000000e+00> : vector<1000x512xf32>
    %dot_general3A_746 = tpu.matmul %mul3A_715, %get3A_744, %dot_general3A_745 {dimension_numbers = #tpu.dot_dimension_numbers<[1], [0], [0], [1], [0, 0, 1, 1], [], []>, transpose_lhs_hint = false} : vector<1000x128xf32>, vector<128x512xf32>, vector<1000x512xf32> -> vector<1000x512xf32>
    %add3A_747 = arith.addf %dot_general3A_741, %dot_general3A_746 : vector<1000x512xf32>
    %get3A_748 = arith.constant 0 : index
    %get3A_749 = arith.constant 0 : index
    %get3A_750 = vector.load %arg7[%get3A_748, %get3A_749] : memref<1x512xf32, #tpu.memory_space<vmem>>, vector<1x512xf32>
    %add3A_751 = vector.broadcast %get3A_750 : vector<1x512xf32> to vector<1000x512xf32>
    %add3A_752 = arith.addf %add3A_747, %add3A_751 : vector<1000x512xf32>
    %slice3A_753 = vector.extract_strided_slice %add3A_752 {offsets = [0, 0], sizes = [1000, 128], strides = [1, 1]} : vector<1000x512xf32> to vector<1000x128xf32>
    %logistic3A_754 = arith.negf %slice3A_753 : vector<1000x128xf32>
    %logistic3A_755 = math.exp %logistic3A_754 : vector<1000x128xf32>
    %logistic3A_756 = arith.constant 1.000000e+00 : f32
    %logistic3A_757 = vector.broadcast %logistic3A_756 : f32 to vector<1000x128xf32>
    %logistic3A_758 = arith.addf %logistic3A_757, %logistic3A_755 : vector<1000x128xf32>
    %logistic3A_759 = arith.divf %logistic3A_757, %logistic3A_758 : vector<1000x128xf32>
    %slice3A_760 = vector.extract_strided_slice %add3A_752 {offsets = [0, 128], sizes = [1000, 128], strides = [1, 1]} : vector<1000x512xf32> to vector<1000x128xf32>
    %logistic3A_761 = arith.negf %slice3A_760 : vector<1000x128xf32>
    %logistic3A_762 = math.exp %logistic3A_761 : vector<1000x128xf32>
    %logistic3A_763 = arith.constant 1.000000e+00 : f32
    %logistic3A_764 = vector.broadcast %logistic3A_763 : f32 to vector<1000x128xf32>
    %logistic3A_765 = arith.addf %logistic3A_764, %logistic3A_762 : vector<1000x128xf32>
    %logistic3A_766 = arith.divf %logistic3A_764, %logistic3A_765 : vector<1000x128xf32>
    %slice3A_767 = vector.extract_strided_slice %add3A_752 {offsets = [0, 256], sizes = [1000, 128], strides = [1, 1]} : vector<1000x512xf32> to vector<1000x128xf32>
    %tanh3A_768 = math.tanh %slice3A_767 : vector<1000x128xf32>
    %slice3A_769 = vector.extract_strided_slice %add3A_752 {offsets = [0, 384], sizes = [1000, 128], strides = [1, 1]} : vector<1000x512xf32> to vector<1000x128xf32>
    %logistic3A_770 = arith.negf %slice3A_769 : vector<1000x128xf32>
    %logistic3A_771 = math.exp %logistic3A_770 : vector<1000x128xf32>
    %logistic3A_772 = arith.constant 1.000000e+00 : f32
    %logistic3A_773 = vector.broadcast %logistic3A_772 : f32 to vector<1000x128xf32>
    %logistic3A_774 = arith.addf %logistic3A_773, %logistic3A_771 : vector<1000x128xf32>
    %logistic3A_775 = arith.divf %logistic3A_773, %logistic3A_774 : vector<1000x128xf32>
    %mul3A_776 = arith.mulf %logistic3A_766, %add3A_713 : vector<1000x128xf32>
    %mul3A_777 = arith.mulf %logistic3A_759, %tanh3A_768 : vector<1000x128xf32>
    %add3A_778 = arith.addf %mul3A_776, %mul3A_777 : vector<1000x128xf32>
    %tanh3A_779 = math.tanh %add3A_778 : vector<1000x128xf32>
    %mul3A_780 = arith.mulf %logistic3A_775, %tanh3A_779 : vector<1000x128xf32>
    %get3A_781 = arith.constant 0 : index
    %get3A_782 = arith.constant 0 : index
    %get3A_783 = vector.load %arg8[%get3A_781, %get3A_782] : memref<128x32xf32, #tpu.memory_space<vmem>>, vector<128x32xf32>
    %dot_general3A_784 = arith.constant dense<0.000000e+00> : vector<1000x32xf32>
    %dot_general3A_785 = tpu.matmul %mul3A_780, %get3A_783, %dot_general3A_784 {dimension_numbers = #tpu.dot_dimension_numbers<[1], [0], [0], [1], [0, 0, 1, 1], [], []>, transpose_lhs_hint = false} : vector<1000x128xf32>, vector<128x32xf32>, vector<1000x32xf32> -> vector<1000x32xf32>
    %get3A_786 = arith.constant 0 : index
    %get3A_787 = arith.constant 0 : index
    %get3A_788 = vector.load %arg9[%get3A_786, %get3A_787] : memref<1x32xf32, #tpu.memory_space<vmem>>, vector<1x32xf32>
    %add3A_789 = vector.broadcast %get3A_788 : vector<1x32xf32> to vector<1000x32xf32>
    %add3A_790 = arith.addf %dot_general3A_785, %add3A_789 : vector<1000x32xf32>
    %max3A_791 = arith.constant 0.000000e+00 : f32
    %max3A_792 = vector.broadcast %max3A_791 : f32 to vector<1000x32xf32>
    %max3A_793 = arith.maximumf %add3A_790, %max3A_792 : vector<1000x32xf32>
    %get3A_794 = arith.constant 0 : index
    %get3A_795 = arith.constant 0 : index
    %get3A_796 = vector.load %arg10[%get3A_794, %get3A_795] : memref<32x1xf32, #tpu.memory_space<vmem>>, vector<32x1xf32>
    %dot_general3A_797 = arith.constant dense<0.000000e+00> : vector<1000x1xf32>
    %dot_general3A_798 = tpu.matmul %max3A_793, %get3A_796, %dot_general3A_797 {dimension_numbers = #tpu.dot_dimension_numbers<[1], [0], [0], [1], [0, 0, 1, 1], [], []>, transpose_lhs_hint = false} : vector<1000x32xf32>, vector<32x1xf32>, vector<1000x1xf32> -> vector<1000x1xf32>
    %get3A_799 = arith.constant 0 : index
    %get3A_800 = arith.constant 0 : index
    %get3A_801 = vector.load %arg11[%get3A_799, %get3A_800] : memref<1x1xf32, #tpu.memory_space<vmem>>, vector<1x1xf32>
    %add3A_802 = vector.broadcast %get3A_801 : vector<1x1xf32> to vector<1000x1xf32>
    %add3A_803 = arith.addf %dot_general3A_798, %add3A_802 : vector<1000x1xf32>
    %swap3A = arith.constant 0 : index
    %swap3A_804 = arith.constant 0 : index
    %swap3A_805 = vector.load %arg12[%swap3A, %swap3A_804] : memref<1000x1xf32, #tpu.memory_space<vmem>>, vector<1000x1xf32>
    tpu.vector_store %arg12[%swap3A, %swap3A_804], %add3A_803 {strides = array<i32>} : memref<1000x1xf32, #tpu.memory_space<vmem>>, vector<1000x1xf32>,
    return
  }
  func.func @transform_0(%arg0: i32) -> (i32, i32, i32) {
    %c0_i32 = arith.constant 0 : i32
    %c0_i32_0 = arith.constant 0 : i32
    %c0_i32_1 = arith.constant 0 : i32
    return %c0_i32, %arg0, %c0_i32_0 : i32, i32, i32
  }
  func.func @transform_1(%arg0: i32) -> (i32, i32, i32) {
    %c0_i32 = arith.constant 0 : i32
    %c0_i32_0 = arith.constant 0 : i32
    %c0_i32_1 = arith.constant 0 : i32
    return %c0_i32, %arg0, %c0_i32_0 : i32, i32, i32
  }
  func.func @transform_2(%arg0: i32) -> (i32, i32) {
    %c0_i32 = arith.constant 0 : i32
    %c0_i32_0 = arith.constant 0 : i32
    return %arg0, %c0_i32 : i32, i32
  }
  func.func @transform_3(%arg0: i32) -> (i32, i32) {
    %c0_i32 = arith.constant 0 : i32
    %c0_i32_0 = arith.constant 0 : i32
    %c0_i32_1 = arith.constant 0 : i32
    return %c0_i32, %c0_i32_0 : i32, i32
  }
  func.func @transform_4(%arg0: i32) -> (i32, i32) {
    %c0_i32 = arith.constant 0 : i32
    %c0_i32_0 = arith.constant 0 : i32
    %c0_i32_1 = arith.constant 0 : i32
    return %c0_i32, %c0_i32_0 : i32, i32
  }
  func.func @transform_5(%arg0: i32) -> (i32, i32) {
    %c0_i32 = arith.constant 0 : i32
    %c0_i32_0 = arith.constant 0 : i32
    %c0_i32_1 = arith.constant 0 : i32
    return %c0_i32, %c0_i32_0 : i32, i32
  }
  func.func @transform_6(%arg0: i32) -> (i32, i32) {
    %c0_i32 = arith.constant 0 : i32
    %c0_i32_0 = arith.constant 0 : i32
    %c0_i32_1 = arith.constant 0 : i32
    return %c0_i32, %c0_i32_0 : i32, i32
  }
  func.func @transform_7(%arg0: i32) -> (i32, i32) {
    %c0_i32 = arith.constant 0 : i32
    %c0_i32_0 = arith.constant 0 : i32
    %c0_i32_1 = arith.constant 0 : i32
    return %c0_i32, %c0_i32_0 : i32, i32
  }
  func.func @transform_8(%arg0: i32) -> (i32, i32) {
    %c0_i32 = arith.constant 0 : i32
    %c0_i32_0 = arith.constant 0 : i32
    %c0_i32_1 = arith.constant 0 : i32
    return %c0_i32, %c0_i32_0 : i32, i32
  }
  func.func @transform_9(%arg0: i32) -> (i32, i32) {
    %c0_i32 = arith.constant 0 : i32
    %c0_i32_0 = arith.constant 0 : i32
    %c0_i32_1 = arith.constant 0 : i32
    return %c0_i32, %c0_i32_0 : i32, i32
  }
  func.func @transform_10(%arg0: i32) -> (i32, i32) {
    %c0_i32 = arith.constant 0 : i32
    %c0_i32_0 = arith.constant 0 : i32
    %c0_i32_1 = arith.constant 0 : i32
    return %c0_i32, %c0_i32_0 : i32, i32
  }
  func.func @transform_11(%arg0: i32) -> (i32, i32) {
    %c0_i32 = arith.constant 0 : i32
    %c0_i32_0 = arith.constant 0 : i32
    return %arg0, %c0_i32 : i32, i32
  }
}

</mosaic_0001>

<sc_bundles>
// kernel: kernel.11.cloned.1.call-start
scs
__scs_entry_jumppad:
0x0: {  	(pc) =	sbr.rel $0x88, $3  }
0x1: {  	(tag) =	ssettag $0x0;
	lr =	simm.s32 $0x1  }
0x2: {  	[smem:$0x3F93] =	sst lr;
	_ =	strace $0xD0000000  }
0x3: {  	_ = 	snop  }
0x4: {  	_ = 	snop  }
0x5: {  	_ = 	snop  }
0x6: {  	_ = 	snop  }
0x7: {  	_ = 	snop  }
__scs_overlays_trampoline_lowered:
0x8: {  	[smem:$0x3FA2] =	sst s0  }
0x9: {  	[smem:$0x3FA3] =	sst s1  }
0xa: {  	[smem:$0x3FA4] =	sst s2  }
0xb: {  	[smem:$0x3FA5] =	sst s3  }
0xc: {  	[smem:$0x3FA6] =	sst s4  }
0xd: {  	[smem:$0x3FA7] =	sst s5  }
0xe: {  	[smem:$0x3FA8] =	sst s6  }
0xf: {  	[smem:$0x3FA9] =	sst s7  }
0x10: {  	[smem:$0x3FAA] =	sst s8  }
0x11: {  	[smem:$0x3FAB] =	sst s9;
	s0 =	simm.s32 @!p0 $0x0  }
0x12: {  	s1 =	sld [smem:$0x3F91];
	s0 =	simm.s32 @p0 $0x1  }
0x13: {  	[smem:$0x3FAC] =	sst s0;
	s0 =	simm.s32 @!p1 $0x0  }
0x14: {  	s2 =	sld [smem:$0x3F90];
	s0 =	simm.s32 @p1 $0x1  }
0x15: {  	[smem:$0x3FAD] =	sst s0;
	s0 =	simm.s32 @!p2 $0x0  }
0x16: {  	s3 =	sld [smem:$0x3FDB];
	s0 =	simm.s32 @p2 $0x1  }
0x17: {  	s4 =	simm.s32 $0x1BF5;
	[smem:$0x3FAF] =	sst s0  }
0x18: {  	s0 =	sld [smem:$0x3F92];
	_ =	swait.ge [sflag:s4], $0x0  }
0x19: {  	s7 =	sld [smem:$0x3F93]  }
0x1a: {  	s8 =	sadd.s32 $0xFFFFE003, lr  }
0x1b: {  	s9 =	sadd.s32 $0xFFFFFEF7, lr;
	s5 =	simm.s32 $0xFFFFFFFF;
	p2 =	slt.u32 s8, $0xFFFFF086  }
0x1c: {  	p1 =	slt.u32 s9, $0xF7A;
	s5 =	simm.s32 @!p2 $0x0  }
0x1d: {  	s5 =	simm.s32 @p1 $0x1;
	p0 =	seq.s32 s7, s2  }
0x1e: {  	s7 =	smul.u32 @!p0 $0xF7A, s2;
	p2 =	seq.s32 @!p0 s5, $0x0  }
0x1f: {  	s9 =	smul.u32 $0xF7A, s1;
	s8 =	simm.s32 @!p0 $0x1BF5;
	p2 =	por !p2, p0  }
0x20: {  	[sflag:s8] =	ssyncset.s32 @!p0 $0xFFFFF086;
	s6 =	sadd.s32 @!p0 s3, s7;
	s7 =	simm.s32 @!p0 $0x108  }
0x21: {  	s3 =	sadd.s32 s3, s9;
	s6 =	sadd.s32 @!p0 $0x88, s6;
	s7 =	simm.s32 @p2 $0x1082  }
0x22: {  	[simem:s7], [sflag:s8] =	dma.local @!p0 [hbm:s6], $0xF7A  }
0x23: {  	s9 =	sor.u32 $0xD0000000, s2;
	s6 =	simm.s32 $0x108;
	_ =	swait.ge @!p0 [sflag:s8], $0x0  }
0x24: {  	s3 =	sadd.s32 $0x88, s3;
	s6 =	simm.s32 @!p1 $0x1082;
	[sflag:s4] =	ssyncset.s32 $0xFFFFF086  }
0x25: {  	[simem:s6], [sflag:s4] =	dma.local [hbm:s3], $0xF7A  }
0x26: {  	[smem:$0x3F93] =	sst s1;
	(tag) =	ssettag s2;
	_ =	strace s9  }
0x27: {  	s1 =	sld [smem:$0x3FA3]  }
0x28: {  	s2 =	sld [smem:$0x3FA4]  }
0x29: {  	s4 =	sld [smem:$0x3FA6]  }
0x2a: {  	p0 =	seq.s32 s5, $0x0;
	s5 =	sld [smem:$0x3FA7]  }
0x2b: {  	s6 =	sld [smem:$0x3FA8]  }
0x2c: {  	s7 =	sld [smem:$0x3FA9]  }
0x2d: {  	s3 =	simm.s32 $0x108;
	s8 =	sld [smem:$0x3FAA]  }
0x2e: {  	s3 =	simm.s32 @!p0 $0x1082;
	s9 =	sld [smem:$0x3FAB]  }
0x2f: {  	lr =	sadd.s32 s0, s3;
	s0 =	sld [smem:$0x3FA2]  }
0x30: {  	s3 =	sld [smem:$0x3FA5]  }
0x31: {  	[smem:$0x3FAE] =	sst s10  }
0x32: {  	s10 =	sld [smem:$0x3FAC];
	_ =	sdelay $0x3  }
0x33: {  	p0 =	seq.s32 s10, $0x1;
	s10 =	sld [smem:$0x3FAE];
	_ =	sdelay $0x3  }
0x34: {  	[smem:$0x3FAE] =	sst s10  }
0x35: {  	s10 =	sld [smem:$0x3FAD];
	_ =	sdelay $0x3  }
0x36: {  	p1 =	seq.s32 s10, $0x1;
	s10 =	sld [smem:$0x3FAE];
	_ =	sdelay $0x3  }
0x37: {  	[smem:$0x3FAE] =	sst s10  }
0x38: {  	s10 =	sld [smem:$0x3FAF]  }
0x39: {  	_ = 	snop;
	(pc) =	sbr.ind lr, $3  }
0x3a: {  	_ = 	snop  }
0x3b: {  	_ = 	snop  }
0x3c: {  	p2 =	seq.s32 s10, $0x1;
	s10 =	sld [smem:$0x3FAE]  }
0x3d: {  	_ =	shalt  }
0x3e: {  	_ =	shalt  }
0x3f: {  	_ =	shalt  }
0x40: {  	_ =	shalt  }
0x41: {  	_ =	shalt  }
0x42: {  	_ =	shalt  }
0x43: {  	_ =	shalt  }
0x44: {  	_ =	shalt  }
0x45: {  	_ =	shalt  }
0x46: {  	_ =	shalt  }
0x47: {  	_ =	shalt  }
0x48: {  	_ =	shalt  }
0x49: {  	_ =	shalt  }
0x4a: {  	_ =	shalt  }
0x4b: {  	_ =	shalt  }
0x4c: {  	_ =	shalt  }
0x4d: {  	_ =	shalt  }
0x4e: {  	_ =	shalt  }
0x4f: {  	_ =	shalt  }
0x50: {  	_ =	shalt  }
0x51: {  	_ =	shalt  }
0x52: {  	_ =	shalt  }
0x53: {  	_ =	shalt  }
0x54: {  	_ =	shalt  }
0x55: {  	_ =	shalt  }
0x56: {  	_ =	shalt  }
0x57: {  	_ =	shalt  }
0x58: {  	_ =	shalt  }
0x59: {  	_ =	shalt  }
0x5a: {  	_ =	shalt  }
0x5b: {  	_ =	shalt  }
0x5c: {  	_ =	shalt  }
0x5d: {  	_ =	shalt  }
0x5e: {  	_ =	shalt  }
0x5f: {  	_ =	shalt  }
0x60: {  	_ =	shalt  }
0x61: {  	_ =	shalt  }
0x62: {  	_ =	shalt  }
0x63: {  	_ =	shalt  }
0x64: {  	_ =	shalt  }
0x65: {  	_ =	shalt  }
0x66: {  	_ =	shalt  }
0x67: {  	_ =	shalt  }
0x68: {  	_ =	shalt  }
0x69: {  	_ =	shalt  }
0x6a: {  	_ =	shalt  }
0x6b: {  	_ =	shalt  }
0x6c: {  	_ =	shalt  }
0x6d: {  	_ =	shalt  }
0x6e: {  	_ =	shalt  }
0x6f: {  	_ =	shalt  }
0x70: {  	_ =	shalt  }
0x71: {  	_ =	shalt  }
0x72: {  	_ =	shalt  }
0x73: {  	_ =	shalt  }
0x74: {  	_ =	shalt  }
0x75: {  	_ =	shalt  }
0x76: {  	_ =	shalt  }
0x77: {  	_ =	shalt  }
0x78: {  	_ =	shalt  }
0x79: {  	_ =	shalt  }
0x7a: {  	_ =	shalt  }
0x7b: {  	_ =	shalt  }
0x7c: {  	_ =	shalt  }
0x7d: {  	_ =	shalt  }
0x7e: {  	_ =	shalt  }
0x7f: {  	_ =	shalt  }
0x80: {  	_ =	shalt  }
0x81: {  	_ =	shalt  }
0x82: {  	_ =	shalt  }
0x83: {  	_ =	shalt  }
0x84: {  	_ =	shalt  }
0x85: {  	_ =	shalt  }
0x86: {  	_ =	shalt  }
0x87: {  	_ =	shalt  }
.Lfunc_end0:
.L_simem_size_0:
called_computation.1_lowered:
.L_overlay_start_0:
0x88: {  	s2 =	sld [smem:$0x3FD9]  }
0x89: {  	s3 =	sld [smem:$0x3FFE];
	_ =	sdelay $0x1  }
0x8a: {  	s1 =	srdreg.scid  }
0x8b: {  	s0 =	sand.u32 $0x1, s1  }
0x8c: {  	s16 =	sshll.u32 s0, $0xA;
	s2 =	sadd.s32 s3, s2  }
0x8d: {  	s2 =	sadd.s32 s2, s16  }
0x8e: {  	[smem:$0x3FBA] =	sst s2  }
0x8f: {  	_ = 	snop  }
0x90: {  	(tm) =	ssettm $0x1  }
0x91: {  	s17 =	sld [smem:$0x3FFB];
	_ =	sdelay $0x3  }
0x92: {  	_ =	strace s17  }
0x93: {  	s2 =	sld [smem:$0x3FFC];
	_ =	sdelay $0x3  }
0x94: {  	_ =	strace s2  }
0x95: {  	s2 =	sld [smem:$0x3FFD];
	_ =	sdelay $0x3  }
0x96: {  	_ =	strace s2  }
0x97: {  	_ =	strace $0x8FFFFFFF  }
0x98: {  	s18 =	sld [smem:$0x3FDB];
	_ =	sdelay $0x1  }
0x99: {  	s19 =	simm.s32 $_scs_section_size  }
0x9a: {  	s4 =	simm.s32 $_size__tile_overlayer_lowered;
	s5 =	simm.s32 $_tile_overlayer_lowered  }
0x9b: {  	s22 =	simm.s32 $0x1BFF;
	s21 =	sshll.u32 s5, $0x1;
	s2 =	sadd.s32 s19, s18  }
0x9c: {  	s6 =	simm.s32 $0x0;
	s20 =	sshll.u32 s4, $0x1;
	s4 =	sadd.s32 s21, s2  }
0x9d: {  	[timem:s6], [sflag:s22] =	dma.local [hbm:s4], s20  }
0x9e: {  	_ =	swait.ge [sflag:s22], s20  }
0x9f: {  	s3 =	ssub.s32 $0x0, s20;
	[sflag:s22] =	ssyncset.done $0x0  }
0xa0: {  	[sflag:s22] =	ssyncadd.s32 s3;
	_ =	sdelay $0x1  }
0xa1: {  	s23 =	simm.s32 $0x1B8B  }
0xa2: {  	_ =	swait.ge [sflag:s23], $0x1  }
0xa3: {  	[sflag:s23] =	ssyncset.done $0x0  }
0xa4: {  	s25 =	simm.s32 $0x1B8E;
	s24 =	sld [smem:$0x3FFE];
	[sflag:s23] =	ssyncadd.s32 $0xFFFFFFFF  }
0xa5: {  	s26 =	simm.s32 $execute0_lowered;
	[smem:$0x3FD2] =	sst s25  }
0xa6: {  	s4 =	sshll.u32 s26, $0x1;
	_ =	strace $0x80000049;
	[dreg:$0x1] =	wrdreg $0xFFFFFFFF  }
0xa7: {  	s28 =	simm.s32 $_size_execute0_lowered;
	s2 =	sadd.s32 s2, s4;
	[dreg:$0x0] =	wrdreg $0x0  }
0xa8: {  	s4 =	sshll.u32 s28, $0x1;
	[dreg:$0x2] =	wrdreg s2  }
0xa9: {  	[dreg:$0x3] =	wrdreg s4  }
0xaa: {  	[dreg:$0x4] =	wrdreg $0xC0  }
0xab: {  	_ =	task [dreg:s6], $0x5FFFF  }
0xac: {  	[dreg:$0x1] =	wrdreg $0xFFFFFFFF  }
0xad: {  	[dreg:$0x0] =	wrdreg $0x60  }
0xae: {  	[dreg:$0x2] =	wrdreg s24  }
0xaf: {  	[dreg:$0x3] =	wrdreg $0xEF000  }
0xb0: {  	[dreg:$0x4] =	wrdreg $0x9  }
0xb1: {  	_ =	task.clear_ibuf [dreg:s6], $0x5FFFF;
	_ =	strace $0x90000049  }
0xb2: {  	s29 =	simm.s32 $0x9;
	_ =	strace $0x8000004B  }
0xb3: {  	_ =	swait.ge [sflag:s29], $0x1  }
0xb4: {  	[sflag:s29] =	ssyncadd.s32 $0xFFFFFFFF  }
0xb5: {  	_ =	strace $0x9000004B  }
0xb6: {  	_ =	sfence  }
0xb7: {  	s30 =	sld [smem:$0x0];
	_ =	sdelay $0x2  }
0xb8: {  	s31 =	sshll.u32 s1, $0xD;
	s1 =	sshrl.u32 s1, $0x2  }
0xb9: {  	s3 =	sand.u32 $0x4000, s31;
	s1 =	sadd.s32 s1, s30  }
0xba: {  	s0 =	sor.u32 s3, s0;
	s1 =	sshll.u32 s1, $0x11  }
0xbb: {  	s0 =	sor.u32 s1, s0  }
0xbc: {  	s0 =	sadd.s32 $0x8F2B, s0  }
0xbd: {  	[sflag:s0] =	ssyncadd.remote.s32 $0x1  }
0xbe: {  	_ =	sfence.sel $0xFFFF  }
0xbf: {  	[dreg:$0x0] =	wrdreg $0xFFFFFFFF;
	(pc) =	sbr.abs _section_cstart, $3  }
0xc0: {  	[dreg:$0x1] =	wrdreg $0xFFFFFFFF  }
0xc1: {  	_ =	task.clear_ibuf [dreg:s6], $0x2FFFF;
	_ =	strace $0x9FFFFFFF  }
0xc2: {  	(tm) =	ssettm $0x7FFFFFFF  }
0xc3: {  	_ =	shalt  }
tec
execute0_lowered:
.L_overlay_start_1:
0x0: {  	(tag) =	ssettag $0x1  }
0x1: {  	s0 =	rddreg [dreg:$0x0]  }
0x2: {  	s1 =	rddreg [dreg:$0x1];
	s2 =	stileid.u32  }
0x3: {  	s3 =	simm.s32 $0x0;
	s4 =	srdreg.scid;
	s5 =	smul.u32 $0x9D0, s2  }
0x4: {  	s28 =	simm.s32 $0x80;
	s29 =	simm.s32 $0x9D00;
	s8 =	smul.u32 $0x3E800, s2  }
0x5: {  	s30 =	simm.s32 $0x0;
	s4 =	sand.u32 $0x1, s4;
	s15 =	smul.u32 $0xFA00, s2  }
0x6: {  	[smem:$0x7FF] =	sst s3;
	s16 =	sadd.s32 $0x1E9C00, s0;
	s11 =	smul.u32 $0x6, s4  }
0x7: {  	p0 =	sgt.u32 s2, $0x9;
	p1 =	slt.u32 s2, $0xA;
	s12 =	smul.u32 $0x3A9800, s4  }
0x8: {  	_ =	strace $0x8000004A;
	s6 =	ssub.s32 $0x2, s4;
	s4 =	smul.u32 $0x75300, s4  }
0x9: {  	s7 =	sshrl.u32 s6, $0x1;
	s5 =	sadd.s32 s5, s0;
	s0 =	sadd.s32 $0x2D4200, s0  }
0xa: {  	s21 =	sshrl.u32 s8, $0x2;
	s24 =	ssub.s32 s6, s7;
	s20 =	sadd.s32 $0xB200, s5  }
0xb: {  	s5 =	sadd.s32 $0x1400, s5;
	s6 =	sadd.s32 s21, s1;
	s13 =	sor.u32 $0x1, s11  }
0xc: {  	s21 =	sadd.s32 s15, s12;
	s18 =	sadd.s32 $0x2, s11;
	[dreg:$0x3] =	wrdreg s20  }
0xd: {  	s11 =	sadd.s32 s16, s4;
	[dreg:$0x4] =	wrdreg s5;
	s14 =	smul.u32 $0x13880, s13  }
0xe: {  	s7 =	sadd.s32 $0x3200, s6;
	s8 =	sadd.s32 $0x6400, s6;
	s17 =	smul.u32 $0x9C400, s13  }
0xf: {  	s9 =	sadd.s32 $0x9600, s6;
	s10 =	sadd.s32 $0xC800, s6;
	s23 =	smul.u32 $0x9C400, s18  }
0x10: {  	s12 =	sshrl.u32 s21, $0x3;
	s13 =	sadd.s32 s15, s1;
	s18 =	smul.u32 $0x13880, s18  }
0x11: {  	s19 =	sadd.s32 $0x1D4C00, s21;
	s26 =	sadd.s32 $0x271000, s21;
	s20 =	sadd.s32 $0x4E200, s11  }
0x12: {  	s24 =	smax.u32 s24, $0x1;
	s22 =	sadd.s32 s0, s12;
	s25 =	sshrl.u32 s19, $0x3  }
0x13: {  	[dreg:$0x5] =	wrdreg s22;
	s14 =	sadd.s32 s16, s14;
	s17 =	sadd.s32 s15, s17  }
0x14: {  	s4 =	sadd.s32 s15, s23;
	s16 =	sadd.s32 s16, s18;
	s18 =	sadd.s32 $0x3A980, s11  }
0x15: {  	s19 =	sadd.s32 s0, s25;
	s23 =	sadd.s32 $0x30D400, s21;
	s22 =	sadd.s32 $0x61A80, s11  }
0x16: {  	s17 =	sshrl.u32 s17, $0x3;
	s4 =	sshrl.u32 s4, $0x3;
	s31 =	sshrl.u32 s23, $0x3  }
0x17: {  	s15 =	sadd.s32 s0, s17;
	s17 =	sadd.s32 s0, s4;
	s4 =	sshrl.u32 s26, $0x3  }
0x18: {  	v0 =	vimm.f32 $0.0e+00;
	s25 =	simm.s32 $0x1;
	s23 =	sadd.s32 s0, s31;
	s21 =	sadd.s32 s0, s4  }
.LBB2_1:
0x19: {  	s0 =	sand.u32 $0xFF00, s3  }
0x1a: {  	s4 =	sand.u32 $0x30, s3;
	s26 =	sshrl.u32 s0, $0x2  }
0x1b: {  	s0 =	simm.s32 $0x40;
	s4 =	sor.u32 s4, s26;
	s26 =	simm.s32 $0x0  }
.LBB2_2:
0x1c: {  	p2 =	sne.s32 s0, $0xC7C0  }
0x1d: {  	[tilespmem:s4+$0xBD00] =	vst v0;
	s26 =	sadd.s32 $0x10, s26;
	s4 =	smov.u32 s0;
	s0 =	sadd.s32 $0x40, s0  }
.Ltmp0:
0x1e: {  	(pc) =	sbr.rel @p2 .LBB2_2-.Ltmp0, $4  }
0x1f: {  	_ = 	snop  }
0x20: {  	s4 =	sand.u32 $0xFF00, s4  }
0x21: {  	s31 =	sand.u32 $0x30, s26;
	s4 =	sshrl.u32 s4, $0x2  }
0x22: {  	s4 =	sor.u32 s31, s4  }
0x23: {  	[tilespmem:s4+$0xBD00] =	vst v0;
	s0 =	rddreg [dreg:$0x3]  }
0x24: {  	[tilespmem:s3], [sflag:$0x1] =	stream.linear.gather [hbm4b:s0+s3], $0x4E80, $0x38;
	[tilespmem:$0x18B80] =	vst v63  }
0x25: {  	_ =	swait.ge [sflag:s25], $0x4E80  }
0x26: {  	[sflag:s25] =	ssyncset.done $0x0  }
0x27: {  	s12 =	simm.s32 $0x4E80;
	s5 =	rddreg [dreg:$0x4];
	[sflag:s25] =	ssyncadd.s32 $0xFFFFB180  }
0x28: {  	[tilespmem:s12], [sflag:$0x1] =	stream.linear.gather [hbm4b:s5+s3], $0x4E80, $0x38;
	[tilespmem:$0x18B80] =	vst v63  }
0x29: {  	_ =	swait.ge [sflag:s25], $0x4E80  }
0x2a: {  	[sflag:s25] =	ssyncset.done $0x0  }
0x2b: {  	[sflag:s25] =	ssyncadd.s32 $0xFFFFB180  }
0x2c: {  	s4 =	simm.s32 @!p0 $0x1;
	s0 =	simm.s32 @!p0 $0xBD00;
	[bflag:$0x0] =	sbarrier.arrive $0xFFFF  }
0x2d: {  	[spmem:s6] =	stream.linear.scatter @!p0 [tilespmem:s0], [sflag:$0x1], $0x3200, $0x38;
	[tilespmem:$0x18B80] =	vst v63  }
0x2e: {  	_ =	swait.ge @!p0 [sflag:s4], $0x3200  }
0x2f: {  	[sflag:s4] =	ssyncset.done @!p0 $0x0  }
0x30: {  	[sflag:s4] =	ssyncadd.s32 @!p0 $0xFFFFCE00  }
0x31: {  	[spmem:s7] =	stream.linear.scatter @!p0 [tilespmem:s0], [sflag:$0x1], $0x3200, $0x38;
	[tilespmem:$0x18B80] =	vst v63  }
0x32: {  	_ =	swait.ge @!p0 [sflag:s4], $0x3200  }
0x33: {  	[sflag:s4] =	ssyncset.done @!p0 $0x0  }
0x34: {  	[sflag:s4] =	ssyncadd.s32 @!p0 $0xFFFFCE00  }
0x35: {  	[spmem:s8] =	stream.linear.scatter @!p0 [tilespmem:s0], [sflag:$0x1], $0x3200, $0x38;
	[tilespmem:$0x18B80] =	vst v63  }
0x36: {  	_ =	swait.ge @!p0 [sflag:s4], $0x3200  }
0x37: {  	[sflag:s4] =	ssyncset.done @!p0 $0x0  }
0x38: {  	[sflag:s4] =	ssyncadd.s32 @!p0 $0xFFFFCE00  }
0x39: {  	[spmem:s9] =	stream.linear.scatter @!p0 [tilespmem:s0], [sflag:$0x1], $0x3200, $0x38;
	[tilespmem:$0x18B80] =	vst v63  }
0x3a: {  	_ =	swait.ge @!p0 [sflag:s4], $0x3200  }
0x3b: {  	[sflag:s4] =	ssyncset.done @!p0 $0x0  }
0x3c: {  	[sflag:s4] =	ssyncadd.s32 @!p0 $0xFFFFCE00  }
0x3d: {  	[spmem:s10] =	stream.linear.scatter @!p0 [tilespmem:s0], [sflag:$0x1], $0x3200, $0x38;
	[tilespmem:$0x18B80] =	vst v63  }
0x3e: {  	_ =	swait.ge @!p0 [sflag:s4], $0x3200  }
0x3f: {  	[sflag:s4] =	ssyncset.done @!p0 $0x0  }
0x40: {  	[sflag:s4] =	ssyncadd.s32 @!p0 $0xFFFFCE00  }
0x41: {  	s26 =	simm.s32 $0x0;
	[bflag:$0x0] =	sbarrier.arrive $0xFFFF  }
0x42: {  	[tilespmem:s29], [sflag:$0x1] =	stream.indirect.gather [hbm4b:s11+s28], $0x40, s26, s28, $0xb8;
	[tilespmem:$0x18B80] =	vst v63  }
0x43: {  	_ =	swait.ge [sflag:s25], $0x2000  }
0x44: {  	[sflag:s25] =	ssyncset.done $0x0  }
0x45: {  	s31 =	simm.s32 $0x4E80;
	[sflag:s25] =	ssyncadd.s32 $0xFFFFE000  }
0x46: {  	[spmem:s1] =	stream.indirect.scatter.add.f32 [tilespmem:s29], [sflag:$0x1], $0x40, s31, s28, $0xb8;
	[tilespmem:$0x18B80] =	vst v63  }
0x47: {  	_ =	swait.ge [sflag:s25], $0x2000  }
0x48: {  	s0 =	simm.s32 $0x200;
	s26 =	simm.s32 $0x400;
	[sflag:s25] =	ssyncset.done $0x0  }
.LBB2_4:
0x49: {  	s4 =	sshra.s32 s0, $0x2  }
0x4a: {  	[sflag:s25] =	ssyncadd.s32 $0xFFFFE000;
	s0 =	smov.u32 s26;
	s31 =	sadd.s32 $0x200, s26  }
0x4b: {  	[tilespmem:s29], [sflag:$0x1] =	stream.indirect.gather [hbm4b:s11+s28], $0x40, s4, s28, $0xb8;
	[tilespmem:$0x18B80] =	vst v63  }
0x4c: {  	p2 =	sne.s32 s26, $0x13800;
	_ =	swait.ge [sflag:s25], $0x2000  }
.Ltmp1:
0x4d: {  	[sflag:s25] =	ssyncset.done $0x0;
	(pc) =	sbr.rel @p2 .LBB2_4-.Ltmp1, $4  }
0x4e: {  	s4 =	sadd.s32 $0x4E80, s4;
	[sflag:s25] =	ssyncadd.s32 $0xFFFFE000  }
0x4f: {  	[spmem:s1] =	stream.indirect.scatter.add.f32 [tilespmem:s29], [sflag:$0x1], $0x40, s4, s28, $0xb8;
	[tilespmem:$0x18B80] =	vst v63  }
0x50: {  	_ =	swait.ge [sflag:s25], $0x2000  }
0x51: {  	s26 =	smov.u32 s31;
	[sflag:s25] =	ssyncset.done $0x0  }
0x52: {  	s0 =	sshra.s32 s0, $0x2;
	[sflag:s25] =	ssyncadd.s32 $0xFFFFE000  }
0x53: {  	[tilespmem:s29], [sflag:$0x1] =	stream.indirect.gather [hbm4b:s11+s28], $0x40, s0, s28, $0xb8;
	[tilespmem:$0x18B80] =	vst v63  }
0x54: {  	_ =	swait.ge [sflag:s25], $0x2000  }
0x55: {  	[sflag:s25] =	ssyncset.done $0x0  }
0x56: {  	s0 =	sadd.s32 $0x4E80, s0;
	[sflag:s25] =	ssyncadd.s32 $0xFFFFE000  }
0x57: {  	[spmem:s1] =	stream.indirect.scatter.add.f32 [tilespmem:s29], [sflag:$0x1], $0x40, s0, s28, $0xb8;
	[tilespmem:$0x18B80] =	vst v63  }
0x58: {  	_ =	swait.ge [sflag:s25], $0x2000  }
0x59: {  	[sflag:s25] =	ssyncset.done $0x0  }
0x5a: {  	[sflag:s25] =	ssyncadd.s32 $0xFFFFE000  }
0x5b: {  	s0 =	sshll.u32 @p1 s2, $0x6;
	[bflag:$0x0] =	sbarrier.arrive $0xFFFF  }
0x5c: {  	s31 =	sor.u32 @p1 $0x1C01, s0;
	s0 =	sshrl.u32 @p1 s13, $0x3;
	s4 =	rddreg [dreg:$0x5]  }
0x5d: {  	[hbm:s4], [sflag:s31] =	dma.local @p1 [spmem:s0], $0x1F40  }
0x5e: {  	s4 =	simm.s32 @p1 $0x1  }
0x5f: {  	_ =	swait.ge @p1 [sflag:s4], $0x1F40  }
0x60: {  	[sflag:s4] =	ssyncset.done @p1 $0x0  }
0x61: {  	[sflag:s4] =	ssyncadd.s32 @p1 $0xFFFFE0C0  }
0x62: {  	s26 =	simm.s32 @p1 $0xBD00;
	[bflag:$0x0] =	sbarrier.arrive @p1 $0xFFFF  }
0x63: {  	[spmem:s6] =	stream.linear.scatter @p1 [tilespmem:s26], [sflag:$0x1], $0x3200, $0x38;
	[tilespmem:$0x18B80] =	vst v63  }
0x64: {  	_ =	swait.ge @p1 [sflag:s4], $0x3200  }
0x65: {  	[sflag:s4] =	ssyncset.done @p1 $0x0  }
0x66: {  	[sflag:s4] =	ssyncadd.s32 @p1 $0xFFFFCE00  }
0x67: {  	[spmem:s7] =	stream.linear.scatter @p1 [tilespmem:s26], [sflag:$0x1], $0x3200, $0x38;
	[tilespmem:$0x18B80] =	vst v63  }
0x68: {  	_ =	swait.ge @p1 [sflag:s4], $0x3200  }
0x69: {  	[sflag:s4] =	ssyncset.done @p1 $0x0  }
0x6a: {  	[sflag:s4] =	ssyncadd.s32 @p1 $0xFFFFCE00  }
0x6b: {  	[spmem:s8] =	stream.linear.scatter @p1 [tilespmem:s26], [sflag:$0x1], $0x3200, $0x38;
	[tilespmem:$0x18B80] =	vst v63  }
0x6c: {  	_ =	swait.ge @p1 [sflag:s4], $0x3200  }
0x6d: {  	[sflag:s4] =	ssyncset.done @p1 $0x0  }
0x6e: {  	[sflag:s4] =	ssyncadd.s32 @p1 $0xFFFFCE00  }
0x6f: {  	[spmem:s9] =	stream.linear.scatter @p1 [tilespmem:s26], [sflag:$0x1], $0x3200, $0x38;
	[tilespmem:$0x18B80] =	vst v63  }
0x70: {  	_ =	swait.ge @p1 [sflag:s4], $0x3200  }
0x71: {  	[sflag:s4] =	ssyncset.done @p1 $0x0  }
0x72: {  	[sflag:s4] =	ssyncadd.s32 @p1 $0xFFFFCE00  }
0x73: {  	[spmem:s10] =	stream.linear.scatter @p1 [tilespmem:s26], [sflag:$0x1], $0x3200, $0x38;
	[tilespmem:$0x18B80] =	vst v63  }
0x74: {  	_ =	swait.ge @p1 [sflag:s4], $0x3200  }
0x75: {  	[sflag:s4] =	ssyncset.done @p1 $0x0  }
0x76: {  	[sflag:s4] =	ssyncadd.s32 @p1 $0xFFFFCE00  }
0x77: {  	[bflag:$0x0] =	sbarrier.arrive @!p1 $0xFFFF  }
0x78: {  	s12 =	simm.s32 $0x0;
	[bflag:$0x0] =	sbarrier.arrive $0xFFFF  }
0x79: {  	[tilespmem:s29], [sflag:$0x1] =	stream.indirect.gather [hbm4b:s14+s28], $0x40, s12, s28, $0xb8;
	[tilespmem:$0x18B80] =	vst v63  }
0x7a: {  	_ =	swait.ge [sflag:s25], $0x2000  }
0x7b: {  	[sflag:s25] =	ssyncset.done $0x0  }
0x7c: {  	s26 =	simm.s32 $0x4E80;
	[sflag:s25] =	ssyncadd.s32 $0xFFFFE000  }
0x7d: {  	[spmem:s1] =	stream.indirect.scatter.add.f32 [tilespmem:s29], [sflag:$0x1], $0x40, s26, s28, $0xb8;
	[tilespmem:$0x18B80] =	vst v63  }
0x7e: {  	_ =	swait.ge [sflag:s25], $0x2000  }
0x7f: {  	s4 =	simm.s32 $0x400;
	s26 =	simm.s32 $0x200;
	[sflag:s25] =	ssyncset.done $0x0  }
.LBB2_6:
0x80: {  	s5 =	sshra.s32 s26, $0x2  }
0x81: {  	[sflag:s25] =	ssyncadd.s32 $0xFFFFE000;
	s26 =	smov.u32 s4;
	s12 =	sadd.s32 $0x200, s4  }
0x82: {  	[tilespmem:s29], [sflag:$0x1] =	stream.indirect.gather [hbm4b:s14+s28], $0x40, s5, s28, $0xb8;
	[tilespmem:$0x18B80] =	vst v63  }
0x83: {  	p2 =	sne.s32 s4, $0x13800;
	_ =	swait.ge [sflag:s25], $0x2000  }
.Ltmp2:
0x84: {  	[sflag:s25] =	ssyncset.done $0x0;
	(pc) =	sbr.rel @p2 .LBB2_6-.Ltmp2, $4  }
0x85: {  	s4 =	sadd.s32 $0x4E80, s5;
	[sflag:s25] =	ssyncadd.s32 $0xFFFFE000  }
0x86: {  	[spmem:s1] =	stream.indirect.scatter.add.f32 [tilespmem:s29], [sflag:$0x1], $0x40, s4, s28, $0xb8;
	[tilespmem:$0x18B80] =	vst v63  }
0x87: {  	_ =	swait.ge [sflag:s25], $0x2000  }
0x88: {  	s4 =	smov.u32 s12;
	[sflag:s25] =	ssyncset.done $0x0  }
0x89: {  	s4 =	sshra.s32 s26, $0x2;
	[sflag:s25] =	ssyncadd.s32 $0xFFFFE000  }
0x8a: {  	[tilespmem:s29], [sflag:$0x1] =	stream.indirect.gather [hbm4b:s14+s28], $0x40, s4, s28, $0xb8;
	[tilespmem:$0x18B80] =	vst v63  }
0x8b: {  	_ =	swait.ge [sflag:s25], $0x2000  }
0x8c: {  	[sflag:s25] =	ssyncset.done $0x0  }
0x8d: {  	s4 =	sadd.s32 $0x4E80, s4;
	[sflag:s25] =	ssyncadd.s32 $0xFFFFE000  }
0x8e: {  	[spmem:s1] =	stream.indirect.scatter.add.f32 [tilespmem:s29], [sflag:$0x1], $0x40, s4, s28, $0xb8;
	[tilespmem:$0x18B80] =	vst v63  }
0x8f: {  	_ =	swait.ge [sflag:s25], $0x2000  }
0x90: {  	[sflag:s25] =	ssyncset.done $0x0  }
0x91: {  	[sflag:s25] =	ssyncadd.s32 $0xFFFFE000  }
0x92: {  	s4 =	simm.s32 @p1 $0x1;
	[bflag:$0x0] =	sbarrier.arrive $0xFFFF  }
0x93: {  	[hbm:s15], [sflag:s31] =	dma.local @p1 [spmem:s0], $0x1F40  }
0x94: {  	_ =	swait.ge @p1 [sflag:s4], $0x1F40  }
0x95: {  	[sflag:s4] =	ssyncset.done @p1 $0x0  }
0x96: {  	[sflag:s4] =	ssyncadd.s32 @p1 $0xFFFFE0C0  }
0x97: {  	s5 =	simm.s32 @p1 $0xBD00;
	[bflag:$0x0] =	sbarrier.arrive @p1 $0xFFFF  }
0x98: {  	[spmem:s6] =	stream.linear.scatter @p1 [tilespmem:s5], [sflag:$0x1], $0x3200, $0x38;
	[tilespmem:$0x18B80] =	vst v63  }
0x99: {  	_ =	swait.ge @p1 [sflag:s4], $0x3200  }
0x9a: {  	[sflag:s4] =	ssyncset.done @p1 $0x0  }
0x9b: {  	[sflag:s4] =	ssyncadd.s32 @p1 $0xFFFFCE00  }
0x9c: {  	[spmem:s7] =	stream.linear.scatter @p1 [tilespmem:s5], [sflag:$0x1], $0x3200, $0x38;
	[tilespmem:$0x18B80] =	vst v63  }
0x9d: {  	_ =	swait.ge @p1 [sflag:s4], $0x3200  }
0x9e: {  	[sflag:s4] =	ssyncset.done @p1 $0x0  }
0x9f: {  	[sflag:s4] =	ssyncadd.s32 @p1 $0xFFFFCE00  }
0xa0: {  	[spmem:s8] =	stream.linear.scatter @p1 [tilespmem:s5], [sflag:$0x1], $0x3200, $0x38;
	[tilespmem:$0x18B80] =	vst v63  }
0xa1: {  	_ =	swait.ge @p1 [sflag:s4], $0x3200  }
0xa2: {  	[sflag:s4] =	ssyncset.done @p1 $0x0  }
0xa3: {  	[sflag:s4] =	ssyncadd.s32 @p1 $0xFFFFCE00  }
0xa4: {  	[spmem:s9] =	stream.linear.scatter @p1 [tilespmem:s5], [sflag:$0x1], $0x3200, $0x38;
	[tilespmem:$0x18B80] =	vst v63  }
0xa5: {  	_ =	swait.ge @p1 [sflag:s4], $0x3200  }
0xa6: {  	[sflag:s4] =	ssyncset.done @p1 $0x0  }
0xa7: {  	[sflag:s4] =	ssyncadd.s32 @p1 $0xFFFFCE00  }
0xa8: {  	[spmem:s10] =	stream.linear.scatter @p1 [tilespmem:s5], [sflag:$0x1], $0x3200, $0x38;
	[tilespmem:$0x18B80] =	vst v63  }
0xa9: {  	_ =	swait.ge @p1 [sflag:s4], $0x3200  }
0xaa: {  	[sflag:s4] =	ssyncset.done @p1 $0x0  }
0xab: {  	[sflag:s4] =	ssyncadd.s32 @p1 $0xFFFFCE00  }
0xac: {  	[bflag:$0x0] =	sbarrier.arrive @!p1 $0xFFFF  }
0xad: {  	s12 =	simm.s32 $0x0;
	[bflag:$0x0] =	sbarrier.arrive $0xFFFF  }
0xae: {  	[tilespmem:s29], [sflag:$0x1] =	stream.indirect.gather [hbm4b:s16+s28], $0x40, s12, s28, $0xb8;
	[tilespmem:$0x18B80] =	vst v63  }
0xaf: {  	_ =	swait.ge [sflag:s25], $0x2000  }
0xb0: {  	[sflag:s25] =	ssyncset.done $0x0  }
0xb1: {  	s26 =	simm.s32 $0x4E80;
	[sflag:s25] =	ssyncadd.s32 $0xFFFFE000  }
0xb2: {  	[spmem:s1] =	stream.indirect.scatter.add.f32 [tilespmem:s29], [sflag:$0x1], $0x40, s26, s28, $0xb8;
	[tilespmem:$0x18B80] =	vst v63  }
0xb3: {  	_ =	swait.ge [sflag:s25], $0x2000  }
0xb4: {  	s4 =	simm.s32 $0x400;
	s26 =	simm.s32 $0x200;
	[sflag:s25] =	ssyncset.done $0x0  }
.LBB2_8:
0xb5: {  	s5 =	sshra.s32 s26, $0x2  }
0xb6: {  	[sflag:s25] =	ssyncadd.s32 $0xFFFFE000;
	s26 =	smov.u32 s4;
	s12 =	sadd.s32 $0x200, s4  }
0xb7: {  	[tilespmem:s29], [sflag:$0x1] =	stream.indirect.gather [hbm4b:s16+s28], $0x40, s5, s28, $0xb8;
	[tilespmem:$0x18B80] =	vst v63  }
0xb8: {  	p2 =	sne.s32 s4, $0x13800;
	_ =	swait.ge [sflag:s25], $0x2000  }
.Ltmp3:
0xb9: {  	[sflag:s25] =	ssyncset.done $0x0;
	(pc) =	sbr.rel @p2 .LBB2_8-.Ltmp3, $4  }
0xba: {  	s4 =	sadd.s32 $0x4E80, s5;
	[sflag:s25] =	ssyncadd.s32 $0xFFFFE000  }
0xbb: {  	[spmem:s1] =	stream.indirect.scatter.add.f32 [tilespmem:s29], [sflag:$0x1], $0x40, s4, s28, $0xb8;
	[tilespmem:$0x18B80] =	vst v63  }
0xbc: {  	_ =	swait.ge [sflag:s25], $0x2000  }
0xbd: {  	s4 =	smov.u32 s12;
	[sflag:s25] =	ssyncset.done $0x0  }
0xbe: {  	s4 =	sshra.s32 s26, $0x2;
	[sflag:s25] =	ssyncadd.s32 $0xFFFFE000  }
0xbf: {  	[tilespmem:s29], [sflag:$0x1] =	stream.indirect.gather [hbm4b:s16+s28], $0x40, s4, s28, $0xb8;
	[tilespmem:$0x18B80] =	vst v63  }
0xc0: {  	_ =	swait.ge [sflag:s25], $0x2000  }
0xc1: {  	[sflag:s25] =	ssyncset.done $0x0  }
0xc2: {  	s4 =	sadd.s32 $0x4E80, s4;
	[sflag:s25] =	ssyncadd.s32 $0xFFFFE000  }
0xc3: {  	[spmem:s1] =	stream.indirect.scatter.add.f32 [tilespmem:s29], [sflag:$0x1], $0x40, s4, s28, $0xb8;
	[tilespmem:$0x18B80] =	vst v63  }
0xc4: {  	_ =	swait.ge [sflag:s25], $0x2000  }
0xc5: {  	[sflag:s25] =	ssyncset.done $0x0  }
0xc6: {  	[sflag:s25] =	ssyncadd.s32 $0xFFFFE000  }
0xc7: {  	s4 =	simm.s32 @p1 $0x1;
	[bflag:$0x0] =	sbarrier.arrive $0xFFFF  }
0xc8: {  	[hbm:s17], [sflag:s31] =	dma.local @p1 [spmem:s0], $0x1F40  }
0xc9: {  	_ =	swait.ge @p1 [sflag:s4], $0x1F40  }
0xca: {  	[sflag:s4] =	ssyncset.done @p1 $0x0  }
0xcb: {  	[sflag:s4] =	ssyncadd.s32 @p1 $0xFFFFE0C0  }
0xcc: {  	s5 =	simm.s32 @p1 $0xBD00;
	[bflag:$0x0] =	sbarrier.arrive @p1 $0xFFFF  }
0xcd: {  	[spmem:s6] =	stream.linear.scatter @p1 [tilespmem:s5], [sflag:$0x1], $0x3200, $0x38;
	[tilespmem:$0x18B80] =	vst v63  }
0xce: {  	_ =	swait.ge @p1 [sflag:s4], $0x3200  }
0xcf: {  	[sflag:s4] =	ssyncset.done @p1 $0x0  }
0xd0: {  	[sflag:s4] =	ssyncadd.s32 @p1 $0xFFFFCE00  }
0xd1: {  	[spmem:s7] =	stream.linear.scatter @p1 [tilespmem:s5], [sflag:$0x1], $0x3200, $0x38;
	[tilespmem:$0x18B80] =	vst v63  }
0xd2: {  	_ =	swait.ge @p1 [sflag:s4], $0x3200  }
0xd3: {  	[sflag:s4] =	ssyncset.done @p1 $0x0  }
0xd4: {  	[sflag:s4] =	ssyncadd.s32 @p1 $0xFFFFCE00  }
0xd5: {  	[spmem:s8] =	stream.linear.scatter @p1 [tilespmem:s5], [sflag:$0x1], $0x3200, $0x38;
	[tilespmem:$0x18B80] =	vst v63  }
0xd6: {  	_ =	swait.ge @p1 [sflag:s4], $0x3200  }
0xd7: {  	[sflag:s4] =	ssyncset.done @p1 $0x0  }
0xd8: {  	[sflag:s4] =	ssyncadd.s32 @p1 $0xFFFFCE00  }
0xd9: {  	[spmem:s9] =	stream.linear.scatter @p1 [tilespmem:s5], [sflag:$0x1], $0x3200, $0x38;
	[tilespmem:$0x18B80] =	vst v63  }
0xda: {  	_ =	swait.ge @p1 [sflag:s4], $0x3200  }
0xdb: {  	[sflag:s4] =	ssyncset.done @p1 $0x0  }
0xdc: {  	[sflag:s4] =	ssyncadd.s32 @p1 $0xFFFFCE00  }
0xdd: {  	[spmem:s10] =	stream.linear.scatter @p1 [tilespmem:s5], [sflag:$0x1], $0x3200, $0x38;
	[tilespmem:$0x18B80] =	vst v63  }
0xde: {  	_ =	swait.ge @p1 [sflag:s4], $0x3200  }
0xdf: {  	[sflag:s4] =	ssyncset.done @p1 $0x0  }
0xe0: {  	[sflag:s4] =	ssyncadd.s32 @p1 $0xFFFFCE00  }
0xe1: {  	[bflag:$0x0] =	sbarrier.arrive @!p1 $0xFFFF  }
0xe2: {  	s12 =	simm.s32 $0x0;
	[bflag:$0x0] =	sbarrier.arrive $0xFFFF  }
0xe3: {  	[tilespmem:s29], [sflag:$0x1] =	stream.indirect.gather [hbm4b:s18+s28], $0x40, s12, s28, $0xb8;
	[tilespmem:$0x18B80] =	vst v63  }
0xe4: {  	_ =	swait.ge [sflag:s25], $0x2000  }
0xe5: {  	[sflag:s25] =	ssyncset.done $0x0  }
0xe6: {  	s26 =	simm.s32 $0x4E80;
	[sflag:s25] =	ssyncadd.s32 $0xFFFFE000  }
0xe7: {  	[spmem:s1] =	stream.indirect.scatter.add.f32 [tilespmem:s29], [sflag:$0x1], $0x40, s26, s28, $0xb8;
	[tilespmem:$0x18B80] =	vst v63  }
0xe8: {  	_ =	swait.ge [sflag:s25], $0x2000  }
0xe9: {  	s4 =	simm.s32 $0x400;
	s26 =	simm.s32 $0x200;
	[sflag:s25] =	ssyncset.done $0x0  }
.LBB2_10:
0xea: {  	s5 =	sshra.s32 s26, $0x2  }
0xeb: {  	[sflag:s25] =	ssyncadd.s32 $0xFFFFE000;
	s26 =	smov.u32 s4;
	s12 =	sadd.s32 $0x200, s4  }
0xec: {  	[tilespmem:s29], [sflag:$0x1] =	stream.indirect.gather [hbm4b:s18+s28], $0x40, s5, s28, $0xb8;
	[tilespmem:$0x18B80] =	vst v63  }
0xed: {  	p2 =	sne.s32 s4, $0x13800;
	_ =	swait.ge [sflag:s25], $0x2000  }
.Ltmp4:
0xee: {  	[sflag:s25] =	ssyncset.done $0x0;
	(pc) =	sbr.rel @p2 .LBB2_10-.Ltmp4, $4  }
0xef: {  	s4 =	sadd.s32 $0x4E80, s5;
	[sflag:s25] =	ssyncadd.s32 $0xFFFFE000  }
0xf0: {  	[spmem:s1] =	stream.indirect.scatter.add.f32 [tilespmem:s29], [sflag:$0x1], $0x40, s4, s28, $0xb8;
	[tilespmem:$0x18B80] =	vst v63  }
0xf1: {  	_ =	swait.ge [sflag:s25], $0x2000  }
0xf2: {  	s4 =	smov.u32 s12;
	[sflag:s25] =	ssyncset.done $0x0  }
0xf3: {  	s4 =	sshra.s32 s26, $0x2;
	[sflag:s25] =	ssyncadd.s32 $0xFFFFE000  }
0xf4: {  	[tilespmem:s29], [sflag:$0x1] =	stream.indirect.gather [hbm4b:s18+s28], $0x40, s4, s28, $0xb8;
	[tilespmem:$0x18B80] =	vst v63  }
0xf5: {  	_ =	swait.ge [sflag:s25], $0x2000  }
0xf6: {  	[sflag:s25] =	ssyncset.done $0x0  }
0xf7: {  	s4 =	sadd.s32 $0x4E80, s4;
	[sflag:s25] =	ssyncadd.s32 $0xFFFFE000  }
0xf8: {  	[spmem:s1] =	stream.indirect.scatter.add.f32 [tilespmem:s29], [sflag:$0x1], $0x40, s4, s28, $0xb8;
	[tilespmem:$0x18B80] =	vst v63  }
0xf9: {  	_ =	swait.ge [sflag:s25], $0x2000  }
0xfa: {  	[sflag:s25] =	ssyncset.done $0x0  }
0xfb: {  	[sflag:s25] =	ssyncadd.s32 $0xFFFFE000  }
0xfc: {  	s4 =	simm.s32 @p1 $0x1;
	[bflag:$0x0] =	sbarrier.arrive $0xFFFF  }
0xfd: {  	[hbm:s19], [sflag:s31] =	dma.local @p1 [spmem:s0], $0x1F40  }
0xfe: {  	_ =	swait.ge @p1 [sflag:s4], $0x1F40  }
0xff: {  	[sflag:s4] =	ssyncset.done @p1 $0x0  }
0x100: {  	[sflag:s4] =	ssyncadd.s32 @p1 $0xFFFFE0C0  }
0x101: {  	s5 =	simm.s32 @p1 $0xBD00;
	[bflag:$0x0] =	sbarrier.arrive @p1 $0xFFFF  }
0x102: {  	[spmem:s6] =	stream.linear.scatter @p1 [tilespmem:s5], [sflag:$0x1], $0x3200, $0x38;
	[tilespmem:$0x18B80] =	vst v63  }
0x103: {  	_ =	swait.ge @p1 [sflag:s4], $0x3200  }
0x104: {  	[sflag:s4] =	ssyncset.done @p1 $0x0  }
0x105: {  	[sflag:s4] =	ssyncadd.s32 @p1 $0xFFFFCE00  }
0x106: {  	[spmem:s7] =	stream.linear.scatter @p1 [tilespmem:s5], [sflag:$0x1], $0x3200, $0x38;
	[tilespmem:$0x18B80] =	vst v63  }
0x107: {  	_ =	swait.ge @p1 [sflag:s4], $0x3200  }
0x108: {  	[sflag:s4] =	ssyncset.done @p1 $0x0  }
0x109: {  	[sflag:s4] =	ssyncadd.s32 @p1 $0xFFFFCE00  }
0x10a: {  	[spmem:s8] =	stream.linear.scatter @p1 [tilespmem:s5], [sflag:$0x1], $0x3200, $0x38;
	[tilespmem:$0x18B80] =	vst v63  }
0x10b: {  	_ =	swait.ge @p1 [sflag:s4], $0x3200  }
0x10c: {  	[sflag:s4] =	ssyncset.done @p1 $0x0  }
0x10d: {  	[sflag:s4] =	ssyncadd.s32 @p1 $0xFFFFCE00  }
0x10e: {  	[spmem:s9] =	stream.linear.scatter @p1 [tilespmem:s5], [sflag:$0x1], $0x3200, $0x38;
	[tilespmem:$0x18B80] =	vst v63  }
0x10f: {  	_ =	swait.ge @p1 [sflag:s4], $0x3200  }
0x110: {  	[sflag:s4] =	ssyncset.done @p1 $0x0  }
0x111: {  	[sflag:s4] =	ssyncadd.s32 @p1 $0xFFFFCE00  }
0x112: {  	[spmem:s10] =	stream.linear.scatter @p1 [tilespmem:s5], [sflag:$0x1], $0x3200, $0x38;
	[tilespmem:$0x18B80] =	vst v63  }
0x113: {  	_ =	swait.ge @p1 [sflag:s4], $0x3200  }
0x114: {  	[sflag:s4] =	ssyncset.done @p1 $0x0  }
0x115: {  	[sflag:s4] =	ssyncadd.s32 @p1 $0xFFFFCE00  }
0x116: {  	[bflag:$0x0] =	sbarrier.arrive @!p1 $0xFFFF  }
0x117: {  	s12 =	simm.s32 $0x0;
	[bflag:$0x0] =	sbarrier.arrive $0xFFFF  }
0x118: {  	[tilespmem:s29], [sflag:$0x1] =	stream.indirect.gather [hbm4b:s20+s28], $0x40, s12, s28, $0xb8;
	[tilespmem:$0x18B80] =	vst v63  }
0x119: {  	_ =	swait.ge [sflag:s25], $0x2000  }
0x11a: {  	[sflag:s25] =	ssyncset.done $0x0  }
0x11b: {  	s26 =	simm.s32 $0x4E80;
	[sflag:s25] =	ssyncadd.s32 $0xFFFFE000  }
0x11c: {  	[spmem:s1] =	stream.indirect.scatter.add.f32 [tilespmem:s29], [sflag:$0x1], $0x40, s26, s28, $0xb8;
	[tilespmem:$0x18B80] =	vst v63  }
0x11d: {  	_ =	swait.ge [sflag:s25], $0x2000  }
0x11e: {  	s4 =	simm.s32 $0x400;
	s26 =	simm.s32 $0x200;
	[sflag:s25] =	ssyncset.done $0x0  }
.LBB2_12:
0x11f: {  	s5 =	sshra.s32 s26, $0x2  }
0x120: {  	[sflag:s25] =	ssyncadd.s32 $0xFFFFE000;
	s26 =	smov.u32 s4;
	s12 =	sadd.s32 $0x200, s4  }
0x121: {  	[tilespmem:s29], [sflag:$0x1] =	stream.indirect.gather [hbm4b:s20+s28], $0x40, s5, s28, $0xb8;
	[tilespmem:$0x18B80] =	vst v63  }
0x122: {  	p2 =	sne.s32 s4, $0x13800;
	_ =	swait.ge [sflag:s25], $0x2000  }
.Ltmp5:
0x123: {  	[sflag:s25] =	ssyncset.done $0x0;
	(pc) =	sbr.rel @p2 .LBB2_12-.Ltmp5, $4  }
0x124: {  	s4 =	sadd.s32 $0x4E80, s5;
	[sflag:s25] =	ssyncadd.s32 $0xFFFFE000  }
0x125: {  	[spmem:s1] =	stream.indirect.scatter.add.f32 [tilespmem:s29], [sflag:$0x1], $0x40, s4, s28, $0xb8;
	[tilespmem:$0x18B80] =	vst v63  }
0x126: {  	_ =	swait.ge [sflag:s25], $0x2000  }
0x127: {  	s4 =	smov.u32 s12;
	[sflag:s25] =	ssyncset.done $0x0  }
0x128: {  	s4 =	sshra.s32 s26, $0x2;
	[sflag:s25] =	ssyncadd.s32 $0xFFFFE000  }
0x129: {  	[tilespmem:s29], [sflag:$0x1] =	stream.indirect.gather [hbm4b:s20+s28], $0x40, s4, s28, $0xb8;
	[tilespmem:$0x18B80] =	vst v63  }
0x12a: {  	_ =	swait.ge [sflag:s25], $0x2000  }
0x12b: {  	[sflag:s25] =	ssyncset.done $0x0  }
0x12c: {  	s4 =	sadd.s32 $0x4E80, s4;
	[sflag:s25] =	ssyncadd.s32 $0xFFFFE000  }
0x12d: {  	[spmem:s1] =	stream.indirect.scatter.add.f32 [tilespmem:s29], [sflag:$0x1], $0x40, s4, s28, $0xb8;
	[tilespmem:$0x18B80] =	vst v63  }
0x12e: {  	_ =	swait.ge [sflag:s25], $0x2000  }
0x12f: {  	[sflag:s25] =	ssyncset.done $0x0  }
0x130: {  	[sflag:s25] =	ssyncadd.s32 $0xFFFFE000  }
0x131: {  	[bflag:$0x0] =	sbarrier.arrive $0xFFFF  }
0x132: {  	[hbm:s21], [sflag:s31] =	dma.local @p1 [spmem:s0], $0x1F40  }
0x133: {  	s0 =	simm.s32 @p1 $0x1  }
0x134: {  	_ =	swait.ge @p1 [sflag:s0], $0x1F40  }
0x135: {  	[sflag:s0] =	ssyncset.done @p1 $0x0  }
0x136: {  	[sflag:s0] =	ssyncadd.s32 @p1 $0xFFFFE0C0  }
0x137: {  	s4 =	simm.s32 @p1 $0xBD00;
	[bflag:$0x0] =	sbarrier.arrive @p1 $0xFFFF  }
0x138: {  	[spmem:s6] =	stream.linear.scatter @p1 [tilespmem:s4], [sflag:$0x1], $0x3200, $0x38;
	[tilespmem:$0x18B80] =	vst v63  }
0x139: {  	_ =	swait.ge @p1 [sflag:s0], $0x3200  }
0x13a: {  	[sflag:s0] =	ssyncset.done @p1 $0x0  }
0x13b: {  	[sflag:s0] =	ssyncadd.s32 @p1 $0xFFFFCE00  }
0x13c: {  	[spmem:s7] =	stream.linear.scatter @p1 [tilespmem:s4], [sflag:$0x1], $0x3200, $0x38;
	[tilespmem:$0x18B80] =	vst v63  }
0x13d: {  	_ =	swait.ge @p1 [sflag:s0], $0x3200  }
0x13e: {  	[sflag:s0] =	ssyncset.done @p1 $0x0  }
0x13f: {  	[sflag:s0] =	ssyncadd.s32 @p1 $0xFFFFCE00  }
0x140: {  	[spmem:s8] =	stream.linear.scatter @p1 [tilespmem:s4], [sflag:$0x1], $0x3200, $0x38;
	[tilespmem:$0x18B80] =	vst v63  }
0x141: {  	_ =	swait.ge @p1 [sflag:s0], $0x3200  }
0x142: {  	[sflag:s0] =	ssyncset.done @p1 $0x0  }
0x143: {  	[sflag:s0] =	ssyncadd.s32 @p1 $0xFFFFCE00  }
0x144: {  	[spmem:s9] =	stream.linear.scatter @p1 [tilespmem:s4], [sflag:$0x1], $0x3200, $0x38;
	[tilespmem:$0x18B80] =	vst v63  }
0x145: {  	_ =	swait.ge @p1 [sflag:s0], $0x3200  }
0x146: {  	[sflag:s0] =	ssyncset.done @p1 $0x0  }
0x147: {  	[sflag:s0] =	ssyncadd.s32 @p1 $0xFFFFCE00  }
0x148: {  	[spmem:s10] =	stream.linear.scatter @p1 [tilespmem:s4], [sflag:$0x1], $0x3200, $0x38;
	[tilespmem:$0x18B80] =	vst v63  }
0x149: {  	_ =	swait.ge @p1 [sflag:s0], $0x3200  }
0x14a: {  	[sflag:s0] =	ssyncset.done @p1 $0x0  }
0x14b: {  	[sflag:s0] =	ssyncadd.s32 @p1 $0xFFFFCE00  }
0x14c: {  	[bflag:$0x0] =	sbarrier.arrive @!p1 $0xFFFF  }
0x14d: {  	s26 =	simm.s32 $0x0;
	[bflag:$0x0] =	sbarrier.arrive $0xFFFF  }
0x14e: {  	[tilespmem:s29], [sflag:$0x1] =	stream.indirect.gather [hbm4b:s22+s28], $0x40, s26, s28, $0xb8;
	[tilespmem:$0x18B80] =	vst v63  }
0x14f: {  	_ =	swait.ge [sflag:s25], $0x2000  }
0x150: {  	[sflag:s25] =	ssyncset.done $0x0  }
0x151: {  	s31 =	simm.s32 $0x4E80;
	[sflag:s25] =	ssyncadd.s32 $0xFFFFE000  }
0x152: {  	[spmem:s1] =	stream.indirect.scatter.add.f32 [tilespmem:s29], [sflag:$0x1], $0x40, s31, s28, $0xb8;
	[tilespmem:$0x18B80] =	vst v63  }
0x153: {  	_ =	swait.ge [sflag:s25], $0x2000  }
0x154: {  	s4 =	simm.s32 $0x400;
	s0 =	simm.s32 $0x200;
	[sflag:s25] =	ssyncset.done $0x0  }
.LBB2_14:
0x155: {  	s5 =	sshra.s32 s0, $0x2  }
0x156: {  	[sflag:s25] =	ssyncadd.s32 $0xFFFFE000;
	s0 =	smov.u32 s4;
	s12 =	sadd.s32 $0x200, s4  }
0x157: {  	[tilespmem:s29], [sflag:$0x1] =	stream.indirect.gather [hbm4b:s22+s28], $0x40, s5, s28, $0xb8;
	[tilespmem:$0x18B80] =	vst v63  }
0x158: {  	p2 =	sne.s32 s4, $0x13800;
	_ =	swait.ge [sflag:s25], $0x2000  }
.Ltmp6:
0x159: {  	[sflag:s25] =	ssyncset.done $0x0;
	(pc) =	sbr.rel @p2 .LBB2_14-.Ltmp6, $4  }
0x15a: {  	s4 =	sadd.s32 $0x4E80, s5;
	[sflag:s25] =	ssyncadd.s32 $0xFFFFE000  }
0x15b: {  	[spmem:s1] =	stream.indirect.scatter.add.f32 [tilespmem:s29], [sflag:$0x1], $0x40, s4, s28, $0xb8;
	[tilespmem:$0x18B80] =	vst v63  }
0x15c: {  	_ =	swait.ge [sflag:s25], $0x2000  }
0x15d: {  	s4 =	smov.u32 s12;
	[sflag:s25] =	ssyncset.done $0x0  }
0x15e: {  	s0 =	sshra.s32 s0, $0x2;
	[sflag:s25] =	ssyncadd.s32 $0xFFFFE000  }
0x15f: {  	[tilespmem:s29], [sflag:$0x1] =	stream.indirect.gather [hbm4b:s22+s28], $0x40, s0, s28, $0xb8;
	[tilespmem:$0x18B80] =	vst v63  }
0x160: {  	_ =	swait.ge [sflag:s25], $0x2000  }
0x161: {  	[sflag:s25] =	ssyncset.done $0x0  }
0x162: {  	s0 =	sadd.s32 $0x4E80, s0;
	[sflag:s25] =	ssyncadd.s32 $0xFFFFE000  }
0x163: {  	[spmem:s1] =	stream.indirect.scatter.add.f32 [tilespmem:s29], [sflag:$0x1], $0x40, s0, s28, $0xb8;
	[tilespmem:$0x18B80] =	vst v63  }
0x164: {  	_ =	swait.ge [sflag:s25], $0x2000  }
0x165: {  	[sflag:s25] =	ssyncset.done $0x0  }
0x166: {  	s4 =	sshrl.u32 @!p0 s13, $0x3;
	s0 =	sshll.u32 @!p0 s2, $0x6;
	[sflag:s25] =	ssyncadd.s32 $0xFFFFE000  }
0x167: {  	s30 =	sadd.s32 $0x1, s30;
	s0 =	sor.u32 @!p0 $0x1C01, s0;
	[bflag:$0x0] =	sbarrier.arrive $0xFFFF  }
0x168: {  	[hbm:s23], [sflag:s0] =	dma.local @!p0 [spmem:s4], $0x1F40  }
0x169: {  	p2 =	sne.s32 s30, s24;
	s0 =	simm.s32 @!p0 $0x1  }
.Ltmp7:
0x16a: {  	_ =	swait.ge @!p0 [sflag:s0], $0x1F40;
	(pc) =	sbr.rel @p2 .LBB2_1-.Ltmp7, $3  }
0x16b: {  	[sflag:s0] =	ssyncset.done @!p0 $0x0  }
0x16c: {  	[sflag:s0] =	ssyncadd.s32 @!p0 $0xFFFFE0C0  }
0x16d: {  	[bflag:$0x0] =	sbarrier.arrive $0xFFFF;
	_ =	sdelay $0x1  }
0x16e: {  	_ =	sfence.sel $0x180000  }
0x16f: {  	[bflag:$0x0] =	sbarrier.arrive $0xFFFF  }
0x170: {  	_ =	strace $0x9000004A  }
0x171: {  	[bflag:$0x2] =	sbarrier.arrive $0xFFFF  }
0x172: {  	p0 =	sne.s32 s2, $0x0;
	s0 =	rddreg [dreg:$0x2]  }
0x173: {  	s0 =	sadd.s32 @!p0 $0x100000, s0  }
0x174: {  	[sflag:s0] =	ssyncadd.tile.s32 @!p0 $0x1;
	_ =	shalt  }
.Lfunc_end2:
_tile_overlayer_lowered:
.L_overlay_start_2:
0x175: {  	(tag) =	ssettag $0x2  }
0x176: {  	s0 =	rddreg [dreg:$0x0];
	s2 =	stileid.u32  }
0x177: {  	s1 =	rddreg [dreg:$0x1];
	p0 =	sne.s32 s2, $0x0  }
0x178: {  	s3 =	rddreg [dreg:$0x2];
	[bflag:$0x3] =	sbarrier.arrive $0xFFFF;
	s2 =	simm.s32 @!p0 $0x1C01  }
0x179: {  	[timem:s3], [sflag:s2] =	dma.local @!p0 [hbm:s0], s1  }
0x17a: {  	s0 =	simm.s32 @!p0 $0x1  }
0x17b: {  	_ =	swait.ge @!p0 [sflag:s0], s1  }
0x17c: {  	s1 =	ssub.s32 @!p0 $0x0, s1;
	[sflag:s0] =	ssyncset.done @!p0 $0x0  }
0x17d: {  	[sflag:s0] =	ssyncadd.s32 @!p0 s1  }
0x17e: {  	[bflag:$0x3] =	sbarrier.arrive $0xFFFF  }
0x17f: {  	_ =	shalt  }

// kernel: kernel.14.cloned.1.call-start
scs
__scs_entry_jumppad:
0x0: {  	(pc) =	sbr.rel $0x88, $3  }
0x1: {  	(tag) =	ssettag $0x0;
	lr =	simm.s32 $0x1  }
0x2: {  	[smem:$0x3F93] =	sst lr;
	_ =	strace $0xD0000000  }
0x3: {  	_ = 	snop  }
0x4: {  	_ = 	snop  }
0x5: {  	_ = 	snop  }
0x6: {  	_ = 	snop  }
0x7: {  	_ = 	snop  }
__scs_overlays_trampoline_lowered:
0x8: {  	[smem:$0x3FA2] =	sst s0  }
0x9: {  	[smem:$0x3FA3] =	sst s1  }
0xa: {  	[smem:$0x3FA4] =	sst s2  }
0xb: {  	[smem:$0x3FA5] =	sst s3  }
0xc: {  	[smem:$0x3FA6] =	sst s4  }
0xd: {  	[smem:$0x3FA7] =	sst s5  }
0xe: {  	[smem:$0x3FA8] =	sst s6  }
0xf: {  	[smem:$0x3FA9] =	sst s7  }
0x10: {  	[smem:$0x3FAA] =	sst s8  }
0x11: {  	[smem:$0x3FAB] =	sst s9;
	s0 =	simm.s32 @!p0 $0x0  }
0x12: {  	s1 =	sld [smem:$0x3F91];
	s0 =	simm.s32 @p0 $0x1  }
0x13: {  	[smem:$0x3FAC] =	sst s0;
	s0 =	simm.s32 @!p1 $0x0  }
0x14: {  	s2 =	sld [smem:$0x3F90];
	s0 =	simm.s32 @p1 $0x1  }
0x15: {  	[smem:$0x3FAD] =	sst s0;
	s0 =	simm.s32 @!p2 $0x0  }
0x16: {  	s3 =	sld [smem:$0x3FDB];
	s0 =	simm.s32 @p2 $0x1  }
0x17: {  	s4 =	simm.s32 $0x1BF5;
	[smem:$0x3FAF] =	sst s0  }
0x18: {  	s0 =	sld [smem:$0x3F92];
	_ =	swait.ge [sflag:s4], $0x0  }
0x19: {  	s7 =	sld [smem:$0x3F93]  }
0x1a: {  	s8 =	sadd.s32 $0xFFFFE003, lr  }
0x1b: {  	s9 =	sadd.s32 $0xFFFFFEF7, lr;
	s5 =	simm.s32 $0xFFFFFFFF;
	p2 =	slt.u32 s8, $0xFFFFF086  }
0x1c: {  	p1 =	slt.u32 s9, $0xF7A;
	s5 =	simm.s32 @!p2 $0x0  }
0x1d: {  	s5 =	simm.s32 @p1 $0x1;
	p0 =	seq.s32 s7, s2  }
0x1e: {  	s7 =	smul.u32 @!p0 $0xF7A, s2;
	p2 =	seq.s32 @!p0 s5, $0x0  }
0x1f: {  	s9 =	smul.u32 $0xF7A, s1;
	s8 =	simm.s32 @!p0 $0x1BF5;
	p2 =	por !p2, p0  }
0x20: {  	[sflag:s8] =	ssyncset.s32 @!p0 $0xFFFFF086;
	s6 =	sadd.s32 @!p0 s3, s7;
	s7 =	simm.s32 @!p0 $0x108  }
0x21: {  	s3 =	sadd.s32 s3, s9;
	s6 =	sadd.s32 @!p0 $0x88, s6;
	s7 =	simm.s32 @p2 $0x1082  }
0x22: {  	[simem:s7], [sflag:s8] =	dma.local @!p0 [hbm:s6], $0xF7A  }
0x23: {  	s9 =	sor.u32 $0xD0000000, s2;
	s6 =	simm.s32 $0x108;
	_ =	swait.ge @!p0 [sflag:s8], $0x0  }
0x24: {  	s3 =	sadd.s32 $0x88, s3;
	s6 =	simm.s32 @!p1 $0x1082;
	[sflag:s4] =	ssyncset.s32 $0xFFFFF086  }
0x25: {  	[simem:s6], [sflag:s4] =	dma.local [hbm:s3], $0xF7A  }
0x26: {  	[smem:$0x3F93] =	sst s1;
	(tag) =	ssettag s2;
	_ =	strace s9  }
0x27: {  	s1 =	sld [smem:$0x3FA3]  }
0x28: {  	s2 =	sld [smem:$0x3FA4]  }
0x29: {  	s4 =	sld [smem:$0x3FA6]  }
0x2a: {  	p0 =	seq.s32 s5, $0x0;
	s5 =	sld [smem:$0x3FA7]  }
0x2b: {  	s6 =	sld [smem:$0x3FA8]  }
0x2c: {  	s7 =	sld [smem:$0x3FA9]  }
0x2d: {  	s3 =	simm.s32 $0x108;
	s8 =	sld [smem:$0x3FAA]  }
0x2e: {  	s3 =	simm.s32 @!p0 $0x1082;
	s9 =	sld [smem:$0x3FAB]  }
0x2f: {  	lr =	sadd.s32 s0, s3;
	s0 =	sld [smem:$0x3FA2]  }
0x30: {  	s3 =	sld [smem:$0x3FA5]  }
0x31: {  	[smem:$0x3FAE] =	sst s10  }
0x32: {  	s10 =	sld [smem:$0x3FAC];
	_ =	sdelay $0x3  }
0x33: {  	p0 =	seq.s32 s10, $0x1;
	s10 =	sld [smem:$0x3FAE];
	_ =	sdelay $0x3  }
0x34: {  	[smem:$0x3FAE] =	sst s10  }
0x35: {  	s10 =	sld [smem:$0x3FAD];
	_ =	sdelay $0x3  }
0x36: {  	p1 =	seq.s32 s10, $0x1;
	s10 =	sld [smem:$0x3FAE];
	_ =	sdelay $0x3  }
0x37: {  	[smem:$0x3FAE] =	sst s10  }
0x38: {  	s10 =	sld [smem:$0x3FAF]  }
0x39: {  	_ = 	snop;
	(pc) =	sbr.ind lr, $3  }
0x3a: {  	_ = 	snop  }
0x3b: {  	_ = 	snop  }
0x3c: {  	p2 =	seq.s32 s10, $0x1;
	s10 =	sld [smem:$0x3FAE]  }
0x3d: {  	_ =	shalt  }
0x3e: {  	_ =	shalt  }
0x3f: {  	_ =	shalt  }
0x40: {  	_ =	shalt  }
0x41: {  	_ =	shalt  }
0x42: {  	_ =	shalt  }
0x43: {  	_ =	shalt  }
0x44: {  	_ =	shalt  }
0x45: {  	_ =	shalt  }
0x46: {  	_ =	shalt  }
0x47: {  	_ =	shalt  }
0x48: {  	_ =	shalt  }
0x49: {  	_ =	shalt  }
0x4a: {  	_ =	shalt  }
0x4b: {  	_ =	shalt  }
0x4c: {  	_ =	shalt  }
0x4d: {  	_ =	shalt  }
0x4e: {  	_ =	shalt  }
0x4f: {  	_ =	shalt  }
0x50: {  	_ =	shalt  }
0x51: {  	_ =	shalt  }
0x52: {  	_ =	shalt  }
0x53: {  	_ =	shalt  }
0x54: {  	_ =	shalt  }
0x55: {  	_ =	shalt  }
0x56: {  	_ =	shalt  }
0x57: {  	_ =	shalt  }
0x58: {  	_ =	shalt  }
0x59: {  	_ =	shalt  }
0x5a: {  	_ =	shalt  }
0x5b: {  	_ =	shalt  }
0x5c: {  	_ =	shalt  }
0x5d: {  	_ =	shalt  }
0x5e: {  	_ =	shalt  }
0x5f: {  	_ =	shalt  }
0x60: {  	_ =	shalt  }
0x61: {  	_ =	shalt  }
0x62: {  	_ =	shalt  }
0x63: {  	_ =	shalt  }
0x64: {  	_ =	shalt  }
0x65: {  	_ =	shalt  }
0x66: {  	_ =	shalt  }
0x67: {  	_ =	shalt  }
0x68: {  	_ =	shalt  }
0x69: {  	_ =	shalt  }
0x6a: {  	_ =	shalt  }
0x6b: {  	_ =	shalt  }
0x6c: {  	_ =	shalt  }
0x6d: {  	_ =	shalt  }
0x6e: {  	_ =	shalt  }
0x6f: {  	_ =	shalt  }
0x70: {  	_ =	shalt  }
0x71: {  	_ =	shalt  }
0x72: {  	_ =	shalt  }
0x73: {  	_ =	shalt  }
0x74: {  	_ =	shalt  }
0x75: {  	_ =	shalt  }
0x76: {  	_ =	shalt  }
0x77: {  	_ =	shalt  }
0x78: {  	_ =	shalt  }
0x79: {  	_ =	shalt  }
0x7a: {  	_ =	shalt  }
0x7b: {  	_ =	shalt  }
0x7c: {  	_ =	shalt  }
0x7d: {  	_ =	shalt  }
0x7e: {  	_ =	shalt  }
0x7f: {  	_ =	shalt  }
0x80: {  	_ =	shalt  }
0x81: {  	_ =	shalt  }
0x82: {  	_ =	shalt  }
0x83: {  	_ =	shalt  }
0x84: {  	_ =	shalt  }
0x85: {  	_ =	shalt  }
0x86: {  	_ =	shalt  }
0x87: {  	_ =	shalt  }
.Lfunc_end0:
.L_simem_size_0:
called_computation.2_lowered:
.L_overlay_start_0:
0x88: {  	s2 =	sld [smem:$0x3FD9]  }
0x89: {  	s3 =	sld [smem:$0x3FFE];
	_ =	sdelay $0x1  }
0x8a: {  	s1 =	srdreg.scid  }
0x8b: {  	s0 =	sand.u32 $0x1, s1  }
0x8c: {  	s16 =	sshll.u32 s0, $0xA;
	s2 =	sadd.s32 s3, s2  }
0x8d: {  	s2 =	sadd.s32 s2, s16  }
0x8e: {  	[smem:$0x3FBA] =	sst s2  }
0x8f: {  	_ = 	snop  }
0x90: {  	(tm) =	ssettm $0x1  }
0x91: {  	s17 =	sld [smem:$0x3FFB];
	_ =	sdelay $0x3  }
0x92: {  	_ =	strace s17  }
0x93: {  	s2 =	sld [smem:$0x3FFC];
	_ =	sdelay $0x3  }
0x94: {  	_ =	strace s2  }
0x95: {  	s2 =	sld [smem:$0x3FFD];
	_ =	sdelay $0x3  }
0x96: {  	_ =	strace s2  }
0x97: {  	_ =	strace $0x8FFFFFFF  }
0x98: {  	s18 =	sld [smem:$0x3FDB];
	_ =	sdelay $0x1  }
0x99: {  	s19 =	simm.s32 $_scs_section_size  }
0x9a: {  	s4 =	simm.s32 $_size__tile_overlayer_lowered;
	s5 =	simm.s32 $_tile_overlayer_lowered  }
0x9b: {  	s22 =	simm.s32 $0x1BFF;
	s21 =	sshll.u32 s5, $0x1;
	s2 =	sadd.s32 s19, s18  }
0x9c: {  	s6 =	simm.s32 $0x0;
	s20 =	sshll.u32 s4, $0x1;
	s4 =	sadd.s32 s21, s2  }
0x9d: {  	[timem:s6], [sflag:s22] =	dma.local [hbm:s4], s20  }
0x9e: {  	_ =	swait.ge [sflag:s22], s20  }
0x9f: {  	s3 =	ssub.s32 $0x0, s20;
	[sflag:s22] =	ssyncset.done $0x0  }
0xa0: {  	[sflag:s22] =	ssyncadd.s32 s3;
	_ =	sdelay $0x1  }
0xa1: {  	s23 =	simm.s32 $0x1B8B  }
0xa2: {  	_ =	swait.ge [sflag:s23], $0x1  }
0xa3: {  	[sflag:s23] =	ssyncset.done $0x0  }
0xa4: {  	s25 =	simm.s32 $0x1B8E;
	s24 =	sld [smem:$0x3FFE];
	[sflag:s23] =	ssyncadd.s32 $0xFFFFFFFF  }
0xa5: {  	s26 =	simm.s32 $execute0_lowered;
	[smem:$0x3FD2] =	sst s25  }
0xa6: {  	s4 =	sshll.u32 s26, $0x1;
	_ =	strace $0x8000004C;
	[dreg:$0x1] =	wrdreg $0xFFFFFFFF  }
0xa7: {  	s28 =	simm.s32 $_size_execute0_lowered;
	s2 =	sadd.s32 s2, s4;
	[dreg:$0x0] =	wrdreg $0x0  }
0xa8: {  	s4 =	sshll.u32 s28, $0x1;
	[dreg:$0x2] =	wrdreg s2  }
0xa9: {  	[dreg:$0x3] =	wrdreg s4  }
0xaa: {  	[dreg:$0x4] =	wrdreg $0xC0  }
0xab: {  	_ =	task [dreg:s6], $0x5FFFF  }
0xac: {  	[dreg:$0x1] =	wrdreg $0xFFFFFFFF  }
0xad: {  	[dreg:$0x0] =	wrdreg $0x60  }
0xae: {  	[dreg:$0x2] =	wrdreg s24  }
0xaf: {  	[dreg:$0x3] =	wrdreg $0xEF000  }
0xb0: {  	[dreg:$0x4] =	wrdreg $0x9  }
0xb1: {  	_ =	task.clear_ibuf [dreg:s6], $0x5FFFF;
	_ =	strace $0x9000004C  }
0xb2: {  	s29 =	simm.s32 $0x9;
	_ =	strace $0x8000004E  }
0xb3: {  	_ =	swait.ge [sflag:s29], $0x1  }
0xb4: {  	[sflag:s29] =	ssyncadd.s32 $0xFFFFFFFF  }
0xb5: {  	_ =	strace $0x9000004E  }
0xb6: {  	_ =	sfence  }
0xb7: {  	s30 =	sld [smem:$0x0];
	_ =	sdelay $0x2  }
0xb8: {  	s31 =	sshll.u32 s1, $0xD;
	s1 =	sshrl.u32 s1, $0x2  }
0xb9: {  	s3 =	sand.u32 $0x4000, s31;
	s1 =	sadd.s32 s1, s30  }
0xba: {  	s0 =	sor.u32 s3, s0;
	s1 =	sshll.u32 s1, $0x11  }
0xbb: {  	s0 =	sor.u32 s1, s0  }
0xbc: {  	s0 =	sadd.s32 $0x8F2B, s0  }
0xbd: {  	[sflag:s0] =	ssyncadd.remote.s32 $0x1  }
0xbe: {  	_ =	sfence.sel $0xFFFF  }
0xbf: {  	[dreg:$0x0] =	wrdreg $0xFFFFFFFF;
	(pc) =	sbr.abs _section_cstart, $3  }
0xc0: {  	[dreg:$0x1] =	wrdreg $0xFFFFFFFF  }
0xc1: {  	_ =	task.clear_ibuf [dreg:s6], $0x2FFFF;
	_ =	strace $0x9FFFFFFF  }
0xc2: {  	(tm) =	ssettm $0x7FFFFFFF  }
0xc3: {  	_ =	shalt  }
tec
execute0_lowered:
.L_overlay_start_1:
0x0: {  	(tag) =	ssettag $0x1  }
0x1: {  	s0 =	rddreg [dreg:$0x0]  }
0x2: {  	s1 =	rddreg [dreg:$0x1];
	s2 =	stileid.u32  }
0x3: {  	s3 =	simm.s32 $0x0;
	s4 =	srdreg.scid;
	s5 =	smul.u32 $0x9D0, s2  }
0x4: {  	s28 =	simm.s32 $0x80;
	s29 =	simm.s32 $0x9D00;
	s8 =	smul.u32 $0x3E800, s2  }
0x5: {  	s30 =	simm.s32 $0x0;
	s4 =	sand.u32 $0x1, s4;
	s15 =	smul.u32 $0xFA00, s2  }
0x6: {  	[smem:$0x7FF] =	sst s3;
	s16 =	sadd.s32 $0x15000, s0;
	s11 =	smul.u32 $0x6, s4  }
0x7: {  	p0 =	sgt.u32 s2, $0x9;
	p1 =	slt.u32 s2, $0xA;
	s12 =	smul.u32 $0x3A9800, s4  }
0x8: {  	_ =	strace $0x8000004D;
	s6 =	ssub.s32 $0x2, s4;
	s4 =	smul.u32 $0x75300, s4  }
0x9: {  	s7 =	sshrl.u32 s6, $0x1;
	s5 =	sadd.s32 s5, s0;
	s0 =	sadd.s32 $0xFF600, s0  }
0xa: {  	s21 =	sshrl.u32 s8, $0x2;
	s24 =	ssub.s32 s6, s7;
	s20 =	sadd.s32 $0xB200, s5  }
0xb: {  	s5 =	sadd.s32 $0x1400, s5;
	s6 =	sadd.s32 s21, s1;
	s13 =	sor.u32 $0x1, s11  }
0xc: {  	s21 =	sadd.s32 s15, s12;
	s18 =	sadd.s32 $0x2, s11;
	[dreg:$0x3] =	wrdreg s20  }
0xd: {  	s11 =	sadd.s32 s16, s4;
	[dreg:$0x4] =	wrdreg s5;
	s14 =	smul.u32 $0x13880, s13  }
0xe: {  	s7 =	sadd.s32 $0x3200, s6;
	s8 =	sadd.s32 $0x6400, s6;
	s17 =	smul.u32 $0x9C400, s13  }
0xf: {  	s9 =	sadd.s32 $0x9600, s6;
	s10 =	sadd.s32 $0xC800, s6;
	s23 =	smul.u32 $0x9C400, s18  }
0x10: {  	s12 =	sshrl.u32 s21, $0x3;
	s13 =	sadd.s32 s15, s1;
	s18 =	smul.u32 $0x13880, s18  }
0x11: {  	s19 =	sadd.s32 $0x1D4C00, s21;
	s26 =	sadd.s32 $0x271000, s21;
	s20 =	sadd.s32 $0x4E200, s11  }
0x12: {  	s24 =	smax.u32 s24, $0x1;
	s22 =	sadd.s32 s0, s12;
	s25 =	sshrl.u32 s19, $0x3  }
0x13: {  	[dreg:$0x5] =	wrdreg s22;
	s14 =	sadd.s32 s16, s14;
	s17 =	sadd.s32 s15, s17  }
0x14: {  	s4 =	sadd.s32 s15, s23;
	s16 =	sadd.s32 s16, s18;
	s18 =	sadd.s32 $0x3A980, s11  }
0x15: {  	s19 =	sadd.s32 s0, s25;
	s23 =	sadd.s32 $0x30D400, s21;
	s22 =	sadd.s32 $0x61A80, s11  }
0x16: {  	s17 =	sshrl.u32 s17, $0x3;
	s4 =	sshrl.u32 s4, $0x3;
	s31 =	sshrl.u32 s23, $0x3  }
0x17: {  	s15 =	sadd.s32 s0, s17;
	s17 =	sadd.s32 s0, s4;
	s4 =	sshrl.u32 s26, $0x3  }
0x18: {  	v0 =	vimm.f32 $0.0e+00;
	s25 =	simm.s32 $0x1;
	s23 =	sadd.s32 s0, s31;
	s21 =	sadd.s32 s0, s4  }
.LBB2_1:
0x19: {  	s0 =	sand.u32 $0xFF00, s3  }
0x1a: {  	s4 =	sand.u32 $0x30, s3;
	s26 =	sshrl.u32 s0, $0x2  }
0x1b: {  	s0 =	simm.s32 $0x40;
	s4 =	sor.u32 s4, s26;
	s26 =	simm.s32 $0x0  }
.LBB2_2:
0x1c: {  	p2 =	sne.s32 s0, $0xC7C0  }
0x1d: {  	[tilespmem:s4+$0xBD00] =	vst v0;
	s26 =	sadd.s32 $0x10, s26;
	s4 =	smov.u32 s0;
	s0 =	sadd.s32 $0x40, s0  }
.Ltmp0:
0x1e: {  	(pc) =	sbr.rel @p2 .LBB2_2-.Ltmp0, $4  }
0x1f: {  	_ = 	snop  }
0x20: {  	s4 =	sand.u32 $0xFF00, s4  }
0x21: {  	s31 =	sand.u32 $0x30, s26;
	s4 =	sshrl.u32 s4, $0x2  }
0x22: {  	s4 =	sor.u32 s31, s4  }
0x23: {  	[tilespmem:s4+$0xBD00] =	vst v0;
	s0 =	rddreg [dreg:$0x3]  }
0x24: {  	[tilespmem:s3], [sflag:$0x1] =	stream.linear.gather [hbm4b:s0+s3], $0x4E80, $0x38;
	[tilespmem:$0x18B80] =	vst v63  }
0x25: {  	_ =	swait.ge [sflag:s25], $0x4E80  }
0x26: {  	[sflag:s25] =	ssyncset.done $0x0  }
0x27: {  	s12 =	simm.s32 $0x4E80;
	s5 =	rddreg [dreg:$0x4];
	[sflag:s25] =	ssyncadd.s32 $0xFFFFB180  }
0x28: {  	[tilespmem:s12], [sflag:$0x1] =	stream.linear.gather [hbm4b:s5+s3], $0x4E80, $0x38;
	[tilespmem:$0x18B80] =	vst v63  }
0x29: {  	_ =	swait.ge [sflag:s25], $0x4E80  }
0x2a: {  	[sflag:s25] =	ssyncset.done $0x0  }
0x2b: {  	[sflag:s25] =	ssyncadd.s32 $0xFFFFB180  }
0x2c: {  	s4 =	simm.s32 @!p0 $0x1;
	s0 =	simm.s32 @!p0 $0xBD00;
	[bflag:$0x0] =	sbarrier.arrive $0xFFFF  }
0x2d: {  	[spmem:s6] =	stream.linear.scatter @!p0 [tilespmem:s0], [sflag:$0x1], $0x3200, $0x38;
	[tilespmem:$0x18B80] =	vst v63  }
0x2e: {  	_ =	swait.ge @!p0 [sflag:s4], $0x3200  }
0x2f: {  	[sflag:s4] =	ssyncset.done @!p0 $0x0  }
0x30: {  	[sflag:s4] =	ssyncadd.s32 @!p0 $0xFFFFCE00  }
0x31: {  	[spmem:s7] =	stream.linear.scatter @!p0 [tilespmem:s0], [sflag:$0x1], $0x3200, $0x38;
	[tilespmem:$0x18B80] =	vst v63  }
0x32: {  	_ =	swait.ge @!p0 [sflag:s4], $0x3200  }
0x33: {  	[sflag:s4] =	ssyncset.done @!p0 $0x0  }
0x34: {  	[sflag:s4] =	ssyncadd.s32 @!p0 $0xFFFFCE00  }
0x35: {  	[spmem:s8] =	stream.linear.scatter @!p0 [tilespmem:s0], [sflag:$0x1], $0x3200, $0x38;
	[tilespmem:$0x18B80] =	vst v63  }
0x36: {  	_ =	swait.ge @!p0 [sflag:s4], $0x3200  }
0x37: {  	[sflag:s4] =	ssyncset.done @!p0 $0x0  }
0x38: {  	[sflag:s4] =	ssyncadd.s32 @!p0 $0xFFFFCE00  }
0x39: {  	[spmem:s9] =	stream.linear.scatter @!p0 [tilespmem:s0], [sflag:$0x1], $0x3200, $0x38;
	[tilespmem:$0x18B80] =	vst v63  }
0x3a: {  	_ =	swait.ge @!p0 [sflag:s4], $0x3200  }
0x3b: {  	[sflag:s4] =	ssyncset.done @!p0 $0x0  }
0x3c: {  	[sflag:s4] =	ssyncadd.s32 @!p0 $0xFFFFCE00  }
0x3d: {  	[spmem:s10] =	stream.linear.scatter @!p0 [tilespmem:s0], [sflag:$0x1], $0x3200, $0x38;
	[tilespmem:$0x18B80] =	vst v63  }
0x3e: {  	_ =	swait.ge @!p0 [sflag:s4], $0x3200  }
0x3f: {  	[sflag:s4] =	ssyncset.done @!p0 $0x0  }
0x40: {  	[sflag:s4] =	ssyncadd.s32 @!p0 $0xFFFFCE00  }
0x41: {  	s26 =	simm.s32 $0x0;
	[bflag:$0x0] =	sbarrier.arrive $0xFFFF  }
0x42: {  	[tilespmem:s29], [sflag:$0x1] =	stream.indirect.gather [hbm4b:s11+s28], $0x40, s26, s28, $0xb8;
	[tilespmem:$0x18B80] =	vst v63  }
0x43: {  	_ =	swait.ge [sflag:s25], $0x2000  }
0x44: {  	[sflag:s25] =	ssyncset.done $0x0  }
0x45: {  	s31 =	simm.s32 $0x4E80;
	[sflag:s25] =	ssyncadd.s32 $0xFFFFE000  }
0x46: {  	[spmem:s1] =	stream.indirect.scatter.add.f32 [tilespmem:s29], [sflag:$0x1], $0x40, s31, s28, $0xb8;
	[tilespmem:$0x18B80] =	vst v63  }
0x47: {  	_ =	swait.ge [sflag:s25], $0x2000  }
0x48: {  	s0 =	simm.s32 $0x200;
	s26 =	simm.s32 $0x400;
	[sflag:s25] =	ssyncset.done $0x0  }
.LBB2_4:
0x49: {  	s4 =	sshra.s32 s0, $0x2  }
0x4a: {  	[sflag:s25] =	ssyncadd.s32 $0xFFFFE000;
	s0 =	smov.u32 s26;
	s31 =	sadd.s32 $0x200, s26  }
0x4b: {  	[tilespmem:s29], [sflag:$0x1] =	stream.indirect.gather [hbm4b:s11+s28], $0x40, s4, s28, $0xb8;
	[tilespmem:$0x18B80] =	vst v63  }
0x4c: {  	p2 =	sne.s32 s26, $0x13800;
	_ =	swait.ge [sflag:s25], $0x2000  }
.Ltmp1:
0x4d: {  	[sflag:s25] =	ssyncset.done $0x0;
	(pc) =	sbr.rel @p2 .LBB2_4-.Ltmp1, $4  }
0x4e: {  	s4 =	sadd.s32 $0x4E80, s4;
	[sflag:s25] =	ssyncadd.s32 $0xFFFFE000  }
0x4f: {  	[spmem:s1] =	stream.indirect.scatter.add.f32 [tilespmem:s29], [sflag:$0x1], $0x40, s4, s28, $0xb8;
	[tilespmem:$0x18B80] =	vst v63  }
0x50: {  	_ =	swait.ge [sflag:s25], $0x2000  }
0x51: {  	s26 =	smov.u32 s31;
	[sflag:s25] =	ssyncset.done $0x0  }
0x52: {  	s0 =	sshra.s32 s0, $0x2;
	[sflag:s25] =	ssyncadd.s32 $0xFFFFE000  }
0x53: {  	[tilespmem:s29], [sflag:$0x1] =	stream.indirect.gather [hbm4b:s11+s28], $0x40, s0, s28, $0xb8;
	[tilespmem:$0x18B80] =	vst v63  }
0x54: {  	_ =	swait.ge [sflag:s25], $0x2000  }
0x55: {  	[sflag:s25] =	ssyncset.done $0x0  }
0x56: {  	s0 =	sadd.s32 $0x4E80, s0;
	[sflag:s25] =	ssyncadd.s32 $0xFFFFE000  }
0x57: {  	[spmem:s1] =	stream.indirect.scatter.add.f32 [tilespmem:s29], [sflag:$0x1], $0x40, s0, s28, $0xb8;
	[tilespmem:$0x18B80] =	vst v63  }
0x58: {  	_ =	swait.ge [sflag:s25], $0x2000  }
0x59: {  	[sflag:s25] =	ssyncset.done $0x0  }
0x5a: {  	[sflag:s25] =	ssyncadd.s32 $0xFFFFE000  }
0x5b: {  	s0 =	sshll.u32 @p1 s2, $0x6;
	[bflag:$0x0] =	sbarrier.arrive $0xFFFF  }
0x5c: {  	s31 =	sor.u32 @p1 $0x1C01, s0;
	s0 =	sshrl.u32 @p1 s13, $0x3;
	s4 =	rddreg [dreg:$0x5]  }
0x5d: {  	[hbm:s4], [sflag:s31] =	dma.local @p1 [spmem:s0], $0x1F40  }
0x5e: {  	s4 =	simm.s32 @p1 $0x1  }
0x5f: {  	_ =	swait.ge @p1 [sflag:s4], $0x1F40  }
0x60: {  	[sflag:s4] =	ssyncset.done @p1 $0x0  }
0x61: {  	[sflag:s4] =	ssyncadd.s32 @p1 $0xFFFFE0C0  }
0x62: {  	s26 =	simm.s32 @p1 $0xBD00;
	[bflag:$0x0] =	sbarrier.arrive @p1 $0xFFFF  }
0x63: {  	[spmem:s6] =	stream.linear.scatter @p1 [tilespmem:s26], [sflag:$0x1], $0x3200, $0x38;
	[tilespmem:$0x18B80] =	vst v63  }
0x64: {  	_ =	swait.ge @p1 [sflag:s4], $0x3200  }
0x65: {  	[sflag:s4] =	ssyncset.done @p1 $0x0  }
0x66: {  	[sflag:s4] =	ssyncadd.s32 @p1 $0xFFFFCE00  }
0x67: {  	[spmem:s7] =	stream.linear.scatter @p1 [tilespmem:s26], [sflag:$0x1], $0x3200, $0x38;
	[tilespmem:$0x18B80] =	vst v63  }
0x68: {  	_ =	swait.ge @p1 [sflag:s4], $0x3200  }
0x69: {  	[sflag:s4] =	ssyncset.done @p1 $0x0  }
0x6a: {  	[sflag:s4] =	ssyncadd.s32 @p1 $0xFFFFCE00  }
0x6b: {  	[spmem:s8] =	stream.linear.scatter @p1 [tilespmem:s26], [sflag:$0x1], $0x3200, $0x38;
	[tilespmem:$0x18B80] =	vst v63  }
0x6c: {  	_ =	swait.ge @p1 [sflag:s4], $0x3200  }
0x6d: {  	[sflag:s4] =	ssyncset.done @p1 $0x0  }
0x6e: {  	[sflag:s4] =	ssyncadd.s32 @p1 $0xFFFFCE00  }
0x6f: {  	[spmem:s9] =	stream.linear.scatter @p1 [tilespmem:s26], [sflag:$0x1], $0x3200, $0x38;
	[tilespmem:$0x18B80] =	vst v63  }
0x70: {  	_ =	swait.ge @p1 [sflag:s4], $0x3200  }
0x71: {  	[sflag:s4] =	ssyncset.done @p1 $0x0  }
0x72: {  	[sflag:s4] =	ssyncadd.s32 @p1 $0xFFFFCE00  }
0x73: {  	[spmem:s10] =	stream.linear.scatter @p1 [tilespmem:s26], [sflag:$0x1], $0x3200, $0x38;
	[tilespmem:$0x18B80] =	vst v63  }
0x74: {  	_ =	swait.ge @p1 [sflag:s4], $0x3200  }
0x75: {  	[sflag:s4] =	ssyncset.done @p1 $0x0  }
0x76: {  	[sflag:s4] =	ssyncadd.s32 @p1 $0xFFFFCE00  }
0x77: {  	[bflag:$0x0] =	sbarrier.arrive @!p1 $0xFFFF  }
0x78: {  	s12 =	simm.s32 $0x0;
	[bflag:$0x0] =	sbarrier.arrive $0xFFFF  }
0x79: {  	[tilespmem:s29], [sflag:$0x1] =	stream.indirect.gather [hbm4b:s14+s28], $0x40, s12, s28, $0xb8;
	[tilespmem:$0x18B80] =	vst v63  }
0x7a: {  	_ =	swait.ge [sflag:s25], $0x2000  }
0x7b: {  	[sflag:s25] =	ssyncset.done $0x0  }
0x7c: {  	s26 =	simm.s32 $0x4E80;
	[sflag:s25] =	ssyncadd.s32 $0xFFFFE000  }
0x7d: {  	[spmem:s1] =	stream.indirect.scatter.add.f32 [tilespmem:s29], [sflag:$0x1], $0x40, s26, s28, $0xb8;
	[tilespmem:$0x18B80] =	vst v63  }
0x7e: {  	_ =	swait.ge [sflag:s25], $0x2000  }
0x7f: {  	s4 =	simm.s32 $0x400;
	s26 =	simm.s32 $0x200;
	[sflag:s25] =	ssyncset.done $0x0  }
.LBB2_6:
0x80: {  	s5 =	sshra.s32 s26, $0x2  }
0x81: {  	[sflag:s25] =	ssyncadd.s32 $0xFFFFE000;
	s26 =	smov.u32 s4;
	s12 =	sadd.s32 $0x200, s4  }
0x82: {  	[tilespmem:s29], [sflag:$0x1] =	stream.indirect.gather [hbm4b:s14+s28], $0x40, s5, s28, $0xb8;
	[tilespmem:$0x18B80] =	vst v63  }
0x83: {  	p2 =	sne.s32 s4, $0x13800;
	_ =	swait.ge [sflag:s25], $0x2000  }
.Ltmp2:
0x84: {  	[sflag:s25] =	ssyncset.done $0x0;
	(pc) =	sbr.rel @p2 .LBB2_6-.Ltmp2, $4  }
0x85: {  	s4 =	sadd.s32 $0x4E80, s5;
	[sflag:s25] =	ssyncadd.s32 $0xFFFFE000  }
0x86: {  	[spmem:s1] =	stream.indirect.scatter.add.f32 [tilespmem:s29], [sflag:$0x1], $0x40, s4, s28, $0xb8;
	[tilespmem:$0x18B80] =	vst v63  }
0x87: {  	_ =	swait.ge [sflag:s25], $0x2000  }
0x88: {  	s4 =	smov.u32 s12;
	[sflag:s25] =	ssyncset.done $0x0  }
0x89: {  	s4 =	sshra.s32 s26, $0x2;
	[sflag:s25] =	ssyncadd.s32 $0xFFFFE000  }
0x8a: {  	[tilespmem:s29], [sflag:$0x1] =	stream.indirect.gather [hbm4b:s14+s28], $0x40, s4, s28, $0xb8;
	[tilespmem:$0x18B80] =	vst v63  }
0x8b: {  	_ =	swait.ge [sflag:s25], $0x2000  }
0x8c: {  	[sflag:s25] =	ssyncset.done $0x0  }
0x8d: {  	s4 =	sadd.s32 $0x4E80, s4;
	[sflag:s25] =	ssyncadd.s32 $0xFFFFE000  }
0x8e: {  	[spmem:s1] =	stream.indirect.scatter.add.f32 [tilespmem:s29], [sflag:$0x1], $0x40, s4, s28, $0xb8;
	[tilespmem:$0x18B80] =	vst v63  }
0x8f: {  	_ =	swait.ge [sflag:s25], $0x2000  }
0x90: {  	[sflag:s25] =	ssyncset.done $0x0  }
0x91: {  	[sflag:s25] =	ssyncadd.s32 $0xFFFFE000  }
0x92: {  	s4 =	simm.s32 @p1 $0x1;
	[bflag:$0x0] =	sbarrier.arrive $0xFFFF  }
0x93: {  	[hbm:s15], [sflag:s31] =	dma.local @p1 [spmem:s0], $0x1F40  }
0x94: {  	_ =	swait.ge @p1 [sflag:s4], $0x1F40  }
0x95: {  	[sflag:s4] =	ssyncset.done @p1 $0x0  }
0x96: {  	[sflag:s4] =	ssyncadd.s32 @p1 $0xFFFFE0C0  }
0x97: {  	s5 =	simm.s32 @p1 $0xBD00;
	[bflag:$0x0] =	sbarrier.arrive @p1 $0xFFFF  }
0x98: {  	[spmem:s6] =	stream.linear.scatter @p1 [tilespmem:s5], [sflag:$0x1], $0x3200, $0x38;
	[tilespmem:$0x18B80] =	vst v63  }
0x99: {  	_ =	swait.ge @p1 [sflag:s4], $0x3200  }
0x9a: {  	[sflag:s4] =	ssyncset.done @p1 $0x0  }
0x9b: {  	[sflag:s4] =	ssyncadd.s32 @p1 $0xFFFFCE00  }
0x9c: {  	[spmem:s7] =	stream.linear.scatter @p1 [tilespmem:s5], [sflag:$0x1], $0x3200, $0x38;
	[tilespmem:$0x18B80] =	vst v63  }
0x9d: {  	_ =	swait.ge @p1 [sflag:s4], $0x3200  }
0x9e: {  	[sflag:s4] =	ssyncset.done @p1 $0x0  }
0x9f: {  	[sflag:s4] =	ssyncadd.s32 @p1 $0xFFFFCE00  }
0xa0: {  	[spmem:s8] =	stream.linear.scatter @p1 [tilespmem:s5], [sflag:$0x1], $0x3200, $0x38;
	[tilespmem:$0x18B80] =	vst v63  }
0xa1: {  	_ =	swait.ge @p1 [sflag:s4], $0x3200  }
0xa2: {  	[sflag:s4] =	ssyncset.done @p1 $0x0  }
0xa3: {  	[sflag:s4] =	ssyncadd.s32 @p1 $0xFFFFCE00  }
0xa4: {  	[spmem:s9] =	stream.linear.scatter @p1 [tilespmem:s5], [sflag:$0x1], $0x3200, $0x38;
	[tilespmem:$0x18B80] =	vst v63  }
0xa5: {  	_ =	swait.ge @p1 [sflag:s4], $0x3200  }
0xa6: {  	[sflag:s4] =	ssyncset.done @p1 $0x0  }
0xa7: {  	[sflag:s4] =	ssyncadd.s32 @p1 $0xFFFFCE00  }
0xa8: {  	[spmem:s10] =	stream.linear.scatter @p1 [tilespmem:s5], [sflag:$0x1], $0x3200, $0x38;
	[tilespmem:$0x18B80] =	vst v63  }
0xa9: {  	_ =	swait.ge @p1 [sflag:s4], $0x3200  }
0xaa: {  	[sflag:s4] =	ssyncset.done @p1 $0x0  }
0xab: {  	[sflag:s4] =	ssyncadd.s32 @p1 $0xFFFFCE00  }
0xac: {  	[bflag:$0x0] =	sbarrier.arrive @!p1 $0xFFFF  }
0xad: {  	s12 =	simm.s32 $0x0;
	[bflag:$0x0] =	sbarrier.arrive $0xFFFF  }
0xae: {  	[tilespmem:s29], [sflag:$0x1] =	stream.indirect.gather [hbm4b:s16+s28], $0x40, s12, s28, $0xb8;
	[tilespmem:$0x18B80] =	vst v63  }
0xaf: {  	_ =	swait.ge [sflag:s25], $0x2000  }
0xb0: {  	[sflag:s25] =	ssyncset.done $0x0  }
0xb1: {  	s26 =	simm.s32 $0x4E80;
	[sflag:s25] =	ssyncadd.s32 $0xFFFFE000  }
0xb2: {  	[spmem:s1] =	stream.indirect.scatter.add.f32 [tilespmem:s29], [sflag:$0x1], $0x40, s26, s28, $0xb8;
	[tilespmem:$0x18B80] =	vst v63  }
0xb3: {  	_ =	swait.ge [sflag:s25], $0x2000  }
0xb4: {  	s4 =	simm.s32 $0x400;
	s26 =	simm.s32 $0x200;
	[sflag:s25] =	ssyncset.done $0x0  }
.LBB2_8:
0xb5: {  	s5 =	sshra.s32 s26, $0x2  }
0xb6: {  	[sflag:s25] =	ssyncadd.s32 $0xFFFFE000;
	s26 =	smov.u32 s4;
	s12 =	sadd.s32 $0x200, s4  }
0xb7: {  	[tilespmem:s29], [sflag:$0x1] =	stream.indirect.gather [hbm4b:s16+s28], $0x40, s5, s28, $0xb8;
	[tilespmem:$0x18B80] =	vst v63  }
0xb8: {  	p2 =	sne.s32 s4, $0x13800;
	_ =	swait.ge [sflag:s25], $0x2000  }
.Ltmp3:
0xb9: {  	[sflag:s25] =	ssyncset.done $0x0;
	(pc) =	sbr.rel @p2 .LBB2_8-.Ltmp3, $4  }
0xba: {  	s4 =	sadd.s32 $0x4E80, s5;
	[sflag:s25] =	ssyncadd.s32 $0xFFFFE000  }
0xbb: {  	[spmem:s1] =	stream.indirect.scatter.add.f32 [tilespmem:s29], [sflag:$0x1], $0x40, s4, s28, $0xb8;
	[tilespmem:$0x18B80] =	vst v63  }
0xbc: {  	_ =	swait.ge [sflag:s25], $0x2000  }
0xbd: {  	s4 =	smov.u32 s12;
	[sflag:s25] =	ssyncset.done $0x0  }
0xbe: {  	s4 =	sshra.s32 s26, $0x2;
	[sflag:s25] =	ssyncadd.s32 $0xFFFFE000  }
0xbf: {  	[tilespmem:s29], [sflag:$0x1] =	stream.indirect.gather [hbm4b:s16+s28], $0x40, s4, s28, $0xb8;
	[tilespmem:$0x18B80] =	vst v63  }
0xc0: {  	_ =	swait.ge [sflag:s25], $0x2000  }
0xc1: {  	[sflag:s25] =	ssyncset.done $0x0  }
0xc2: {  	s4 =	sadd.s32 $0x4E80, s4;
	[sflag:s25] =	ssyncadd.s32 $0xFFFFE000  }
0xc3: {  	[spmem:s1] =	stream.indirect.scatter.add.f32 [tilespmem:s29], [sflag:$0x1], $0x40, s4, s28, $0xb8;
	[tilespmem:$0x18B80] =	vst v63  }
0xc4: {  	_ =	swait.ge [sflag:s25], $0x2000  }
0xc5: {  	[sflag:s25] =	ssyncset.done $0x0  }
0xc6: {  	[sflag:s25] =	ssyncadd.s32 $0xFFFFE000  }
0xc7: {  	s4 =	simm.s32 @p1 $0x1;
	[bflag:$0x0] =	sbarrier.arrive $0xFFFF  }
0xc8: {  	[hbm:s17], [sflag:s31] =	dma.local @p1 [spmem:s0], $0x1F40  }
0xc9: {  	_ =	swait.ge @p1 [sflag:s4], $0x1F40  }
0xca: {  	[sflag:s4] =	ssyncset.done @p1 $0x0  }
0xcb: {  	[sflag:s4] =	ssyncadd.s32 @p1 $0xFFFFE0C0  }
0xcc: {  	s5 =	simm.s32 @p1 $0xBD00;
	[bflag:$0x0] =	sbarrier.arrive @p1 $0xFFFF  }
0xcd: {  	[spmem:s6] =	stream.linear.scatter @p1 [tilespmem:s5], [sflag:$0x1], $0x3200, $0x38;
	[tilespmem:$0x18B80] =	vst v63  }
0xce: {  	_ =	swait.ge @p1 [sflag:s4], $0x3200  }
0xcf: {  	[sflag:s4] =	ssyncset.done @p1 $0x0  }
0xd0: {  	[sflag:s4] =	ssyncadd.s32 @p1 $0xFFFFCE00  }
0xd1: {  	[spmem:s7] =	stream.linear.scatter @p1 [tilespmem:s5], [sflag:$0x1], $0x3200, $0x38;
	[tilespmem:$0x18B80] =	vst v63  }
0xd2: {  	_ =	swait.ge @p1 [sflag:s4], $0x3200  }
0xd3: {  	[sflag:s4] =	ssyncset.done @p1 $0x0  }
0xd4: {  	[sflag:s4] =	ssyncadd.s32 @p1 $0xFFFFCE00  }
0xd5: {  	[spmem:s8] =	stream.linear.scatter @p1 [tilespmem:s5], [sflag:$0x1], $0x3200, $0x38;
	[tilespmem:$0x18B80] =	vst v63  }
0xd6: {  	_ =	swait.ge @p1 [sflag:s4], $0x3200  }
0xd7: {  	[sflag:s4] =	ssyncset.done @p1 $0x0  }
0xd8: {  	[sflag:s4] =	ssyncadd.s32 @p1 $0xFFFFCE00  }
0xd9: {  	[spmem:s9] =	stream.linear.scatter @p1 [tilespmem:s5], [sflag:$0x1], $0x3200, $0x38;
	[tilespmem:$0x18B80] =	vst v63  }
0xda: {  	_ =	swait.ge @p1 [sflag:s4], $0x3200  }
0xdb: {  	[sflag:s4] =	ssyncset.done @p1 $0x0  }
0xdc: {  	[sflag:s4] =	ssyncadd.s32 @p1 $0xFFFFCE00  }
0xdd: {  	[spmem:s10] =	stream.linear.scatter @p1 [tilespmem:s5], [sflag:$0x1], $0x3200, $0x38;
	[tilespmem:$0x18B80] =	vst v63  }
0xde: {  	_ =	swait.ge @p1 [sflag:s4], $0x3200  }
0xdf: {  	[sflag:s4] =	ssyncset.done @p1 $0x0  }
0xe0: {  	[sflag:s4] =	ssyncadd.s32 @p1 $0xFFFFCE00  }
0xe1: {  	[bflag:$0x0] =	sbarrier.arrive @!p1 $0xFFFF  }
0xe2: {  	s12 =	simm.s32 $0x0;
	[bflag:$0x0] =	sbarrier.arrive $0xFFFF  }
0xe3: {  	[tilespmem:s29], [sflag:$0x1] =	stream.indirect.gather [hbm4b:s18+s28], $0x40, s12, s28, $0xb8;
	[tilespmem:$0x18B80] =	vst v63  }
0xe4: {  	_ =	swait.ge [sflag:s25], $0x2000  }
0xe5: {  	[sflag:s25] =	ssyncset.done $0x0  }
0xe6: {  	s26 =	simm.s32 $0x4E80;
	[sflag:s25] =	ssyncadd.s32 $0xFFFFE000  }
0xe7: {  	[spmem:s1] =	stream.indirect.scatter.add.f32 [tilespmem:s29], [sflag:$0x1], $0x40, s26, s28, $0xb8;
	[tilespmem:$0x18B80] =	vst v63  }
0xe8: {  	_ =	swait.ge [sflag:s25], $0x2000  }
0xe9: {  	s4 =	simm.s32 $0x400;
	s26 =	simm.s32 $0x200;
	[sflag:s25] =	ssyncset.done $0x0  }
.LBB2_10:
0xea: {  	s5 =	sshra.s32 s26, $0x2  }
0xeb: {  	[sflag:s25] =	ssyncadd.s32 $0xFFFFE000;
	s26 =	smov.u32 s4;
	s12 =	sadd.s32 $0x200, s4  }
0xec: {  	[tilespmem:s29], [sflag:$0x1] =	stream.indirect.gather [hbm4b:s18+s28], $0x40, s5, s28, $0xb8;
	[tilespmem:$0x18B80] =	vst v63  }
0xed: {  	p2 =	sne.s32 s4, $0x13800;
	_ =	swait.ge [sflag:s25], $0x2000  }
.Ltmp4:
0xee: {  	[sflag:s25] =	ssyncset.done $0x0;
	(pc) =	sbr.rel @p2 .LBB2_10-.Ltmp4, $4  }
0xef: {  	s4 =	sadd.s32 $0x4E80, s5;
	[sflag:s25] =	ssyncadd.s32 $0xFFFFE000  }
0xf0: {  	[spmem:s1] =	stream.indirect.scatter.add.f32 [tilespmem:s29], [sflag:$0x1], $0x40, s4, s28, $0xb8;
	[tilespmem:$0x18B80] =	vst v63  }
0xf1: {  	_ =	swait.ge [sflag:s25], $0x2000  }
0xf2: {  	s4 =	smov.u32 s12;
	[sflag:s25] =	ssyncset.done $0x0  }
0xf3: {  	s4 =	sshra.s32 s26, $0x2;
	[sflag:s25] =	ssyncadd.s32 $0xFFFFE000  }
0xf4: {  	[tilespmem:s29], [sflag:$0x1] =	stream.indirect.gather [hbm4b:s18+s28], $0x40, s4, s28, $0xb8;
	[tilespmem:$0x18B80] =	vst v63  }
0xf5: {  	_ =	swait.ge [sflag:s25], $0x2000  }
0xf6: {  	[sflag:s25] =	ssyncset.done $0x0  }
0xf7: {  	s4 =	sadd.s32 $0x4E80, s4;
	[sflag:s25] =	ssyncadd.s32 $0xFFFFE000  }
0xf8: {  	[spmem:s1] =	stream.indirect.scatter.add.f32 [tilespmem:s29], [sflag:$0x1], $0x40, s4, s28, $0xb8;
	[tilespmem:$0x18B80] =	vst v63  }
0xf9: {  	_ =	swait.ge [sflag:s25], $0x2000  }
0xfa: {  	[sflag:s25] =	ssyncset.done $0x0  }
0xfb: {  	[sflag:s25] =	ssyncadd.s32 $0xFFFFE000  }
0xfc: {  	s4 =	simm.s32 @p1 $0x1;
	[bflag:$0x0] =	sbarrier.arrive $0xFFFF  }
0xfd: {  	[hbm:s19], [sflag:s31] =	dma.local @p1 [spmem:s0], $0x1F40  }
0xfe: {  	_ =	swait.ge @p1 [sflag:s4], $0x1F40  }
0xff: {  	[sflag:s4] =	ssyncset.done @p1 $0x0  }
0x100: {  	[sflag:s4] =	ssyncadd.s32 @p1 $0xFFFFE0C0  }
0x101: {  	s5 =	simm.s32 @p1 $0xBD00;
	[bflag:$0x0] =	sbarrier.arrive @p1 $0xFFFF  }
0x102: {  	[spmem:s6] =	stream.linear.scatter @p1 [tilespmem:s5], [sflag:$0x1], $0x3200, $0x38;
	[tilespmem:$0x18B80] =	vst v63  }
0x103: {  	_ =	swait.ge @p1 [sflag:s4], $0x3200  }
0x104: {  	[sflag:s4] =	ssyncset.done @p1 $0x0  }
0x105: {  	[sflag:s4] =	ssyncadd.s32 @p1 $0xFFFFCE00  }
0x106: {  	[spmem:s7] =	stream.linear.scatter @p1 [tilespmem:s5], [sflag:$0x1], $0x3200, $0x38;
	[tilespmem:$0x18B80] =	vst v63  }
0x107: {  	_ =	swait.ge @p1 [sflag:s4], $0x3200  }
0x108: {  	[sflag:s4] =	ssyncset.done @p1 $0x0  }
0x109: {  	[sflag:s4] =	ssyncadd.s32 @p1 $0xFFFFCE00  }
0x10a: {  	[spmem:s8] =	stream.linear.scatter @p1 [tilespmem:s5], [sflag:$0x1], $0x3200, $0x38;
	[tilespmem:$0x18B80] =	vst v63  }
0x10b: {  	_ =	swait.ge @p1 [sflag:s4], $0x3200  }
0x10c: {  	[sflag:s4] =	ssyncset.done @p1 $0x0  }
0x10d: {  	[sflag:s4] =	ssyncadd.s32 @p1 $0xFFFFCE00  }
0x10e: {  	[spmem:s9] =	stream.linear.scatter @p1 [tilespmem:s5], [sflag:$0x1], $0x3200, $0x38;
	[tilespmem:$0x18B80] =	vst v63  }
0x10f: {  	_ =	swait.ge @p1 [sflag:s4], $0x3200  }
0x110: {  	[sflag:s4] =	ssyncset.done @p1 $0x0  }
0x111: {  	[sflag:s4] =	ssyncadd.s32 @p1 $0xFFFFCE00  }
0x112: {  	[spmem:s10] =	stream.linear.scatter @p1 [tilespmem:s5], [sflag:$0x1], $0x3200, $0x38;
	[tilespmem:$0x18B80] =	vst v63  }
0x113: {  	_ =	swait.ge @p1 [sflag:s4], $0x3200  }
0x114: {  	[sflag:s4] =	ssyncset.done @p1 $0x0  }
0x115: {  	[sflag:s4] =	ssyncadd.s32 @p1 $0xFFFFCE00  }
0x116: {  	[bflag:$0x0] =	sbarrier.arrive @!p1 $0xFFFF  }
0x117: {  	s12 =	simm.s32 $0x0;
	[bflag:$0x0] =	sbarrier.arrive $0xFFFF  }
0x118: {  	[tilespmem:s29], [sflag:$0x1] =	stream.indirect.gather [hbm4b:s20+s28], $0x40, s12, s28, $0xb8;
	[tilespmem:$0x18B80] =	vst v63  }
0x119: {  	_ =	swait.ge [sflag:s25], $0x2000  }
0x11a: {  	[sflag:s25] =	ssyncset.done $0x0  }
0x11b: {  	s26 =	simm.s32 $0x4E80;
	[sflag:s25] =	ssyncadd.s32 $0xFFFFE000  }
0x11c: {  	[spmem:s1] =	stream.indirect.scatter.add.f32 [tilespmem:s29], [sflag:$0x1], $0x40, s26, s28, $0xb8;
	[tilespmem:$0x18B80] =	vst v63  }
0x11d: {  	_ =	swait.ge [sflag:s25], $0x2000  }
0x11e: {  	s4 =	simm.s32 $0x400;
	s26 =	simm.s32 $0x200;
	[sflag:s25] =	ssyncset.done $0x0  }
.LBB2_12:
0x11f: {  	s5 =	sshra.s32 s26, $0x2  }
0x120: {  	[sflag:s25] =	ssyncadd.s32 $0xFFFFE000;
	s26 =	smov.u32 s4;
	s12 =	sadd.s32 $0x200, s4  }
0x121: {  	[tilespmem:s29], [sflag:$0x1] =	stream.indirect.gather [hbm4b:s20+s28], $0x40, s5, s28, $0xb8;
	[tilespmem:$0x18B80] =	vst v63  }
0x122: {  	p2 =	sne.s32 s4, $0x13800;
	_ =	swait.ge [sflag:s25], $0x2000  }
.Ltmp5:
0x123: {  	[sflag:s25] =	ssyncset.done $0x0;
	(pc) =	sbr.rel @p2 .LBB2_12-.Ltmp5, $4  }
0x124: {  	s4 =	sadd.s32 $0x4E80, s5;
	[sflag:s25] =	ssyncadd.s32 $0xFFFFE000  }
0x125: {  	[spmem:s1] =	stream.indirect.scatter.add.f32 [tilespmem:s29], [sflag:$0x1], $0x40, s4, s28, $0xb8;
	[tilespmem:$0x18B80] =	vst v63  }
0x126: {  	_ =	swait.ge [sflag:s25], $0x2000  }
0x127: {  	s4 =	smov.u32 s12;
	[sflag:s25] =	ssyncset.done $0x0  }
0x128: {  	s4 =	sshra.s32 s26, $0x2;
	[sflag:s25] =	ssyncadd.s32 $0xFFFFE000  }
0x129: {  	[tilespmem:s29], [sflag:$0x1] =	stream.indirect.gather [hbm4b:s20+s28], $0x40, s4, s28, $0xb8;
	[tilespmem:$0x18B80] =	vst v63  }
0x12a: {  	_ =	swait.ge [sflag:s25], $0x2000  }
0x12b: {  	[sflag:s25] =	ssyncset.done $0x0  }
0x12c: {  	s4 =	sadd.s32 $0x4E80, s4;
	[sflag:s25] =	ssyncadd.s32 $0xFFFFE000  }
0x12d: {  	[spmem:s1] =	stream.indirect.scatter.add.f32 [tilespmem:s29], [sflag:$0x1], $0x40, s4, s28, $0xb8;
	[tilespmem:$0x18B80] =	vst v63  }
0x12e: {  	_ =	swait.ge [sflag:s25], $0x2000  }
0x12f: {  	[sflag:s25] =	ssyncset.done $0x0  }
0x130: {  	[sflag:s25] =	ssyncadd.s32 $0xFFFFE000  }
0x131: {  	[bflag:$0x0] =	sbarrier.arrive $0xFFFF  }
0x132: {  	[hbm:s21], [sflag:s31] =	dma.local @p1 [spmem:s0], $0x1F40  }
0x133: {  	s0 =	simm.s32 @p1 $0x1  }
0x134: {  	_ =	swait.ge @p1 [sflag:s0], $0x1F40  }
0x135: {  	[sflag:s0] =	ssyncset.done @p1 $0x0  }
0x136: {  	[sflag:s0] =	ssyncadd.s32 @p1 $0xFFFFE0C0  }
0x137: {  	s4 =	simm.s32 @p1 $0xBD00;
	[bflag:$0x0] =	sbarrier.arrive @p1 $0xFFFF  }
0x138: {  	[spmem:s6] =	stream.linear.scatter @p1 [tilespmem:s4], [sflag:$0x1], $0x3200, $0x38;
	[tilespmem:$0x18B80] =	vst v63  }
0x139: {  	_ =	swait.ge @p1 [sflag:s0], $0x3200  }
0x13a: {  	[sflag:s0] =	ssyncset.done @p1 $0x0  }
0x13b: {  	[sflag:s0] =	ssyncadd.s32 @p1 $0xFFFFCE00  }
0x13c: {  	[spmem:s7] =	stream.linear.scatter @p1 [tilespmem:s4], [sflag:$0x1], $0x3200, $0x38;
	[tilespmem:$0x18B80] =	vst v63  }
0x13d: {  	_ =	swait.ge @p1 [sflag:s0], $0x3200  }
0x13e: {  	[sflag:s0] =	ssyncset.done @p1 $0x0  }
0x13f: {  	[sflag:s0] =	ssyncadd.s32 @p1 $0xFFFFCE00  }
0x140: {  	[spmem:s8] =	stream.linear.scatter @p1 [tilespmem:s4], [sflag:$0x1], $0x3200, $0x38;
	[tilespmem:$0x18B80] =	vst v63  }
0x141: {  	_ =	swait.ge @p1 [sflag:s0], $0x3200  }
0x142: {  	[sflag:s0] =	ssyncset.done @p1 $0x0  }
0x143: {  	[sflag:s0] =	ssyncadd.s32 @p1 $0xFFFFCE00  }
0x144: {  	[spmem:s9] =	stream.linear.scatter @p1 [tilespmem:s4], [sflag:$0x1], $0x3200, $0x38;
	[tilespmem:$0x18B80] =	vst v63  }
0x145: {  	_ =	swait.ge @p1 [sflag:s0], $0x3200  }
0x146: {  	[sflag:s0] =	ssyncset.done @p1 $0x0  }
0x147: {  	[sflag:s0] =	ssyncadd.s32 @p1 $0xFFFFCE00  }
0x148: {  	[spmem:s10] =	stream.linear.scatter @p1 [tilespmem:s4], [sflag:$0x1], $0x3200, $0x38;
	[tilespmem:$0x18B80] =	vst v63  }
0x149: {  	_ =	swait.ge @p1 [sflag:s0], $0x3200  }
0x14a: {  	[sflag:s0] =	ssyncset.done @p1 $0x0  }
0x14b: {  	[sflag:s0] =	ssyncadd.s32 @p1 $0xFFFFCE00  }
0x14c: {  	[bflag:$0x0] =	sbarrier.arrive @!p1 $0xFFFF  }
0x14d: {  	s26 =	simm.s32 $0x0;
	[bflag:$0x0] =	sbarrier.arrive $0xFFFF  }
0x14e: {  	[tilespmem:s29], [sflag:$0x1] =	stream.indirect.gather [hbm4b:s22+s28], $0x40, s26, s28, $0xb8;
	[tilespmem:$0x18B80] =	vst v63  }
0x14f: {  	_ =	swait.ge [sflag:s25], $0x2000  }
0x150: {  	[sflag:s25] =	ssyncset.done $0x0  }
0x151: {  	s31 =	simm.s32 $0x4E80;
	[sflag:s25] =	ssyncadd.s32 $0xFFFFE000  }
0x152: {  	[spmem:s1] =	stream.indirect.scatter.add.f32 [tilespmem:s29], [sflag:$0x1], $0x40, s31, s28, $0xb8;
	[tilespmem:$0x18B80] =	vst v63  }
0x153: {  	_ =	swait.ge [sflag:s25], $0x2000  }
0x154: {  	s4 =	simm.s32 $0x400;
	s0 =	simm.s32 $0x200;
	[sflag:s25] =	ssyncset.done $0x0  }
.LBB2_14:
0x155: {  	s5 =	sshra.s32 s0, $0x2  }
0x156: {  	[sflag:s25] =	ssyncadd.s32 $0xFFFFE000;
	s0 =	smov.u32 s4;
	s12 =	sadd.s32 $0x200, s4  }
0x157: {  	[tilespmem:s29], [sflag:$0x1] =	stream.indirect.gather [hbm4b:s22+s28], $0x40, s5, s28, $0xb8;
	[tilespmem:$0x18B80] =	vst v63  }
0x158: {  	p2 =	sne.s32 s4, $0x13800;
	_ =	swait.ge [sflag:s25], $0x2000  }
.Ltmp6:
0x159: {  	[sflag:s25] =	ssyncset.done $0x0;
	(pc) =	sbr.rel @p2 .LBB2_14-.Ltmp6, $4  }
0x15a: {  	s4 =	sadd.s32 $0x4E80, s5;
	[sflag:s25] =	ssyncadd.s32 $0xFFFFE000  }
0x15b: {  	[spmem:s1] =	stream.indirect.scatter.add.f32 [tilespmem:s29], [sflag:$0x1], $0x40, s4, s28, $0xb8;
	[tilespmem:$0x18B80] =	vst v63  }
0x15c: {  	_ =	swait.ge [sflag:s25], $0x2000  }
0x15d: {  	s4 =	smov.u32 s12;
	[sflag:s25] =	ssyncset.done $0x0  }
0x15e: {  	s0 =	sshra.s32 s0, $0x2;
	[sflag:s25] =	ssyncadd.s32 $0xFFFFE000  }
0x15f: {  	[tilespmem:s29], [sflag:$0x1] =	stream.indirect.gather [hbm4b:s22+s28], $0x40, s0, s28, $0xb8;
	[tilespmem:$0x18B80] =	vst v63  }
0x160: {  	_ =	swait.ge [sflag:s25], $0x2000  }
0x161: {  	[sflag:s25] =	ssyncset.done $0x0  }
0x162: {  	s0 =	sadd.s32 $0x4E80, s0;
	[sflag:s25] =	ssyncadd.s32 $0xFFFFE000  }
0x163: {  	[spmem:s1] =	stream.indirect.scatter.add.f32 [tilespmem:s29], [sflag:$0x1], $0x40, s0, s28, $0xb8;
	[tilespmem:$0x18B80] =	vst v63  }
0x164: {  	_ =	swait.ge [sflag:s25], $0x2000  }
0x165: {  	[sflag:s25] =	ssyncset.done $0x0  }
0x166: {  	s4 =	sshrl.u32 @!p0 s13, $0x3;
	s0 =	sshll.u32 @!p0 s2, $0x6;
	[sflag:s25] =	ssyncadd.s32 $0xFFFFE000  }
0x167: {  	s30 =	sadd.s32 $0x1, s30;
	s0 =	sor.u32 @!p0 $0x1C01, s0;
	[bflag:$0x0] =	sbarrier.arrive $0xFFFF  }
0x168: {  	[hbm:s23], [sflag:s0] =	dma.local @!p0 [spmem:s4], $0x1F40  }
0x169: {  	p2 =	sne.s32 s30, s24;
	s0 =	simm.s32 @!p0 $0x1  }
.Ltmp7:
0x16a: {  	_ =	swait.ge @!p0 [sflag:s0], $0x1F40;
	(pc) =	sbr.rel @p2 .LBB2_1-.Ltmp7, $3  }
0x16b: {  	[sflag:s0] =	ssyncset.done @!p0 $0x0  }
0x16c: {  	[sflag:s0] =	ssyncadd.s32 @!p0 $0xFFFFE0C0  }
0x16d: {  	[bflag:$0x0] =	sbarrier.arrive $0xFFFF;
	_ =	sdelay $0x1  }
0x16e: {  	_ =	sfence.sel $0x180000  }
0x16f: {  	[bflag:$0x0] =	sbarrier.arrive $0xFFFF  }
0x170: {  	_ =	strace $0x9000004D  }
0x171: {  	[bflag:$0x2] =	sbarrier.arrive $0xFFFF  }
0x172: {  	p0 =	sne.s32 s2, $0x0;
	s0 =	rddreg [dreg:$0x2]  }
0x173: {  	s0 =	sadd.s32 @!p0 $0x100000, s0  }
0x174: {  	[sflag:s0] =	ssyncadd.tile.s32 @!p0 $0x1;
	_ =	shalt  }
.Lfunc_end2:
_tile_overlayer_lowered:
.L_overlay_start_2:
0x175: {  	(tag) =	ssettag $0x2  }
0x176: {  	s0 =	rddreg [dreg:$0x0];
	s2 =	stileid.u32  }
0x177: {  	s1 =	rddreg [dreg:$0x1];
	p0 =	sne.s32 s2, $0x0  }
0x178: {  	s3 =	rddreg [dreg:$0x2];
	[bflag:$0x3] =	sbarrier.arrive $0xFFFF;
	s2 =	simm.s32 @!p0 $0x1C01  }
0x179: {  	[timem:s3], [sflag:s2] =	dma.local @!p0 [hbm:s0], s1  }
0x17a: {  	s0 =	simm.s32 @!p0 $0x1  }
0x17b: {  	_ =	swait.ge @!p0 [sflag:s0], s1  }
0x17c: {  	s1 =	ssub.s32 @!p0 $0x0, s1;
	[sflag:s0] =	ssyncset.done @!p0 $0x0  }
0x17d: {  	[sflag:s0] =	ssyncadd.s32 @!p0 s1  }
0x17e: {  	[bflag:$0x3] =	sbarrier.arrive $0xFFFF  }
0x17f: {  	_ =	shalt  }

// kernel: kernel.8.cloned.1.call-start
scs
__scs_entry_jumppad:
0x0: {  	(pc) =	sbr.rel $0x88, $3  }
0x1: {  	(tag) =	ssettag $0x0;
	lr =	simm.s32 $0x1  }
0x2: {  	[smem:$0x3F93] =	sst lr;
	_ =	strace $0xD0000000  }
0x3: {  	_ = 	snop  }
0x4: {  	_ = 	snop  }
0x5: {  	_ = 	snop  }
0x6: {  	_ = 	snop  }
0x7: {  	_ = 	snop  }
__scs_overlays_trampoline_lowered:
0x8: {  	[smem:$0x3FA2] =	sst s0  }
0x9: {  	[smem:$0x3FA3] =	sst s1  }
0xa: {  	[smem:$0x3FA4] =	sst s2  }
0xb: {  	[smem:$0x3FA5] =	sst s3  }
0xc: {  	[smem:$0x3FA6] =	sst s4  }
0xd: {  	[smem:$0x3FA7] =	sst s5  }
0xe: {  	[smem:$0x3FA8] =	sst s6  }
0xf: {  	[smem:$0x3FA9] =	sst s7  }
0x10: {  	[smem:$0x3FAA] =	sst s8  }
0x11: {  	[smem:$0x3FAB] =	sst s9;
	s0 =	simm.s32 @!p0 $0x0  }
0x12: {  	s1 =	sld [smem:$0x3F91];
	s0 =	simm.s32 @p0 $0x1  }
0x13: {  	[smem:$0x3FAC] =	sst s0;
	s0 =	simm.s32 @!p1 $0x0  }
0x14: {  	s2 =	sld [smem:$0x3F90];
	s0 =	simm.s32 @p1 $0x1  }
0x15: {  	[smem:$0x3FAD] =	sst s0;
	s0 =	simm.s32 @!p2 $0x0  }
0x16: {  	s3 =	sld [smem:$0x3FDB];
	s0 =	simm.s32 @p2 $0x1  }
0x17: {  	s4 =	simm.s32 $0x1BF5;
	[smem:$0x3FAF] =	sst s0  }
0x18: {  	s0 =	sld [smem:$0x3F92];
	_ =	swait.ge [sflag:s4], $0x0  }
0x19: {  	s7 =	sld [smem:$0x3F93]  }
0x1a: {  	s8 =	sadd.s32 $0xFFFFE003, lr  }
0x1b: {  	s9 =	sadd.s32 $0xFFFFFEF7, lr;
	s5 =	simm.s32 $0xFFFFFFFF;
	p2 =	slt.u32 s8, $0xFFFFF086  }
0x1c: {  	p1 =	slt.u32 s9, $0xF7A;
	s5 =	simm.s32 @!p2 $0x0  }
0x1d: {  	s5 =	simm.s32 @p1 $0x1;
	p0 =	seq.s32 s7, s2  }
0x1e: {  	s7 =	smul.u32 @!p0 $0xF7A, s2;
	p2 =	seq.s32 @!p0 s5, $0x0  }
0x1f: {  	s9 =	smul.u32 $0xF7A, s1;
	s8 =	simm.s32 @!p0 $0x1BF5;
	p2 =	por !p2, p0  }
0x20: {  	[sflag:s8] =	ssyncset.s32 @!p0 $0xFFFFF086;
	s6 =	sadd.s32 @!p0 s3, s7;
	s7 =	simm.s32 @!p0 $0x108  }
0x21: {  	s3 =	sadd.s32 s3, s9;
	s6 =	sadd.s32 @!p0 $0x88, s6;
	s7 =	simm.s32 @p2 $0x1082  }
0x22: {  	[simem:s7], [sflag:s8] =	dma.local @!p0 [hbm:s6], $0xF7A  }
0x23: {  	s9 =	sor.u32 $0xD0000000, s2;
	s6 =	simm.s32 $0x108;
	_ =	swait.ge @!p0 [sflag:s8], $0x0  }
0x24: {  	s3 =	sadd.s32 $0x88, s3;
	s6 =	simm.s32 @!p1 $0x1082;
	[sflag:s4] =	ssyncset.s32 $0xFFFFF086  }
0x25: {  	[simem:s6], [sflag:s4] =	dma.local [hbm:s3], $0xF7A  }
0x26: {  	[smem:$0x3F93] =	sst s1;
	(tag) =	ssettag s2;
	_ =	strace s9  }
0x27: {  	s1 =	sld [smem:$0x3FA3]  }
0x28: {  	s2 =	sld [smem:$0x3FA4]  }
0x29: {  	s4 =	sld [smem:$0x3FA6]  }
0x2a: {  	p0 =	seq.s32 s5, $0x0;
	s5 =	sld [smem:$0x3FA7]  }
0x2b: {  	s6 =	sld [smem:$0x3FA8]  }
0x2c: {  	s7 =	sld [smem:$0x3FA9]  }
0x2d: {  	s3 =	simm.s32 $0x108;
	s8 =	sld [smem:$0x3FAA]  }
0x2e: {  	s3 =	simm.s32 @!p0 $0x1082;
	s9 =	sld [smem:$0x3FAB]  }
0x2f: {  	lr =	sadd.s32 s0, s3;
	s0 =	sld [smem:$0x3FA2]  }
0x30: {  	s3 =	sld [smem:$0x3FA5]  }
0x31: {  	[smem:$0x3FAE] =	sst s10  }
0x32: {  	s10 =	sld [smem:$0x3FAC];
	_ =	sdelay $0x3  }
0x33: {  	p0 =	seq.s32 s10, $0x1;
	s10 =	sld [smem:$0x3FAE];
	_ =	sdelay $0x3  }
0x34: {  	[smem:$0x3FAE] =	sst s10  }
0x35: {  	s10 =	sld [smem:$0x3FAD];
	_ =	sdelay $0x3  }
0x36: {  	p1 =	seq.s32 s10, $0x1;
	s10 =	sld [smem:$0x3FAE];
	_ =	sdelay $0x3  }
0x37: {  	[smem:$0x3FAE] =	sst s10  }
0x38: {  	s10 =	sld [smem:$0x3FAF]  }
0x39: {  	_ = 	snop;
	(pc) =	sbr.ind lr, $3  }
0x3a: {  	_ = 	snop  }
0x3b: {  	_ = 	snop  }
0x3c: {  	p2 =	seq.s32 s10, $0x1;
	s10 =	sld [smem:$0x3FAE]  }
0x3d: {  	_ =	shalt  }
0x3e: {  	_ =	shalt  }
0x3f: {  	_ =	shalt  }
0x40: {  	_ =	shalt  }
0x41: {  	_ =	shalt  }
0x42: {  	_ =	shalt  }
0x43: {  	_ =	shalt  }
0x44: {  	_ =	shalt  }
0x45: {  	_ =	shalt  }
0x46: {  	_ =	shalt  }
0x47: {  	_ =	shalt  }
0x48: {  	_ =	shalt  }
0x49: {  	_ =	shalt  }
0x4a: {  	_ =	shalt  }
0x4b: {  	_ =	shalt  }
0x4c: {  	_ =	shalt  }
0x4d: {  	_ =	shalt  }
0x4e: {  	_ =	shalt  }
0x4f: {  	_ =	shalt  }
0x50: {  	_ =	shalt  }
0x51: {  	_ =	shalt  }
0x52: {  	_ =	shalt  }
0x53: {  	_ =	shalt  }
0x54: {  	_ =	shalt  }
0x55: {  	_ =	shalt  }
0x56: {  	_ =	shalt  }
0x57: {  	_ =	shalt  }
0x58: {  	_ =	shalt  }
0x59: {  	_ =	shalt  }
0x5a: {  	_ =	shalt  }
0x5b: {  	_ =	shalt  }
0x5c: {  	_ =	shalt  }
0x5d: {  	_ =	shalt  }
0x5e: {  	_ =	shalt  }
0x5f: {  	_ =	shalt  }
0x60: {  	_ =	shalt  }
0x61: {  	_ =	shalt  }
0x62: {  	_ =	shalt  }
0x63: {  	_ =	shalt  }
0x64: {  	_ =	shalt  }
0x65: {  	_ =	shalt  }
0x66: {  	_ =	shalt  }
0x67: {  	_ =	shalt  }
0x68: {  	_ =	shalt  }
0x69: {  	_ =	shalt  }
0x6a: {  	_ =	shalt  }
0x6b: {  	_ =	shalt  }
0x6c: {  	_ =	shalt  }
0x6d: {  	_ =	shalt  }
0x6e: {  	_ =	shalt  }
0x6f: {  	_ =	shalt  }
0x70: {  	_ =	shalt  }
0x71: {  	_ =	shalt  }
0x72: {  	_ =	shalt  }
0x73: {  	_ =	shalt  }
0x74: {  	_ =	shalt  }
0x75: {  	_ =	shalt  }
0x76: {  	_ =	shalt  }
0x77: {  	_ =	shalt  }
0x78: {  	_ =	shalt  }
0x79: {  	_ =	shalt  }
0x7a: {  	_ =	shalt  }
0x7b: {  	_ =	shalt  }
0x7c: {  	_ =	shalt  }
0x7d: {  	_ =	shalt  }
0x7e: {  	_ =	shalt  }
0x7f: {  	_ =	shalt  }
0x80: {  	_ =	shalt  }
0x81: {  	_ =	shalt  }
0x82: {  	_ =	shalt  }
0x83: {  	_ =	shalt  }
0x84: {  	_ =	shalt  }
0x85: {  	_ =	shalt  }
0x86: {  	_ =	shalt  }
0x87: {  	_ =	shalt  }
.Lfunc_end0:
.L_simem_size_0:
called_computation_lowered:
.L_overlay_start_0:
0x88: {  	s2 =	sld [smem:$0x3FD9]  }
0x89: {  	s3 =	sld [smem:$0x3FFE];
	_ =	sdelay $0x1  }
0x8a: {  	s1 =	srdreg.scid  }
0x8b: {  	s0 =	sand.u32 $0x1, s1  }
0x8c: {  	s17 =	sshll.u32 s0, $0xA;
	s2 =	sadd.s32 s3, s2  }
0x8d: {  	s2 =	sadd.s32 s2, s17  }
0x8e: {  	[smem:$0x3FBA] =	sst s2  }
0x8f: {  	_ = 	snop  }
0x90: {  	s2 =	sld [smem:$0x3FD0];
	(tm) =	ssettm $0x1  }
0x91: {  	s18 =	sld [smem:$0x3FFB];
	_ =	sdelay $0x3  }
0x92: {  	_ =	strace s18  }
0x93: {  	s3 =	sld [smem:$0x3FFC];
	_ =	sdelay $0x3  }
0x94: {  	_ =	strace s3  }
0x95: {  	s3 =	sld [smem:$0x3FFD];
	_ =	sdelay $0x3  }
0x96: {  	_ =	strace s3  }
0x97: {  	_ =	strace $0x8FFFFFFF  }
0x98: {  	s19 =	sld [smem:$0x3FDB];
	_ =	sdelay $0x1  }
0x99: {  	s4 =	simm.s32 $_scs_section_size  }
0x9a: {  	s5 =	simm.s32 $_size__tile_overlayer_lowered;
	s6 =	simm.s32 $_tile_overlayer_lowered  }
0x9b: {  	s22 =	simm.s32 $0x1BFF;
	s21 =	sshll.u32 s6, $0x1;
	s3 =	sadd.s32 s4, s19  }
0x9c: {  	s7 =	simm.s32 $0x0;
	s20 =	sshll.u32 s5, $0x1;
	s5 =	sadd.s32 s21, s3  }
0x9d: {  	[timem:s7], [sflag:s22] =	dma.local [hbm:s5], s20  }
0x9e: {  	_ =	swait.ge [sflag:s22], s20  }
0x9f: {  	s4 =	ssub.s32 $0x0, s20;
	[sflag:s22] =	ssyncset.done $0x0  }
0xa0: {  	[sflag:s22] =	ssyncadd.s32 s4;
	_ =	sdelay $0x1  }
0xa1: {  	s23 =	simm.s32 $0x1B8B  }
0xa2: {  	_ =	swait.ge [sflag:s23], $0x1  }
0xa3: {  	[sflag:s23] =	ssyncset.done $0x0  }
0xa4: {  	s25 =	simm.s32 $0x1B8E;
	s24 =	sld [smem:$0x3FFE];
	[sflag:s23] =	ssyncadd.s32 $0xFFFFFFFF  }
0xa5: {  	s26 =	simm.s32 $execute0_lowered;
	[smem:$0x3FD2] =	sst s25  }
0xa6: {  	s5 =	sshll.u32 s26, $0x1;
	_ =	strace $0x80000046;
	[dreg:$0x1] =	wrdreg $0xFFFFFFFF  }
0xa7: {  	s28 =	simm.s32 $_size_execute0_lowered;
	s3 =	sadd.s32 s3, s5;
	[dreg:$0x0] =	wrdreg $0x0  }
0xa8: {  	s5 =	sshll.u32 s28, $0x1;
	[dreg:$0x2] =	wrdreg s3  }
0xa9: {  	[dreg:$0x3] =	wrdreg s5  }
0xaa: {  	[dreg:$0x4] =	wrdreg $0xC0  }
0xab: {  	_ =	task [dreg:s7], $0x5FFFF  }
0xac: {  	[dreg:$0x1] =	wrdreg $0xFFFFFFFF  }
0xad: {  	[dreg:$0x0] =	wrdreg $0x60  }
0xae: {  	[dreg:$0x2] =	wrdreg s24  }
0xaf: {  	[dreg:$0x3] =	wrdreg s2  }
0xb0: {  	[dreg:$0x4] =	wrdreg $0x51800  }
0xb1: {  	[dreg:$0x5] =	wrdreg $0x9  }
0xb2: {  	_ =	task.clear_ibuf [dreg:s7], $0x6FFFF;
	_ =	strace $0x90000046  }
0xb3: {  	s29 =	simm.s32 $0x9;
	_ =	strace $0x80000048  }
0xb4: {  	_ =	swait.ge [sflag:s29], $0x1  }
0xb5: {  	[sflag:s29] =	ssyncadd.s32 $0xFFFFFFFF  }
0xb6: {  	_ =	strace $0x90000048  }
0xb7: {  	_ =	sfence  }
0xb8: {  	s30 =	sld [smem:$0x0];
	_ =	sdelay $0x2  }
0xb9: {  	s31 =	sshll.u32 s1, $0xD;
	s1 =	sshrl.u32 s1, $0x2  }
0xba: {  	s3 =	sand.u32 $0x4000, s31;
	s1 =	sadd.s32 s1, s30  }
0xbb: {  	s0 =	sor.u32 s3, s0;
	s1 =	sshll.u32 s1, $0x11  }
0xbc: {  	s0 =	sor.u32 s1, s0  }
0xbd: {  	s0 =	sadd.s32 $0x8F2B, s0  }
0xbe: {  	[sflag:s0] =	ssyncadd.remote.s32 $0x1  }
0xbf: {  	_ =	sfence.sel $0xFFFF  }
0xc0: {  	[dreg:$0x0] =	wrdreg $0xFFFFFFFF;
	(pc) =	sbr.abs _section_cstart, $3  }
0xc1: {  	[dreg:$0x1] =	wrdreg $0xFFFFFFFF  }
0xc2: {  	_ =	task.clear_ibuf [dreg:s7], $0x2FFFF;
	_ =	strace $0x9FFFFFFF  }
0xc3: {  	(tm) =	ssettm $0x7FFFFFFF  }
tec
execute0_lowered:
.L_overlay_start_1:
0x0: {  	(tag) =	ssettag $0x1  }
0x1: {  	s4 =	rddreg [dreg:$0x0]  }
0x2: {  	s6 =	rddreg [dreg:$0x1]  }
0x3: {  	s2 =	rddreg [dreg:$0x2]  }
0x4: {  	s0 =	rddreg [dreg:$0x3]  }
0x5: {  	s1 =	stileid.u32;
	s5 =	srdreg.scid  }
0x6: {  	s3 =	simm.s32 $0x0;
	s10 =	simm.s32 $0x80;
	s11 =	simm.s32 $0x4E80  }
0x7: {  	s7 =	smul.u32 $0x9D0, s1;
	s12 =	sand.u32 $0x1, s5;
	[smem:$0x7FF] =	sst s3  }
0x8: {  	s8 =	smul.u32 $0x280, s1;
	s5 =	ssub.s32 $0x2, s12;
	_ =	strace $0x80000047  }
0x9: {  	p0 =	sne.s32 s12, $0x0;
	s12 =	simm.s32 $0x0;
	s31 =	sshrl.u32 s5, $0x1  }
0xa: {  	s4 =	sadd.s32 s7, s4;
	s9 =	sshrl.u32 s8, $0x3;
	s7 =	ssub.s32 s5, s31  }
0xb: {  	s4 =	sadd.s32 $0x1400, s4;
	s5 =	sadd.s32 s8, s2;
	s6 =	sadd.s32 s6, s9  }
0xc: {  	v0 =	vimm.f32 $1.000000000e+00;
	v1 =	vimm.f32 $0.0e+00;
	s8 =	simm.s32 $0x1;
	s9 =	simm.s32 $0x4F00;
	s7 =	smax.u32 s7, $0x1  }
.LBB2_1:
0xd: {  	[tilespmem:$0x4E80] =	vst v0  }
0xe: {  	[tilespmem:$0x4E90] =	vst v0  }
0xf: {  	[tilespmem:$0x4EA0] =	vst v0  }
0x10: {  	[tilespmem:$0x4EB0] =	vst v0  }
0x11: {  	[tilespmem:$0x4EC0] =	vst v0  }
0x12: {  	[tilespmem:$0x4ED0] =	vst v0  }
0x13: {  	[tilespmem:$0x4EE0] =	vst v0  }
0x14: {  	[tilespmem:$0x4EF0] =	vst v0  }
0x15: {  	[tilespmem:$0x4F00] =	vst v1  }
0x16: {  	[tilespmem:$0x4F10] =	vst v1  }
0x17: {  	[tilespmem:$0x4F20] =	vst v1  }
0x18: {  	[tilespmem:$0x4F30] =	vst v1  }
0x19: {  	[tilespmem:$0x4F40] =	vst v1  }
0x1a: {  	[tilespmem:$0x4F50] =	vst v1  }
0x1b: {  	[tilespmem:$0x4F60] =	vst v1  }
0x1c: {  	[tilespmem:$0x4F70] =	vst v1  }
0x1d: {  	[tilespmem:$0x4F80] =	vst v1  }
0x1e: {  	[tilespmem:$0x4F90] =	vst v1  }
0x1f: {  	[tilespmem:$0x4FA0] =	vst v1  }
0x20: {  	[tilespmem:$0x4FB0] =	vst v1  }
0x21: {  	[tilespmem:$0x4FC0] =	vst v1  }
0x22: {  	[tilespmem:$0x4FD0] =	vst v1  }
0x23: {  	[tilespmem:$0x4FE0] =	vst v1  }
0x24: {  	[tilespmem:$0x4FF0] =	vst v1  }
0x25: {  	[tilespmem:$0x5000] =	vst v1  }
0x26: {  	[tilespmem:$0x5010] =	vst v1  }
0x27: {  	[tilespmem:$0x5020] =	vst v1  }
0x28: {  	[tilespmem:$0x5030] =	vst v1  }
0x29: {  	[tilespmem:$0x5040] =	vst v1  }
0x2a: {  	[tilespmem:$0x5050] =	vst v1  }
0x2b: {  	[tilespmem:$0x5060] =	vst v1  }
0x2c: {  	[tilespmem:$0x5070] =	vst v1  }
0x2d: {  	[tilespmem:$0x5080] =	vst v1  }
0x2e: {  	[tilespmem:$0x5090] =	vst v1  }
0x2f: {  	[tilespmem:$0x50A0] =	vst v1  }
0x30: {  	[tilespmem:$0x50B0] =	vst v1  }
0x31: {  	[tilespmem:$0x50C0] =	vst v1  }
0x32: {  	[tilespmem:$0x50D0] =	vst v1  }
0x33: {  	[tilespmem:$0x50E0] =	vst v1  }
0x34: {  	[tilespmem:$0x50F0] =	vst v1  }
0x35: {  	[tilespmem:$0x5100] =	vst v1  }
0x36: {  	[tilespmem:$0x5110] =	vst v1  }
0x37: {  	[tilespmem:$0x5120] =	vst v1  }
0x38: {  	[tilespmem:$0x5130] =	vst v1  }
0x39: {  	[tilespmem:$0x5140] =	vst v1  }
0x3a: {  	[tilespmem:$0x5150] =	vst v1  }
0x3b: {  	[tilespmem:$0x5160] =	vst v1  }
0x3c: {  	[tilespmem:$0x5170] =	vst v1  }
0x3d: {  	[tilespmem:s3], [sflag:$0x1] =	stream.linear.gather [hbm4b:s4+s3], $0x4E80, $0x38;
	[tilespmem:$0x5400] =	vst v63  }
0x3e: {  	_ =	swait.ge [sflag:s8], $0x4E80  }
0x3f: {  	[sflag:s8] =	ssyncset.done $0x0  }
0x40: {  	[sflag:s8] =	ssyncadd.s32 $0xFFFFB180  }
0x41: {  	[spmem:s5] =	stream.linear.scatter [tilespmem:s9], [sflag:$0x1], $0x280, $0x38;
	[tilespmem:$0x5400] =	vst v63  }
0x42: {  	_ =	swait.ge [sflag:s8], $0x280  }
0x43: {  	[sflag:s8] =	ssyncset.done $0x0  }
0x44: {  	[sflag:s8] =	ssyncadd.s32 $0xFFFFFD80  }
0x45: {  	s13 =	simm.s32 $0x0;
	[bflag:$0x0] =	sbarrier.arrive $0xFFFF  }
0x46: {  	[spmem:s2] =	stream.indirect.scatter.add.f32 [tilespmem:s11], [sflag:$0x1], $0x1, s13, s10, $0xb8;
	[tilespmem:$0x5400] =	vst v63  }
0x47: {  	_ =	swait.ge [sflag:s8], $0x80  }
0x48: {  	s13 =	simm.s32 $0x200;
	[sflag:s8] =	ssyncset.done $0x0  }
.LBB2_2:
0x49: {  	s14 =	sshra.s32 s13, $0x2;
	[sflag:s8] =	ssyncadd.s32 $0xFFFFFF80;
	p1 =	sne.s32 s13, $0x13800  }
0x4a: {  	[spmem:s2] =	stream.indirect.scatter.add.f32 [tilespmem:s11], [sflag:$0x1], $0x1, s14, s10, $0xb8;
	[tilespmem:$0x5400] =	vst v63  }
.Ltmp0:
0x4b: {  	_ = 	snop;
	(pc) =	sbr.rel @p1 .LBB2_2-.Ltmp0, $4  }
0x4c: {  	_ = 	snop  }
0x4d: {  	s13 =	sadd.s32 $0x200, s13  }
0x4e: {  	_ =	swait.ge [sflag:s8], $0x80  }
0x4f: {  	[sflag:s8] =	ssyncset.done $0x0  }
0x50: {  	[sflag:s8] =	ssyncadd.s32 $0xFFFFFF80  }
0x51: {  	s13 =	simm.s32 @!p0 $0x4F00;
	s14 =	simm.s32 @!p0 $0x1;
	[bflag:$0x0] =	sbarrier.arrive $0xFFFF  }
0x52: {  	[tilespmem:s13], [sflag:$0x1] =	stream.linear.gather @!p0 [spmem:s5], $0x280, $0x38;
	[tilespmem:$0x5400] =	vst v63  }
0x53: {  	s12 =	sadd.s32 $0x1, s12;
	_ =	swait.ge @!p0 [sflag:s14], $0x280  }
0x54: {  	p1 =	sne.s32 s12, s7;
	[sflag:s14] =	ssyncset.done @!p0 $0x0  }
.Ltmp1:
0x55: {  	s15 =	simm.s32 @!p0 $0x0;
	[sflag:s14] =	ssyncadd.s32 @!p0 $0xFFFFFD80;
	(pc) =	sbr.rel @p1 .LBB2_1-.Ltmp1, $4  }
0x56: {  	[hbm4b:s6+s15] =	stream.linear.scatter @!p0 [tilespmem:s13], [sflag:$0x1], $0x280, $0x38;
	[tilespmem:$0x5400] =	vst v63  }
0x57: {  	_ =	swait.ge @!p0 [sflag:s14], $0x280  }
0x58: {  	[sflag:s14] =	ssyncset.done @!p0 $0x0  }
0x59: {  	[sflag:s14] =	ssyncadd.s32 @!p0 $0xFFFFFD80  }
0x5a: {  	_ =	sfence.sel $0x180000  }
0x5b: {  	[bflag:$0x0] =	sbarrier.arrive $0xFFFF  }
0x5c: {  	p0 =	sne.s32 s1, $0x0;
	_ =	strace $0x90000047  }
0x5d: {  	s0 =	sadd.s32 @!p0 $0x100000, s0;
	[bflag:$0x2] =	sbarrier.arrive $0xFFFF  }
0x5e: {  	[sflag:s0] =	ssyncadd.tile.s32 @!p0 $0x1;
	_ =	shalt  }
.Lfunc_end2:
_tile_overlayer_lowered:
.L_overlay_start_2:
0x5f: {  	(tag) =	ssettag $0x2  }
0x60: {  	s0 =	rddreg [dreg:$0x0];
	s2 =	stileid.u32  }
0x61: {  	s1 =	rddreg [dreg:$0x1];
	p0 =	sne.s32 s2, $0x0  }
0x62: {  	s3 =	rddreg [dreg:$0x2];
	[bflag:$0x3] =	sbarrier.arrive $0xFFFF;
	s2 =	simm.s32 @!p0 $0x1C01  }
0x63: {  	[timem:s3], [sflag:s2] =	dma.local @!p0 [hbm:s0], s1  }
0x64: {  	s0 =	simm.s32 @!p0 $0x1  }
0x65: {  	_ =	swait.ge @!p0 [sflag:s0], s1  }
0x66: {  	s1 =	ssub.s32 @!p0 $0x0, s1;
	[sflag:s0] =	ssyncset.done @!p0 $0x0  }
0x67: {  	[sflag:s0] =	ssyncadd.s32 @!p0 s1  }
0x68: {  	[bflag:$0x3] =	sbarrier.arrive $0xFFFF  }
0x69: {  	_ =	shalt  }

</sc_bundles>
